<compile_context>
chip_gen: v7x
topology: tpu7x:2x2x1
jax: 0.10.2.dev20260603
libtpu: 0.0.44.dev20260713+nightly
codegen_flags: <defaults>
</compile_context>

<pallas_src>
import functools

import jax
import jax.numpy as jnp
from jax import lax
from jax.experimental import pallas as pl
from jax.experimental.pallas import tpu as pltpu
from jax.experimental.pallas import tpu_sc as plsc

_N = 128 * 32768
_NW = 32
_PW = _N // _NW
_CH = 4096
_R = 128
_C = 32768
_BLK_R = 8
_GRID = _R // _BLK_R


def _skey(x):
    y = lax.bitcast_convert_type(x, jnp.int32)
    m = y >> 31
    return y ^ (m & jnp.int32(0x7FFFFFFF))


def _softplus(x):
    return jnp.maximum(x, 0.0) + jnp.log1p(jnp.exp(-jnp.abs(x)))



_UNROLL = 16
_CH1 = 16384
_CH2 = 8192


def _scan_chunks(x_hbm, t_hbm, wid, ch,
                 xb0, tb0, xb1, tb1, sx0, st0, sx1, st1, process):
    npairs = _PW // ch // 2

    def _start(c, xb, sx, tb, st):
        base = wid * _PW + c * ch
        pltpu.make_async_copy(x_hbm.at[pl.ds(base, ch)], xb, sx).start()
        pltpu.make_async_copy(t_hbm.at[pl.ds(base, ch)], tb, st).start()

    def _wait(c, xb, sx, tb, st):
        base = wid * _PW + c * ch
        pltpu.make_async_copy(x_hbm.at[pl.ds(base, ch)], xb, sx).wait()
        pltpu.make_async_copy(t_hbm.at[pl.ds(base, ch)], tb, st).wait()

    _start(0, xb0, sx0, tb0, st0)

    def pair(p, carry):
        _start(2 * p + 1, xb1, sx1, tb1, st1)
        _wait(2 * p, xb0, sx0, tb0, st0)
        process(xb0, tb0)

        @pl.when(p + 1 < npairs)
        def _prefetch():
            _start(2 * p + 2, xb0, sx0, tb0, st0)

        _wait(2 * p + 1, xb1, sx1, tb1, st1)
        process(xb1, tb1)
        return carry

    lax.fori_loop(0, npairs, pair, jnp.int32(0))


def _sc_l1_body(x_hbm, t_hbm, zz_hbm,
                hist_out,
                xb0, tb0, xb1, tb1, histv, sx0, st0, sx1, st1):
    cid = lax.axis_index("c")
    sid = lax.axis_index("s")
    wid = sid * 2 + cid
    pltpu.sync_copy(zz_hbm, histv)

    lane_k = lax.broadcasted_iota(jnp.int32, (16,), 0) + 1024 * 16
    ones = jnp.full((16,), 1, jnp.int32)

    def process(xb, tb):
        def vec_body(i, acc):
            for u in range(_UNROLL):
                off = (i * _UNROLL + u) * 16
                x = xb[pl.ds(off, 16)]
                t = tb[pl.ds(off, 16)]
                neg = t == 0
                y = plsc.bitcast(x, jnp.int32)
                sk = y ^ ((y >> 31) & jnp.int32(0x7FFFFFFF))
                idx = ((sk >> 17) & jnp.int32(-16)) + lane_k
                plsc.addupdate_scatter(histv, [idx >> 8, idx & 255], ones,
                                       mask=neg)
            return acc

        lax.fori_loop(0, _CH1 // (16 * _UNROLL), vec_body, jnp.int32(0))

    _scan_chunks(x_hbm, t_hbm, wid, _CH1,
                 xb0, tb0, xb1, tb1, sx0, st0, sx1, st1, process)
    pltpu.sync_copy(histv, hist_out.at[wid])


def _sc_l2_body(x_hbm, t_hbm, zz_hbm, b1_hbm,
                hist_out,
                xb0, tb0, xb1, tb1, histv, b1v, sx0, st0, sx1, st1):
    cid = lax.axis_index("c")
    sid = lax.axis_index("s")
    wid = sid * 2 + cid
    pltpu.sync_copy(zz_hbm, histv)
    pltpu.sync_copy(b1_hbm.at[0], b1v)

    lane = lax.broadcasted_iota(jnp.int32, (16,), 0)
    ones = jnp.full((16,), 1, jnp.int32)
    b1s16 = (b1v[pl.ds(0, 16)] - 1024) * 16

    def process(xb, tb):
        def vec_body(i, acc):
            for u in range(_UNROLL):
                off = (i * _UNROLL + u) * 16
                x = xb[pl.ds(off, 16)]
                t = tb[pl.ds(off, 16)]
                y = plsc.bitcast(x, jnp.int32)
                sk = y ^ ((y >> 31) & jnp.int32(0x7FFFFFFF))
                inb = (t == 0) & (((sk >> 17) & jnp.int32(-16)) == b1s16)
                idx = ((sk >> 5) & jnp.int32(0xFFF0)) + lane
                plsc.addupdate_scatter(histv, [idx >> 9, idx & 511], ones,
                                       mask=inb)
            return acc

        lax.fori_loop(0, _CH2 // (16 * _UNROLL), vec_body, jnp.int32(0))

    _scan_chunks(x_hbm, t_hbm, wid, _CH2,
                 xb0, tb0, xb1, tb1, sx0, st0, sx1, st1, process)
    pltpu.sync_copy(histv, hist_out.at[wid])



def _select(hist, k, nrow, ncol):
    rowsum = jnp.sum(hist, axis=1, keepdims=True)
    i0 = lax.broadcasted_iota(jnp.int32, (nrow, nrow), 0)
    i1 = lax.broadcasted_iota(jnp.int32, (nrow, nrow), 1)
    m_rows = (i1 > i0).astype(jnp.float32)
    rows_above = lax.dot_general(m_rows, rowsum, (((1,), (0,)), ((), ())),
                                 preferred_element_type=jnp.float32)
    j0 = lax.broadcasted_iota(jnp.int32, (ncol, ncol), 0)
    j1 = lax.broadcasted_iota(jnp.int32, (ncol, ncol), 1)
    t_cols = (j0 > j1).astype(jnp.float32)
    row_suffix = lax.dot_general(hist, t_cols, (((1,), (0,)), ((), ())),
                                 preferred_element_type=jnp.float32)
    cum_above = rows_above + row_suffix
    sel = ((cum_above < k) & (cum_above + hist >= k)).astype(jnp.float32)
    br = lax.broadcasted_iota(jnp.int32, (nrow, ncol), 0).astype(jnp.float32)
    bc = lax.broadcasted_iota(jnp.int32, (nrow, ncol), 1).astype(jnp.float32)
    binf = jnp.sum(sel * (br * ncol + bc))
    c_above = jnp.sum(sel * cum_above)
    found = jnp.sum(sel)
    return binf, c_above, found


def _fold_bins(h_i32, ncol_in, groups):
    h = jnp.sum(h_i32.astype(jnp.float32), axis=0)
    g0 = lax.broadcasted_iota(jnp.int32, (ncol_in, groups), 0) >> 4
    g1 = lax.broadcasted_iota(jnp.int32, (ncol_in, groups), 1)
    fold = (g0 == g1).astype(jnp.float32)
    return lax.dot_general(h, fold, (((1,), (0,)), ((), ())),
                           preferred_element_type=jnp.float32)


def _getcol(selv, i):
    r0 = lax.broadcasted_iota(jnp.int32, (8, 128), 0) == 0
    ci = lax.broadcasted_iota(jnp.int32, (8, 128), 1) == i
    return jnp.sum(jnp.where(r0 & ci, selv, 0.0))


def _putrow0(vals):
    r0 = lax.broadcasted_iota(jnp.int32, (8, 128), 0) == 0
    col = lax.broadcasted_iota(jnp.int32, (8, 128), 1)
    out = jnp.zeros((8, 128), jnp.float32)
    for i, v in enumerate(vals):
        out = jnp.where(r0 & (col == i), v, out)
    return out


def _sel1_body(h_ref, b1_ref, s_ref):
    bins = _fold_bins(h_ref[...], 256, 16)
    pos_cnt = float(_N) - jnp.sum(bins)
    kf = jnp.floor(pos_cnt * 0.5)
    binf, c_above, found = _select(bins, kf, 128, 16)
    b1_ref[...] = jnp.full((8, 128), binf.astype(jnp.int32))
    s_ref[...] = _putrow0([kf, pos_cnt, c_above, found, binf])


def _final_body(x_ref, t_ref, s1_ref, h2_ref, o_ref, acc, sel):
    pid = pl.program_id(0)

    @pl.when(pid == 0)
    def _init():
        acc[0] = 0.0
        acc[1] = 0.0
        o_ref[...] = jnp.zeros((8, 128), jnp.float32)
        bins = _fold_bins(h2_ref[...], 512, 32)
        s1 = s1_ref[...]
        kf = _getcol(s1, 0)
        pos_cnt = _getcol(s1, 1)
        c_above1 = _getcol(s1, 2)
        found1 = _getcol(s1, 3)
        b1f = _getcol(s1, 4)
        k2 = kf - c_above1
        b2f, c_above2, found2 = _select(bins, k2, 128, 32)
        valid = (found1 > 0.5) & (found2 > 0.5)
        s23 = (b1f - 1024.0) * 4096.0 + b2f
        extra = kf - c_above1 - c_above2
        kzero = kf < 0.5
        s23 = jnp.where(valid, s23,
                        jnp.where(kzero, 4194304.0, -4194305.0))
        extra = jnp.where(valid, extra, 0.0)
        sel[0] = s23
        sel[1] = extra
        sel[2] = kf
        sel[3] = pos_cnt

    s23 = sel[0]
    x = x_ref[...]
    t = t_ref[...]
    pos = t > 0
    neg = t == 0
    bce1 = jnp.maximum(x, 0.0) - x + jnp.log1p(jnp.exp(-jnp.abs(x)))
    acc[0] += jnp.sum(jnp.where(pos, bce1, 0.0))
    sk = _skey(x)
    sk23f = (sk >> 9).astype(jnp.float32)
    cond = neg & (sk23f > s23)
    acc[1] += jnp.sum(jnp.where(cond, _softplus(x), 0.0))

    @pl.when(pid == _GRID - 1)
    def _fin():
        extra = sel[1]
        kf = sel[2]
        pos_cnt = sel[3]
        s23c = jnp.clip(jnp.full((8, 128), s23), -4194304.0, 4194303.0)
        mid = s23c.astype(jnp.int32) * 512 + 256
        u = jnp.where(mid >= 0, mid, mid ^ jnp.int32(0x7FFFFFFF))
        v = lax.bitcast_convert_type(u, jnp.float32)
        sp_v = jnp.mean(_softplus(v))
        pos_sum = acc[0]
        neg_sum = acc[1] + extra * sp_v
        loss = (pos_sum + neg_sum) / (pos_cnt + kf)
        o_ref[...] = jnp.full((8, 128), loss)


def kernel(input, target):
    xf = input.reshape(-1)
    tf = target.reshape(-1).astype(jnp.int32)
    zz1 = jnp.zeros((128, 256), jnp.int32)
    zz2 = jnp.zeros((128, 512), jnp.int32)

    xv = input
    tv = target.astype(jnp.int32)
    xspec = pl.BlockSpec((_BLK_R, _C), lambda i: (i, 0))
    sspec = pl.BlockSpec((8, 128), lambda i: (0, 0))
    mesh = plsc.VectorSubcoreMesh(core_axis_name="c", subcore_axis_name="s")

    sc_l1 = pl.kernel(
        _sc_l1_body,
        out_type=[jax.ShapeDtypeStruct((_NW, 128, 256), jnp.int32)],
        mesh=mesh,
        scratch_types=[pltpu.VMEM((_CH1,), jnp.float32),
                       pltpu.VMEM((_CH1,), jnp.int32),
                       pltpu.VMEM((_CH1,), jnp.float32),
                       pltpu.VMEM((_CH1,), jnp.int32),
                       pltpu.VMEM((128, 256), jnp.int32),
                       pltpu.SemaphoreType.DMA,
                       pltpu.SemaphoreType.DMA,
                       pltpu.SemaphoreType.DMA,
                       pltpu.SemaphoreType.DMA],
        compiler_params=pltpu.CompilerParams(needs_layout_passes=False),
    )
    (hist1,) = sc_l1(xf, tf, zz1)

    sel1i, sel1f = pl.pallas_call(
        _sel1_body,
        grid=(1,),
        in_specs=[pl.BlockSpec((_NW, 128, 256), lambda i: (0, 0, 0))],
        out_specs=[pl.BlockSpec((8, 128), lambda i: (0, 0)),
                   pl.BlockSpec((8, 128), lambda i: (0, 0))],
        out_shape=[jax.ShapeDtypeStruct((8, 128), jnp.int32),
                   jax.ShapeDtypeStruct((8, 128), jnp.float32)],
    )(hist1)

    sc_l2 = pl.kernel(
        _sc_l2_body,
        out_type=[jax.ShapeDtypeStruct((_NW, 128, 512), jnp.int32)],
        mesh=mesh,
        scratch_types=[pltpu.VMEM((_CH2,), jnp.float32),
                       pltpu.VMEM((_CH2,), jnp.int32),
                       pltpu.VMEM((_CH2,), jnp.float32),
                       pltpu.VMEM((_CH2,), jnp.int32),
                       pltpu.VMEM((128, 512), jnp.int32),
                       pltpu.VMEM((128,), jnp.int32),
                       pltpu.SemaphoreType.DMA,
                       pltpu.SemaphoreType.DMA,
                       pltpu.SemaphoreType.DMA,
                       pltpu.SemaphoreType.DMA],
        compiler_params=pltpu.CompilerParams(needs_layout_passes=False),
    )
    (hist2,) = sc_l2(xf, tf, zz2, sel1i)

    out = pl.pallas_call(
        _final_body,
        grid=(_GRID,),
        in_specs=[xspec, xspec, sspec,
                  pl.BlockSpec((_NW, 128, 512), lambda i: (0, 0, 0))],
        out_specs=sspec,
        out_shape=jax.ShapeDtypeStruct((8, 128), jnp.float32),
        scratch_shapes=[pltpu.SMEM((2,), jnp.float32),
                        pltpu.SMEM((4,), jnp.float32)],
    )(xv, tv, sel1f, hist2)

    return out[0, 0]

# --- scband reference (transcript-rebuilt; emitter-appended) ---
"""Pipeline reference for scband-ohnmloss-42417097016427 (READ-ONLY COPY).

The authoritative reference and input builder live on the scoring server;
editing this copy changes nothing except your own understanding.
"""

import jax, jax.numpy as jnp
import numpy as np

NEG_RATIO = 0.5


def setup_inputs(seed: int = 0) -> dict:
    key = jax.random.key(seed)
    k1, k2 = jax.random.split(key)
    input = jax.random.normal(k1, (128, 32768), dtype=jnp.float32)
    target = jax.random.randint(k2, (128, 32768), 0, 2, dtype=jnp.int64)
    return {"input": input, "target": target}


def _bce_with_logits_mean(logits, labels):
    # numerically stable binary_cross_entropy_with_logits, reduction='mean'
    return jnp.mean(jnp.maximum(logits, 0.0) - logits * labels + jnp.log1p(jnp.exp(-jnp.abs(logits))))


def _bce_with_logits_elem(logits, labels):
    # numerically stable binary_cross_entropy_with_logits, per element
    return jnp.maximum(logits, 0.0) - logits * labels + jnp.log1p(jnp.exp(-jnp.abs(logits)))


def reference(input, target):
    # torch boolean indexing on 2D flattens row-major; replicate with reshape(-1)
    flat_in = input.reshape(-1)
    flat_t = target.reshape(-1).astype(jnp.float32)
    n = flat_in.shape[0]
    pos_mask = flat_t > 0
    neg_mask = flat_t == 0
    pos_num = jnp.sum(pos_mask)
    neg_num = jnp.floor(pos_num * NEG_RATIO).astype(pos_num.dtype)
    pos_losses = jnp.where(pos_mask, _bce_with_logits_elem(flat_in, flat_t), 0.0)
    # top_k of the negative logits == descending sort with non-negatives pushed to -inf,
    # then take the first neg_num entries via a static-shape prefix mask
    neg_sorted = jnp.sort(jnp.where(neg_mask, flat_in, -jnp.inf))[::-1]
    take_mask = jnp.arange(n) < neg_num
    neg_safe = jnp.where(take_mask, neg_sorted, 0.0)
    neg_losses = jnp.where(take_mask, _bce_with_logits_elem(neg_safe, 0.0), 0.0)
    total = jnp.sum(pos_losses) + jnp.sum(neg_losses)
    count = (pos_num + neg_num).astype(total.dtype)
    loss = total / count
    return loss

if __name__ == "__main__":
    import jax
    _d = setup_inputs()
    print(jax.jit(kernel)(*tuple(_d.values())))

</pallas_src>

<mosaic_0001>
#map = affine_map<(d0, d1) -> (0)>
#map1 = affine_map<(d0, d1) -> (0, 0)>
#map2 = affine_map<(d0, d1) -> (0, 0, 0)>
module attributes {stable_mosaic.version = 14 : i64} {
  func.func @_sc_l2_body(%arg0: i32, %arg1: i32, %arg2: memref<4194304xf32, #tpu.memory_space<hbm>>, %arg3: memref<4194304xi32, #tpu.memory_space<hbm>>, %arg4: memref<128x512xi32, #tpu.memory_space<hbm>>, %arg5: memref<8x128xi32, #tpu.memory_space<hbm>>, %arg6: memref<32x128x512xi32, #tpu.memory_space<hbm>>, %arg7: memref<8192xf32, #tpu.memory_space<vmem>>, %arg8: memref<8192xi32, #tpu.memory_space<vmem>>, %arg9: memref<8192xf32, #tpu.memory_space<vmem>>, %arg10: memref<8192xi32, #tpu.memory_space<vmem>>, %arg11: memref<128x512xi32, #tpu.memory_space<vmem>>, %arg12: memref<128xi32, #tpu.memory_space<vmem>>, %arg13: memref<!tpu.dma_semaphore, #tpu.memory_space<semaphore_mem>>, %arg14: memref<!tpu.dma_semaphore, #tpu.memory_space<semaphore_mem>>, %arg15: memref<!tpu.dma_semaphore, #tpu.memory_space<semaphore_mem>>, %arg16: memref<!tpu.dma_semaphore, #tpu.memory_space<semaphore_mem>>) attributes {dimension_semantics = [#tpu.dimension_semantics<core_parallel>, #tpu.dimension_semantics<subcore_parallel>], iteration_bounds = array<i64: 2, 16>, scalar_prefetch = 0 : i64, scratch_operands = 10 : i64, tpu.core_type = #tpu.core_type<sc_vector_subcore>, window_params = [{transform_indices = #map}, {transform_indices = #map}, {transform_indices = #map1}, {transform_indices = #map1}, {transform_indices = #map2}]} {
    %mul3A = arith.constant 2 : i32
    %mul3A_0 = arith.muli %arg1, %mul3A : i32
    %add3A = arith.addi %mul3A_0, %arg0 : i32
    "tpu.region"() ({
      %run_scoped3A_20 = tpu.sem_alloc : memref<!tpu.dma_semaphore, #tpu.memory_space<semaphore_mem>>
      tpu.enqueue_dma source(%arg4 : memref<128x512xi32, #tpu.memory_space<hbm>>) target(%arg11 : memref<128x512xi32, #tpu.memory_space<vmem>>) target_semaphore(%run_scoped3A_20 : memref<!tpu.dma_semaphore, #tpu.memory_space<semaphore_mem>>)
      tpu.wait_dma2 semaphore(%run_scoped3A_20 : memref<!tpu.dma_semaphore, #tpu.memory_space<semaphore_mem>>) src(%arg4 : memref<128x512xi32, #tpu.memory_space<hbm>>) dst(%arg11 : memref<128x512xi32, #tpu.memory_space<vmem>>)
      tpu.yield
    }) : () -> ()
    %run_scoped3A = arith.constant 0 : i32
    "tpu.region"() ({
      %run_scoped3A_20 = tpu.sem_alloc : memref<!tpu.dma_semaphore, #tpu.memory_space<semaphore_mem>>
      %dma_start3A_21 = arith.constant 0 : i32
      %dma_start3A_22 = tpu.memref_slice %arg5[%run_scoped3A, %dma_start3A_21] : memref<8x128xi32, #tpu.memory_space<hbm>> -> memref<1x128xi32, #tpu.memory_space<hbm>>
      %dma_start3A_23 = tpu.memref_squeeze %dma_start3A_22 : memref<1x128xi32, #tpu.memory_space<hbm>> -> memref<128xi32, #tpu.memory_space<hbm>>
      %dma_start3A_24 = arith.constant 0 : i32
      %dma_start3A_25 = tpu.memref_slice %arg5[%run_scoped3A, %dma_start3A_24] : memref<8x128xi32, #tpu.memory_space<hbm>> -> memref<1x128xi32, #tpu.memory_space<hbm>>
      %dma_start3A_26 = tpu.memref_squeeze %dma_start3A_25 : memref<1x128xi32, #tpu.memory_space<hbm>> -> memref<128xi32, #tpu.memory_space<hbm>>
      tpu.enqueue_dma source(%dma_start3A_26 : memref<128xi32, #tpu.memory_space<hbm>>) target(%arg12 : memref<128xi32, #tpu.memory_space<vmem>>) target_semaphore(%run_scoped3A_20 : memref<!tpu.dma_semaphore, #tpu.memory_space<semaphore_mem>>)
      %dma_wait3A = arith.constant 0 : i32
      %dma_wait3A_27 = tpu.memref_slice %arg5[%run_scoped3A, %dma_wait3A] : memref<8x128xi32, #tpu.memory_space<hbm>> -> memref<1x128xi32, #tpu.memory_space<hbm>>
      %dma_wait3A_28 = tpu.memref_squeeze %dma_wait3A_27 : memref<1x128xi32, #tpu.memory_space<hbm>> -> memref<128xi32, #tpu.memory_space<hbm>>
      %dma_wait3A_29 = arith.constant 0 : i32
      %dma_wait3A_30 = tpu.memref_slice %arg5[%run_scoped3A, %dma_wait3A_29] : memref<8x128xi32, #tpu.memory_space<hbm>> -> memref<1x128xi32, #tpu.memory_space<hbm>>
      %dma_wait3A_31 = tpu.memref_squeeze %dma_wait3A_30 : memref<1x128xi32, #tpu.memory_space<hbm>> -> memref<128xi32, #tpu.memory_space<hbm>>
      tpu.wait_dma2 semaphore(%run_scoped3A_20 : memref<!tpu.dma_semaphore, #tpu.memory_space<semaphore_mem>>) src(%dma_wait3A_31 : memref<128xi32, #tpu.memory_space<hbm>>) dst(%arg12 : memref<128xi32, #tpu.memory_space<vmem>>)
      tpu.yield
    }) : () -> ()
    %iota3A = tpu.iota {dimensions = array<i32: 0>} : vector<16xi32>
    %broadcast_in_dim3A = arith.constant 1 : i32
    %broadcast_in_dim3A_1 = vector.broadcast %broadcast_in_dim3A : i32 to vector<16xi32>
    %get3A = arith.constant 0 : index
    %get3A_2 = tpu.vector_load %arg12[%get3A] {strides = array<i32>} : memref<128xi32, #tpu.memory_space<vmem>>, vector<16xi32>,
    %sub3A = arith.constant 1024 : i32
    %sub3A_3 = vector.broadcast %sub3A : i32 to vector<16xi32>
    %sub3A_4 = arith.subi %get3A_2, %sub3A_3 : vector<16xi32>
    %mul3A_5 = arith.constant 16 : i32
    %mul3A_6 = vector.broadcast %mul3A_5 : i32 to vector<16xi32>
    %mul3A_7 = arith.muli %sub3A_4, %mul3A_6 : vector<16xi32>
    %mul3A_8 = arith.constant 131072 : i32
    %mul3A_9 = arith.muli %add3A, %mul3A_8 : i32
    %add3A_10 = arith.constant 0 : i32
    %add3A_11 = arith.addi %mul3A_9, %add3A_10 : i32
    %dma_start3A = tpu.memref_slice %arg2[%add3A_11] : memref<4194304xf32, #tpu.memory_space<hbm>> -> memref<8192xf32, #tpu.memory_space<hbm>>
    %dma_start3A_12 = tpu.memref_slice %arg2[%add3A_11] : memref<4194304xf32, #tpu.memory_space<hbm>> -> memref<8192xf32, #tpu.memory_space<hbm>>
    tpu.enqueue_dma source(%dma_start3A_12 : memref<8192xf32, #tpu.memory_space<hbm>>) target(%arg7 : memref<8192xf32, #tpu.memory_space<vmem>>) target_semaphore(%arg13 : memref<!tpu.dma_semaphore, #tpu.memory_space<semaphore_mem>>)
    %dma_start3A_13 = tpu.memref_slice %arg3[%add3A_11] : memref<4194304xi32, #tpu.memory_space<hbm>> -> memref<8192xi32, #tpu.memory_space<hbm>>
    %dma_start3A_14 = tpu.memref_slice %arg3[%add3A_11] : memref<4194304xi32, #tpu.memory_space<hbm>> -> memref<8192xi32, #tpu.memory_space<hbm>>
    tpu.enqueue_dma source(%dma_start3A_14 : memref<8192xi32, #tpu.memory_space<hbm>>) target(%arg8 : memref<8192xi32, #tpu.memory_space<vmem>>) target_semaphore(%arg14 : memref<!tpu.dma_semaphore, #tpu.memory_space<semaphore_mem>>)
    %scan3A = arith.constant 0 : i32
    %scan3A_15 = arith.constant 0 : i32
    %scan3A_16 = arith.constant 8 : i32
    %scan3A_17 = arith.addi %scan3A_15, %scan3A_16 : i32
    %scan3A_18 = arith.constant 1 : i32
    scf.for %scan3A_20 = %scan3A_15 to %scan3A_17 step %scan3A_18  : i32 {
      %mul3A_21 = arith.constant 2 : i32
      %mul3A_22 = arith.muli %mul3A_21, %scan3A_20 : i32
      %add3A_23 = arith.constant 1 : i32
      %add3A_24 = arith.addi %mul3A_22, %add3A_23 : i32
      %mul3A_25 = arith.constant 131072 : i32
      %mul3A_26 = arith.muli %add3A, %mul3A_25 : i32
      %mul3A_27 = arith.constant 8192 : i32
      %mul3A_28 = arith.muli %add3A_24, %mul3A_27 : i32
      %add3A_29 = arith.addi %mul3A_26, %mul3A_28 : i32
      %dma_start3A_30 = tpu.memref_slice %arg2[%add3A_29] : memref<4194304xf32, #tpu.memory_space<hbm>> -> memref<8192xf32, #tpu.memory_space<hbm>>
      %dma_start3A_31 = tpu.memref_slice %arg2[%add3A_29] : memref<4194304xf32, #tpu.memory_space<hbm>> -> memref<8192xf32, #tpu.memory_space<hbm>>
      tpu.enqueue_dma source(%dma_start3A_31 : memref<8192xf32, #tpu.memory_space<hbm>>) target(%arg9 : memref<8192xf32, #tpu.memory_space<vmem>>) target_semaphore(%arg15 : memref<!tpu.dma_semaphore, #tpu.memory_space<semaphore_mem>>)
      %dma_start3A_32 = tpu.memref_slice %arg3[%add3A_29] : memref<4194304xi32, #tpu.memory_space<hbm>> -> memref<8192xi32, #tpu.memory_space<hbm>>
      %dma_start3A_33 = tpu.memref_slice %arg3[%add3A_29] : memref<4194304xi32, #tpu.memory_space<hbm>> -> memref<8192xi32, #tpu.memory_space<hbm>>
      tpu.enqueue_dma source(%dma_start3A_33 : memref<8192xi32, #tpu.memory_space<hbm>>) target(%arg10 : memref<8192xi32, #tpu.memory_space<vmem>>) target_semaphore(%arg16 : memref<!tpu.dma_semaphore, #tpu.memory_space<semaphore_mem>>)
      %mul3A_34 = arith.constant 2 : i32
      %mul3A_35 = arith.muli %mul3A_34, %scan3A_20 : i32
      %mul3A_36 = arith.constant 131072 : i32
      %mul3A_37 = arith.muli %add3A, %mul3A_36 : i32
      %mul3A_38 = arith.constant 8192 : i32
      %mul3A_39 = arith.muli %mul3A_35, %mul3A_38 : i32
      %add3A_40 = arith.addi %mul3A_37, %mul3A_39 : i32
      %dma_wait3A = tpu.memref_slice %arg2[%add3A_40] : memref<4194304xf32, #tpu.memory_space<hbm>> -> memref<8192xf32, #tpu.memory_space<hbm>>
      %dma_wait3A_41 = tpu.memref_slice %arg2[%add3A_40] : memref<4194304xf32, #tpu.memory_space<hbm>> -> memref<8192xf32, #tpu.memory_space<hbm>>
      tpu.wait_dma2 semaphore(%arg13 : memref<!tpu.dma_semaphore, #tpu.memory_space<semaphore_mem>>) src(%dma_wait3A_41 : memref<8192xf32, #tpu.memory_space<hbm>>) dst(%arg7 : memref<8192xf32, #tpu.memory_space<vmem>>)
      %dma_wait3A_42 = tpu.memref_slice %arg3[%add3A_40] : memref<4194304xi32, #tpu.memory_space<hbm>> -> memref<8192xi32, #tpu.memory_space<hbm>>
      %dma_wait3A_43 = tpu.memref_slice %arg3[%add3A_40] : memref<4194304xi32, #tpu.memory_space<hbm>> -> memref<8192xi32, #tpu.memory_space<hbm>>
      tpu.wait_dma2 semaphore(%arg14 : memref<!tpu.dma_semaphore, #tpu.memory_space<semaphore_mem>>) src(%dma_wait3A_43 : memref<8192xi32, #tpu.memory_space<hbm>>) dst(%arg8 : memref<8192xi32, #tpu.memory_space<vmem>>)
      %scan3A_44 = arith.constant 0 : i32
      %scan3A_45 = arith.constant 0 : i32
      %scan3A_46 = arith.constant 32 : i32
      %scan3A_47 = arith.addi %scan3A_45, %scan3A_46 : i32
      %scan3A_48 = arith.constant 1 : i32
      scf.for %scan3A_73 = %scan3A_45 to %scan3A_47 step %scan3A_48  : i32 {
        %mul3A_74 = arith.constant 16 : i32
        %mul3A_75 = arith.muli %scan3A_73, %mul3A_74 : i32
        %add3A_76 = arith.constant 0 : i32
        %add3A_77 = arith.addi %mul3A_75, %add3A_76 : i32
        %mul3A_78 = arith.constant 16 : i32
        %mul3A_79 = arith.muli %add3A_77, %mul3A_78 : i32
        %get3A_80 = arith.index_cast %mul3A_79 : i32 to index
        %get3A_81 = tpu.vector_load %arg7[%get3A_80] {strides = array<i32>} : memref<8192xf32, #tpu.memory_space<vmem>>, vector<16xf32>,
        %get3A_82 = arith.index_cast %mul3A_79 : i32 to index
        %get3A_83 = tpu.vector_load %arg8[%get3A_82] {strides = array<i32>} : memref<8192xi32, #tpu.memory_space<vmem>>, vector<16xi32>,
        %bitcast3A = vector.bitcast %get3A_81 : vector<16xf32> to vector<16xi32>
        %shift_right_arithmetic3A = arith.constant 31 : i32
        %shift_right_arithmetic3A_84 = vector.broadcast %shift_right_arithmetic3A : i32 to vector<16xi32>
        %shift_right_arithmetic3A_85 = arith.shrsi %bitcast3A, %shift_right_arithmetic3A_84 : vector<16xi32>
        %and3A = arith.constant 2147483647 : i32
        %and3A_86 = vector.broadcast %and3A : i32 to vector<16xi32>
        %and3A_87 = arith.andi %shift_right_arithmetic3A_85, %and3A_86 : vector<16xi32>
        %xor3A = arith.xori %bitcast3A, %and3A_87 : vector<16xi32>
        %eq3A = arith.constant 0 : i32
        %eq3A_88 = vector.broadcast %eq3A : i32 to vector<16xi32>
        %eq3A_89 = arith.cmpi eq, %get3A_83, %eq3A_88 : vector<16xi32>
        %shift_right_arithmetic3A_90 = arith.constant 17 : i32
        %shift_right_arithmetic3A_91 = vector.broadcast %shift_right_arithmetic3A_90 : i32 to vector<16xi32>
        %shift_right_arithmetic3A_92 = arith.shrsi %xor3A, %shift_right_arithmetic3A_91 : vector<16xi32>
        %and3A_93 = arith.constant -16 : i32
        %and3A_94 = vector.broadcast %and3A_93 : i32 to vector<16xi32>
        %and3A_95 = arith.andi %shift_right_arithmetic3A_92, %and3A_94 : vector<16xi32>
        %eq3A_96 = arith.cmpi eq, %and3A_95, %mul3A_7 : vector<16xi32>
        %and3A_97 = arith.andi %eq3A_89, %eq3A_96 : vector<16xi1>
        %shift_right_arithmetic3A_98 = arith.constant 5 : i32
        %shift_right_arithmetic3A_99 = vector.broadcast %shift_right_arithmetic3A_98 : i32 to vector<16xi32>
        %shift_right_arithmetic3A_100 = arith.shrsi %xor3A, %shift_right_arithmetic3A_99 : vector<16xi32>
        %and3A_101 = arith.constant 65520 : i32
        %and3A_102 = vector.broadcast %and3A_101 : i32 to vector<16xi32>
        %and3A_103 = arith.andi %shift_right_arithmetic3A_100, %and3A_102 : vector<16xi32>
        %add3A_104 = arith.addi %and3A_103, %iota3A : vector<16xi32>
        %shift_right_arithmetic3A_105 = arith.constant 9 : i32
        %shift_right_arithmetic3A_106 = vector.broadcast %shift_right_arithmetic3A_105 : i32 to vector<16xi32>
        %shift_right_arithmetic3A_107 = arith.shrsi %add3A_104, %shift_right_arithmetic3A_106 : vector<16xi32>
        %and3A_108 = arith.constant 511 : i32
        %and3A_109 = vector.broadcast %and3A_108 : i32 to vector<16xi32>
        %and3A_110 = arith.andi %add3A_104, %and3A_109 : vector<16xi32>
        tpu.vector_store_idx %arg11[%shift_right_arithmetic3A_107, %and3A_110], %broadcast_in_dim3A_1 masked %and3A_97 {add = true} : memref<128x512xi32, #tpu.memory_space<vmem>>[vector<16xi32>, vector<16xi32>], vector<16xi32>, vector<16xi1>
        %mul3A_111 = arith.constant 16 : i32
        %mul3A_112 = arith.muli %scan3A_73, %mul3A_111 : i32
        %add3A_113 = arith.constant 1 : i32
        %add3A_114 = arith.addi %mul3A_112, %add3A_113 : i32
        %mul3A_115 = arith.constant 16 : i32
        %mul3A_116 = arith.muli %add3A_114, %mul3A_115 : i32
        %get3A_117 = arith.index_cast %mul3A_116 : i32 to index
        %get3A_118 = tpu.vector_load %arg7[%get3A_117] {strides = array<i32>} : memref<8192xf32, #tpu.memory_space<vmem>>, vector<16xf32>,
        %get3A_119 = arith.index_cast %mul3A_116 : i32 to index
        %get3A_120 = tpu.vector_load %arg8[%get3A_119] {strides = array<i32>} : memref<8192xi32, #tpu.memory_space<vmem>>, vector<16xi32>,
        %bitcast3A_121 = vector.bitcast %get3A_118 : vector<16xf32> to vector<16xi32>
        %shift_right_arithmetic3A_122 = arith.constant 31 : i32
        %shift_right_arithmetic3A_123 = vector.broadcast %shift_right_arithmetic3A_122 : i32 to vector<16xi32>
        %shift_right_arithmetic3A_124 = arith.shrsi %bitcast3A_121, %shift_right_arithmetic3A_123 : vector<16xi32>
        %and3A_125 = arith.constant 2147483647 : i32
        %and3A_126 = vector.broadcast %and3A_125 : i32 to vector<16xi32>
        %and3A_127 = arith.andi %shift_right_arithmetic3A_124, %and3A_126 : vector<16xi32>
        %xor3A_128 = arith.xori %bitcast3A_121, %and3A_127 : vector<16xi32>
        %eq3A_129 = arith.constant 0 : i32
        %eq3A_130 = vector.broadcast %eq3A_129 : i32 to vector<16xi32>
        %eq3A_131 = arith.cmpi eq, %get3A_120, %eq3A_130 : vector<16xi32>
        %shift_right_arithmetic3A_132 = arith.constant 17 : i32
        %shift_right_arithmetic3A_133 = vector.broadcast %shift_right_arithmetic3A_132 : i32 to vector<16xi32>
        %shift_right_arithmetic3A_134 = arith.shrsi %xor3A_128, %shift_right_arithmetic3A_133 : vector<16xi32>
        %and3A_135 = arith.constant -16 : i32
        %and3A_136 = vector.broadcast %and3A_135 : i32 to vector<16xi32>
        %and3A_137 = arith.andi %shift_right_arithmetic3A_134, %and3A_136 : vector<16xi32>
        %eq3A_138 = arith.cmpi eq, %and3A_137, %mul3A_7 : vector<16xi32>
        %and3A_139 = arith.andi %eq3A_131, %eq3A_138 : vector<16xi1>
        %shift_right_arithmetic3A_140 = arith.constant 5 : i32
        %shift_right_arithmetic3A_141 = vector.broadcast %shift_right_arithmetic3A_140 : i32 to vector<16xi32>
        %shift_right_arithmetic3A_142 = arith.shrsi %xor3A_128, %shift_right_arithmetic3A_141 : vector<16xi32>
        %and3A_143 = arith.constant 65520 : i32
        %and3A_144 = vector.broadcast %and3A_143 : i32 to vector<16xi32>
        %and3A_145 = arith.andi %shift_right_arithmetic3A_142, %and3A_144 : vector<16xi32>
        %add3A_146 = arith.addi %and3A_145, %iota3A : vector<16xi32>
        %shift_right_arithmetic3A_147 = arith.constant 9 : i32
        %shift_right_arithmetic3A_148 = vector.broadcast %shift_right_arithmetic3A_147 : i32 to vector<16xi32>
        %shift_right_arithmetic3A_149 = arith.shrsi %add3A_146, %shift_right_arithmetic3A_148 : vector<16xi32>
        %and3A_150 = arith.constant 511 : i32
        %and3A_151 = vector.broadcast %and3A_150 : i32 to vector<16xi32>
        %and3A_152 = arith.andi %add3A_146, %and3A_151 : vector<16xi32>
        tpu.vector_store_idx %arg11[%shift_right_arithmetic3A_149, %and3A_152], %broadcast_in_dim3A_1 masked %and3A_139 {add = true} : memref<128x512xi32, #tpu.memory_space<vmem>>[vector<16xi32>, vector<16xi32>], vector<16xi32>, vector<16xi1>
        %mul3A_153 = arith.constant 16 : i32
        %mul3A_154 = arith.muli %scan3A_73, %mul3A_153 : i32
        %add3A_155 = arith.constant 2 : i32
        %add3A_156 = arith.addi %mul3A_154, %add3A_155 : i32
        %mul3A_157 = arith.constant 16 : i32
        %mul3A_158 = arith.muli %add3A_156, %mul3A_157 : i32
        %get3A_159 = arith.index_cast %mul3A_158 : i32 to index
        %get3A_160 = tpu.vector_load %arg7[%get3A_159] {strides = array<i32>} : memref<8192xf32, #tpu.memory_space<vmem>>, vector<16xf32>,
        %get3A_161 = arith.index_cast %mul3A_158 : i32 to index
        %get3A_162 = tpu.vector_load %arg8[%get3A_161] {strides = array<i32>} : memref<8192xi32, #tpu.memory_space<vmem>>, vector<16xi32>,
        %bitcast3A_163 = vector.bitcast %get3A_160 : vector<16xf32> to vector<16xi32>
        %shift_right_arithmetic3A_164 = arith.constant 31 : i32
        %shift_right_arithmetic3A_165 = vector.broadcast %shift_right_arithmetic3A_164 : i32 to vector<16xi32>
        %shift_right_arithmetic3A_166 = arith.shrsi %bitcast3A_163, %shift_right_arithmetic3A_165 : vector<16xi32>
        %and3A_167 = arith.constant 2147483647 : i32
        %and3A_168 = vector.broadcast %and3A_167 : i32 to vector<16xi32>
        %and3A_169 = arith.andi %shift_right_arithmetic3A_166, %and3A_168 : vector<16xi32>
        %xor3A_170 = arith.xori %bitcast3A_163, %and3A_169 : vector<16xi32>
        %eq3A_171 = arith.constant 0 : i32
        %eq3A_172 = vector.broadcast %eq3A_171 : i32 to vector<16xi32>
        %eq3A_173 = arith.cmpi eq, %get3A_162, %eq3A_172 : vector<16xi32>
        %shift_right_arithmetic3A_174 = arith.constant 17 : i32
        %shift_right_arithmetic3A_175 = vector.broadcast %shift_right_arithmetic3A_174 : i32 to vector<16xi32>
        %shift_right_arithmetic3A_176 = arith.shrsi %xor3A_170, %shift_right_arithmetic3A_175 : vector<16xi32>
        %and3A_177 = arith.constant -16 : i32
        %and3A_178 = vector.broadcast %and3A_177 : i32 to vector<16xi32>
        %and3A_179 = arith.andi %shift_right_arithmetic3A_176, %and3A_178 : vector<16xi32>
        %eq3A_180 = arith.cmpi eq, %and3A_179, %mul3A_7 : vector<16xi32>
        %and3A_181 = arith.andi %eq3A_173, %eq3A_180 : vector<16xi1>
        %shift_right_arithmetic3A_182 = arith.constant 5 : i32
        %shift_right_arithmetic3A_183 = vector.broadcast %shift_right_arithmetic3A_182 : i32 to vector<16xi32>
        %shift_right_arithmetic3A_184 = arith.shrsi %xor3A_170, %shift_right_arithmetic3A_183 : vector<16xi32>
        %and3A_185 = arith.constant 65520 : i32
        %and3A_186 = vector.broadcast %and3A_185 : i32 to vector<16xi32>
        %and3A_187 = arith.andi %shift_right_arithmetic3A_184, %and3A_186 : vector<16xi32>
        %add3A_188 = arith.addi %and3A_187, %iota3A : vector<16xi32>
        %shift_right_arithmetic3A_189 = arith.constant 9 : i32
        %shift_right_arithmetic3A_190 = vector.broadcast %shift_right_arithmetic3A_189 : i32 to vector<16xi32>
        %shift_right_arithmetic3A_191 = arith.shrsi %add3A_188, %shift_right_arithmetic3A_190 : vector<16xi32>
        %and3A_192 = arith.constant 511 : i32
        %and3A_193 = vector.broadcast %and3A_192 : i32 to vector<16xi32>
        %and3A_194 = arith.andi %add3A_188, %and3A_193 : vector<16xi32>
        tpu.vector_store_idx %arg11[%shift_right_arithmetic3A_191, %and3A_194], %broadcast_in_dim3A_1 masked %and3A_181 {add = true} : memref<128x512xi32, #tpu.memory_space<vmem>>[vector<16xi32>, vector<16xi32>], vector<16xi32>, vector<16xi1>
        %mul3A_195 = arith.constant 16 : i32
        %mul3A_196 = arith.muli %scan3A_73, %mul3A_195 : i32
        %add3A_197 = arith.constant 3 : i32
        %add3A_198 = arith.addi %mul3A_196, %add3A_197 : i32
        %mul3A_199 = arith.constant 16 : i32
        %mul3A_200 = arith.muli %add3A_198, %mul3A_199 : i32
        %get3A_201 = arith.index_cast %mul3A_200 : i32 to index
        %get3A_202 = tpu.vector_load %arg7[%get3A_201] {strides = array<i32>} : memref<8192xf32, #tpu.memory_space<vmem>>, vector<16xf32>,
        %get3A_203 = arith.index_cast %mul3A_200 : i32 to index
        %get3A_204 = tpu.vector_load %arg8[%get3A_203] {strides = array<i32>} : memref<8192xi32, #tpu.memory_space<vmem>>, vector<16xi32>,
        %bitcast3A_205 = vector.bitcast %get3A_202 : vector<16xf32> to vector<16xi32>
        %shift_right_arithmetic3A_206 = arith.constant 31 : i32
        %shift_right_arithmetic3A_207 = vector.broadcast %shift_right_arithmetic3A_206 : i32 to vector<16xi32>
        %shift_right_arithmetic3A_208 = arith.shrsi %bitcast3A_205, %shift_right_arithmetic3A_207 : vector<16xi32>
        %and3A_209 = arith.constant 2147483647 : i32
        %and3A_210 = vector.broadcast %and3A_209 : i32 to vector<16xi32>
        %and3A_211 = arith.andi %shift_right_arithmetic3A_208, %and3A_210 : vector<16xi32>
        %xor3A_212 = arith.xori %bitcast3A_205, %and3A_211 : vector<16xi32>
        %eq3A_213 = arith.constant 0 : i32
        %eq3A_214 = vector.broadcast %eq3A_213 : i32 to vector<16xi32>
        %eq3A_215 = arith.cmpi eq, %get3A_204, %eq3A_214 : vector<16xi32>
        %shift_right_arithmetic3A_216 = arith.constant 17 : i32
        %shift_right_arithmetic3A_217 = vector.broadcast %shift_right_arithmetic3A_216 : i32 to vector<16xi32>
        %shift_right_arithmetic3A_218 = arith.shrsi %xor3A_212, %shift_right_arithmetic3A_217 : vector<16xi32>
        %and3A_219 = arith.constant -16 : i32
        %and3A_220 = vector.broadcast %and3A_219 : i32 to vector<16xi32>
        %and3A_221 = arith.andi %shift_right_arithmetic3A_218, %and3A_220 : vector<16xi32>
        %eq3A_222 = arith.cmpi eq, %and3A_221, %mul3A_7 : vector<16xi32>
        %and3A_223 = arith.andi %eq3A_215, %eq3A_222 : vector<16xi1>
        %shift_right_arithmetic3A_224 = arith.constant 5 : i32
        %shift_right_arithmetic3A_225 = vector.broadcast %shift_right_arithmetic3A_224 : i32 to vector<16xi32>
        %shift_right_arithmetic3A_226 = arith.shrsi %xor3A_212, %shift_right_arithmetic3A_225 : vector<16xi32>
        %and3A_227 = arith.constant 65520 : i32
        %and3A_228 = vector.broadcast %and3A_227 : i32 to vector<16xi32>
        %and3A_229 = arith.andi %shift_right_arithmetic3A_226, %and3A_228 : vector<16xi32>
        %add3A_230 = arith.addi %and3A_229, %iota3A : vector<16xi32>
        %shift_right_arithmetic3A_231 = arith.constant 9 : i32
        %shift_right_arithmetic3A_232 = vector.broadcast %shift_right_arithmetic3A_231 : i32 to vector<16xi32>
        %shift_right_arithmetic3A_233 = arith.shrsi %add3A_230, %shift_right_arithmetic3A_232 : vector<16xi32>
        %and3A_234 = arith.constant 511 : i32
        %and3A_235 = vector.broadcast %and3A_234 : i32 to vector<16xi32>
        %and3A_236 = arith.andi %add3A_230, %and3A_235 : vector<16xi32>
        tpu.vector_store_idx %arg11[%shift_right_arithmetic3A_233, %and3A_236], %broadcast_in_dim3A_1 masked %and3A_223 {add = true} : memref<128x512xi32, #tpu.memory_space<vmem>>[vector<16xi32>, vector<16xi32>], vector<16xi32>, vector<16xi1>
        %mul3A_237 = arith.constant 16 : i32
        %mul3A_238 = arith.muli %scan3A_73, %mul3A_237 : i32
        %add3A_239 = arith.constant 4 : i32
        %add3A_240 = arith.addi %mul3A_238, %add3A_239 : i32
        %mul3A_241 = arith.constant 16 : i32
        %mul3A_242 = arith.muli %add3A_240, %mul3A_241 : i32
        %get3A_243 = arith.index_cast %mul3A_242 : i32 to index
        %get3A_244 = tpu.vector_load %arg7[%get3A_243] {strides = array<i32>} : memref<8192xf32, #tpu.memory_space<vmem>>, vector<16xf32>,
        %get3A_245 = arith.index_cast %mul3A_242 : i32 to index
        %get3A_246 = tpu.vector_load %arg8[%get3A_245] {strides = array<i32>} : memref<8192xi32, #tpu.memory_space<vmem>>, vector<16xi32>,
        %bitcast3A_247 = vector.bitcast %get3A_244 : vector<16xf32> to vector<16xi32>
        %shift_right_arithmetic3A_248 = arith.constant 31 : i32
        %shift_right_arithmetic3A_249 = vector.broadcast %shift_right_arithmetic3A_248 : i32 to vector<16xi32>
        %shift_right_arithmetic3A_250 = arith.shrsi %bitcast3A_247, %shift_right_arithmetic3A_249 : vector<16xi32>
        %and3A_251 = arith.constant 2147483647 : i32
        %and3A_252 = vector.broadcast %and3A_251 : i32 to vector<16xi32>
        %and3A_253 = arith.andi %shift_right_arithmetic3A_250, %and3A_252 : vector<16xi32>
        %xor3A_254 = arith.xori %bitcast3A_247, %and3A_253 : vector<16xi32>
        %eq3A_255 = arith.constant 0 : i32
        %eq3A_256 = vector.broadcast %eq3A_255 : i32 to vector<16xi32>
        %eq3A_257 = arith.cmpi eq, %get3A_246, %eq3A_256 : vector<16xi32>
        %shift_right_arithmetic3A_258 = arith.constant 17 : i32
        %shift_right_arithmetic3A_259 = vector.broadcast %shift_right_arithmetic3A_258 : i32 to vector<16xi32>
        %shift_right_arithmetic3A_260 = arith.shrsi %xor3A_254, %shift_right_arithmetic3A_259 : vector<16xi32>
        %and3A_261 = arith.constant -16 : i32
        %and3A_262 = vector.broadcast %and3A_261 : i32 to vector<16xi32>
        %and3A_263 = arith.andi %shift_right_arithmetic3A_260, %and3A_262 : vector<16xi32>
        %eq3A_264 = arith.cmpi eq, %and3A_263, %mul3A_7 : vector<16xi32>
        %and3A_265 = arith.andi %eq3A_257, %eq3A_264 : vector<16xi1>
        %shift_right_arithmetic3A_266 = arith.constant 5 : i32
        %shift_right_arithmetic3A_267 = vector.broadcast %shift_right_arithmetic3A_266 : i32 to vector<16xi32>
        %shift_right_arithmetic3A_268 = arith.shrsi %xor3A_254, %shift_right_arithmetic3A_267 : vector<16xi32>
        %and3A_269 = arith.constant 65520 : i32
        %and3A_270 = vector.broadcast %and3A_269 : i32 to vector<16xi32>
        %and3A_271 = arith.andi %shift_right_arithmetic3A_268, %and3A_270 : vector<16xi32>
        %add3A_272 = arith.addi %and3A_271, %iota3A : vector<16xi32>
        %shift_right_arithmetic3A_273 = arith.constant 9 : i32
        %shift_right_arithmetic3A_274 = vector.broadcast %shift_right_arithmetic3A_273 : i32 to vector<16xi32>
        %shift_right_arithmetic3A_275 = arith.shrsi %add3A_272, %shift_right_arithmetic3A_274 : vector<16xi32>
        %and3A_276 = arith.constant 511 : i32
        %and3A_277 = vector.broadcast %and3A_276 : i32 to vector<16xi32>
        %and3A_278 = arith.andi %add3A_272, %and3A_277 : vector<16xi32>
        tpu.vector_store_idx %arg11[%shift_right_arithmetic3A_275, %and3A_278], %broadcast_in_dim3A_1 masked %and3A_265 {add = true} : memref<128x512xi32, #tpu.memory_space<vmem>>[vector<16xi32>, vector<16xi32>], vector<16xi32>, vector<16xi1>
        %mul3A_279 = arith.constant 16 : i32
        %mul3A_280 = arith.muli %scan3A_73, %mul3A_279 : i32
        %add3A_281 = arith.constant 5 : i32
        %add3A_282 = arith.addi %mul3A_280, %add3A_281 : i32
        %mul3A_283 = arith.constant 16 : i32
        %mul3A_284 = arith.muli %add3A_282, %mul3A_283 : i32
        %get3A_285 = arith.index_cast %mul3A_284 : i32 to index
        %get3A_286 = tpu.vector_load %arg7[%get3A_285] {strides = array<i32>} : memref<8192xf32, #tpu.memory_space<vmem>>, vector<16xf32>,
        %get3A_287 = arith.index_cast %mul3A_284 : i32 to index
        %get3A_288 = tpu.vector_load %arg8[%get3A_287] {strides = array<i32>} : memref<8192xi32, #tpu.memory_space<vmem>>, vector<16xi32>,
        %bitcast3A_289 = vector.bitcast %get3A_286 : vector<16xf32> to vector<16xi32>
        %shift_right_arithmetic3A_290 = arith.constant 31 : i32
        %shift_right_arithmetic3A_291 = vector.broadcast %shift_right_arithmetic3A_290 : i32 to vector<16xi32>
        %shift_right_arithmetic3A_292 = arith.shrsi %bitcast3A_289, %shift_right_arithmetic3A_291 : vector<16xi32>
        %and3A_293 = arith.constant 2147483647 : i32
        %and3A_294 = vector.broadcast %and3A_293 : i32 to vector<16xi32>
        %and3A_295 = arith.andi %shift_right_arithmetic3A_292, %and3A_294 : vector<16xi32>
        %xor3A_296 = arith.xori %bitcast3A_289, %and3A_295 : vector<16xi32>
        %eq3A_297 = arith.constant 0 : i32
        %eq3A_298 = vector.broadcast %eq3A_297 : i32 to vector<16xi32>
        %eq3A_299 = arith.cmpi eq, %get3A_288, %eq3A_298 : vector<16xi32>
        %shift_right_arithmetic3A_300 = arith.constant 17 : i32
        %shift_right_arithmetic3A_301 = vector.broadcast %shift_right_arithmetic3A_300 : i32 to vector<16xi32>
        %shift_right_arithmetic3A_302 = arith.shrsi %xor3A_296, %shift_right_arithmetic3A_301 : vector<16xi32>
        %and3A_303 = arith.constant -16 : i32
        %and3A_304 = vector.broadcast %and3A_303 : i32 to vector<16xi32>
        %and3A_305 = arith.andi %shift_right_arithmetic3A_302, %and3A_304 : vector<16xi32>
        %eq3A_306 = arith.cmpi eq, %and3A_305, %mul3A_7 : vector<16xi32>
        %and3A_307 = arith.andi %eq3A_299, %eq3A_306 : vector<16xi1>
        %shift_right_arithmetic3A_308 = arith.constant 5 : i32
        %shift_right_arithmetic3A_309 = vector.broadcast %shift_right_arithmetic3A_308 : i32 to vector<16xi32>
        %shift_right_arithmetic3A_310 = arith.shrsi %xor3A_296, %shift_right_arithmetic3A_309 : vector<16xi32>
        %and3A_311 = arith.constant 65520 : i32
        %and3A_312 = vector.broadcast %and3A_311 : i32 to vector<16xi32>
        %and3A_313 = arith.andi %shift_right_arithmetic3A_310, %and3A_312 : vector<16xi32>
        %add3A_314 = arith.addi %and3A_313, %iota3A : vector<16xi32>
        %shift_right_arithmetic3A_315 = arith.constant 9 : i32
        %shift_right_arithmetic3A_316 = vector.broadcast %shift_right_arithmetic3A_315 : i32 to vector<16xi32>
        %shift_right_arithmetic3A_317 = arith.shrsi %add3A_314, %shift_right_arithmetic3A_316 : vector<16xi32>
        %and3A_318 = arith.constant 511 : i32
        %and3A_319 = vector.broadcast %and3A_318 : i32 to vector<16xi32>
        %and3A_320 = arith.andi %add3A_314, %and3A_319 : vector<16xi32>
        tpu.vector_store_idx %arg11[%shift_right_arithmetic3A_317, %and3A_320], %broadcast_in_dim3A_1 masked %and3A_307 {add = true} : memref<128x512xi32, #tpu.memory_space<vmem>>[vector<16xi32>, vector<16xi32>], vector<16xi32>, vector<16xi1>
        %mul3A_321 = arith.constant 16 : i32
        %mul3A_322 = arith.muli %scan3A_73, %mul3A_321 : i32
        %add3A_323 = arith.constant 6 : i32
        %add3A_324 = arith.addi %mul3A_322, %add3A_323 : i32
        %mul3A_325 = arith.constant 16 : i32
        %mul3A_326 = arith.muli %add3A_324, %mul3A_325 : i32
        %get3A_327 = arith.index_cast %mul3A_326 : i32 to index
        %get3A_328 = tpu.vector_load %arg7[%get3A_327] {strides = array<i32>} : memref<8192xf32, #tpu.memory_space<vmem>>, vector<16xf32>,
        %get3A_329 = arith.index_cast %mul3A_326 : i32 to index
        %get3A_330 = tpu.vector_load %arg8[%get3A_329] {strides = array<i32>} : memref<8192xi32, #tpu.memory_space<vmem>>, vector<16xi32>,
        %bitcast3A_331 = vector.bitcast %get3A_328 : vector<16xf32> to vector<16xi32>
        %shift_right_arithmetic3A_332 = arith.constant 31 : i32
        %shift_right_arithmetic3A_333 = vector.broadcast %shift_right_arithmetic3A_332 : i32 to vector<16xi32>
        %shift_right_arithmetic3A_334 = arith.shrsi %bitcast3A_331, %shift_right_arithmetic3A_333 : vector<16xi32>
        %and3A_335 = arith.constant 2147483647 : i32
        %and3A_336 = vector.broadcast %and3A_335 : i32 to vector<16xi32>
        %and3A_337 = arith.andi %shift_right_arithmetic3A_334, %and3A_336 : vector<16xi32>
        %xor3A_338 = arith.xori %bitcast3A_331, %and3A_337 : vector<16xi32>
        %eq3A_339 = arith.constant 0 : i32
        %eq3A_340 = vector.broadcast %eq3A_339 : i32 to vector<16xi32>
        %eq3A_341 = arith.cmpi eq, %get3A_330, %eq3A_340 : vector<16xi32>
        %shift_right_arithmetic3A_342 = arith.constant 17 : i32
        %shift_right_arithmetic3A_343 = vector.broadcast %shift_right_arithmetic3A_342 : i32 to vector<16xi32>
        %shift_right_arithmetic3A_344 = arith.shrsi %xor3A_338, %shift_right_arithmetic3A_343 : vector<16xi32>
        %and3A_345 = arith.constant -16 : i32
        %and3A_346 = vector.broadcast %and3A_345 : i32 to vector<16xi32>
        %and3A_347 = arith.andi %shift_right_arithmetic3A_344, %and3A_346 : vector<16xi32>
        %eq3A_348 = arith.cmpi eq, %and3A_347, %mul3A_7 : vector<16xi32>
        %and3A_349 = arith.andi %eq3A_341, %eq3A_348 : vector<16xi1>
        %shift_right_arithmetic3A_350 = arith.constant 5 : i32
        %shift_right_arithmetic3A_351 = vector.broadcast %shift_right_arithmetic3A_350 : i32 to vector<16xi32>
        %shift_right_arithmetic3A_352 = arith.shrsi %xor3A_338, %shift_right_arithmetic3A_351 : vector<16xi32>
        %and3A_353 = arith.constant 65520 : i32
        %and3A_354 = vector.broadcast %and3A_353 : i32 to vector<16xi32>
        %and3A_355 = arith.andi %shift_right_arithmetic3A_352, %and3A_354 : vector<16xi32>
        %add3A_356 = arith.addi %and3A_355, %iota3A : vector<16xi32>
        %shift_right_arithmetic3A_357 = arith.constant 9 : i32
        %shift_right_arithmetic3A_358 = vector.broadcast %shift_right_arithmetic3A_357 : i32 to vector<16xi32>
        %shift_right_arithmetic3A_359 = arith.shrsi %add3A_356, %shift_right_arithmetic3A_358 : vector<16xi32>
        %and3A_360 = arith.constant 511 : i32
        %and3A_361 = vector.broadcast %and3A_360 : i32 to vector<16xi32>
        %and3A_362 = arith.andi %add3A_356, %and3A_361 : vector<16xi32>
        tpu.vector_store_idx %arg11[%shift_right_arithmetic3A_359, %and3A_362], %broadcast_in_dim3A_1 masked %and3A_349 {add = true} : memref<128x512xi32, #tpu.memory_space<vmem>>[vector<16xi32>, vector<16xi32>], vector<16xi32>, vector<16xi1>
        %mul3A_363 = arith.constant 16 : i32
        %mul3A_364 = arith.muli %scan3A_73, %mul3A_363 : i32
        %add3A_365 = arith.constant 7 : i32
        %add3A_366 = arith.addi %mul3A_364, %add3A_365 : i32
        %mul3A_367 = arith.constant 16 : i32
        %mul3A_368 = arith.muli %add3A_366, %mul3A_367 : i32
        %get3A_369 = arith.index_cast %mul3A_368 : i32 to index
        %get3A_370 = tpu.vector_load %arg7[%get3A_369] {strides = array<i32>} : memref<8192xf32, #tpu.memory_space<vmem>>, vector<16xf32>,
        %get3A_371 = arith.index_cast %mul3A_368 : i32 to index
        %get3A_372 = tpu.vector_load %arg8[%get3A_371] {strides = array<i32>} : memref<8192xi32, #tpu.memory_space<vmem>>, vector<16xi32>,
        %bitcast3A_373 = vector.bitcast %get3A_370 : vector<16xf32> to vector<16xi32>
        %shift_right_arithmetic3A_374 = arith.constant 31 : i32
        %shift_right_arithmetic3A_375 = vector.broadcast %shift_right_arithmetic3A_374 : i32 to vector<16xi32>
        %shift_right_arithmetic3A_376 = arith.shrsi %bitcast3A_373, %shift_right_arithmetic3A_375 : vector<16xi32>
        %and3A_377 = arith.constant 2147483647 : i32
        %and3A_378 = vector.broadcast %and3A_377 : i32 to vector<16xi32>
        %and3A_379 = arith.andi %shift_right_arithmetic3A_376, %and3A_378 : vector<16xi32>
        %xor3A_380 = arith.xori %bitcast3A_373, %and3A_379 : vector<16xi32>
        %eq3A_381 = arith.constant 0 : i32
        %eq3A_382 = vector.broadcast %eq3A_381 : i32 to vector<16xi32>
        %eq3A_383 = arith.cmpi eq, %get3A_372, %eq3A_382 : vector<16xi32>
        %shift_right_arithmetic3A_384 = arith.constant 17 : i32
        %shift_right_arithmetic3A_385 = vector.broadcast %shift_right_arithmetic3A_384 : i32 to vector<16xi32>
        %shift_right_arithmetic3A_386 = arith.shrsi %xor3A_380, %shift_right_arithmetic3A_385 : vector<16xi32>
        %and3A_387 = arith.constant -16 : i32
        %and3A_388 = vector.broadcast %and3A_387 : i32 to vector<16xi32>
        %and3A_389 = arith.andi %shift_right_arithmetic3A_386, %and3A_388 : vector<16xi32>
        %eq3A_390 = arith.cmpi eq, %and3A_389, %mul3A_7 : vector<16xi32>
        %and3A_391 = arith.andi %eq3A_383, %eq3A_390 : vector<16xi1>
        %shift_right_arithmetic3A_392 = arith.constant 5 : i32
        %shift_right_arithmetic3A_393 = vector.broadcast %shift_right_arithmetic3A_392 : i32 to vector<16xi32>
        %shift_right_arithmetic3A_394 = arith.shrsi %xor3A_380, %shift_right_arithmetic3A_393 : vector<16xi32>
        %and3A_395 = arith.constant 65520 : i32
        %and3A_396 = vector.broadcast %and3A_395 : i32 to vector<16xi32>
        %and3A_397 = arith.andi %shift_right_arithmetic3A_394, %and3A_396 : vector<16xi32>
        %add3A_398 = arith.addi %and3A_397, %iota3A : vector<16xi32>
        %shift_right_arithmetic3A_399 = arith.constant 9 : i32
        %shift_right_arithmetic3A_400 = vector.broadcast %shift_right_arithmetic3A_399 : i32 to vector<16xi32>
        %shift_right_arithmetic3A_401 = arith.shrsi %add3A_398, %shift_right_arithmetic3A_400 : vector<16xi32>
        %and3A_402 = arith.constant 511 : i32
        %and3A_403 = vector.broadcast %and3A_402 : i32 to vector<16xi32>
        %and3A_404 = arith.andi %add3A_398, %and3A_403 : vector<16xi32>
        tpu.vector_store_idx %arg11[%shift_right_arithmetic3A_401, %and3A_404], %broadcast_in_dim3A_1 masked %and3A_391 {add = true} : memref<128x512xi32, #tpu.memory_space<vmem>>[vector<16xi32>, vector<16xi32>], vector<16xi32>, vector<16xi1>
        %mul3A_405 = arith.constant 16 : i32
        %mul3A_406 = arith.muli %scan3A_73, %mul3A_405 : i32
        %add3A_407 = arith.constant 8 : i32
        %add3A_408 = arith.addi %mul3A_406, %add3A_407 : i32
        %mul3A_409 = arith.constant 16 : i32
        %mul3A_410 = arith.muli %add3A_408, %mul3A_409 : i32
        %get3A_411 = arith.index_cast %mul3A_410 : i32 to index
        %get3A_412 = tpu.vector_load %arg7[%get3A_411] {strides = array<i32>} : memref<8192xf32, #tpu.memory_space<vmem>>, vector<16xf32>,
        %get3A_413 = arith.index_cast %mul3A_410 : i32 to index
        %get3A_414 = tpu.vector_load %arg8[%get3A_413] {strides = array<i32>} : memref<8192xi32, #tpu.memory_space<vmem>>, vector<16xi32>,
        %bitcast3A_415 = vector.bitcast %get3A_412 : vector<16xf32> to vector<16xi32>
        %shift_right_arithmetic3A_416 = arith.constant 31 : i32
        %shift_right_arithmetic3A_417 = vector.broadcast %shift_right_arithmetic3A_416 : i32 to vector<16xi32>
        %shift_right_arithmetic3A_418 = arith.shrsi %bitcast3A_415, %shift_right_arithmetic3A_417 : vector<16xi32>
        %and3A_419 = arith.constant 2147483647 : i32
        %and3A_420 = vector.broadcast %and3A_419 : i32 to vector<16xi32>
        %and3A_421 = arith.andi %shift_right_arithmetic3A_418, %and3A_420 : vector<16xi32>
        %xor3A_422 = arith.xori %bitcast3A_415, %and3A_421 : vector<16xi32>
        %eq3A_423 = arith.constant 0 : i32
        %eq3A_424 = vector.broadcast %eq3A_423 : i32 to vector<16xi32>
        %eq3A_425 = arith.cmpi eq, %get3A_414, %eq3A_424 : vector<16xi32>
        %shift_right_arithmetic3A_426 = arith.constant 17 : i32
        %shift_right_arithmetic3A_427 = vector.broadcast %shift_right_arithmetic3A_426 : i32 to vector<16xi32>
        %shift_right_arithmetic3A_428 = arith.shrsi %xor3A_422, %shift_right_arithmetic3A_427 : vector<16xi32>
        %and3A_429 = arith.constant -16 : i32
        %and3A_430 = vector.broadcast %and3A_429 : i32 to vector<16xi32>
        %and3A_431 = arith.andi %shift_right_arithmetic3A_428, %and3A_430 : vector<16xi32>
        %eq3A_432 = arith.cmpi eq, %and3A_431, %mul3A_7 : vector<16xi32>
        %and3A_433 = arith.andi %eq3A_425, %eq3A_432 : vector<16xi1>
        %shift_right_arithmetic3A_434 = arith.constant 5 : i32
        %shift_right_arithmetic3A_435 = vector.broadcast %shift_right_arithmetic3A_434 : i32 to vector<16xi32>
        %shift_right_arithmetic3A_436 = arith.shrsi %xor3A_422, %shift_right_arithmetic3A_435 : vector<16xi32>
        %and3A_437 = arith.constant 65520 : i32
        %and3A_438 = vector.broadcast %and3A_437 : i32 to vector<16xi32>
        %and3A_439 = arith.andi %shift_right_arithmetic3A_436, %and3A_438 : vector<16xi32>
        %add3A_440 = arith.addi %and3A_439, %iota3A : vector<16xi32>
        %shift_right_arithmetic3A_441 = arith.constant 9 : i32
        %shift_right_arithmetic3A_442 = vector.broadcast %shift_right_arithmetic3A_441 : i32 to vector<16xi32>
        %shift_right_arithmetic3A_443 = arith.shrsi %add3A_440, %shift_right_arithmetic3A_442 : vector<16xi32>
        %and3A_444 = arith.constant 511 : i32
        %and3A_445 = vector.broadcast %and3A_444 : i32 to vector<16xi32>
        %and3A_446 = arith.andi %add3A_440, %and3A_445 : vector<16xi32>
        tpu.vector_store_idx %arg11[%shift_right_arithmetic3A_443, %and3A_446], %broadcast_in_dim3A_1 masked %and3A_433 {add = true} : memref<128x512xi32, #tpu.memory_space<vmem>>[vector<16xi32>, vector<16xi32>], vector<16xi32>, vector<16xi1>
        %mul3A_447 = arith.constant 16 : i32
        %mul3A_448 = arith.muli %scan3A_73, %mul3A_447 : i32
        %add3A_449 = arith.constant 9 : i32
        %add3A_450 = arith.addi %mul3A_448, %add3A_449 : i32
        %mul3A_451 = arith.constant 16 : i32
        %mul3A_452 = arith.muli %add3A_450, %mul3A_451 : i32
        %get3A_453 = arith.index_cast %mul3A_452 : i32 to index
        %get3A_454 = tpu.vector_load %arg7[%get3A_453] {strides = array<i32>} : memref<8192xf32, #tpu.memory_space<vmem>>, vector<16xf32>,
        %get3A_455 = arith.index_cast %mul3A_452 : i32 to index
        %get3A_456 = tpu.vector_load %arg8[%get3A_455] {strides = array<i32>} : memref<8192xi32, #tpu.memory_space<vmem>>, vector<16xi32>,
        %bitcast3A_457 = vector.bitcast %get3A_454 : vector<16xf32> to vector<16xi32>
        %shift_right_arithmetic3A_458 = arith.constant 31 : i32
        %shift_right_arithmetic3A_459 = vector.broadcast %shift_right_arithmetic3A_458 : i32 to vector<16xi32>
        %shift_right_arithmetic3A_460 = arith.shrsi %bitcast3A_457, %shift_right_arithmetic3A_459 : vector<16xi32>
        %and3A_461 = arith.constant 2147483647 : i32
        %and3A_462 = vector.broadcast %and3A_461 : i32 to vector<16xi32>
        %and3A_463 = arith.andi %shift_right_arithmetic3A_460, %and3A_462 : vector<16xi32>
        %xor3A_464 = arith.xori %bitcast3A_457, %and3A_463 : vector<16xi32>
        %eq3A_465 = arith.constant 0 : i32
        %eq3A_466 = vector.broadcast %eq3A_465 : i32 to vector<16xi32>
        %eq3A_467 = arith.cmpi eq, %get3A_456, %eq3A_466 : vector<16xi32>
        %shift_right_arithmetic3A_468 = arith.constant 17 : i32
        %shift_right_arithmetic3A_469 = vector.broadcast %shift_right_arithmetic3A_468 : i32 to vector<16xi32>
        %shift_right_arithmetic3A_470 = arith.shrsi %xor3A_464, %shift_right_arithmetic3A_469 : vector<16xi32>
        %and3A_471 = arith.constant -16 : i32
        %and3A_472 = vector.broadcast %and3A_471 : i32 to vector<16xi32>
        %and3A_473 = arith.andi %shift_right_arithmetic3A_470, %and3A_472 : vector<16xi32>
        %eq3A_474 = arith.cmpi eq, %and3A_473, %mul3A_7 : vector<16xi32>
        %and3A_475 = arith.andi %eq3A_467, %eq3A_474 : vector<16xi1>
        %shift_right_arithmetic3A_476 = arith.constant 5 : i32
        %shift_right_arithmetic3A_477 = vector.broadcast %shift_right_arithmetic3A_476 : i32 to vector<16xi32>
        %shift_right_arithmetic3A_478 = arith.shrsi %xor3A_464, %shift_right_arithmetic3A_477 : vector<16xi32>
        %and3A_479 = arith.constant 65520 : i32
        %and3A_480 = vector.broadcast %and3A_479 : i32 to vector<16xi32>
        %and3A_481 = arith.andi %shift_right_arithmetic3A_478, %and3A_480 : vector<16xi32>
        %add3A_482 = arith.addi %and3A_481, %iota3A : vector<16xi32>
        %shift_right_arithmetic3A_483 = arith.constant 9 : i32
        %shift_right_arithmetic3A_484 = vector.broadcast %shift_right_arithmetic3A_483 : i32 to vector<16xi32>
        %shift_right_arithmetic3A_485 = arith.shrsi %add3A_482, %shift_right_arithmetic3A_484 : vector<16xi32>
        %and3A_486 = arith.constant 511 : i32
        %and3A_487 = vector.broadcast %and3A_486 : i32 to vector<16xi32>
        %and3A_488 = arith.andi %add3A_482, %and3A_487 : vector<16xi32>
        tpu.vector_store_idx %arg11[%shift_right_arithmetic3A_485, %and3A_488], %broadcast_in_dim3A_1 masked %and3A_475 {add = true} : memref<128x512xi32, #tpu.memory_space<vmem>>[vector<16xi32>, vector<16xi32>], vector<16xi32>, vector<16xi1>
        %mul3A_489 = arith.constant 16 : i32
        %mul3A_490 = arith.muli %scan3A_73, %mul3A_489 : i32
        %add3A_491 = arith.constant 10 : i32
        %add3A_492 = arith.addi %mul3A_490, %add3A_491 : i32
        %mul3A_493 = arith.constant 16 : i32
        %mul3A_494 = arith.muli %add3A_492, %mul3A_493 : i32
        %get3A_495 = arith.index_cast %mul3A_494 : i32 to index
        %get3A_496 = tpu.vector_load %arg7[%get3A_495] {strides = array<i32>} : memref<8192xf32, #tpu.memory_space<vmem>>, vector<16xf32>,
        %get3A_497 = arith.index_cast %mul3A_494 : i32 to index
        %get3A_498 = tpu.vector_load %arg8[%get3A_497] {strides = array<i32>} : memref<8192xi32, #tpu.memory_space<vmem>>, vector<16xi32>,
        %bitcast3A_499 = vector.bitcast %get3A_496 : vector<16xf32> to vector<16xi32>
        %shift_right_arithmetic3A_500 = arith.constant 31 : i32
        %shift_right_arithmetic3A_501 = vector.broadcast %shift_right_arithmetic3A_500 : i32 to vector<16xi32>
        %shift_right_arithmetic3A_502 = arith.shrsi %bitcast3A_499, %shift_right_arithmetic3A_501 : vector<16xi32>
        %and3A_503 = arith.constant 2147483647 : i32
        %and3A_504 = vector.broadcast %and3A_503 : i32 to vector<16xi32>
        %and3A_505 = arith.andi %shift_right_arithmetic3A_502, %and3A_504 : vector<16xi32>
        %xor3A_506 = arith.xori %bitcast3A_499, %and3A_505 : vector<16xi32>
        %eq3A_507 = arith.constant 0 : i32
        %eq3A_508 = vector.broadcast %eq3A_507 : i32 to vector<16xi32>
        %eq3A_509 = arith.cmpi eq, %get3A_498, %eq3A_508 : vector<16xi32>
        %shift_right_arithmetic3A_510 = arith.constant 17 : i32
        %shift_right_arithmetic3A_511 = vector.broadcast %shift_right_arithmetic3A_510 : i32 to vector<16xi32>
        %shift_right_arithmetic3A_512 = arith.shrsi %xor3A_506, %shift_right_arithmetic3A_511 : vector<16xi32>
        %and3A_513 = arith.constant -16 : i32
        %and3A_514 = vector.broadcast %and3A_513 : i32 to vector<16xi32>
        %and3A_515 = arith.andi %shift_right_arithmetic3A_512, %and3A_514 : vector<16xi32>
        %eq3A_516 = arith.cmpi eq, %and3A_515, %mul3A_7 : vector<16xi32>
        %and3A_517 = arith.andi %eq3A_509, %eq3A_516 : vector<16xi1>
        %shift_right_arithmetic3A_518 = arith.constant 5 : i32
        %shift_right_arithmetic3A_519 = vector.broadcast %shift_right_arithmetic3A_518 : i32 to vector<16xi32>
        %shift_right_arithmetic3A_520 = arith.shrsi %xor3A_506, %shift_right_arithmetic3A_519 : vector<16xi32>
        %and3A_521 = arith.constant 65520 : i32
        %and3A_522 = vector.broadcast %and3A_521 : i32 to vector<16xi32>
        %and3A_523 = arith.andi %shift_right_arithmetic3A_520, %and3A_522 : vector<16xi32>
        %add3A_524 = arith.addi %and3A_523, %iota3A : vector<16xi32>
        %shift_right_arithmetic3A_525 = arith.constant 9 : i32
        %shift_right_arithmetic3A_526 = vector.broadcast %shift_right_arithmetic3A_525 : i32 to vector<16xi32>
        %shift_right_arithmetic3A_527 = arith.shrsi %add3A_524, %shift_right_arithmetic3A_526 : vector<16xi32>
        %and3A_528 = arith.constant 511 : i32
        %and3A_529 = vector.broadcast %and3A_528 : i32 to vector<16xi32>
        %and3A_530 = arith.andi %add3A_524, %and3A_529 : vector<16xi32>
        tpu.vector_store_idx %arg11[%shift_right_arithmetic3A_527, %and3A_530], %broadcast_in_dim3A_1 masked %and3A_517 {add = true} : memref<128x512xi32, #tpu.memory_space<vmem>>[vector<16xi32>, vector<16xi32>], vector<16xi32>, vector<16xi1>
        %mul3A_531 = arith.constant 16 : i32
        %mul3A_532 = arith.muli %scan3A_73, %mul3A_531 : i32
        %add3A_533 = arith.constant 11 : i32
        %add3A_534 = arith.addi %mul3A_532, %add3A_533 : i32
        %mul3A_535 = arith.constant 16 : i32
        %mul3A_536 = arith.muli %add3A_534, %mul3A_535 : i32
        %get3A_537 = arith.index_cast %mul3A_536 : i32 to index
        %get3A_538 = tpu.vector_load %arg7[%get3A_537] {strides = array<i32>} : memref<8192xf32, #tpu.memory_space<vmem>>, vector<16xf32>,
        %get3A_539 = arith.index_cast %mul3A_536 : i32 to index
        %get3A_540 = tpu.vector_load %arg8[%get3A_539] {strides = array<i32>} : memref<8192xi32, #tpu.memory_space<vmem>>, vector<16xi32>,
        %bitcast3A_541 = vector.bitcast %get3A_538 : vector<16xf32> to vector<16xi32>
        %shift_right_arithmetic3A_542 = arith.constant 31 : i32
        %shift_right_arithmetic3A_543 = vector.broadcast %shift_right_arithmetic3A_542 : i32 to vector<16xi32>
        %shift_right_arithmetic3A_544 = arith.shrsi %bitcast3A_541, %shift_right_arithmetic3A_543 : vector<16xi32>
        %and3A_545 = arith.constant 2147483647 : i32
        %and3A_546 = vector.broadcast %and3A_545 : i32 to vector<16xi32>
        %and3A_547 = arith.andi %shift_right_arithmetic3A_544, %and3A_546 : vector<16xi32>
        %xor3A_548 = arith.xori %bitcast3A_541, %and3A_547 : vector<16xi32>
        %eq3A_549 = arith.constant 0 : i32
        %eq3A_550 = vector.broadcast %eq3A_549 : i32 to vector<16xi32>
        %eq3A_551 = arith.cmpi eq, %get3A_540, %eq3A_550 : vector<16xi32>
        %shift_right_arithmetic3A_552 = arith.constant 17 : i32
        %shift_right_arithmetic3A_553 = vector.broadcast %shift_right_arithmetic3A_552 : i32 to vector<16xi32>
        %shift_right_arithmetic3A_554 = arith.shrsi %xor3A_548, %shift_right_arithmetic3A_553 : vector<16xi32>
        %and3A_555 = arith.constant -16 : i32
        %and3A_556 = vector.broadcast %and3A_555 : i32 to vector<16xi32>
        %and3A_557 = arith.andi %shift_right_arithmetic3A_554, %and3A_556 : vector<16xi32>
        %eq3A_558 = arith.cmpi eq, %and3A_557, %mul3A_7 : vector<16xi32>
        %and3A_559 = arith.andi %eq3A_551, %eq3A_558 : vector<16xi1>
        %shift_right_arithmetic3A_560 = arith.constant 5 : i32
        %shift_right_arithmetic3A_561 = vector.broadcast %shift_right_arithmetic3A_560 : i32 to vector<16xi32>
        %shift_right_arithmetic3A_562 = arith.shrsi %xor3A_548, %shift_right_arithmetic3A_561 : vector<16xi32>
        %and3A_563 = arith.constant 65520 : i32
        %and3A_564 = vector.broadcast %and3A_563 : i32 to vector<16xi32>
        %and3A_565 = arith.andi %shift_right_arithmetic3A_562, %and3A_564 : vector<16xi32>
        %add3A_566 = arith.addi %and3A_565, %iota3A : vector<16xi32>
        %shift_right_arithmetic3A_567 = arith.constant 9 : i32
        %shift_right_arithmetic3A_568 = vector.broadcast %shift_right_arithmetic3A_567 : i32 to vector<16xi32>
        %shift_right_arithmetic3A_569 = arith.shrsi %add3A_566, %shift_right_arithmetic3A_568 : vector<16xi32>
        %and3A_570 = arith.constant 511 : i32
        %and3A_571 = vector.broadcast %and3A_570 : i32 to vector<16xi32>
        %and3A_572 = arith.andi %add3A_566, %and3A_571 : vector<16xi32>
        tpu.vector_store_idx %arg11[%shift_right_arithmetic3A_569, %and3A_572], %broadcast_in_dim3A_1 masked %and3A_559 {add = true} : memref<128x512xi32, #tpu.memory_space<vmem>>[vector<16xi32>, vector<16xi32>], vector<16xi32>, vector<16xi1>
        %mul3A_573 = arith.constant 16 : i32
        %mul3A_574 = arith.muli %scan3A_73, %mul3A_573 : i32
        %add3A_575 = arith.constant 12 : i32
        %add3A_576 = arith.addi %mul3A_574, %add3A_575 : i32
        %mul3A_577 = arith.constant 16 : i32
        %mul3A_578 = arith.muli %add3A_576, %mul3A_577 : i32
        %get3A_579 = arith.index_cast %mul3A_578 : i32 to index
        %get3A_580 = tpu.vector_load %arg7[%get3A_579] {strides = array<i32>} : memref<8192xf32, #tpu.memory_space<vmem>>, vector<16xf32>,
        %get3A_581 = arith.index_cast %mul3A_578 : i32 to index
        %get3A_582 = tpu.vector_load %arg8[%get3A_581] {strides = array<i32>} : memref<8192xi32, #tpu.memory_space<vmem>>, vector<16xi32>,
        %bitcast3A_583 = vector.bitcast %get3A_580 : vector<16xf32> to vector<16xi32>
        %shift_right_arithmetic3A_584 = arith.constant 31 : i32
        %shift_right_arithmetic3A_585 = vector.broadcast %shift_right_arithmetic3A_584 : i32 to vector<16xi32>
        %shift_right_arithmetic3A_586 = arith.shrsi %bitcast3A_583, %shift_right_arithmetic3A_585 : vector<16xi32>
        %and3A_587 = arith.constant 2147483647 : i32
        %and3A_588 = vector.broadcast %and3A_587 : i32 to vector<16xi32>
        %and3A_589 = arith.andi %shift_right_arithmetic3A_586, %and3A_588 : vector<16xi32>
        %xor3A_590 = arith.xori %bitcast3A_583, %and3A_589 : vector<16xi32>
        %eq3A_591 = arith.constant 0 : i32
        %eq3A_592 = vector.broadcast %eq3A_591 : i32 to vector<16xi32>
        %eq3A_593 = arith.cmpi eq, %get3A_582, %eq3A_592 : vector<16xi32>
        %shift_right_arithmetic3A_594 = arith.constant 17 : i32
        %shift_right_arithmetic3A_595 = vector.broadcast %shift_right_arithmetic3A_594 : i32 to vector<16xi32>
        %shift_right_arithmetic3A_596 = arith.shrsi %xor3A_590, %shift_right_arithmetic3A_595 : vector<16xi32>
        %and3A_597 = arith.constant -16 : i32
        %and3A_598 = vector.broadcast %and3A_597 : i32 to vector<16xi32>
        %and3A_599 = arith.andi %shift_right_arithmetic3A_596, %and3A_598 : vector<16xi32>
        %eq3A_600 = arith.cmpi eq, %and3A_599, %mul3A_7 : vector<16xi32>
        %and3A_601 = arith.andi %eq3A_593, %eq3A_600 : vector<16xi1>
        %shift_right_arithmetic3A_602 = arith.constant 5 : i32
        %shift_right_arithmetic3A_603 = vector.broadcast %shift_right_arithmetic3A_602 : i32 to vector<16xi32>
        %shift_right_arithmetic3A_604 = arith.shrsi %xor3A_590, %shift_right_arithmetic3A_603 : vector<16xi32>
        %and3A_605 = arith.constant 65520 : i32
        %and3A_606 = vector.broadcast %and3A_605 : i32 to vector<16xi32>
        %and3A_607 = arith.andi %shift_right_arithmetic3A_604, %and3A_606 : vector<16xi32>
        %add3A_608 = arith.addi %and3A_607, %iota3A : vector<16xi32>
        %shift_right_arithmetic3A_609 = arith.constant 9 : i32
        %shift_right_arithmetic3A_610 = vector.broadcast %shift_right_arithmetic3A_609 : i32 to vector<16xi32>
        %shift_right_arithmetic3A_611 = arith.shrsi %add3A_608, %shift_right_arithmetic3A_610 : vector<16xi32>
        %and3A_612 = arith.constant 511 : i32
        %and3A_613 = vector.broadcast %and3A_612 : i32 to vector<16xi32>
        %and3A_614 = arith.andi %add3A_608, %and3A_613 : vector<16xi32>
        tpu.vector_store_idx %arg11[%shift_right_arithmetic3A_611, %and3A_614], %broadcast_in_dim3A_1 masked %and3A_601 {add = true} : memref<128x512xi32, #tpu.memory_space<vmem>>[vector<16xi32>, vector<16xi32>], vector<16xi32>, vector<16xi1>
        %mul3A_615 = arith.constant 16 : i32
        %mul3A_616 = arith.muli %scan3A_73, %mul3A_615 : i32
        %add3A_617 = arith.constant 13 : i32
        %add3A_618 = arith.addi %mul3A_616, %add3A_617 : i32
        %mul3A_619 = arith.constant 16 : i32
        %mul3A_620 = arith.muli %add3A_618, %mul3A_619 : i32
        %get3A_621 = arith.index_cast %mul3A_620 : i32 to index
        %get3A_622 = tpu.vector_load %arg7[%get3A_621] {strides = array<i32>} : memref<8192xf32, #tpu.memory_space<vmem>>, vector<16xf32>,
        %get3A_623 = arith.index_cast %mul3A_620 : i32 to index
        %get3A_624 = tpu.vector_load %arg8[%get3A_623] {strides = array<i32>} : memref<8192xi32, #tpu.memory_space<vmem>>, vector<16xi32>,
        %bitcast3A_625 = vector.bitcast %get3A_622 : vector<16xf32> to vector<16xi32>
        %shift_right_arithmetic3A_626 = arith.constant 31 : i32
        %shift_right_arithmetic3A_627 = vector.broadcast %shift_right_arithmetic3A_626 : i32 to vector<16xi32>
        %shift_right_arithmetic3A_628 = arith.shrsi %bitcast3A_625, %shift_right_arithmetic3A_627 : vector<16xi32>
        %and3A_629 = arith.constant 2147483647 : i32
        %and3A_630 = vector.broadcast %and3A_629 : i32 to vector<16xi32>
        %and3A_631 = arith.andi %shift_right_arithmetic3A_628, %and3A_630 : vector<16xi32>
        %xor3A_632 = arith.xori %bitcast3A_625, %and3A_631 : vector<16xi32>
        %eq3A_633 = arith.constant 0 : i32
        %eq3A_634 = vector.broadcast %eq3A_633 : i32 to vector<16xi32>
        %eq3A_635 = arith.cmpi eq, %get3A_624, %eq3A_634 : vector<16xi32>
        %shift_right_arithmetic3A_636 = arith.constant 17 : i32
        %shift_right_arithmetic3A_637 = vector.broadcast %shift_right_arithmetic3A_636 : i32 to vector<16xi32>
        %shift_right_arithmetic3A_638 = arith.shrsi %xor3A_632, %shift_right_arithmetic3A_637 : vector<16xi32>
        %and3A_639 = arith.constant -16 : i32
        %and3A_640 = vector.broadcast %and3A_639 : i32 to vector<16xi32>
        %and3A_641 = arith.andi %shift_right_arithmetic3A_638, %and3A_640 : vector<16xi32>
        %eq3A_642 = arith.cmpi eq, %and3A_641, %mul3A_7 : vector<16xi32>
        %and3A_643 = arith.andi %eq3A_635, %eq3A_642 : vector<16xi1>
        %shift_right_arithmetic3A_644 = arith.constant 5 : i32
        %shift_right_arithmetic3A_645 = vector.broadcast %shift_right_arithmetic3A_644 : i32 to vector<16xi32>
        %shift_right_arithmetic3A_646 = arith.shrsi %xor3A_632, %shift_right_arithmetic3A_645 : vector<16xi32>
        %and3A_647 = arith.constant 65520 : i32
        %and3A_648 = vector.broadcast %and3A_647 : i32 to vector<16xi32>
        %and3A_649 = arith.andi %shift_right_arithmetic3A_646, %and3A_648 : vector<16xi32>
        %add3A_650 = arith.addi %and3A_649, %iota3A : vector<16xi32>
        %shift_right_arithmetic3A_651 = arith.constant 9 : i32
        %shift_right_arithmetic3A_652 = vector.broadcast %shift_right_arithmetic3A_651 : i32 to vector<16xi32>
        %shift_right_arithmetic3A_653 = arith.shrsi %add3A_650, %shift_right_arithmetic3A_652 : vector<16xi32>
        %and3A_654 = arith.constant 511 : i32
        %and3A_655 = vector.broadcast %and3A_654 : i32 to vector<16xi32>
        %and3A_656 = arith.andi %add3A_650, %and3A_655 : vector<16xi32>
        tpu.vector_store_idx %arg11[%shift_right_arithmetic3A_653, %and3A_656], %broadcast_in_dim3A_1 masked %and3A_643 {add = true} : memref<128x512xi32, #tpu.memory_space<vmem>>[vector<16xi32>, vector<16xi32>], vector<16xi32>, vector<16xi1>
        %mul3A_657 = arith.constant 16 : i32
        %mul3A_658 = arith.muli %scan3A_73, %mul3A_657 : i32
        %add3A_659 = arith.constant 14 : i32
        %add3A_660 = arith.addi %mul3A_658, %add3A_659 : i32
        %mul3A_661 = arith.constant 16 : i32
        %mul3A_662 = arith.muli %add3A_660, %mul3A_661 : i32
        %get3A_663 = arith.index_cast %mul3A_662 : i32 to index
        %get3A_664 = tpu.vector_load %arg7[%get3A_663] {strides = array<i32>} : memref<8192xf32, #tpu.memory_space<vmem>>, vector<16xf32>,
        %get3A_665 = arith.index_cast %mul3A_662 : i32 to index
        %get3A_666 = tpu.vector_load %arg8[%get3A_665] {strides = array<i32>} : memref<8192xi32, #tpu.memory_space<vmem>>, vector<16xi32>,
        %bitcast3A_667 = vector.bitcast %get3A_664 : vector<16xf32> to vector<16xi32>
        %shift_right_arithmetic3A_668 = arith.constant 31 : i32
        %shift_right_arithmetic3A_669 = vector.broadcast %shift_right_arithmetic3A_668 : i32 to vector<16xi32>
        %shift_right_arithmetic3A_670 = arith.shrsi %bitcast3A_667, %shift_right_arithmetic3A_669 : vector<16xi32>
        %and3A_671 = arith.constant 2147483647 : i32
        %and3A_672 = vector.broadcast %and3A_671 : i32 to vector<16xi32>
        %and3A_673 = arith.andi %shift_right_arithmetic3A_670, %and3A_672 : vector<16xi32>
        %xor3A_674 = arith.xori %bitcast3A_667, %and3A_673 : vector<16xi32>
        %eq3A_675 = arith.constant 0 : i32
        %eq3A_676 = vector.broadcast %eq3A_675 : i32 to vector<16xi32>
        %eq3A_677 = arith.cmpi eq, %get3A_666, %eq3A_676 : vector<16xi32>
        %shift_right_arithmetic3A_678 = arith.constant 17 : i32
        %shift_right_arithmetic3A_679 = vector.broadcast %shift_right_arithmetic3A_678 : i32 to vector<16xi32>
        %shift_right_arithmetic3A_680 = arith.shrsi %xor3A_674, %shift_right_arithmetic3A_679 : vector<16xi32>
        %and3A_681 = arith.constant -16 : i32
        %and3A_682 = vector.broadcast %and3A_681 : i32 to vector<16xi32>
        %and3A_683 = arith.andi %shift_right_arithmetic3A_680, %and3A_682 : vector<16xi32>
        %eq3A_684 = arith.cmpi eq, %and3A_683, %mul3A_7 : vector<16xi32>
        %and3A_685 = arith.andi %eq3A_677, %eq3A_684 : vector<16xi1>
        %shift_right_arithmetic3A_686 = arith.constant 5 : i32
        %shift_right_arithmetic3A_687 = vector.broadcast %shift_right_arithmetic3A_686 : i32 to vector<16xi32>
        %shift_right_arithmetic3A_688 = arith.shrsi %xor3A_674, %shift_right_arithmetic3A_687 : vector<16xi32>
        %and3A_689 = arith.constant 65520 : i32
        %and3A_690 = vector.broadcast %and3A_689 : i32 to vector<16xi32>
        %and3A_691 = arith.andi %shift_right_arithmetic3A_688, %and3A_690 : vector<16xi32>
        %add3A_692 = arith.addi %and3A_691, %iota3A : vector<16xi32>
        %shift_right_arithmetic3A_693 = arith.constant 9 : i32
        %shift_right_arithmetic3A_694 = vector.broadcast %shift_right_arithmetic3A_693 : i32 to vector<16xi32>
        %shift_right_arithmetic3A_695 = arith.shrsi %add3A_692, %shift_right_arithmetic3A_694 : vector<16xi32>
        %and3A_696 = arith.constant 511 : i32
        %and3A_697 = vector.broadcast %and3A_696 : i32 to vector<16xi32>
        %and3A_698 = arith.andi %add3A_692, %and3A_697 : vector<16xi32>
        tpu.vector_store_idx %arg11[%shift_right_arithmetic3A_695, %and3A_698], %broadcast_in_dim3A_1 masked %and3A_685 {add = true} : memref<128x512xi32, #tpu.memory_space<vmem>>[vector<16xi32>, vector<16xi32>], vector<16xi32>, vector<16xi1>
        %mul3A_699 = arith.constant 16 : i32
        %mul3A_700 = arith.muli %scan3A_73, %mul3A_699 : i32
        %add3A_701 = arith.constant 15 : i32
        %add3A_702 = arith.addi %mul3A_700, %add3A_701 : i32
        %mul3A_703 = arith.constant 16 : i32
        %mul3A_704 = arith.muli %add3A_702, %mul3A_703 : i32
        %get3A_705 = arith.index_cast %mul3A_704 : i32 to index
        %get3A_706 = tpu.vector_load %arg7[%get3A_705] {strides = array<i32>} : memref<8192xf32, #tpu.memory_space<vmem>>, vector<16xf32>,
        %get3A_707 = arith.index_cast %mul3A_704 : i32 to index
        %get3A_708 = tpu.vector_load %arg8[%get3A_707] {strides = array<i32>} : memref<8192xi32, #tpu.memory_space<vmem>>, vector<16xi32>,
        %bitcast3A_709 = vector.bitcast %get3A_706 : vector<16xf32> to vector<16xi32>
        %shift_right_arithmetic3A_710 = arith.constant 31 : i32
        %shift_right_arithmetic3A_711 = vector.broadcast %shift_right_arithmetic3A_710 : i32 to vector<16xi32>
        %shift_right_arithmetic3A_712 = arith.shrsi %bitcast3A_709, %shift_right_arithmetic3A_711 : vector<16xi32>
        %and3A_713 = arith.constant 2147483647 : i32
        %and3A_714 = vector.broadcast %and3A_713 : i32 to vector<16xi32>
        %and3A_715 = arith.andi %shift_right_arithmetic3A_712, %and3A_714 : vector<16xi32>
        %xor3A_716 = arith.xori %bitcast3A_709, %and3A_715 : vector<16xi32>
        %eq3A_717 = arith.constant 0 : i32
        %eq3A_718 = vector.broadcast %eq3A_717 : i32 to vector<16xi32>
        %eq3A_719 = arith.cmpi eq, %get3A_708, %eq3A_718 : vector<16xi32>
        %shift_right_arithmetic3A_720 = arith.constant 17 : i32
        %shift_right_arithmetic3A_721 = vector.broadcast %shift_right_arithmetic3A_720 : i32 to vector<16xi32>
        %shift_right_arithmetic3A_722 = arith.shrsi %xor3A_716, %shift_right_arithmetic3A_721 : vector<16xi32>
        %and3A_723 = arith.constant -16 : i32
        %and3A_724 = vector.broadcast %and3A_723 : i32 to vector<16xi32>
        %and3A_725 = arith.andi %shift_right_arithmetic3A_722, %and3A_724 : vector<16xi32>
        %eq3A_726 = arith.cmpi eq, %and3A_725, %mul3A_7 : vector<16xi32>
        %and3A_727 = arith.andi %eq3A_719, %eq3A_726 : vector<16xi1>
        %shift_right_arithmetic3A_728 = arith.constant 5 : i32
        %shift_right_arithmetic3A_729 = vector.broadcast %shift_right_arithmetic3A_728 : i32 to vector<16xi32>
        %shift_right_arithmetic3A_730 = arith.shrsi %xor3A_716, %shift_right_arithmetic3A_729 : vector<16xi32>
        %and3A_731 = arith.constant 65520 : i32
        %and3A_732 = vector.broadcast %and3A_731 : i32 to vector<16xi32>
        %and3A_733 = arith.andi %shift_right_arithmetic3A_730, %and3A_732 : vector<16xi32>
        %add3A_734 = arith.addi %and3A_733, %iota3A : vector<16xi32>
        %shift_right_arithmetic3A_735 = arith.constant 9 : i32
        %shift_right_arithmetic3A_736 = vector.broadcast %shift_right_arithmetic3A_735 : i32 to vector<16xi32>
        %shift_right_arithmetic3A_737 = arith.shrsi %add3A_734, %shift_right_arithmetic3A_736 : vector<16xi32>
        %and3A_738 = arith.constant 511 : i32
        %and3A_739 = vector.broadcast %and3A_738 : i32 to vector<16xi32>
        %and3A_740 = arith.andi %add3A_734, %and3A_739 : vector<16xi32>
        tpu.vector_store_idx %arg11[%shift_right_arithmetic3A_737, %and3A_740], %broadcast_in_dim3A_1 masked %and3A_727 {add = true} : memref<128x512xi32, #tpu.memory_space<vmem>>[vector<16xi32>, vector<16xi32>], vector<16xi32>, vector<16xi1>
      }
      %scan3A_49 = arith.constant 32 : i32
      %add3A_50 = arith.constant 1 : i32
      %add3A_51 = arith.addi %scan3A_20, %add3A_50 : i32
      %lt3A = arith.constant 8 : i32
      %lt3A_52 = arith.cmpi slt, %add3A_51, %lt3A : i32
      %convert_element_type3A = arith.extui %lt3A_52 : i1 to i32
      %cond3A = arith.constant 0 : i32
      %cond3A_53 = arith.cmpi ne, %convert_element_type3A, %cond3A : i32
      scf.if %cond3A_53 {
        %mul3A_73 = arith.constant 2 : i32
        %mul3A_74 = arith.muli %mul3A_73, %scan3A_20 : i32
        %add3A_75 = arith.constant 2 : i32
        %add3A_76 = arith.addi %mul3A_74, %add3A_75 : i32
        %mul3A_77 = arith.constant 131072 : i32
        %mul3A_78 = arith.muli %add3A, %mul3A_77 : i32
        %mul3A_79 = arith.constant 8192 : i32
        %mul3A_80 = arith.muli %add3A_76, %mul3A_79 : i32
        %add3A_81 = arith.addi %mul3A_78, %mul3A_80 : i32
        %dma_start3A_82 = tpu.memref_slice %arg2[%add3A_81] : memref<4194304xf32, #tpu.memory_space<hbm>> -> memref<8192xf32, #tpu.memory_space<hbm>>
        %dma_start3A_83 = tpu.memref_slice %arg2[%add3A_81] : memref<4194304xf32, #tpu.memory_space<hbm>> -> memref<8192xf32, #tpu.memory_space<hbm>>
        tpu.enqueue_dma source(%dma_start3A_83 : memref<8192xf32, #tpu.memory_space<hbm>>) target(%arg7 : memref<8192xf32, #tpu.memory_space<vmem>>) target_semaphore(%arg13 : memref<!tpu.dma_semaphore, #tpu.memory_space<semaphore_mem>>)
        %dma_start3A_84 = tpu.memref_slice %arg3[%add3A_81] : memref<4194304xi32, #tpu.memory_space<hbm>> -> memref<8192xi32, #tpu.memory_space<hbm>>
        %dma_start3A_85 = tpu.memref_slice %arg3[%add3A_81] : memref<4194304xi32, #tpu.memory_space<hbm>> -> memref<8192xi32, #tpu.memory_space<hbm>>
        tpu.enqueue_dma source(%dma_start3A_85 : memref<8192xi32, #tpu.memory_space<hbm>>) target(%arg8 : memref<8192xi32, #tpu.memory_space<vmem>>) target_semaphore(%arg14 : memref<!tpu.dma_semaphore, #tpu.memory_space<semaphore_mem>>)
      } else {
      }
      %mul3A_54 = arith.constant 2 : i32
      %mul3A_55 = arith.muli %mul3A_54, %scan3A_20 : i32
      %add3A_56 = arith.constant 1 : i32
      %add3A_57 = arith.addi %mul3A_55, %add3A_56 : i32
      %mul3A_58 = arith.constant 131072 : i32
      %mul3A_59 = arith.muli %add3A, %mul3A_58 : i32
      %mul3A_60 = arith.constant 8192 : i32
      %mul3A_61 = arith.muli %add3A_57, %mul3A_60 : i32
      %add3A_62 = arith.addi %mul3A_59, %mul3A_61 : i32
      %dma_wait3A_63 = tpu.memref_slice %arg2[%add3A_62] : memref<4194304xf32, #tpu.memory_space<hbm>> -> memref<8192xf32, #tpu.memory_space<hbm>>
      %dma_wait3A_64 = tpu.memref_slice %arg2[%add3A_62] : memref<4194304xf32, #tpu.memory_space<hbm>> -> memref<8192xf32, #tpu.memory_space<hbm>>
      tpu.wait_dma2 semaphore(%arg15 : memref<!tpu.dma_semaphore, #tpu.memory_space<semaphore_mem>>) src(%dma_wait3A_64 : memref<8192xf32, #tpu.memory_space<hbm>>) dst(%arg9 : memref<8192xf32, #tpu.memory_space<vmem>>)
      %dma_wait3A_65 = tpu.memref_slice %arg3[%add3A_62] : memref<4194304xi32, #tpu.memory_space<hbm>> -> memref<8192xi32, #tpu.memory_space<hbm>>
      %dma_wait3A_66 = tpu.memref_slice %arg3[%add3A_62] : memref<4194304xi32, #tpu.memory_space<hbm>> -> memref<8192xi32, #tpu.memory_space<hbm>>
      tpu.wait_dma2 semaphore(%arg16 : memref<!tpu.dma_semaphore, #tpu.memory_space<semaphore_mem>>) src(%dma_wait3A_66 : memref<8192xi32, #tpu.memory_space<hbm>>) dst(%arg10 : memref<8192xi32, #tpu.memory_space<vmem>>)
      %scan3A_67 = arith.constant 0 : i32
      %scan3A_68 = arith.constant 0 : i32
      %scan3A_69 = arith.constant 32 : i32
      %scan3A_70 = arith.addi %scan3A_68, %scan3A_69 : i32
      %scan3A_71 = arith.constant 1 : i32
      scf.for %scan3A_73 = %scan3A_68 to %scan3A_70 step %scan3A_71  : i32 {
        %mul3A_74 = arith.constant 16 : i32
        %mul3A_75 = arith.muli %scan3A_73, %mul3A_74 : i32
        %add3A_76 = arith.constant 0 : i32
        %add3A_77 = arith.addi %mul3A_75, %add3A_76 : i32
        %mul3A_78 = arith.constant 16 : i32
        %mul3A_79 = arith.muli %add3A_77, %mul3A_78 : i32
        %get3A_80 = arith.index_cast %mul3A_79 : i32 to index
        %get3A_81 = tpu.vector_load %arg9[%get3A_80] {strides = array<i32>} : memref<8192xf32, #tpu.memory_space<vmem>>, vector<16xf32>,
        %get3A_82 = arith.index_cast %mul3A_79 : i32 to index
        %get3A_83 = tpu.vector_load %arg10[%get3A_82] {strides = array<i32>} : memref<8192xi32, #tpu.memory_space<vmem>>, vector<16xi32>,
        %bitcast3A = vector.bitcast %get3A_81 : vector<16xf32> to vector<16xi32>
        %shift_right_arithmetic3A = arith.constant 31 : i32
        %shift_right_arithmetic3A_84 = vector.broadcast %shift_right_arithmetic3A : i32 to vector<16xi32>
        %shift_right_arithmetic3A_85 = arith.shrsi %bitcast3A, %shift_right_arithmetic3A_84 : vector<16xi32>
        %and3A = arith.constant 2147483647 : i32
        %and3A_86 = vector.broadcast %and3A : i32 to vector<16xi32>
        %and3A_87 = arith.andi %shift_right_arithmetic3A_85, %and3A_86 : vector<16xi32>
        %xor3A = arith.xori %bitcast3A, %and3A_87 : vector<16xi32>
        %eq3A = arith.constant 0 : i32
        %eq3A_88 = vector.broadcast %eq3A : i32 to vector<16xi32>
        %eq3A_89 = arith.cmpi eq, %get3A_83, %eq3A_88 : vector<16xi32>
        %shift_right_arithmetic3A_90 = arith.constant 17 : i32
        %shift_right_arithmetic3A_91 = vector.broadcast %shift_right_arithmetic3A_90 : i32 to vector<16xi32>
        %shift_right_arithmetic3A_92 = arith.shrsi %xor3A, %shift_right_arithmetic3A_91 : vector<16xi32>
        %and3A_93 = arith.constant -16 : i32
        %and3A_94 = vector.broadcast %and3A_93 : i32 to vector<16xi32>
        %and3A_95 = arith.andi %shift_right_arithmetic3A_92, %and3A_94 : vector<16xi32>
        %eq3A_96 = arith.cmpi eq, %and3A_95, %mul3A_7 : vector<16xi32>
        %and3A_97 = arith.andi %eq3A_89, %eq3A_96 : vector<16xi1>
        %shift_right_arithmetic3A_98 = arith.constant 5 : i32
        %shift_right_arithmetic3A_99 = vector.broadcast %shift_right_arithmetic3A_98 : i32 to vector<16xi32>
        %shift_right_arithmetic3A_100 = arith.shrsi %xor3A, %shift_right_arithmetic3A_99 : vector<16xi32>
        %and3A_101 = arith.constant 65520 : i32
        %and3A_102 = vector.broadcast %and3A_101 : i32 to vector<16xi32>
        %and3A_103 = arith.andi %shift_right_arithmetic3A_100, %and3A_102 : vector<16xi32>
        %add3A_104 = arith.addi %and3A_103, %iota3A : vector<16xi32>
        %shift_right_arithmetic3A_105 = arith.constant 9 : i32
        %shift_right_arithmetic3A_106 = vector.broadcast %shift_right_arithmetic3A_105 : i32 to vector<16xi32>
        %shift_right_arithmetic3A_107 = arith.shrsi %add3A_104, %shift_right_arithmetic3A_106 : vector<16xi32>
        %and3A_108 = arith.constant 511 : i32
        %and3A_109 = vector.broadcast %and3A_108 : i32 to vector<16xi32>
        %and3A_110 = arith.andi %add3A_104, %and3A_109 : vector<16xi32>
        tpu.vector_store_idx %arg11[%shift_right_arithmetic3A_107, %and3A_110], %broadcast_in_dim3A_1 masked %and3A_97 {add = true} : memref<128x512xi32, #tpu.memory_space<vmem>>[vector<16xi32>, vector<16xi32>], vector<16xi32>, vector<16xi1>
        %mul3A_111 = arith.constant 16 : i32
        %mul3A_112 = arith.muli %scan3A_73, %mul3A_111 : i32
        %add3A_113 = arith.constant 1 : i32
        %add3A_114 = arith.addi %mul3A_112, %add3A_113 : i32
        %mul3A_115 = arith.constant 16 : i32
        %mul3A_116 = arith.muli %add3A_114, %mul3A_115 : i32
        %get3A_117 = arith.index_cast %mul3A_116 : i32 to index
        %get3A_118 = tpu.vector_load %arg9[%get3A_117] {strides = array<i32>} : memref<8192xf32, #tpu.memory_space<vmem>>, vector<16xf32>,
        %get3A_119 = arith.index_cast %mul3A_116 : i32 to index
        %get3A_120 = tpu.vector_load %arg10[%get3A_119] {strides = array<i32>} : memref<8192xi32, #tpu.memory_space<vmem>>, vector<16xi32>,
        %bitcast3A_121 = vector.bitcast %get3A_118 : vector<16xf32> to vector<16xi32>
        %shift_right_arithmetic3A_122 = arith.constant 31 : i32
        %shift_right_arithmetic3A_123 = vector.broadcast %shift_right_arithmetic3A_122 : i32 to vector<16xi32>
        %shift_right_arithmetic3A_124 = arith.shrsi %bitcast3A_121, %shift_right_arithmetic3A_123 : vector<16xi32>
        %and3A_125 = arith.constant 2147483647 : i32
        %and3A_126 = vector.broadcast %and3A_125 : i32 to vector<16xi32>
        %and3A_127 = arith.andi %shift_right_arithmetic3A_124, %and3A_126 : vector<16xi32>
        %xor3A_128 = arith.xori %bitcast3A_121, %and3A_127 : vector<16xi32>
        %eq3A_129 = arith.constant 0 : i32
        %eq3A_130 = vector.broadcast %eq3A_129 : i32 to vector<16xi32>
        %eq3A_131 = arith.cmpi eq, %get3A_120, %eq3A_130 : vector<16xi32>
        %shift_right_arithmetic3A_132 = arith.constant 17 : i32
        %shift_right_arithmetic3A_133 = vector.broadcast %shift_right_arithmetic3A_132 : i32 to vector<16xi32>
        %shift_right_arithmetic3A_134 = arith.shrsi %xor3A_128, %shift_right_arithmetic3A_133 : vector<16xi32>
        %and3A_135 = arith.constant -16 : i32
        %and3A_136 = vector.broadcast %and3A_135 : i32 to vector<16xi32>
        %and3A_137 = arith.andi %shift_right_arithmetic3A_134, %and3A_136 : vector<16xi32>
        %eq3A_138 = arith.cmpi eq, %and3A_137, %mul3A_7 : vector<16xi32>
        %and3A_139 = arith.andi %eq3A_131, %eq3A_138 : vector<16xi1>
        %shift_right_arithmetic3A_140 = arith.constant 5 : i32
        %shift_right_arithmetic3A_141 = vector.broadcast %shift_right_arithmetic3A_140 : i32 to vector<16xi32>
        %shift_right_arithmetic3A_142 = arith.shrsi %xor3A_128, %shift_right_arithmetic3A_141 : vector<16xi32>
        %and3A_143 = arith.constant 65520 : i32
        %and3A_144 = vector.broadcast %and3A_143 : i32 to vector<16xi32>
        %and3A_145 = arith.andi %shift_right_arithmetic3A_142, %and3A_144 : vector<16xi32>
        %add3A_146 = arith.addi %and3A_145, %iota3A : vector<16xi32>
        %shift_right_arithmetic3A_147 = arith.constant 9 : i32
        %shift_right_arithmetic3A_148 = vector.broadcast %shift_right_arithmetic3A_147 : i32 to vector<16xi32>
        %shift_right_arithmetic3A_149 = arith.shrsi %add3A_146, %shift_right_arithmetic3A_148 : vector<16xi32>
        %and3A_150 = arith.constant 511 : i32
        %and3A_151 = vector.broadcast %and3A_150 : i32 to vector<16xi32>
        %and3A_152 = arith.andi %add3A_146, %and3A_151 : vector<16xi32>
        tpu.vector_store_idx %arg11[%shift_right_arithmetic3A_149, %and3A_152], %broadcast_in_dim3A_1 masked %and3A_139 {add = true} : memref<128x512xi32, #tpu.memory_space<vmem>>[vector<16xi32>, vector<16xi32>], vector<16xi32>, vector<16xi1>
        %mul3A_153 = arith.constant 16 : i32
        %mul3A_154 = arith.muli %scan3A_73, %mul3A_153 : i32
        %add3A_155 = arith.constant 2 : i32
        %add3A_156 = arith.addi %mul3A_154, %add3A_155 : i32
        %mul3A_157 = arith.constant 16 : i32
        %mul3A_158 = arith.muli %add3A_156, %mul3A_157 : i32
        %get3A_159 = arith.index_cast %mul3A_158 : i32 to index
        %get3A_160 = tpu.vector_load %arg9[%get3A_159] {strides = array<i32>} : memref<8192xf32, #tpu.memory_space<vmem>>, vector<16xf32>,
        %get3A_161 = arith.index_cast %mul3A_158 : i32 to index
        %get3A_162 = tpu.vector_load %arg10[%get3A_161] {strides = array<i32>} : memref<8192xi32, #tpu.memory_space<vmem>>, vector<16xi32>,
        %bitcast3A_163 = vector.bitcast %get3A_160 : vector<16xf32> to vector<16xi32>
        %shift_right_arithmetic3A_164 = arith.constant 31 : i32
        %shift_right_arithmetic3A_165 = vector.broadcast %shift_right_arithmetic3A_164 : i32 to vector<16xi32>
        %shift_right_arithmetic3A_166 = arith.shrsi %bitcast3A_163, %shift_right_arithmetic3A_165 : vector<16xi32>
        %and3A_167 = arith.constant 2147483647 : i32
        %and3A_168 = vector.broadcast %and3A_167 : i32 to vector<16xi32>
        %and3A_169 = arith.andi %shift_right_arithmetic3A_166, %and3A_168 : vector<16xi32>
        %xor3A_170 = arith.xori %bitcast3A_163, %and3A_169 : vector<16xi32>
        %eq3A_171 = arith.constant 0 : i32
        %eq3A_172 = vector.broadcast %eq3A_171 : i32 to vector<16xi32>
        %eq3A_173 = arith.cmpi eq, %get3A_162, %eq3A_172 : vector<16xi32>
        %shift_right_arithmetic3A_174 = arith.constant 17 : i32
        %shift_right_arithmetic3A_175 = vector.broadcast %shift_right_arithmetic3A_174 : i32 to vector<16xi32>
        %shift_right_arithmetic3A_176 = arith.shrsi %xor3A_170, %shift_right_arithmetic3A_175 : vector<16xi32>
        %and3A_177 = arith.constant -16 : i32
        %and3A_178 = vector.broadcast %and3A_177 : i32 to vector<16xi32>
        %and3A_179 = arith.andi %shift_right_arithmetic3A_176, %and3A_178 : vector<16xi32>
        %eq3A_180 = arith.cmpi eq, %and3A_179, %mul3A_7 : vector<16xi32>
        %and3A_181 = arith.andi %eq3A_173, %eq3A_180 : vector<16xi1>
        %shift_right_arithmetic3A_182 = arith.constant 5 : i32
        %shift_right_arithmetic3A_183 = vector.broadcast %shift_right_arithmetic3A_182 : i32 to vector<16xi32>
        %shift_right_arithmetic3A_184 = arith.shrsi %xor3A_170, %shift_right_arithmetic3A_183 : vector<16xi32>
        %and3A_185 = arith.constant 65520 : i32
        %and3A_186 = vector.broadcast %and3A_185 : i32 to vector<16xi32>
        %and3A_187 = arith.andi %shift_right_arithmetic3A_184, %and3A_186 : vector<16xi32>
        %add3A_188 = arith.addi %and3A_187, %iota3A : vector<16xi32>
        %shift_right_arithmetic3A_189 = arith.constant 9 : i32
        %shift_right_arithmetic3A_190 = vector.broadcast %shift_right_arithmetic3A_189 : i32 to vector<16xi32>
        %shift_right_arithmetic3A_191 = arith.shrsi %add3A_188, %shift_right_arithmetic3A_190 : vector<16xi32>
        %and3A_192 = arith.constant 511 : i32
        %and3A_193 = vector.broadcast %and3A_192 : i32 to vector<16xi32>
        %and3A_194 = arith.andi %add3A_188, %and3A_193 : vector<16xi32>
        tpu.vector_store_idx %arg11[%shift_right_arithmetic3A_191, %and3A_194], %broadcast_in_dim3A_1 masked %and3A_181 {add = true} : memref<128x512xi32, #tpu.memory_space<vmem>>[vector<16xi32>, vector<16xi32>], vector<16xi32>, vector<16xi1>
        %mul3A_195 = arith.constant 16 : i32
        %mul3A_196 = arith.muli %scan3A_73, %mul3A_195 : i32
        %add3A_197 = arith.constant 3 : i32
        %add3A_198 = arith.addi %mul3A_196, %add3A_197 : i32
        %mul3A_199 = arith.constant 16 : i32
        %mul3A_200 = arith.muli %add3A_198, %mul3A_199 : i32
        %get3A_201 = arith.index_cast %mul3A_200 : i32 to index
        %get3A_202 = tpu.vector_load %arg9[%get3A_201] {strides = array<i32>} : memref<8192xf32, #tpu.memory_space<vmem>>, vector<16xf32>,
        %get3A_203 = arith.index_cast %mul3A_200 : i32 to index
        %get3A_204 = tpu.vector_load %arg10[%get3A_203] {strides = array<i32>} : memref<8192xi32, #tpu.memory_space<vmem>>, vector<16xi32>,
        %bitcast3A_205 = vector.bitcast %get3A_202 : vector<16xf32> to vector<16xi32>
        %shift_right_arithmetic3A_206 = arith.constant 31 : i32
        %shift_right_arithmetic3A_207 = vector.broadcast %shift_right_arithmetic3A_206 : i32 to vector<16xi32>
        %shift_right_arithmetic3A_208 = arith.shrsi %bitcast3A_205, %shift_right_arithmetic3A_207 : vector<16xi32>
        %and3A_209 = arith.constant 2147483647 : i32
        %and3A_210 = vector.broadcast %and3A_209 : i32 to vector<16xi32>
        %and3A_211 = arith.andi %shift_right_arithmetic3A_208, %and3A_210 : vector<16xi32>
        %xor3A_212 = arith.xori %bitcast3A_205, %and3A_211 : vector<16xi32>
        %eq3A_213 = arith.constant 0 : i32
        %eq3A_214 = vector.broadcast %eq3A_213 : i32 to vector<16xi32>
        %eq3A_215 = arith.cmpi eq, %get3A_204, %eq3A_214 : vector<16xi32>
        %shift_right_arithmetic3A_216 = arith.constant 17 : i32
        %shift_right_arithmetic3A_217 = vector.broadcast %shift_right_arithmetic3A_216 : i32 to vector<16xi32>
        %shift_right_arithmetic3A_218 = arith.shrsi %xor3A_212, %shift_right_arithmetic3A_217 : vector<16xi32>
        %and3A_219 = arith.constant -16 : i32
        %and3A_220 = vector.broadcast %and3A_219 : i32 to vector<16xi32>
        %and3A_221 = arith.andi %shift_right_arithmetic3A_218, %and3A_220 : vector<16xi32>
        %eq3A_222 = arith.cmpi eq, %and3A_221, %mul3A_7 : vector<16xi32>
        %and3A_223 = arith.andi %eq3A_215, %eq3A_222 : vector<16xi1>
        %shift_right_arithmetic3A_224 = arith.constant 5 : i32
        %shift_right_arithmetic3A_225 = vector.broadcast %shift_right_arithmetic3A_224 : i32 to vector<16xi32>
        %shift_right_arithmetic3A_226 = arith.shrsi %xor3A_212, %shift_right_arithmetic3A_225 : vector<16xi32>
        %and3A_227 = arith.constant 65520 : i32
        %and3A_228 = vector.broadcast %and3A_227 : i32 to vector<16xi32>
        %and3A_229 = arith.andi %shift_right_arithmetic3A_226, %and3A_228 : vector<16xi32>
        %add3A_230 = arith.addi %and3A_229, %iota3A : vector<16xi32>
        %shift_right_arithmetic3A_231 = arith.constant 9 : i32
        %shift_right_arithmetic3A_232 = vector.broadcast %shift_right_arithmetic3A_231 : i32 to vector<16xi32>
        %shift_right_arithmetic3A_233 = arith.shrsi %add3A_230, %shift_right_arithmetic3A_232 : vector<16xi32>
        %and3A_234 = arith.constant 511 : i32
        %and3A_235 = vector.broadcast %and3A_234 : i32 to vector<16xi32>
        %and3A_236 = arith.andi %add3A_230, %and3A_235 : vector<16xi32>
        tpu.vector_store_idx %arg11[%shift_right_arithmetic3A_233, %and3A_236], %broadcast_in_dim3A_1 masked %and3A_223 {add = true} : memref<128x512xi32, #tpu.memory_space<vmem>>[vector<16xi32>, vector<16xi32>], vector<16xi32>, vector<16xi1>
        %mul3A_237 = arith.constant 16 : i32
        %mul3A_238 = arith.muli %scan3A_73, %mul3A_237 : i32
        %add3A_239 = arith.constant 4 : i32
        %add3A_240 = arith.addi %mul3A_238, %add3A_239 : i32
        %mul3A_241 = arith.constant 16 : i32
        %mul3A_242 = arith.muli %add3A_240, %mul3A_241 : i32
        %get3A_243 = arith.index_cast %mul3A_242 : i32 to index
        %get3A_244 = tpu.vector_load %arg9[%get3A_243] {strides = array<i32>} : memref<8192xf32, #tpu.memory_space<vmem>>, vector<16xf32>,
        %get3A_245 = arith.index_cast %mul3A_242 : i32 to index
        %get3A_246 = tpu.vector_load %arg10[%get3A_245] {strides = array<i32>} : memref<8192xi32, #tpu.memory_space<vmem>>, vector<16xi32>,
        %bitcast3A_247 = vector.bitcast %get3A_244 : vector<16xf32> to vector<16xi32>
        %shift_right_arithmetic3A_248 = arith.constant 31 : i32
        %shift_right_arithmetic3A_249 = vector.broadcast %shift_right_arithmetic3A_248 : i32 to vector<16xi32>
        %shift_right_arithmetic3A_250 = arith.shrsi %bitcast3A_247, %shift_right_arithmetic3A_249 : vector<16xi32>
        %and3A_251 = arith.constant 2147483647 : i32
        %and3A_252 = vector.broadcast %and3A_251 : i32 to vector<16xi32>
        %and3A_253 = arith.andi %shift_right_arithmetic3A_250, %and3A_252 : vector<16xi32>
        %xor3A_254 = arith.xori %bitcast3A_247, %and3A_253 : vector<16xi32>
        %eq3A_255 = arith.constant 0 : i32
        %eq3A_256 = vector.broadcast %eq3A_255 : i32 to vector<16xi32>
        %eq3A_257 = arith.cmpi eq, %get3A_246, %eq3A_256 : vector<16xi32>
        %shift_right_arithmetic3A_258 = arith.constant 17 : i32
        %shift_right_arithmetic3A_259 = vector.broadcast %shift_right_arithmetic3A_258 : i32 to vector<16xi32>
        %shift_right_arithmetic3A_260 = arith.shrsi %xor3A_254, %shift_right_arithmetic3A_259 : vector<16xi32>
        %and3A_261 = arith.constant -16 : i32
        %and3A_262 = vector.broadcast %and3A_261 : i32 to vector<16xi32>
        %and3A_263 = arith.andi %shift_right_arithmetic3A_260, %and3A_262 : vector<16xi32>
        %eq3A_264 = arith.cmpi eq, %and3A_263, %mul3A_7 : vector<16xi32>
        %and3A_265 = arith.andi %eq3A_257, %eq3A_264 : vector<16xi1>
        %shift_right_arithmetic3A_266 = arith.constant 5 : i32
        %shift_right_arithmetic3A_267 = vector.broadcast %shift_right_arithmetic3A_266 : i32 to vector<16xi32>
        %shift_right_arithmetic3A_268 = arith.shrsi %xor3A_254, %shift_right_arithmetic3A_267 : vector<16xi32>
        %and3A_269 = arith.constant 65520 : i32
        %and3A_270 = vector.broadcast %and3A_269 : i32 to vector<16xi32>
        %and3A_271 = arith.andi %shift_right_arithmetic3A_268, %and3A_270 : vector<16xi32>
        %add3A_272 = arith.addi %and3A_271, %iota3A : vector<16xi32>
        %shift_right_arithmetic3A_273 = arith.constant 9 : i32
        %shift_right_arithmetic3A_274 = vector.broadcast %shift_right_arithmetic3A_273 : i32 to vector<16xi32>
        %shift_right_arithmetic3A_275 = arith.shrsi %add3A_272, %shift_right_arithmetic3A_274 : vector<16xi32>
        %and3A_276 = arith.constant 511 : i32
        %and3A_277 = vector.broadcast %and3A_276 : i32 to vector<16xi32>
        %and3A_278 = arith.andi %add3A_272, %and3A_277 : vector<16xi32>
        tpu.vector_store_idx %arg11[%shift_right_arithmetic3A_275, %and3A_278], %broadcast_in_dim3A_1 masked %and3A_265 {add = true} : memref<128x512xi32, #tpu.memory_space<vmem>>[vector<16xi32>, vector<16xi32>], vector<16xi32>, vector<16xi1>
        %mul3A_279 = arith.constant 16 : i32
        %mul3A_280 = arith.muli %scan3A_73, %mul3A_279 : i32
        %add3A_281 = arith.constant 5 : i32
        %add3A_282 = arith.addi %mul3A_280, %add3A_281 : i32
        %mul3A_283 = arith.constant 16 : i32
        %mul3A_284 = arith.muli %add3A_282, %mul3A_283 : i32
        %get3A_285 = arith.index_cast %mul3A_284 : i32 to index
        %get3A_286 = tpu.vector_load %arg9[%get3A_285] {strides = array<i32>} : memref<8192xf32, #tpu.memory_space<vmem>>, vector<16xf32>,
        %get3A_287 = arith.index_cast %mul3A_284 : i32 to index
        %get3A_288 = tpu.vector_load %arg10[%get3A_287] {strides = array<i32>} : memref<8192xi32, #tpu.memory_space<vmem>>, vector<16xi32>,
        %bitcast3A_289 = vector.bitcast %get3A_286 : vector<16xf32> to vector<16xi32>
        %shift_right_arithmetic3A_290 = arith.constant 31 : i32
        %shift_right_arithmetic3A_291 = vector.broadcast %shift_right_arithmetic3A_290 : i32 to vector<16xi32>
        %shift_right_arithmetic3A_292 = arith.shrsi %bitcast3A_289, %shift_right_arithmetic3A_291 : vector<16xi32>
        %and3A_293 = arith.constant 2147483647 : i32
        %and3A_294 = vector.broadcast %and3A_293 : i32 to vector<16xi32>
        %and3A_295 = arith.andi %shift_right_arithmetic3A_292, %and3A_294 : vector<16xi32>
        %xor3A_296 = arith.xori %bitcast3A_289, %and3A_295 : vector<16xi32>
        %eq3A_297 = arith.constant 0 : i32
        %eq3A_298 = vector.broadcast %eq3A_297 : i32 to vector<16xi32>
        %eq3A_299 = arith.cmpi eq, %get3A_288, %eq3A_298 : vector<16xi32>
        %shift_right_arithmetic3A_300 = arith.constant 17 : i32
        %shift_right_arithmetic3A_301 = vector.broadcast %shift_right_arithmetic3A_300 : i32 to vector<16xi32>
        %shift_right_arithmetic3A_302 = arith.shrsi %xor3A_296, %shift_right_arithmetic3A_301 : vector<16xi32>
        %and3A_303 = arith.constant -16 : i32
        %and3A_304 = vector.broadcast %and3A_303 : i32 to vector<16xi32>
        %and3A_305 = arith.andi %shift_right_arithmetic3A_302, %and3A_304 : vector<16xi32>
        %eq3A_306 = arith.cmpi eq, %and3A_305, %mul3A_7 : vector<16xi32>
        %and3A_307 = arith.andi %eq3A_299, %eq3A_306 : vector<16xi1>
        %shift_right_arithmetic3A_308 = arith.constant 5 : i32
        %shift_right_arithmetic3A_309 = vector.broadcast %shift_right_arithmetic3A_308 : i32 to vector<16xi32>
        %shift_right_arithmetic3A_310 = arith.shrsi %xor3A_296, %shift_right_arithmetic3A_309 : vector<16xi32>
        %and3A_311 = arith.constant 65520 : i32
        %and3A_312 = vector.broadcast %and3A_311 : i32 to vector<16xi32>
        %and3A_313 = arith.andi %shift_right_arithmetic3A_310, %and3A_312 : vector<16xi32>
        %add3A_314 = arith.addi %and3A_313, %iota3A : vector<16xi32>
        %shift_right_arithmetic3A_315 = arith.constant 9 : i32
        %shift_right_arithmetic3A_316 = vector.broadcast %shift_right_arithmetic3A_315 : i32 to vector<16xi32>
        %shift_right_arithmetic3A_317 = arith.shrsi %add3A_314, %shift_right_arithmetic3A_316 : vector<16xi32>
        %and3A_318 = arith.constant 511 : i32
        %and3A_319 = vector.broadcast %and3A_318 : i32 to vector<16xi32>
        %and3A_320 = arith.andi %add3A_314, %and3A_319 : vector<16xi32>
        tpu.vector_store_idx %arg11[%shift_right_arithmetic3A_317, %and3A_320], %broadcast_in_dim3A_1 masked %and3A_307 {add = true} : memref<128x512xi32, #tpu.memory_space<vmem>>[vector<16xi32>, vector<16xi32>], vector<16xi32>, vector<16xi1>
        %mul3A_321 = arith.constant 16 : i32
        %mul3A_322 = arith.muli %scan3A_73, %mul3A_321 : i32
        %add3A_323 = arith.constant 6 : i32
        %add3A_324 = arith.addi %mul3A_322, %add3A_323 : i32
        %mul3A_325 = arith.constant 16 : i32
        %mul3A_326 = arith.muli %add3A_324, %mul3A_325 : i32
        %get3A_327 = arith.index_cast %mul3A_326 : i32 to index
        %get3A_328 = tpu.vector_load %arg9[%get3A_327] {strides = array<i32>} : memref<8192xf32, #tpu.memory_space<vmem>>, vector<16xf32>,
        %get3A_329 = arith.index_cast %mul3A_326 : i32 to index
        %get3A_330 = tpu.vector_load %arg10[%get3A_329] {strides = array<i32>} : memref<8192xi32, #tpu.memory_space<vmem>>, vector<16xi32>,
        %bitcast3A_331 = vector.bitcast %get3A_328 : vector<16xf32> to vector<16xi32>
        %shift_right_arithmetic3A_332 = arith.constant 31 : i32
        %shift_right_arithmetic3A_333 = vector.broadcast %shift_right_arithmetic3A_332 : i32 to vector<16xi32>
        %shift_right_arithmetic3A_334 = arith.shrsi %bitcast3A_331, %shift_right_arithmetic3A_333 : vector<16xi32>
        %and3A_335 = arith.constant 2147483647 : i32
        %and3A_336 = vector.broadcast %and3A_335 : i32 to vector<16xi32>
        %and3A_337 = arith.andi %shift_right_arithmetic3A_334, %and3A_336 : vector<16xi32>
        %xor3A_338 = arith.xori %bitcast3A_331, %and3A_337 : vector<16xi32>
        %eq3A_339 = arith.constant 0 : i32
        %eq3A_340 = vector.broadcast %eq3A_339 : i32 to vector<16xi32>
        %eq3A_341 = arith.cmpi eq, %get3A_330, %eq3A_340 : vector<16xi32>
        %shift_right_arithmetic3A_342 = arith.constant 17 : i32
        %shift_right_arithmetic3A_343 = vector.broadcast %shift_right_arithmetic3A_342 : i32 to vector<16xi32>
        %shift_right_arithmetic3A_344 = arith.shrsi %xor3A_338, %shift_right_arithmetic3A_343 : vector<16xi32>
        %and3A_345 = arith.constant -16 : i32
        %and3A_346 = vector.broadcast %and3A_345 : i32 to vector<16xi32>
        %and3A_347 = arith.andi %shift_right_arithmetic3A_344, %and3A_346 : vector<16xi32>
        %eq3A_348 = arith.cmpi eq, %and3A_347, %mul3A_7 : vector<16xi32>
        %and3A_349 = arith.andi %eq3A_341, %eq3A_348 : vector<16xi1>
        %shift_right_arithmetic3A_350 = arith.constant 5 : i32
        %shift_right_arithmetic3A_351 = vector.broadcast %shift_right_arithmetic3A_350 : i32 to vector<16xi32>
        %shift_right_arithmetic3A_352 = arith.shrsi %xor3A_338, %shift_right_arithmetic3A_351 : vector<16xi32>
        %and3A_353 = arith.constant 65520 : i32
        %and3A_354 = vector.broadcast %and3A_353 : i32 to vector<16xi32>
        %and3A_355 = arith.andi %shift_right_arithmetic3A_352, %and3A_354 : vector<16xi32>
        %add3A_356 = arith.addi %and3A_355, %iota3A : vector<16xi32>
        %shift_right_arithmetic3A_357 = arith.constant 9 : i32
        %shift_right_arithmetic3A_358 = vector.broadcast %shift_right_arithmetic3A_357 : i32 to vector<16xi32>
        %shift_right_arithmetic3A_359 = arith.shrsi %add3A_356, %shift_right_arithmetic3A_358 : vector<16xi32>
        %and3A_360 = arith.constant 511 : i32
        %and3A_361 = vector.broadcast %and3A_360 : i32 to vector<16xi32>
        %and3A_362 = arith.andi %add3A_356, %and3A_361 : vector<16xi32>
        tpu.vector_store_idx %arg11[%shift_right_arithmetic3A_359, %and3A_362], %broadcast_in_dim3A_1 masked %and3A_349 {add = true} : memref<128x512xi32, #tpu.memory_space<vmem>>[vector<16xi32>, vector<16xi32>], vector<16xi32>, vector<16xi1>
        %mul3A_363 = arith.constant 16 : i32
        %mul3A_364 = arith.muli %scan3A_73, %mul3A_363 : i32
        %add3A_365 = arith.constant 7 : i32
        %add3A_366 = arith.addi %mul3A_364, %add3A_365 : i32
        %mul3A_367 = arith.constant 16 : i32
        %mul3A_368 = arith.muli %add3A_366, %mul3A_367 : i32
        %get3A_369 = arith.index_cast %mul3A_368 : i32 to index
        %get3A_370 = tpu.vector_load %arg9[%get3A_369] {strides = array<i32>} : memref<8192xf32, #tpu.memory_space<vmem>>, vector<16xf32>,
        %get3A_371 = arith.index_cast %mul3A_368 : i32 to index
        %get3A_372 = tpu.vector_load %arg10[%get3A_371] {strides = array<i32>} : memref<8192xi32, #tpu.memory_space<vmem>>, vector<16xi32>,
        %bitcast3A_373 = vector.bitcast %get3A_370 : vector<16xf32> to vector<16xi32>
        %shift_right_arithmetic3A_374 = arith.constant 31 : i32
        %shift_right_arithmetic3A_375 = vector.broadcast %shift_right_arithmetic3A_374 : i32 to vector<16xi32>
        %shift_right_arithmetic3A_376 = arith.shrsi %bitcast3A_373, %shift_right_arithmetic3A_375 : vector<16xi32>
        %and3A_377 = arith.constant 2147483647 : i32
        %and3A_378 = vector.broadcast %and3A_377 : i32 to vector<16xi32>
        %and3A_379 = arith.andi %shift_right_arithmetic3A_376, %and3A_378 : vector<16xi32>
        %xor3A_380 = arith.xori %bitcast3A_373, %and3A_379 : vector<16xi32>
        %eq3A_381 = arith.constant 0 : i32
        %eq3A_382 = vector.broadcast %eq3A_381 : i32 to vector<16xi32>
        %eq3A_383 = arith.cmpi eq, %get3A_372, %eq3A_382 : vector<16xi32>
        %shift_right_arithmetic3A_384 = arith.constant 17 : i32
        %shift_right_arithmetic3A_385 = vector.broadcast %shift_right_arithmetic3A_384 : i32 to vector<16xi32>
        %shift_right_arithmetic3A_386 = arith.shrsi %xor3A_380, %shift_right_arithmetic3A_385 : vector<16xi32>
        %and3A_387 = arith.constant -16 : i32
        %and3A_388 = vector.broadcast %and3A_387 : i32 to vector<16xi32>
        %and3A_389 = arith.andi %shift_right_arithmetic3A_386, %and3A_388 : vector<16xi32>
        %eq3A_390 = arith.cmpi eq, %and3A_389, %mul3A_7 : vector<16xi32>
        %and3A_391 = arith.andi %eq3A_383, %eq3A_390 : vector<16xi1>
        %shift_right_arithmetic3A_392 = arith.constant 5 : i32
        %shift_right_arithmetic3A_393 = vector.broadcast %shift_right_arithmetic3A_392 : i32 to vector<16xi32>
        %shift_right_arithmetic3A_394 = arith.shrsi %xor3A_380, %shift_right_arithmetic3A_393 : vector<16xi32>
        %and3A_395 = arith.constant 65520 : i32
        %and3A_396 = vector.broadcast %and3A_395 : i32 to vector<16xi32>
        %and3A_397 = arith.andi %shift_right_arithmetic3A_394, %and3A_396 : vector<16xi32>
        %add3A_398 = arith.addi %and3A_397, %iota3A : vector<16xi32>
        %shift_right_arithmetic3A_399 = arith.constant 9 : i32
        %shift_right_arithmetic3A_400 = vector.broadcast %shift_right_arithmetic3A_399 : i32 to vector<16xi32>
        %shift_right_arithmetic3A_401 = arith.shrsi %add3A_398, %shift_right_arithmetic3A_400 : vector<16xi32>
        %and3A_402 = arith.constant 511 : i32
        %and3A_403 = vector.broadcast %and3A_402 : i32 to vector<16xi32>
        %and3A_404 = arith.andi %add3A_398, %and3A_403 : vector<16xi32>
        tpu.vector_store_idx %arg11[%shift_right_arithmetic3A_401, %and3A_404], %broadcast_in_dim3A_1 masked %and3A_391 {add = true} : memref<128x512xi32, #tpu.memory_space<vmem>>[vector<16xi32>, vector<16xi32>], vector<16xi32>, vector<16xi1>
        %mul3A_405 = arith.constant 16 : i32
        %mul3A_406 = arith.muli %scan3A_73, %mul3A_405 : i32
        %add3A_407 = arith.constant 8 : i32
        %add3A_408 = arith.addi %mul3A_406, %add3A_407 : i32
        %mul3A_409 = arith.constant 16 : i32
        %mul3A_410 = arith.muli %add3A_408, %mul3A_409 : i32
        %get3A_411 = arith.index_cast %mul3A_410 : i32 to index
        %get3A_412 = tpu.vector_load %arg9[%get3A_411] {strides = array<i32>} : memref<8192xf32, #tpu.memory_space<vmem>>, vector<16xf32>,
        %get3A_413 = arith.index_cast %mul3A_410 : i32 to index
        %get3A_414 = tpu.vector_load %arg10[%get3A_413] {strides = array<i32>} : memref<8192xi32, #tpu.memory_space<vmem>>, vector<16xi32>,
        %bitcast3A_415 = vector.bitcast %get3A_412 : vector<16xf32> to vector<16xi32>
        %shift_right_arithmetic3A_416 = arith.constant 31 : i32
        %shift_right_arithmetic3A_417 = vector.broadcast %shift_right_arithmetic3A_416 : i32 to vector<16xi32>
        %shift_right_arithmetic3A_418 = arith.shrsi %bitcast3A_415, %shift_right_arithmetic3A_417 : vector<16xi32>
        %and3A_419 = arith.constant 2147483647 : i32
        %and3A_420 = vector.broadcast %and3A_419 : i32 to vector<16xi32>
        %and3A_421 = arith.andi %shift_right_arithmetic3A_418, %and3A_420 : vector<16xi32>
        %xor3A_422 = arith.xori %bitcast3A_415, %and3A_421 : vector<16xi32>
        %eq3A_423 = arith.constant 0 : i32
        %eq3A_424 = vector.broadcast %eq3A_423 : i32 to vector<16xi32>
        %eq3A_425 = arith.cmpi eq, %get3A_414, %eq3A_424 : vector<16xi32>
        %shift_right_arithmetic3A_426 = arith.constant 17 : i32
        %shift_right_arithmetic3A_427 = vector.broadcast %shift_right_arithmetic3A_426 : i32 to vector<16xi32>
        %shift_right_arithmetic3A_428 = arith.shrsi %xor3A_422, %shift_right_arithmetic3A_427 : vector<16xi32>
        %and3A_429 = arith.constant -16 : i32
        %and3A_430 = vector.broadcast %and3A_429 : i32 to vector<16xi32>
        %and3A_431 = arith.andi %shift_right_arithmetic3A_428, %and3A_430 : vector<16xi32>
        %eq3A_432 = arith.cmpi eq, %and3A_431, %mul3A_7 : vector<16xi32>
        %and3A_433 = arith.andi %eq3A_425, %eq3A_432 : vector<16xi1>
        %shift_right_arithmetic3A_434 = arith.constant 5 : i32
        %shift_right_arithmetic3A_435 = vector.broadcast %shift_right_arithmetic3A_434 : i32 to vector<16xi32>
        %shift_right_arithmetic3A_436 = arith.shrsi %xor3A_422, %shift_right_arithmetic3A_435 : vector<16xi32>
        %and3A_437 = arith.constant 65520 : i32
        %and3A_438 = vector.broadcast %and3A_437 : i32 to vector<16xi32>
        %and3A_439 = arith.andi %shift_right_arithmetic3A_436, %and3A_438 : vector<16xi32>
        %add3A_440 = arith.addi %and3A_439, %iota3A : vector<16xi32>
        %shift_right_arithmetic3A_441 = arith.constant 9 : i32
        %shift_right_arithmetic3A_442 = vector.broadcast %shift_right_arithmetic3A_441 : i32 to vector<16xi32>
        %shift_right_arithmetic3A_443 = arith.shrsi %add3A_440, %shift_right_arithmetic3A_442 : vector<16xi32>
        %and3A_444 = arith.constant 511 : i32
        %and3A_445 = vector.broadcast %and3A_444 : i32 to vector<16xi32>
        %and3A_446 = arith.andi %add3A_440, %and3A_445 : vector<16xi32>
        tpu.vector_store_idx %arg11[%shift_right_arithmetic3A_443, %and3A_446], %broadcast_in_dim3A_1 masked %and3A_433 {add = true} : memref<128x512xi32, #tpu.memory_space<vmem>>[vector<16xi32>, vector<16xi32>], vector<16xi32>, vector<16xi1>
        %mul3A_447 = arith.constant 16 : i32
        %mul3A_448 = arith.muli %scan3A_73, %mul3A_447 : i32
        %add3A_449 = arith.constant 9 : i32
        %add3A_450 = arith.addi %mul3A_448, %add3A_449 : i32
        %mul3A_451 = arith.constant 16 : i32
        %mul3A_452 = arith.muli %add3A_450, %mul3A_451 : i32
        %get3A_453 = arith.index_cast %mul3A_452 : i32 to index
        %get3A_454 = tpu.vector_load %arg9[%get3A_453] {strides = array<i32>} : memref<8192xf32, #tpu.memory_space<vmem>>, vector<16xf32>,
        %get3A_455 = arith.index_cast %mul3A_452 : i32 to index
        %get3A_456 = tpu.vector_load %arg10[%get3A_455] {strides = array<i32>} : memref<8192xi32, #tpu.memory_space<vmem>>, vector<16xi32>,
        %bitcast3A_457 = vector.bitcast %get3A_454 : vector<16xf32> to vector<16xi32>
        %shift_right_arithmetic3A_458 = arith.constant 31 : i32
        %shift_right_arithmetic3A_459 = vector.broadcast %shift_right_arithmetic3A_458 : i32 to vector<16xi32>
        %shift_right_arithmetic3A_460 = arith.shrsi %bitcast3A_457, %shift_right_arithmetic3A_459 : vector<16xi32>
        %and3A_461 = arith.constant 2147483647 : i32
        %and3A_462 = vector.broadcast %and3A_461 : i32 to vector<16xi32>
        %and3A_463 = arith.andi %shift_right_arithmetic3A_460, %and3A_462 : vector<16xi32>
        %xor3A_464 = arith.xori %bitcast3A_457, %and3A_463 : vector<16xi32>
        %eq3A_465 = arith.constant 0 : i32
        %eq3A_466 = vector.broadcast %eq3A_465 : i32 to vector<16xi32>
        %eq3A_467 = arith.cmpi eq, %get3A_456, %eq3A_466 : vector<16xi32>
        %shift_right_arithmetic3A_468 = arith.constant 17 : i32
        %shift_right_arithmetic3A_469 = vector.broadcast %shift_right_arithmetic3A_468 : i32 to vector<16xi32>
        %shift_right_arithmetic3A_470 = arith.shrsi %xor3A_464, %shift_right_arithmetic3A_469 : vector<16xi32>
        %and3A_471 = arith.constant -16 : i32
        %and3A_472 = vector.broadcast %and3A_471 : i32 to vector<16xi32>
        %and3A_473 = arith.andi %shift_right_arithmetic3A_470, %and3A_472 : vector<16xi32>
        %eq3A_474 = arith.cmpi eq, %and3A_473, %mul3A_7 : vector<16xi32>
        %and3A_475 = arith.andi %eq3A_467, %eq3A_474 : vector<16xi1>
        %shift_right_arithmetic3A_476 = arith.constant 5 : i32
        %shift_right_arithmetic3A_477 = vector.broadcast %shift_right_arithmetic3A_476 : i32 to vector<16xi32>
        %shift_right_arithmetic3A_478 = arith.shrsi %xor3A_464, %shift_right_arithmetic3A_477 : vector<16xi32>
        %and3A_479 = arith.constant 65520 : i32
        %and3A_480 = vector.broadcast %and3A_479 : i32 to vector<16xi32>
        %and3A_481 = arith.andi %shift_right_arithmetic3A_478, %and3A_480 : vector<16xi32>
        %add3A_482 = arith.addi %and3A_481, %iota3A : vector<16xi32>
        %shift_right_arithmetic3A_483 = arith.constant 9 : i32
        %shift_right_arithmetic3A_484 = vector.broadcast %shift_right_arithmetic3A_483 : i32 to vector<16xi32>
        %shift_right_arithmetic3A_485 = arith.shrsi %add3A_482, %shift_right_arithmetic3A_484 : vector<16xi32>
        %and3A_486 = arith.constant 511 : i32
        %and3A_487 = vector.broadcast %and3A_486 : i32 to vector<16xi32>
        %and3A_488 = arith.andi %add3A_482, %and3A_487 : vector<16xi32>
        tpu.vector_store_idx %arg11[%shift_right_arithmetic3A_485, %and3A_488], %broadcast_in_dim3A_1 masked %and3A_475 {add = true} : memref<128x512xi32, #tpu.memory_space<vmem>>[vector<16xi32>, vector<16xi32>], vector<16xi32>, vector<16xi1>
        %mul3A_489 = arith.constant 16 : i32
        %mul3A_490 = arith.muli %scan3A_73, %mul3A_489 : i32
        %add3A_491 = arith.constant 10 : i32
        %add3A_492 = arith.addi %mul3A_490, %add3A_491 : i32
        %mul3A_493 = arith.constant 16 : i32
        %mul3A_494 = arith.muli %add3A_492, %mul3A_493 : i32
        %get3A_495 = arith.index_cast %mul3A_494 : i32 to index
        %get3A_496 = tpu.vector_load %arg9[%get3A_495] {strides = array<i32>} : memref<8192xf32, #tpu.memory_space<vmem>>, vector<16xf32>,
        %get3A_497 = arith.index_cast %mul3A_494 : i32 to index
        %get3A_498 = tpu.vector_load %arg10[%get3A_497] {strides = array<i32>} : memref<8192xi32, #tpu.memory_space<vmem>>, vector<16xi32>,
        %bitcast3A_499 = vector.bitcast %get3A_496 : vector<16xf32> to vector<16xi32>
        %shift_right_arithmetic3A_500 = arith.constant 31 : i32
        %shift_right_arithmetic3A_501 = vector.broadcast %shift_right_arithmetic3A_500 : i32 to vector<16xi32>
        %shift_right_arithmetic3A_502 = arith.shrsi %bitcast3A_499, %shift_right_arithmetic3A_501 : vector<16xi32>
        %and3A_503 = arith.constant 2147483647 : i32
        %and3A_504 = vector.broadcast %and3A_503 : i32 to vector<16xi32>
        %and3A_505 = arith.andi %shift_right_arithmetic3A_502, %and3A_504 : vector<16xi32>
        %xor3A_506 = arith.xori %bitcast3A_499, %and3A_505 : vector<16xi32>
        %eq3A_507 = arith.constant 0 : i32
        %eq3A_508 = vector.broadcast %eq3A_507 : i32 to vector<16xi32>
        %eq3A_509 = arith.cmpi eq, %get3A_498, %eq3A_508 : vector<16xi32>
        %shift_right_arithmetic3A_510 = arith.constant 17 : i32
        %shift_right_arithmetic3A_511 = vector.broadcast %shift_right_arithmetic3A_510 : i32 to vector<16xi32>
        %shift_right_arithmetic3A_512 = arith.shrsi %xor3A_506, %shift_right_arithmetic3A_511 : vector<16xi32>
        %and3A_513 = arith.constant -16 : i32
        %and3A_514 = vector.broadcast %and3A_513 : i32 to vector<16xi32>
        %and3A_515 = arith.andi %shift_right_arithmetic3A_512, %and3A_514 : vector<16xi32>
        %eq3A_516 = arith.cmpi eq, %and3A_515, %mul3A_7 : vector<16xi32>
        %and3A_517 = arith.andi %eq3A_509, %eq3A_516 : vector<16xi1>
        %shift_right_arithmetic3A_518 = arith.constant 5 : i32
        %shift_right_arithmetic3A_519 = vector.broadcast %shift_right_arithmetic3A_518 : i32 to vector<16xi32>
        %shift_right_arithmetic3A_520 = arith.shrsi %xor3A_506, %shift_right_arithmetic3A_519 : vector<16xi32>
        %and3A_521 = arith.constant 65520 : i32
        %and3A_522 = vector.broadcast %and3A_521 : i32 to vector<16xi32>
        %and3A_523 = arith.andi %shift_right_arithmetic3A_520, %and3A_522 : vector<16xi32>
        %add3A_524 = arith.addi %and3A_523, %iota3A : vector<16xi32>
        %shift_right_arithmetic3A_525 = arith.constant 9 : i32
        %shift_right_arithmetic3A_526 = vector.broadcast %shift_right_arithmetic3A_525 : i32 to vector<16xi32>
        %shift_right_arithmetic3A_527 = arith.shrsi %add3A_524, %shift_right_arithmetic3A_526 : vector<16xi32>
        %and3A_528 = arith.constant 511 : i32
        %and3A_529 = vector.broadcast %and3A_528 : i32 to vector<16xi32>
        %and3A_530 = arith.andi %add3A_524, %and3A_529 : vector<16xi32>
        tpu.vector_store_idx %arg11[%shift_right_arithmetic3A_527, %and3A_530], %broadcast_in_dim3A_1 masked %and3A_517 {add = true} : memref<128x512xi32, #tpu.memory_space<vmem>>[vector<16xi32>, vector<16xi32>], vector<16xi32>, vector<16xi1>
        %mul3A_531 = arith.constant 16 : i32
        %mul3A_532 = arith.muli %scan3A_73, %mul3A_531 : i32
        %add3A_533 = arith.constant 11 : i32
        %add3A_534 = arith.addi %mul3A_532, %add3A_533 : i32
        %mul3A_535 = arith.constant 16 : i32
        %mul3A_536 = arith.muli %add3A_534, %mul3A_535 : i32
        %get3A_537 = arith.index_cast %mul3A_536 : i32 to index
        %get3A_538 = tpu.vector_load %arg9[%get3A_537] {strides = array<i32>} : memref<8192xf32, #tpu.memory_space<vmem>>, vector<16xf32>,
        %get3A_539 = arith.index_cast %mul3A_536 : i32 to index
        %get3A_540 = tpu.vector_load %arg10[%get3A_539] {strides = array<i32>} : memref<8192xi32, #tpu.memory_space<vmem>>, vector<16xi32>,
        %bitcast3A_541 = vector.bitcast %get3A_538 : vector<16xf32> to vector<16xi32>
        %shift_right_arithmetic3A_542 = arith.constant 31 : i32
        %shift_right_arithmetic3A_543 = vector.broadcast %shift_right_arithmetic3A_542 : i32 to vector<16xi32>
        %shift_right_arithmetic3A_544 = arith.shrsi %bitcast3A_541, %shift_right_arithmetic3A_543 : vector<16xi32>
        %and3A_545 = arith.constant 2147483647 : i32
        %and3A_546 = vector.broadcast %and3A_545 : i32 to vector<16xi32>
        %and3A_547 = arith.andi %shift_right_arithmetic3A_544, %and3A_546 : vector<16xi32>
        %xor3A_548 = arith.xori %bitcast3A_541, %and3A_547 : vector<16xi32>
        %eq3A_549 = arith.constant 0 : i32
        %eq3A_550 = vector.broadcast %eq3A_549 : i32 to vector<16xi32>
        %eq3A_551 = arith.cmpi eq, %get3A_540, %eq3A_550 : vector<16xi32>
        %shift_right_arithmetic3A_552 = arith.constant 17 : i32
        %shift_right_arithmetic3A_553 = vector.broadcast %shift_right_arithmetic3A_552 : i32 to vector<16xi32>
        %shift_right_arithmetic3A_554 = arith.shrsi %xor3A_548, %shift_right_arithmetic3A_553 : vector<16xi32>
        %and3A_555 = arith.constant -16 : i32
        %and3A_556 = vector.broadcast %and3A_555 : i32 to vector<16xi32>
        %and3A_557 = arith.andi %shift_right_arithmetic3A_554, %and3A_556 : vector<16xi32>
        %eq3A_558 = arith.cmpi eq, %and3A_557, %mul3A_7 : vector<16xi32>
        %and3A_559 = arith.andi %eq3A_551, %eq3A_558 : vector<16xi1>
        %shift_right_arithmetic3A_560 = arith.constant 5 : i32
        %shift_right_arithmetic3A_561 = vector.broadcast %shift_right_arithmetic3A_560 : i32 to vector<16xi32>
        %shift_right_arithmetic3A_562 = arith.shrsi %xor3A_548, %shift_right_arithmetic3A_561 : vector<16xi32>
        %and3A_563 = arith.constant 65520 : i32
        %and3A_564 = vector.broadcast %and3A_563 : i32 to vector<16xi32>
        %and3A_565 = arith.andi %shift_right_arithmetic3A_562, %and3A_564 : vector<16xi32>
        %add3A_566 = arith.addi %and3A_565, %iota3A : vector<16xi32>
        %shift_right_arithmetic3A_567 = arith.constant 9 : i32
        %shift_right_arithmetic3A_568 = vector.broadcast %shift_right_arithmetic3A_567 : i32 to vector<16xi32>
        %shift_right_arithmetic3A_569 = arith.shrsi %add3A_566, %shift_right_arithmetic3A_568 : vector<16xi32>
        %and3A_570 = arith.constant 511 : i32
        %and3A_571 = vector.broadcast %and3A_570 : i32 to vector<16xi32>
        %and3A_572 = arith.andi %add3A_566, %and3A_571 : vector<16xi32>
        tpu.vector_store_idx %arg11[%shift_right_arithmetic3A_569, %and3A_572], %broadcast_in_dim3A_1 masked %and3A_559 {add = true} : memref<128x512xi32, #tpu.memory_space<vmem>>[vector<16xi32>, vector<16xi32>], vector<16xi32>, vector<16xi1>
        %mul3A_573 = arith.constant 16 : i32
        %mul3A_574 = arith.muli %scan3A_73, %mul3A_573 : i32
        %add3A_575 = arith.constant 12 : i32
        %add3A_576 = arith.addi %mul3A_574, %add3A_575 : i32
        %mul3A_577 = arith.constant 16 : i32
        %mul3A_578 = arith.muli %add3A_576, %mul3A_577 : i32
        %get3A_579 = arith.index_cast %mul3A_578 : i32 to index
        %get3A_580 = tpu.vector_load %arg9[%get3A_579] {strides = array<i32>} : memref<8192xf32, #tpu.memory_space<vmem>>, vector<16xf32>,
        %get3A_581 = arith.index_cast %mul3A_578 : i32 to index
        %get3A_582 = tpu.vector_load %arg10[%get3A_581] {strides = array<i32>} : memref<8192xi32, #tpu.memory_space<vmem>>, vector<16xi32>,
        %bitcast3A_583 = vector.bitcast %get3A_580 : vector<16xf32> to vector<16xi32>
        %shift_right_arithmetic3A_584 = arith.constant 31 : i32
        %shift_right_arithmetic3A_585 = vector.broadcast %shift_right_arithmetic3A_584 : i32 to vector<16xi32>
        %shift_right_arithmetic3A_586 = arith.shrsi %bitcast3A_583, %shift_right_arithmetic3A_585 : vector<16xi32>
        %and3A_587 = arith.constant 2147483647 : i32
        %and3A_588 = vector.broadcast %and3A_587 : i32 to vector<16xi32>
        %and3A_589 = arith.andi %shift_right_arithmetic3A_586, %and3A_588 : vector<16xi32>
        %xor3A_590 = arith.xori %bitcast3A_583, %and3A_589 : vector<16xi32>
        %eq3A_591 = arith.constant 0 : i32
        %eq3A_592 = vector.broadcast %eq3A_591 : i32 to vector<16xi32>
        %eq3A_593 = arith.cmpi eq, %get3A_582, %eq3A_592 : vector<16xi32>
        %shift_right_arithmetic3A_594 = arith.constant 17 : i32
        %shift_right_arithmetic3A_595 = vector.broadcast %shift_right_arithmetic3A_594 : i32 to vector<16xi32>
        %shift_right_arithmetic3A_596 = arith.shrsi %xor3A_590, %shift_right_arithmetic3A_595 : vector<16xi32>
        %and3A_597 = arith.constant -16 : i32
        %and3A_598 = vector.broadcast %and3A_597 : i32 to vector<16xi32>
        %and3A_599 = arith.andi %shift_right_arithmetic3A_596, %and3A_598 : vector<16xi32>
        %eq3A_600 = arith.cmpi eq, %and3A_599, %mul3A_7 : vector<16xi32>
        %and3A_601 = arith.andi %eq3A_593, %eq3A_600 : vector<16xi1>
        %shift_right_arithmetic3A_602 = arith.constant 5 : i32
        %shift_right_arithmetic3A_603 = vector.broadcast %shift_right_arithmetic3A_602 : i32 to vector<16xi32>
        %shift_right_arithmetic3A_604 = arith.shrsi %xor3A_590, %shift_right_arithmetic3A_603 : vector<16xi32>
        %and3A_605 = arith.constant 65520 : i32
        %and3A_606 = vector.broadcast %and3A_605 : i32 to vector<16xi32>
        %and3A_607 = arith.andi %shift_right_arithmetic3A_604, %and3A_606 : vector<16xi32>
        %add3A_608 = arith.addi %and3A_607, %iota3A : vector<16xi32>
        %shift_right_arithmetic3A_609 = arith.constant 9 : i32
        %shift_right_arithmetic3A_610 = vector.broadcast %shift_right_arithmetic3A_609 : i32 to vector<16xi32>
        %shift_right_arithmetic3A_611 = arith.shrsi %add3A_608, %shift_right_arithmetic3A_610 : vector<16xi32>
        %and3A_612 = arith.constant 511 : i32
        %and3A_613 = vector.broadcast %and3A_612 : i32 to vector<16xi32>
        %and3A_614 = arith.andi %add3A_608, %and3A_613 : vector<16xi32>
        tpu.vector_store_idx %arg11[%shift_right_arithmetic3A_611, %and3A_614], %broadcast_in_dim3A_1 masked %and3A_601 {add = true} : memref<128x512xi32, #tpu.memory_space<vmem>>[vector<16xi32>, vector<16xi32>], vector<16xi32>, vector<16xi1>
        %mul3A_615 = arith.constant 16 : i32
        %mul3A_616 = arith.muli %scan3A_73, %mul3A_615 : i32
        %add3A_617 = arith.constant 13 : i32
        %add3A_618 = arith.addi %mul3A_616, %add3A_617 : i32
        %mul3A_619 = arith.constant 16 : i32
        %mul3A_620 = arith.muli %add3A_618, %mul3A_619 : i32
        %get3A_621 = arith.index_cast %mul3A_620 : i32 to index
        %get3A_622 = tpu.vector_load %arg9[%get3A_621] {strides = array<i32>} : memref<8192xf32, #tpu.memory_space<vmem>>, vector<16xf32>,
        %get3A_623 = arith.index_cast %mul3A_620 : i32 to index
        %get3A_624 = tpu.vector_load %arg10[%get3A_623] {strides = array<i32>} : memref<8192xi32, #tpu.memory_space<vmem>>, vector<16xi32>,
        %bitcast3A_625 = vector.bitcast %get3A_622 : vector<16xf32> to vector<16xi32>
        %shift_right_arithmetic3A_626 = arith.constant 31 : i32
        %shift_right_arithmetic3A_627 = vector.broadcast %shift_right_arithmetic3A_626 : i32 to vector<16xi32>
        %shift_right_arithmetic3A_628 = arith.shrsi %bitcast3A_625, %shift_right_arithmetic3A_627 : vector<16xi32>
        %and3A_629 = arith.constant 2147483647 : i32
        %and3A_630 = vector.broadcast %and3A_629 : i32 to vector<16xi32>
        %and3A_631 = arith.andi %shift_right_arithmetic3A_628, %and3A_630 : vector<16xi32>
        %xor3A_632 = arith.xori %bitcast3A_625, %and3A_631 : vector<16xi32>
        %eq3A_633 = arith.constant 0 : i32
        %eq3A_634 = vector.broadcast %eq3A_633 : i32 to vector<16xi32>
        %eq3A_635 = arith.cmpi eq, %get3A_624, %eq3A_634 : vector<16xi32>
        %shift_right_arithmetic3A_636 = arith.constant 17 : i32
        %shift_right_arithmetic3A_637 = vector.broadcast %shift_right_arithmetic3A_636 : i32 to vector<16xi32>
        %shift_right_arithmetic3A_638 = arith.shrsi %xor3A_632, %shift_right_arithmetic3A_637 : vector<16xi32>
        %and3A_639 = arith.constant -16 : i32
        %and3A_640 = vector.broadcast %and3A_639 : i32 to vector<16xi32>
        %and3A_641 = arith.andi %shift_right_arithmetic3A_638, %and3A_640 : vector<16xi32>
        %eq3A_642 = arith.cmpi eq, %and3A_641, %mul3A_7 : vector<16xi32>
        %and3A_643 = arith.andi %eq3A_635, %eq3A_642 : vector<16xi1>
        %shift_right_arithmetic3A_644 = arith.constant 5 : i32
        %shift_right_arithmetic3A_645 = vector.broadcast %shift_right_arithmetic3A_644 : i32 to vector<16xi32>
        %shift_right_arithmetic3A_646 = arith.shrsi %xor3A_632, %shift_right_arithmetic3A_645 : vector<16xi32>
        %and3A_647 = arith.constant 65520 : i32
        %and3A_648 = vector.broadcast %and3A_647 : i32 to vector<16xi32>
        %and3A_649 = arith.andi %shift_right_arithmetic3A_646, %and3A_648 : vector<16xi32>
        %add3A_650 = arith.addi %and3A_649, %iota3A : vector<16xi32>
        %shift_right_arithmetic3A_651 = arith.constant 9 : i32
        %shift_right_arithmetic3A_652 = vector.broadcast %shift_right_arithmetic3A_651 : i32 to vector<16xi32>
        %shift_right_arithmetic3A_653 = arith.shrsi %add3A_650, %shift_right_arithmetic3A_652 : vector<16xi32>
        %and3A_654 = arith.constant 511 : i32
        %and3A_655 = vector.broadcast %and3A_654 : i32 to vector<16xi32>
        %and3A_656 = arith.andi %add3A_650, %and3A_655 : vector<16xi32>
        tpu.vector_store_idx %arg11[%shift_right_arithmetic3A_653, %and3A_656], %broadcast_in_dim3A_1 masked %and3A_643 {add = true} : memref<128x512xi32, #tpu.memory_space<vmem>>[vector<16xi32>, vector<16xi32>], vector<16xi32>, vector<16xi1>
        %mul3A_657 = arith.constant 16 : i32
        %mul3A_658 = arith.muli %scan3A_73, %mul3A_657 : i32
        %add3A_659 = arith.constant 14 : i32
        %add3A_660 = arith.addi %mul3A_658, %add3A_659 : i32
        %mul3A_661 = arith.constant 16 : i32
        %mul3A_662 = arith.muli %add3A_660, %mul3A_661 : i32
        %get3A_663 = arith.index_cast %mul3A_662 : i32 to index
        %get3A_664 = tpu.vector_load %arg9[%get3A_663] {strides = array<i32>} : memref<8192xf32, #tpu.memory_space<vmem>>, vector<16xf32>,
        %get3A_665 = arith.index_cast %mul3A_662 : i32 to index
        %get3A_666 = tpu.vector_load %arg10[%get3A_665] {strides = array<i32>} : memref<8192xi32, #tpu.memory_space<vmem>>, vector<16xi32>,
        %bitcast3A_667 = vector.bitcast %get3A_664 : vector<16xf32> to vector<16xi32>
        %shift_right_arithmetic3A_668 = arith.constant 31 : i32
        %shift_right_arithmetic3A_669 = vector.broadcast %shift_right_arithmetic3A_668 : i32 to vector<16xi32>
        %shift_right_arithmetic3A_670 = arith.shrsi %bitcast3A_667, %shift_right_arithmetic3A_669 : vector<16xi32>
        %and3A_671 = arith.constant 2147483647 : i32
        %and3A_672 = vector.broadcast %and3A_671 : i32 to vector<16xi32>
        %and3A_673 = arith.andi %shift_right_arithmetic3A_670, %and3A_672 : vector<16xi32>
        %xor3A_674 = arith.xori %bitcast3A_667, %and3A_673 : vector<16xi32>
        %eq3A_675 = arith.constant 0 : i32
        %eq3A_676 = vector.broadcast %eq3A_675 : i32 to vector<16xi32>
        %eq3A_677 = arith.cmpi eq, %get3A_666, %eq3A_676 : vector<16xi32>
        %shift_right_arithmetic3A_678 = arith.constant 17 : i32
        %shift_right_arithmetic3A_679 = vector.broadcast %shift_right_arithmetic3A_678 : i32 to vector<16xi32>
        %shift_right_arithmetic3A_680 = arith.shrsi %xor3A_674, %shift_right_arithmetic3A_679 : vector<16xi32>
        %and3A_681 = arith.constant -16 : i32
        %and3A_682 = vector.broadcast %and3A_681 : i32 to vector<16xi32>
        %and3A_683 = arith.andi %shift_right_arithmetic3A_680, %and3A_682 : vector<16xi32>
        %eq3A_684 = arith.cmpi eq, %and3A_683, %mul3A_7 : vector<16xi32>
        %and3A_685 = arith.andi %eq3A_677, %eq3A_684 : vector<16xi1>
        %shift_right_arithmetic3A_686 = arith.constant 5 : i32
        %shift_right_arithmetic3A_687 = vector.broadcast %shift_right_arithmetic3A_686 : i32 to vector<16xi32>
        %shift_right_arithmetic3A_688 = arith.shrsi %xor3A_674, %shift_right_arithmetic3A_687 : vector<16xi32>
        %and3A_689 = arith.constant 65520 : i32
        %and3A_690 = vector.broadcast %and3A_689 : i32 to vector<16xi32>
        %and3A_691 = arith.andi %shift_right_arithmetic3A_688, %and3A_690 : vector<16xi32>
        %add3A_692 = arith.addi %and3A_691, %iota3A : vector<16xi32>
        %shift_right_arithmetic3A_693 = arith.constant 9 : i32
        %shift_right_arithmetic3A_694 = vector.broadcast %shift_right_arithmetic3A_693 : i32 to vector<16xi32>
        %shift_right_arithmetic3A_695 = arith.shrsi %add3A_692, %shift_right_arithmetic3A_694 : vector<16xi32>
        %and3A_696 = arith.constant 511 : i32
        %and3A_697 = vector.broadcast %and3A_696 : i32 to vector<16xi32>
        %and3A_698 = arith.andi %add3A_692, %and3A_697 : vector<16xi32>
        tpu.vector_store_idx %arg11[%shift_right_arithmetic3A_695, %and3A_698], %broadcast_in_dim3A_1 masked %and3A_685 {add = true} : memref<128x512xi32, #tpu.memory_space<vmem>>[vector<16xi32>, vector<16xi32>], vector<16xi32>, vector<16xi1>
        %mul3A_699 = arith.constant 16 : i32
        %mul3A_700 = arith.muli %scan3A_73, %mul3A_699 : i32
        %add3A_701 = arith.constant 15 : i32
        %add3A_702 = arith.addi %mul3A_700, %add3A_701 : i32
        %mul3A_703 = arith.constant 16 : i32
        %mul3A_704 = arith.muli %add3A_702, %mul3A_703 : i32
        %get3A_705 = arith.index_cast %mul3A_704 : i32 to index
        %get3A_706 = tpu.vector_load %arg9[%get3A_705] {strides = array<i32>} : memref<8192xf32, #tpu.memory_space<vmem>>, vector<16xf32>,
        %get3A_707 = arith.index_cast %mul3A_704 : i32 to index
        %get3A_708 = tpu.vector_load %arg10[%get3A_707] {strides = array<i32>} : memref<8192xi32, #tpu.memory_space<vmem>>, vector<16xi32>,
        %bitcast3A_709 = vector.bitcast %get3A_706 : vector<16xf32> to vector<16xi32>
        %shift_right_arithmetic3A_710 = arith.constant 31 : i32
        %shift_right_arithmetic3A_711 = vector.broadcast %shift_right_arithmetic3A_710 : i32 to vector<16xi32>
        %shift_right_arithmetic3A_712 = arith.shrsi %bitcast3A_709, %shift_right_arithmetic3A_711 : vector<16xi32>
        %and3A_713 = arith.constant 2147483647 : i32
        %and3A_714 = vector.broadcast %and3A_713 : i32 to vector<16xi32>
        %and3A_715 = arith.andi %shift_right_arithmetic3A_712, %and3A_714 : vector<16xi32>
        %xor3A_716 = arith.xori %bitcast3A_709, %and3A_715 : vector<16xi32>
        %eq3A_717 = arith.constant 0 : i32
        %eq3A_718 = vector.broadcast %eq3A_717 : i32 to vector<16xi32>
        %eq3A_719 = arith.cmpi eq, %get3A_708, %eq3A_718 : vector<16xi32>
        %shift_right_arithmetic3A_720 = arith.constant 17 : i32
        %shift_right_arithmetic3A_721 = vector.broadcast %shift_right_arithmetic3A_720 : i32 to vector<16xi32>
        %shift_right_arithmetic3A_722 = arith.shrsi %xor3A_716, %shift_right_arithmetic3A_721 : vector<16xi32>
        %and3A_723 = arith.constant -16 : i32
        %and3A_724 = vector.broadcast %and3A_723 : i32 to vector<16xi32>
        %and3A_725 = arith.andi %shift_right_arithmetic3A_722, %and3A_724 : vector<16xi32>
        %eq3A_726 = arith.cmpi eq, %and3A_725, %mul3A_7 : vector<16xi32>
        %and3A_727 = arith.andi %eq3A_719, %eq3A_726 : vector<16xi1>
        %shift_right_arithmetic3A_728 = arith.constant 5 : i32
        %shift_right_arithmetic3A_729 = vector.broadcast %shift_right_arithmetic3A_728 : i32 to vector<16xi32>
        %shift_right_arithmetic3A_730 = arith.shrsi %xor3A_716, %shift_right_arithmetic3A_729 : vector<16xi32>
        %and3A_731 = arith.constant 65520 : i32
        %and3A_732 = vector.broadcast %and3A_731 : i32 to vector<16xi32>
        %and3A_733 = arith.andi %shift_right_arithmetic3A_730, %and3A_732 : vector<16xi32>
        %add3A_734 = arith.addi %and3A_733, %iota3A : vector<16xi32>
        %shift_right_arithmetic3A_735 = arith.constant 9 : i32
        %shift_right_arithmetic3A_736 = vector.broadcast %shift_right_arithmetic3A_735 : i32 to vector<16xi32>
        %shift_right_arithmetic3A_737 = arith.shrsi %add3A_734, %shift_right_arithmetic3A_736 : vector<16xi32>
        %and3A_738 = arith.constant 511 : i32
        %and3A_739 = vector.broadcast %and3A_738 : i32 to vector<16xi32>
        %and3A_740 = arith.andi %add3A_734, %and3A_739 : vector<16xi32>
        tpu.vector_store_idx %arg11[%shift_right_arithmetic3A_737, %and3A_740], %broadcast_in_dim3A_1 masked %and3A_727 {add = true} : memref<128x512xi32, #tpu.memory_space<vmem>>[vector<16xi32>, vector<16xi32>], vector<16xi32>, vector<16xi1>
      }
      %scan3A_72 = arith.constant 32 : i32
    }
    %scan3A_19 = arith.constant 8 : i32
    "tpu.region"() ({
      %run_scoped3A_20 = tpu.sem_alloc : memref<!tpu.dma_semaphore, #tpu.memory_space<semaphore_mem>>
      %dma_start3A_21 = arith.constant 0 : i32
      %dma_start3A_22 = arith.constant 0 : i32
      %dma_start3A_23 = tpu.memref_slice %arg6[%add3A, %dma_start3A_21, %dma_start3A_22] : memref<32x128x512xi32, #tpu.memory_space<hbm>> -> memref<1x128x512xi32, #tpu.memory_space<hbm>>
      %dma_start3A_24 = tpu.memref_squeeze %dma_start3A_23 : memref<1x128x512xi32, #tpu.memory_space<hbm>> -> memref<128x512xi32, #tpu.memory_space<hbm>>
      %dma_start3A_25 = arith.constant 0 : i32
      %dma_start3A_26 = arith.constant 0 : i32
      %dma_start3A_27 = tpu.memref_slice %arg6[%add3A, %dma_start3A_25, %dma_start3A_26] : memref<32x128x512xi32, #tpu.memory_space<hbm>> -> memref<1x128x512xi32, #tpu.memory_space<hbm>>
      %dma_start3A_28 = tpu.memref_squeeze %dma_start3A_27 : memref<1x128x512xi32, #tpu.memory_space<hbm>> -> memref<128x512xi32, #tpu.memory_space<hbm>>
      tpu.enqueue_dma source(%arg11 : memref<128x512xi32, #tpu.memory_space<vmem>>) target(%dma_start3A_28 : memref<128x512xi32, #tpu.memory_space<hbm>>) target_semaphore(%run_scoped3A_20 : memref<!tpu.dma_semaphore, #tpu.memory_space<semaphore_mem>>)
      %dma_wait3A = arith.constant 0 : i32
      %dma_wait3A_29 = arith.constant 0 : i32
      %dma_wait3A_30 = tpu.memref_slice %arg6[%add3A, %dma_wait3A, %dma_wait3A_29] : memref<32x128x512xi32, #tpu.memory_space<hbm>> -> memref<1x128x512xi32, #tpu.memory_space<hbm>>
      %dma_wait3A_31 = tpu.memref_squeeze %dma_wait3A_30 : memref<1x128x512xi32, #tpu.memory_space<hbm>> -> memref<128x512xi32, #tpu.memory_space<hbm>>
      %dma_wait3A_32 = arith.constant 0 : i32
      %dma_wait3A_33 = arith.constant 0 : i32
      %dma_wait3A_34 = tpu.memref_slice %arg6[%add3A, %dma_wait3A_32, %dma_wait3A_33] : memref<32x128x512xi32, #tpu.memory_space<hbm>> -> memref<1x128x512xi32, #tpu.memory_space<hbm>>
      %dma_wait3A_35 = tpu.memref_squeeze %dma_wait3A_34 : memref<1x128x512xi32, #tpu.memory_space<hbm>> -> memref<128x512xi32, #tpu.memory_space<hbm>>
      tpu.wait_dma2 semaphore(%run_scoped3A_20 : memref<!tpu.dma_semaphore, #tpu.memory_space<semaphore_mem>>) src(%arg11 : memref<128x512xi32, #tpu.memory_space<vmem>>) dst(%dma_wait3A_35 : memref<128x512xi32, #tpu.memory_space<hbm>>)
      tpu.yield
    }) : () -> ()
    return
  }
}

#map = affine_map<(d0, d1) -> (0)>
#map1 = affine_map<(d0, d1) -> (0, 0)>
#map2 = affine_map<(d0, d1) -> (0, 0, 0)>
module attributes {stable_mosaic.version = 14 : i64} {
  func.func @_sc_l1_body(%arg0: i32, %arg1: i32, %arg2: memref<4194304xf32, #tpu.memory_space<hbm>>, %arg3: memref<4194304xi32, #tpu.memory_space<hbm>>, %arg4: memref<128x256xi32, #tpu.memory_space<hbm>>, %arg5: memref<32x128x256xi32, #tpu.memory_space<hbm>>, %arg6: memref<16384xf32, #tpu.memory_space<vmem>>, %arg7: memref<16384xi32, #tpu.memory_space<vmem>>, %arg8: memref<16384xf32, #tpu.memory_space<vmem>>, %arg9: memref<16384xi32, #tpu.memory_space<vmem>>, %arg10: memref<128x256xi32, #tpu.memory_space<vmem>>, %arg11: memref<!tpu.dma_semaphore, #tpu.memory_space<semaphore_mem>>, %arg12: memref<!tpu.dma_semaphore, #tpu.memory_space<semaphore_mem>>, %arg13: memref<!tpu.dma_semaphore, #tpu.memory_space<semaphore_mem>>, %arg14: memref<!tpu.dma_semaphore, #tpu.memory_space<semaphore_mem>>) attributes {dimension_semantics = [#tpu.dimension_semantics<core_parallel>, #tpu.dimension_semantics<subcore_parallel>], iteration_bounds = array<i64: 2, 16>, scalar_prefetch = 0 : i64, scratch_operands = 9 : i64, tpu.core_type = #tpu.core_type<sc_vector_subcore>, window_params = [{transform_indices = #map}, {transform_indices = #map}, {transform_indices = #map1}, {transform_indices = #map2}]} {
    %mul3A = arith.constant 2 : i32
    %mul3A_0 = arith.muli %arg1, %mul3A : i32
    %add3A = arith.addi %mul3A_0, %arg0 : i32
    "tpu.region"() ({
      %run_scoped3A = tpu.sem_alloc : memref<!tpu.dma_semaphore, #tpu.memory_space<semaphore_mem>>
      tpu.enqueue_dma source(%arg4 : memref<128x256xi32, #tpu.memory_space<hbm>>) target(%arg10 : memref<128x256xi32, #tpu.memory_space<vmem>>) target_semaphore(%run_scoped3A : memref<!tpu.dma_semaphore, #tpu.memory_space<semaphore_mem>>)
      tpu.wait_dma2 semaphore(%run_scoped3A : memref<!tpu.dma_semaphore, #tpu.memory_space<semaphore_mem>>) src(%arg4 : memref<128x256xi32, #tpu.memory_space<hbm>>) dst(%arg10 : memref<128x256xi32, #tpu.memory_space<vmem>>)
      tpu.yield
    }) : () -> ()
    %iota3A = tpu.iota {dimensions = array<i32: 0>} : vector<16xi32>
    %add3A_1 = arith.constant 16384 : i32
    %add3A_2 = vector.broadcast %add3A_1 : i32 to vector<16xi32>
    %add3A_3 = arith.addi %iota3A, %add3A_2 : vector<16xi32>
    %broadcast_in_dim3A = arith.constant 1 : i32
    %broadcast_in_dim3A_4 = vector.broadcast %broadcast_in_dim3A : i32 to vector<16xi32>
    %mul3A_5 = arith.constant 131072 : i32
    %mul3A_6 = arith.muli %add3A, %mul3A_5 : i32
    %add3A_7 = arith.constant 0 : i32
    %add3A_8 = arith.addi %mul3A_6, %add3A_7 : i32
    %dma_start3A = tpu.memref_slice %arg2[%add3A_8] : memref<4194304xf32, #tpu.memory_space<hbm>> -> memref<16384xf32, #tpu.memory_space<hbm>>
    %dma_start3A_9 = tpu.memref_slice %arg2[%add3A_8] : memref<4194304xf32, #tpu.memory_space<hbm>> -> memref<16384xf32, #tpu.memory_space<hbm>>
    tpu.enqueue_dma source(%dma_start3A_9 : memref<16384xf32, #tpu.memory_space<hbm>>) target(%arg6 : memref<16384xf32, #tpu.memory_space<vmem>>) target_semaphore(%arg11 : memref<!tpu.dma_semaphore, #tpu.memory_space<semaphore_mem>>)
    %dma_start3A_10 = tpu.memref_slice %arg3[%add3A_8] : memref<4194304xi32, #tpu.memory_space<hbm>> -> memref<16384xi32, #tpu.memory_space<hbm>>
    %dma_start3A_11 = tpu.memref_slice %arg3[%add3A_8] : memref<4194304xi32, #tpu.memory_space<hbm>> -> memref<16384xi32, #tpu.memory_space<hbm>>
    tpu.enqueue_dma source(%dma_start3A_11 : memref<16384xi32, #tpu.memory_space<hbm>>) target(%arg7 : memref<16384xi32, #tpu.memory_space<vmem>>) target_semaphore(%arg12 : memref<!tpu.dma_semaphore, #tpu.memory_space<semaphore_mem>>)
    %scan3A = arith.constant 0 : i32
    %scan3A_12 = arith.constant 0 : i32
    %scan3A_13 = arith.constant 4 : i32
    %scan3A_14 = arith.addi %scan3A_12, %scan3A_13 : i32
    %scan3A_15 = arith.constant 1 : i32
    scf.for %scan3A_17 = %scan3A_12 to %scan3A_14 step %scan3A_15  : i32 {
      %mul3A_18 = arith.constant 2 : i32
      %mul3A_19 = arith.muli %mul3A_18, %scan3A_17 : i32
      %add3A_20 = arith.constant 1 : i32
      %add3A_21 = arith.addi %mul3A_19, %add3A_20 : i32
      %mul3A_22 = arith.constant 131072 : i32
      %mul3A_23 = arith.muli %add3A, %mul3A_22 : i32
      %mul3A_24 = arith.constant 16384 : i32
      %mul3A_25 = arith.muli %add3A_21, %mul3A_24 : i32
      %add3A_26 = arith.addi %mul3A_23, %mul3A_25 : i32
      %dma_start3A_27 = tpu.memref_slice %arg2[%add3A_26] : memref<4194304xf32, #tpu.memory_space<hbm>> -> memref<16384xf32, #tpu.memory_space<hbm>>
      %dma_start3A_28 = tpu.memref_slice %arg2[%add3A_26] : memref<4194304xf32, #tpu.memory_space<hbm>> -> memref<16384xf32, #tpu.memory_space<hbm>>
      tpu.enqueue_dma source(%dma_start3A_28 : memref<16384xf32, #tpu.memory_space<hbm>>) target(%arg8 : memref<16384xf32, #tpu.memory_space<vmem>>) target_semaphore(%arg13 : memref<!tpu.dma_semaphore, #tpu.memory_space<semaphore_mem>>)
      %dma_start3A_29 = tpu.memref_slice %arg3[%add3A_26] : memref<4194304xi32, #tpu.memory_space<hbm>> -> memref<16384xi32, #tpu.memory_space<hbm>>
      %dma_start3A_30 = tpu.memref_slice %arg3[%add3A_26] : memref<4194304xi32, #tpu.memory_space<hbm>> -> memref<16384xi32, #tpu.memory_space<hbm>>
      tpu.enqueue_dma source(%dma_start3A_30 : memref<16384xi32, #tpu.memory_space<hbm>>) target(%arg9 : memref<16384xi32, #tpu.memory_space<vmem>>) target_semaphore(%arg14 : memref<!tpu.dma_semaphore, #tpu.memory_space<semaphore_mem>>)
      %mul3A_31 = arith.constant 2 : i32
      %mul3A_32 = arith.muli %mul3A_31, %scan3A_17 : i32
      %mul3A_33 = arith.constant 131072 : i32
      %mul3A_34 = arith.muli %add3A, %mul3A_33 : i32
      %mul3A_35 = arith.constant 16384 : i32
      %mul3A_36 = arith.muli %mul3A_32, %mul3A_35 : i32
      %add3A_37 = arith.addi %mul3A_34, %mul3A_36 : i32
      %dma_wait3A = tpu.memref_slice %arg2[%add3A_37] : memref<4194304xf32, #tpu.memory_space<hbm>> -> memref<16384xf32, #tpu.memory_space<hbm>>
      %dma_wait3A_38 = tpu.memref_slice %arg2[%add3A_37] : memref<4194304xf32, #tpu.memory_space<hbm>> -> memref<16384xf32, #tpu.memory_space<hbm>>
      tpu.wait_dma2 semaphore(%arg11 : memref<!tpu.dma_semaphore, #tpu.memory_space<semaphore_mem>>) src(%dma_wait3A_38 : memref<16384xf32, #tpu.memory_space<hbm>>) dst(%arg6 : memref<16384xf32, #tpu.memory_space<vmem>>)
      %dma_wait3A_39 = tpu.memref_slice %arg3[%add3A_37] : memref<4194304xi32, #tpu.memory_space<hbm>> -> memref<16384xi32, #tpu.memory_space<hbm>>
      %dma_wait3A_40 = tpu.memref_slice %arg3[%add3A_37] : memref<4194304xi32, #tpu.memory_space<hbm>> -> memref<16384xi32, #tpu.memory_space<hbm>>
      tpu.wait_dma2 semaphore(%arg12 : memref<!tpu.dma_semaphore, #tpu.memory_space<semaphore_mem>>) src(%dma_wait3A_40 : memref<16384xi32, #tpu.memory_space<hbm>>) dst(%arg7 : memref<16384xi32, #tpu.memory_space<vmem>>)
      %scan3A_41 = arith.constant 0 : i32
      %scan3A_42 = arith.constant 0 : i32
      %scan3A_43 = arith.constant 64 : i32
      %scan3A_44 = arith.addi %scan3A_42, %scan3A_43 : i32
      %scan3A_45 = arith.constant 1 : i32
      scf.for %scan3A_70 = %scan3A_42 to %scan3A_44 step %scan3A_45  : i32 {
        %mul3A_71 = arith.constant 16 : i32
        %mul3A_72 = arith.muli %scan3A_70, %mul3A_71 : i32
        %add3A_73 = arith.constant 0 : i32
        %add3A_74 = arith.addi %mul3A_72, %add3A_73 : i32
        %mul3A_75 = arith.constant 16 : i32
        %mul3A_76 = arith.muli %add3A_74, %mul3A_75 : i32
        %get3A = arith.index_cast %mul3A_76 : i32 to index
        %get3A_77 = tpu.vector_load %arg6[%get3A] {strides = array<i32>} : memref<16384xf32, #tpu.memory_space<vmem>>, vector<16xf32>,
        %get3A_78 = arith.index_cast %mul3A_76 : i32 to index
        %get3A_79 = tpu.vector_load %arg7[%get3A_78] {strides = array<i32>} : memref<16384xi32, #tpu.memory_space<vmem>>, vector<16xi32>,
        %eq3A = arith.constant 0 : i32
        %eq3A_80 = vector.broadcast %eq3A : i32 to vector<16xi32>
        %eq3A_81 = arith.cmpi eq, %get3A_79, %eq3A_80 : vector<16xi32>
        %bitcast3A = vector.bitcast %get3A_77 : vector<16xf32> to vector<16xi32>
        %shift_right_arithmetic3A = arith.constant 31 : i32
        %shift_right_arithmetic3A_82 = vector.broadcast %shift_right_arithmetic3A : i32 to vector<16xi32>
        %shift_right_arithmetic3A_83 = arith.shrsi %bitcast3A, %shift_right_arithmetic3A_82 : vector<16xi32>
        %and3A = arith.constant 2147483647 : i32
        %and3A_84 = vector.broadcast %and3A : i32 to vector<16xi32>
        %and3A_85 = arith.andi %shift_right_arithmetic3A_83, %and3A_84 : vector<16xi32>
        %xor3A = arith.xori %bitcast3A, %and3A_85 : vector<16xi32>
        %shift_right_arithmetic3A_86 = arith.constant 17 : i32
        %shift_right_arithmetic3A_87 = vector.broadcast %shift_right_arithmetic3A_86 : i32 to vector<16xi32>
        %shift_right_arithmetic3A_88 = arith.shrsi %xor3A, %shift_right_arithmetic3A_87 : vector<16xi32>
        %and3A_89 = arith.constant -16 : i32
        %and3A_90 = vector.broadcast %and3A_89 : i32 to vector<16xi32>
        %and3A_91 = arith.andi %shift_right_arithmetic3A_88, %and3A_90 : vector<16xi32>
        %add3A_92 = arith.addi %and3A_91, %add3A_3 : vector<16xi32>
        %shift_right_arithmetic3A_93 = arith.constant 8 : i32
        %shift_right_arithmetic3A_94 = vector.broadcast %shift_right_arithmetic3A_93 : i32 to vector<16xi32>
        %shift_right_arithmetic3A_95 = arith.shrsi %add3A_92, %shift_right_arithmetic3A_94 : vector<16xi32>
        %and3A_96 = arith.constant 255 : i32
        %and3A_97 = vector.broadcast %and3A_96 : i32 to vector<16xi32>
        %and3A_98 = arith.andi %add3A_92, %and3A_97 : vector<16xi32>
        tpu.vector_store_idx %arg10[%shift_right_arithmetic3A_95, %and3A_98], %broadcast_in_dim3A_4 masked %eq3A_81 {add = true} : memref<128x256xi32, #tpu.memory_space<vmem>>[vector<16xi32>, vector<16xi32>], vector<16xi32>, vector<16xi1>
        %mul3A_99 = arith.constant 16 : i32
        %mul3A_100 = arith.muli %scan3A_70, %mul3A_99 : i32
        %add3A_101 = arith.constant 1 : i32
        %add3A_102 = arith.addi %mul3A_100, %add3A_101 : i32
        %mul3A_103 = arith.constant 16 : i32
        %mul3A_104 = arith.muli %add3A_102, %mul3A_103 : i32
        %get3A_105 = arith.index_cast %mul3A_104 : i32 to index
        %get3A_106 = tpu.vector_load %arg6[%get3A_105] {strides = array<i32>} : memref<16384xf32, #tpu.memory_space<vmem>>, vector<16xf32>,
        %get3A_107 = arith.index_cast %mul3A_104 : i32 to index
        %get3A_108 = tpu.vector_load %arg7[%get3A_107] {strides = array<i32>} : memref<16384xi32, #tpu.memory_space<vmem>>, vector<16xi32>,
        %eq3A_109 = arith.constant 0 : i32
        %eq3A_110 = vector.broadcast %eq3A_109 : i32 to vector<16xi32>
        %eq3A_111 = arith.cmpi eq, %get3A_108, %eq3A_110 : vector<16xi32>
        %bitcast3A_112 = vector.bitcast %get3A_106 : vector<16xf32> to vector<16xi32>
        %shift_right_arithmetic3A_113 = arith.constant 31 : i32
        %shift_right_arithmetic3A_114 = vector.broadcast %shift_right_arithmetic3A_113 : i32 to vector<16xi32>
        %shift_right_arithmetic3A_115 = arith.shrsi %bitcast3A_112, %shift_right_arithmetic3A_114 : vector<16xi32>
        %and3A_116 = arith.constant 2147483647 : i32
        %and3A_117 = vector.broadcast %and3A_116 : i32 to vector<16xi32>
        %and3A_118 = arith.andi %shift_right_arithmetic3A_115, %and3A_117 : vector<16xi32>
        %xor3A_119 = arith.xori %bitcast3A_112, %and3A_118 : vector<16xi32>
        %shift_right_arithmetic3A_120 = arith.constant 17 : i32
        %shift_right_arithmetic3A_121 = vector.broadcast %shift_right_arithmetic3A_120 : i32 to vector<16xi32>
        %shift_right_arithmetic3A_122 = arith.shrsi %xor3A_119, %shift_right_arithmetic3A_121 : vector<16xi32>
        %and3A_123 = arith.constant -16 : i32
        %and3A_124 = vector.broadcast %and3A_123 : i32 to vector<16xi32>
        %and3A_125 = arith.andi %shift_right_arithmetic3A_122, %and3A_124 : vector<16xi32>
        %add3A_126 = arith.addi %and3A_125, %add3A_3 : vector<16xi32>
        %shift_right_arithmetic3A_127 = arith.constant 8 : i32
        %shift_right_arithmetic3A_128 = vector.broadcast %shift_right_arithmetic3A_127 : i32 to vector<16xi32>
        %shift_right_arithmetic3A_129 = arith.shrsi %add3A_126, %shift_right_arithmetic3A_128 : vector<16xi32>
        %and3A_130 = arith.constant 255 : i32
        %and3A_131 = vector.broadcast %and3A_130 : i32 to vector<16xi32>
        %and3A_132 = arith.andi %add3A_126, %and3A_131 : vector<16xi32>
        tpu.vector_store_idx %arg10[%shift_right_arithmetic3A_129, %and3A_132], %broadcast_in_dim3A_4 masked %eq3A_111 {add = true} : memref<128x256xi32, #tpu.memory_space<vmem>>[vector<16xi32>, vector<16xi32>], vector<16xi32>, vector<16xi1>
        %mul3A_133 = arith.constant 16 : i32
        %mul3A_134 = arith.muli %scan3A_70, %mul3A_133 : i32
        %add3A_135 = arith.constant 2 : i32
        %add3A_136 = arith.addi %mul3A_134, %add3A_135 : i32
        %mul3A_137 = arith.constant 16 : i32
        %mul3A_138 = arith.muli %add3A_136, %mul3A_137 : i32
        %get3A_139 = arith.index_cast %mul3A_138 : i32 to index
        %get3A_140 = tpu.vector_load %arg6[%get3A_139] {strides = array<i32>} : memref<16384xf32, #tpu.memory_space<vmem>>, vector<16xf32>,
        %get3A_141 = arith.index_cast %mul3A_138 : i32 to index
        %get3A_142 = tpu.vector_load %arg7[%get3A_141] {strides = array<i32>} : memref<16384xi32, #tpu.memory_space<vmem>>, vector<16xi32>,
        %eq3A_143 = arith.constant 0 : i32
        %eq3A_144 = vector.broadcast %eq3A_143 : i32 to vector<16xi32>
        %eq3A_145 = arith.cmpi eq, %get3A_142, %eq3A_144 : vector<16xi32>
        %bitcast3A_146 = vector.bitcast %get3A_140 : vector<16xf32> to vector<16xi32>
        %shift_right_arithmetic3A_147 = arith.constant 31 : i32
        %shift_right_arithmetic3A_148 = vector.broadcast %shift_right_arithmetic3A_147 : i32 to vector<16xi32>
        %shift_right_arithmetic3A_149 = arith.shrsi %bitcast3A_146, %shift_right_arithmetic3A_148 : vector<16xi32>
        %and3A_150 = arith.constant 2147483647 : i32
        %and3A_151 = vector.broadcast %and3A_150 : i32 to vector<16xi32>
        %and3A_152 = arith.andi %shift_right_arithmetic3A_149, %and3A_151 : vector<16xi32>
        %xor3A_153 = arith.xori %bitcast3A_146, %and3A_152 : vector<16xi32>
        %shift_right_arithmetic3A_154 = arith.constant 17 : i32
        %shift_right_arithmetic3A_155 = vector.broadcast %shift_right_arithmetic3A_154 : i32 to vector<16xi32>
        %shift_right_arithmetic3A_156 = arith.shrsi %xor3A_153, %shift_right_arithmetic3A_155 : vector<16xi32>
        %and3A_157 = arith.constant -16 : i32
        %and3A_158 = vector.broadcast %and3A_157 : i32 to vector<16xi32>
        %and3A_159 = arith.andi %shift_right_arithmetic3A_156, %and3A_158 : vector<16xi32>
        %add3A_160 = arith.addi %and3A_159, %add3A_3 : vector<16xi32>
        %shift_right_arithmetic3A_161 = arith.constant 8 : i32
        %shift_right_arithmetic3A_162 = vector.broadcast %shift_right_arithmetic3A_161 : i32 to vector<16xi32>
        %shift_right_arithmetic3A_163 = arith.shrsi %add3A_160, %shift_right_arithmetic3A_162 : vector<16xi32>
        %and3A_164 = arith.constant 255 : i32
        %and3A_165 = vector.broadcast %and3A_164 : i32 to vector<16xi32>
        %and3A_166 = arith.andi %add3A_160, %and3A_165 : vector<16xi32>
        tpu.vector_store_idx %arg10[%shift_right_arithmetic3A_163, %and3A_166], %broadcast_in_dim3A_4 masked %eq3A_145 {add = true} : memref<128x256xi32, #tpu.memory_space<vmem>>[vector<16xi32>, vector<16xi32>], vector<16xi32>, vector<16xi1>
        %mul3A_167 = arith.constant 16 : i32
        %mul3A_168 = arith.muli %scan3A_70, %mul3A_167 : i32
        %add3A_169 = arith.constant 3 : i32
        %add3A_170 = arith.addi %mul3A_168, %add3A_169 : i32
        %mul3A_171 = arith.constant 16 : i32
        %mul3A_172 = arith.muli %add3A_170, %mul3A_171 : i32
        %get3A_173 = arith.index_cast %mul3A_172 : i32 to index
        %get3A_174 = tpu.vector_load %arg6[%get3A_173] {strides = array<i32>} : memref<16384xf32, #tpu.memory_space<vmem>>, vector<16xf32>,
        %get3A_175 = arith.index_cast %mul3A_172 : i32 to index
        %get3A_176 = tpu.vector_load %arg7[%get3A_175] {strides = array<i32>} : memref<16384xi32, #tpu.memory_space<vmem>>, vector<16xi32>,
        %eq3A_177 = arith.constant 0 : i32
        %eq3A_178 = vector.broadcast %eq3A_177 : i32 to vector<16xi32>
        %eq3A_179 = arith.cmpi eq, %get3A_176, %eq3A_178 : vector<16xi32>
        %bitcast3A_180 = vector.bitcast %get3A_174 : vector<16xf32> to vector<16xi32>
        %shift_right_arithmetic3A_181 = arith.constant 31 : i32
        %shift_right_arithmetic3A_182 = vector.broadcast %shift_right_arithmetic3A_181 : i32 to vector<16xi32>
        %shift_right_arithmetic3A_183 = arith.shrsi %bitcast3A_180, %shift_right_arithmetic3A_182 : vector<16xi32>
        %and3A_184 = arith.constant 2147483647 : i32
        %and3A_185 = vector.broadcast %and3A_184 : i32 to vector<16xi32>
        %and3A_186 = arith.andi %shift_right_arithmetic3A_183, %and3A_185 : vector<16xi32>
        %xor3A_187 = arith.xori %bitcast3A_180, %and3A_186 : vector<16xi32>
        %shift_right_arithmetic3A_188 = arith.constant 17 : i32
        %shift_right_arithmetic3A_189 = vector.broadcast %shift_right_arithmetic3A_188 : i32 to vector<16xi32>
        %shift_right_arithmetic3A_190 = arith.shrsi %xor3A_187, %shift_right_arithmetic3A_189 : vector<16xi32>
        %and3A_191 = arith.constant -16 : i32
        %and3A_192 = vector.broadcast %and3A_191 : i32 to vector<16xi32>
        %and3A_193 = arith.andi %shift_right_arithmetic3A_190, %and3A_192 : vector<16xi32>
        %add3A_194 = arith.addi %and3A_193, %add3A_3 : vector<16xi32>
        %shift_right_arithmetic3A_195 = arith.constant 8 : i32
        %shift_right_arithmetic3A_196 = vector.broadcast %shift_right_arithmetic3A_195 : i32 to vector<16xi32>
        %shift_right_arithmetic3A_197 = arith.shrsi %add3A_194, %shift_right_arithmetic3A_196 : vector<16xi32>
        %and3A_198 = arith.constant 255 : i32
        %and3A_199 = vector.broadcast %and3A_198 : i32 to vector<16xi32>
        %and3A_200 = arith.andi %add3A_194, %and3A_199 : vector<16xi32>
        tpu.vector_store_idx %arg10[%shift_right_arithmetic3A_197, %and3A_200], %broadcast_in_dim3A_4 masked %eq3A_179 {add = true} : memref<128x256xi32, #tpu.memory_space<vmem>>[vector<16xi32>, vector<16xi32>], vector<16xi32>, vector<16xi1>
        %mul3A_201 = arith.constant 16 : i32
        %mul3A_202 = arith.muli %scan3A_70, %mul3A_201 : i32
        %add3A_203 = arith.constant 4 : i32
        %add3A_204 = arith.addi %mul3A_202, %add3A_203 : i32
        %mul3A_205 = arith.constant 16 : i32
        %mul3A_206 = arith.muli %add3A_204, %mul3A_205 : i32
        %get3A_207 = arith.index_cast %mul3A_206 : i32 to index
        %get3A_208 = tpu.vector_load %arg6[%get3A_207] {strides = array<i32>} : memref<16384xf32, #tpu.memory_space<vmem>>, vector<16xf32>,
        %get3A_209 = arith.index_cast %mul3A_206 : i32 to index
        %get3A_210 = tpu.vector_load %arg7[%get3A_209] {strides = array<i32>} : memref<16384xi32, #tpu.memory_space<vmem>>, vector<16xi32>,
        %eq3A_211 = arith.constant 0 : i32
        %eq3A_212 = vector.broadcast %eq3A_211 : i32 to vector<16xi32>
        %eq3A_213 = arith.cmpi eq, %get3A_210, %eq3A_212 : vector<16xi32>
        %bitcast3A_214 = vector.bitcast %get3A_208 : vector<16xf32> to vector<16xi32>
        %shift_right_arithmetic3A_215 = arith.constant 31 : i32
        %shift_right_arithmetic3A_216 = vector.broadcast %shift_right_arithmetic3A_215 : i32 to vector<16xi32>
        %shift_right_arithmetic3A_217 = arith.shrsi %bitcast3A_214, %shift_right_arithmetic3A_216 : vector<16xi32>
        %and3A_218 = arith.constant 2147483647 : i32
        %and3A_219 = vector.broadcast %and3A_218 : i32 to vector<16xi32>
        %and3A_220 = arith.andi %shift_right_arithmetic3A_217, %and3A_219 : vector<16xi32>
        %xor3A_221 = arith.xori %bitcast3A_214, %and3A_220 : vector<16xi32>
        %shift_right_arithmetic3A_222 = arith.constant 17 : i32
        %shift_right_arithmetic3A_223 = vector.broadcast %shift_right_arithmetic3A_222 : i32 to vector<16xi32>
        %shift_right_arithmetic3A_224 = arith.shrsi %xor3A_221, %shift_right_arithmetic3A_223 : vector<16xi32>
        %and3A_225 = arith.constant -16 : i32
        %and3A_226 = vector.broadcast %and3A_225 : i32 to vector<16xi32>
        %and3A_227 = arith.andi %shift_right_arithmetic3A_224, %and3A_226 : vector<16xi32>
        %add3A_228 = arith.addi %and3A_227, %add3A_3 : vector<16xi32>
        %shift_right_arithmetic3A_229 = arith.constant 8 : i32
        %shift_right_arithmetic3A_230 = vector.broadcast %shift_right_arithmetic3A_229 : i32 to vector<16xi32>
        %shift_right_arithmetic3A_231 = arith.shrsi %add3A_228, %shift_right_arithmetic3A_230 : vector<16xi32>
        %and3A_232 = arith.constant 255 : i32
        %and3A_233 = vector.broadcast %and3A_232 : i32 to vector<16xi32>
        %and3A_234 = arith.andi %add3A_228, %and3A_233 : vector<16xi32>
        tpu.vector_store_idx %arg10[%shift_right_arithmetic3A_231, %and3A_234], %broadcast_in_dim3A_4 masked %eq3A_213 {add = true} : memref<128x256xi32, #tpu.memory_space<vmem>>[vector<16xi32>, vector<16xi32>], vector<16xi32>, vector<16xi1>
        %mul3A_235 = arith.constant 16 : i32
        %mul3A_236 = arith.muli %scan3A_70, %mul3A_235 : i32
        %add3A_237 = arith.constant 5 : i32
        %add3A_238 = arith.addi %mul3A_236, %add3A_237 : i32
        %mul3A_239 = arith.constant 16 : i32
        %mul3A_240 = arith.muli %add3A_238, %mul3A_239 : i32
        %get3A_241 = arith.index_cast %mul3A_240 : i32 to index
        %get3A_242 = tpu.vector_load %arg6[%get3A_241] {strides = array<i32>} : memref<16384xf32, #tpu.memory_space<vmem>>, vector<16xf32>,
        %get3A_243 = arith.index_cast %mul3A_240 : i32 to index
        %get3A_244 = tpu.vector_load %arg7[%get3A_243] {strides = array<i32>} : memref<16384xi32, #tpu.memory_space<vmem>>, vector<16xi32>,
        %eq3A_245 = arith.constant 0 : i32
        %eq3A_246 = vector.broadcast %eq3A_245 : i32 to vector<16xi32>
        %eq3A_247 = arith.cmpi eq, %get3A_244, %eq3A_246 : vector<16xi32>
        %bitcast3A_248 = vector.bitcast %get3A_242 : vector<16xf32> to vector<16xi32>
        %shift_right_arithmetic3A_249 = arith.constant 31 : i32
        %shift_right_arithmetic3A_250 = vector.broadcast %shift_right_arithmetic3A_249 : i32 to vector<16xi32>
        %shift_right_arithmetic3A_251 = arith.shrsi %bitcast3A_248, %shift_right_arithmetic3A_250 : vector<16xi32>
        %and3A_252 = arith.constant 2147483647 : i32
        %and3A_253 = vector.broadcast %and3A_252 : i32 to vector<16xi32>
        %and3A_254 = arith.andi %shift_right_arithmetic3A_251, %and3A_253 : vector<16xi32>
        %xor3A_255 = arith.xori %bitcast3A_248, %and3A_254 : vector<16xi32>
        %shift_right_arithmetic3A_256 = arith.constant 17 : i32
        %shift_right_arithmetic3A_257 = vector.broadcast %shift_right_arithmetic3A_256 : i32 to vector<16xi32>
        %shift_right_arithmetic3A_258 = arith.shrsi %xor3A_255, %shift_right_arithmetic3A_257 : vector<16xi32>
        %and3A_259 = arith.constant -16 : i32
        %and3A_260 = vector.broadcast %and3A_259 : i32 to vector<16xi32>
        %and3A_261 = arith.andi %shift_right_arithmetic3A_258, %and3A_260 : vector<16xi32>
        %add3A_262 = arith.addi %and3A_261, %add3A_3 : vector<16xi32>
        %shift_right_arithmetic3A_263 = arith.constant 8 : i32
        %shift_right_arithmetic3A_264 = vector.broadcast %shift_right_arithmetic3A_263 : i32 to vector<16xi32>
        %shift_right_arithmetic3A_265 = arith.shrsi %add3A_262, %shift_right_arithmetic3A_264 : vector<16xi32>
        %and3A_266 = arith.constant 255 : i32
        %and3A_267 = vector.broadcast %and3A_266 : i32 to vector<16xi32>
        %and3A_268 = arith.andi %add3A_262, %and3A_267 : vector<16xi32>
        tpu.vector_store_idx %arg10[%shift_right_arithmetic3A_265, %and3A_268], %broadcast_in_dim3A_4 masked %eq3A_247 {add = true} : memref<128x256xi32, #tpu.memory_space<vmem>>[vector<16xi32>, vector<16xi32>], vector<16xi32>, vector<16xi1>
        %mul3A_269 = arith.constant 16 : i32
        %mul3A_270 = arith.muli %scan3A_70, %mul3A_269 : i32
        %add3A_271 = arith.constant 6 : i32
        %add3A_272 = arith.addi %mul3A_270, %add3A_271 : i32
        %mul3A_273 = arith.constant 16 : i32
        %mul3A_274 = arith.muli %add3A_272, %mul3A_273 : i32
        %get3A_275 = arith.index_cast %mul3A_274 : i32 to index
        %get3A_276 = tpu.vector_load %arg6[%get3A_275] {strides = array<i32>} : memref<16384xf32, #tpu.memory_space<vmem>>, vector<16xf32>,
        %get3A_277 = arith.index_cast %mul3A_274 : i32 to index
        %get3A_278 = tpu.vector_load %arg7[%get3A_277] {strides = array<i32>} : memref<16384xi32, #tpu.memory_space<vmem>>, vector<16xi32>,
        %eq3A_279 = arith.constant 0 : i32
        %eq3A_280 = vector.broadcast %eq3A_279 : i32 to vector<16xi32>
        %eq3A_281 = arith.cmpi eq, %get3A_278, %eq3A_280 : vector<16xi32>
        %bitcast3A_282 = vector.bitcast %get3A_276 : vector<16xf32> to vector<16xi32>
        %shift_right_arithmetic3A_283 = arith.constant 31 : i32
        %shift_right_arithmetic3A_284 = vector.broadcast %shift_right_arithmetic3A_283 : i32 to vector<16xi32>
        %shift_right_arithmetic3A_285 = arith.shrsi %bitcast3A_282, %shift_right_arithmetic3A_284 : vector<16xi32>
        %and3A_286 = arith.constant 2147483647 : i32
        %and3A_287 = vector.broadcast %and3A_286 : i32 to vector<16xi32>
        %and3A_288 = arith.andi %shift_right_arithmetic3A_285, %and3A_287 : vector<16xi32>
        %xor3A_289 = arith.xori %bitcast3A_282, %and3A_288 : vector<16xi32>
        %shift_right_arithmetic3A_290 = arith.constant 17 : i32
        %shift_right_arithmetic3A_291 = vector.broadcast %shift_right_arithmetic3A_290 : i32 to vector<16xi32>
        %shift_right_arithmetic3A_292 = arith.shrsi %xor3A_289, %shift_right_arithmetic3A_291 : vector<16xi32>
        %and3A_293 = arith.constant -16 : i32
        %and3A_294 = vector.broadcast %and3A_293 : i32 to vector<16xi32>
        %and3A_295 = arith.andi %shift_right_arithmetic3A_292, %and3A_294 : vector<16xi32>
        %add3A_296 = arith.addi %and3A_295, %add3A_3 : vector<16xi32>
        %shift_right_arithmetic3A_297 = arith.constant 8 : i32
        %shift_right_arithmetic3A_298 = vector.broadcast %shift_right_arithmetic3A_297 : i32 to vector<16xi32>
        %shift_right_arithmetic3A_299 = arith.shrsi %add3A_296, %shift_right_arithmetic3A_298 : vector<16xi32>
        %and3A_300 = arith.constant 255 : i32
        %and3A_301 = vector.broadcast %and3A_300 : i32 to vector<16xi32>
        %and3A_302 = arith.andi %add3A_296, %and3A_301 : vector<16xi32>
        tpu.vector_store_idx %arg10[%shift_right_arithmetic3A_299, %and3A_302], %broadcast_in_dim3A_4 masked %eq3A_281 {add = true} : memref<128x256xi32, #tpu.memory_space<vmem>>[vector<16xi32>, vector<16xi32>], vector<16xi32>, vector<16xi1>
        %mul3A_303 = arith.constant 16 : i32
        %mul3A_304 = arith.muli %scan3A_70, %mul3A_303 : i32
        %add3A_305 = arith.constant 7 : i32
        %add3A_306 = arith.addi %mul3A_304, %add3A_305 : i32
        %mul3A_307 = arith.constant 16 : i32
        %mul3A_308 = arith.muli %add3A_306, %mul3A_307 : i32
        %get3A_309 = arith.index_cast %mul3A_308 : i32 to index
        %get3A_310 = tpu.vector_load %arg6[%get3A_309] {strides = array<i32>} : memref<16384xf32, #tpu.memory_space<vmem>>, vector<16xf32>,
        %get3A_311 = arith.index_cast %mul3A_308 : i32 to index
        %get3A_312 = tpu.vector_load %arg7[%get3A_311] {strides = array<i32>} : memref<16384xi32, #tpu.memory_space<vmem>>, vector<16xi32>,
        %eq3A_313 = arith.constant 0 : i32
        %eq3A_314 = vector.broadcast %eq3A_313 : i32 to vector<16xi32>
        %eq3A_315 = arith.cmpi eq, %get3A_312, %eq3A_314 : vector<16xi32>
        %bitcast3A_316 = vector.bitcast %get3A_310 : vector<16xf32> to vector<16xi32>
        %shift_right_arithmetic3A_317 = arith.constant 31 : i32
        %shift_right_arithmetic3A_318 = vector.broadcast %shift_right_arithmetic3A_317 : i32 to vector<16xi32>
        %shift_right_arithmetic3A_319 = arith.shrsi %bitcast3A_316, %shift_right_arithmetic3A_318 : vector<16xi32>
        %and3A_320 = arith.constant 2147483647 : i32
        %and3A_321 = vector.broadcast %and3A_320 : i32 to vector<16xi32>
        %and3A_322 = arith.andi %shift_right_arithmetic3A_319, %and3A_321 : vector<16xi32>
        %xor3A_323 = arith.xori %bitcast3A_316, %and3A_322 : vector<16xi32>
        %shift_right_arithmetic3A_324 = arith.constant 17 : i32
        %shift_right_arithmetic3A_325 = vector.broadcast %shift_right_arithmetic3A_324 : i32 to vector<16xi32>
        %shift_right_arithmetic3A_326 = arith.shrsi %xor3A_323, %shift_right_arithmetic3A_325 : vector<16xi32>
        %and3A_327 = arith.constant -16 : i32
        %and3A_328 = vector.broadcast %and3A_327 : i32 to vector<16xi32>
        %and3A_329 = arith.andi %shift_right_arithmetic3A_326, %and3A_328 : vector<16xi32>
        %add3A_330 = arith.addi %and3A_329, %add3A_3 : vector<16xi32>
        %shift_right_arithmetic3A_331 = arith.constant 8 : i32
        %shift_right_arithmetic3A_332 = vector.broadcast %shift_right_arithmetic3A_331 : i32 to vector<16xi32>
        %shift_right_arithmetic3A_333 = arith.shrsi %add3A_330, %shift_right_arithmetic3A_332 : vector<16xi32>
        %and3A_334 = arith.constant 255 : i32
        %and3A_335 = vector.broadcast %and3A_334 : i32 to vector<16xi32>
        %and3A_336 = arith.andi %add3A_330, %and3A_335 : vector<16xi32>
        tpu.vector_store_idx %arg10[%shift_right_arithmetic3A_333, %and3A_336], %broadcast_in_dim3A_4 masked %eq3A_315 {add = true} : memref<128x256xi32, #tpu.memory_space<vmem>>[vector<16xi32>, vector<16xi32>], vector<16xi32>, vector<16xi1>
        %mul3A_337 = arith.constant 16 : i32
        %mul3A_338 = arith.muli %scan3A_70, %mul3A_337 : i32
        %add3A_339 = arith.constant 8 : i32
        %add3A_340 = arith.addi %mul3A_338, %add3A_339 : i32
        %mul3A_341 = arith.constant 16 : i32
        %mul3A_342 = arith.muli %add3A_340, %mul3A_341 : i32
        %get3A_343 = arith.index_cast %mul3A_342 : i32 to index
        %get3A_344 = tpu.vector_load %arg6[%get3A_343] {strides = array<i32>} : memref<16384xf32, #tpu.memory_space<vmem>>, vector<16xf32>,
        %get3A_345 = arith.index_cast %mul3A_342 : i32 to index
        %get3A_346 = tpu.vector_load %arg7[%get3A_345] {strides = array<i32>} : memref<16384xi32, #tpu.memory_space<vmem>>, vector<16xi32>,
        %eq3A_347 = arith.constant 0 : i32
        %eq3A_348 = vector.broadcast %eq3A_347 : i32 to vector<16xi32>
        %eq3A_349 = arith.cmpi eq, %get3A_346, %eq3A_348 : vector<16xi32>
        %bitcast3A_350 = vector.bitcast %get3A_344 : vector<16xf32> to vector<16xi32>
        %shift_right_arithmetic3A_351 = arith.constant 31 : i32
        %shift_right_arithmetic3A_352 = vector.broadcast %shift_right_arithmetic3A_351 : i32 to vector<16xi32>
        %shift_right_arithmetic3A_353 = arith.shrsi %bitcast3A_350, %shift_right_arithmetic3A_352 : vector<16xi32>
        %and3A_354 = arith.constant 2147483647 : i32
        %and3A_355 = vector.broadcast %and3A_354 : i32 to vector<16xi32>
        %and3A_356 = arith.andi %shift_right_arithmetic3A_353, %and3A_355 : vector<16xi32>
        %xor3A_357 = arith.xori %bitcast3A_350, %and3A_356 : vector<16xi32>
        %shift_right_arithmetic3A_358 = arith.constant 17 : i32
        %shift_right_arithmetic3A_359 = vector.broadcast %shift_right_arithmetic3A_358 : i32 to vector<16xi32>
        %shift_right_arithmetic3A_360 = arith.shrsi %xor3A_357, %shift_right_arithmetic3A_359 : vector<16xi32>
        %and3A_361 = arith.constant -16 : i32
        %and3A_362 = vector.broadcast %and3A_361 : i32 to vector<16xi32>
        %and3A_363 = arith.andi %shift_right_arithmetic3A_360, %and3A_362 : vector<16xi32>
        %add3A_364 = arith.addi %and3A_363, %add3A_3 : vector<16xi32>
        %shift_right_arithmetic3A_365 = arith.constant 8 : i32
        %shift_right_arithmetic3A_366 = vector.broadcast %shift_right_arithmetic3A_365 : i32 to vector<16xi32>
        %shift_right_arithmetic3A_367 = arith.shrsi %add3A_364, %shift_right_arithmetic3A_366 : vector<16xi32>
        %and3A_368 = arith.constant 255 : i32
        %and3A_369 = vector.broadcast %and3A_368 : i32 to vector<16xi32>
        %and3A_370 = arith.andi %add3A_364, %and3A_369 : vector<16xi32>
        tpu.vector_store_idx %arg10[%shift_right_arithmetic3A_367, %and3A_370], %broadcast_in_dim3A_4 masked %eq3A_349 {add = true} : memref<128x256xi32, #tpu.memory_space<vmem>>[vector<16xi32>, vector<16xi32>], vector<16xi32>, vector<16xi1>
        %mul3A_371 = arith.constant 16 : i32
        %mul3A_372 = arith.muli %scan3A_70, %mul3A_371 : i32
        %add3A_373 = arith.constant 9 : i32
        %add3A_374 = arith.addi %mul3A_372, %add3A_373 : i32
        %mul3A_375 = arith.constant 16 : i32
        %mul3A_376 = arith.muli %add3A_374, %mul3A_375 : i32
        %get3A_377 = arith.index_cast %mul3A_376 : i32 to index
        %get3A_378 = tpu.vector_load %arg6[%get3A_377] {strides = array<i32>} : memref<16384xf32, #tpu.memory_space<vmem>>, vector<16xf32>,
        %get3A_379 = arith.index_cast %mul3A_376 : i32 to index
        %get3A_380 = tpu.vector_load %arg7[%get3A_379] {strides = array<i32>} : memref<16384xi32, #tpu.memory_space<vmem>>, vector<16xi32>,
        %eq3A_381 = arith.constant 0 : i32
        %eq3A_382 = vector.broadcast %eq3A_381 : i32 to vector<16xi32>
        %eq3A_383 = arith.cmpi eq, %get3A_380, %eq3A_382 : vector<16xi32>
        %bitcast3A_384 = vector.bitcast %get3A_378 : vector<16xf32> to vector<16xi32>
        %shift_right_arithmetic3A_385 = arith.constant 31 : i32
        %shift_right_arithmetic3A_386 = vector.broadcast %shift_right_arithmetic3A_385 : i32 to vector<16xi32>
        %shift_right_arithmetic3A_387 = arith.shrsi %bitcast3A_384, %shift_right_arithmetic3A_386 : vector<16xi32>
        %and3A_388 = arith.constant 2147483647 : i32
        %and3A_389 = vector.broadcast %and3A_388 : i32 to vector<16xi32>
        %and3A_390 = arith.andi %shift_right_arithmetic3A_387, %and3A_389 : vector<16xi32>
        %xor3A_391 = arith.xori %bitcast3A_384, %and3A_390 : vector<16xi32>
        %shift_right_arithmetic3A_392 = arith.constant 17 : i32
        %shift_right_arithmetic3A_393 = vector.broadcast %shift_right_arithmetic3A_392 : i32 to vector<16xi32>
        %shift_right_arithmetic3A_394 = arith.shrsi %xor3A_391, %shift_right_arithmetic3A_393 : vector<16xi32>
        %and3A_395 = arith.constant -16 : i32
        %and3A_396 = vector.broadcast %and3A_395 : i32 to vector<16xi32>
        %and3A_397 = arith.andi %shift_right_arithmetic3A_394, %and3A_396 : vector<16xi32>
        %add3A_398 = arith.addi %and3A_397, %add3A_3 : vector<16xi32>
        %shift_right_arithmetic3A_399 = arith.constant 8 : i32
        %shift_right_arithmetic3A_400 = vector.broadcast %shift_right_arithmetic3A_399 : i32 to vector<16xi32>
        %shift_right_arithmetic3A_401 = arith.shrsi %add3A_398, %shift_right_arithmetic3A_400 : vector<16xi32>
        %and3A_402 = arith.constant 255 : i32
        %and3A_403 = vector.broadcast %and3A_402 : i32 to vector<16xi32>
        %and3A_404 = arith.andi %add3A_398, %and3A_403 : vector<16xi32>
        tpu.vector_store_idx %arg10[%shift_right_arithmetic3A_401, %and3A_404], %broadcast_in_dim3A_4 masked %eq3A_383 {add = true} : memref<128x256xi32, #tpu.memory_space<vmem>>[vector<16xi32>, vector<16xi32>], vector<16xi32>, vector<16xi1>
        %mul3A_405 = arith.constant 16 : i32
        %mul3A_406 = arith.muli %scan3A_70, %mul3A_405 : i32
        %add3A_407 = arith.constant 10 : i32
        %add3A_408 = arith.addi %mul3A_406, %add3A_407 : i32
        %mul3A_409 = arith.constant 16 : i32
        %mul3A_410 = arith.muli %add3A_408, %mul3A_409 : i32
        %get3A_411 = arith.index_cast %mul3A_410 : i32 to index
        %get3A_412 = tpu.vector_load %arg6[%get3A_411] {strides = array<i32>} : memref<16384xf32, #tpu.memory_space<vmem>>, vector<16xf32>,
        %get3A_413 = arith.index_cast %mul3A_410 : i32 to index
        %get3A_414 = tpu.vector_load %arg7[%get3A_413] {strides = array<i32>} : memref<16384xi32, #tpu.memory_space<vmem>>, vector<16xi32>,
        %eq3A_415 = arith.constant 0 : i32
        %eq3A_416 = vector.broadcast %eq3A_415 : i32 to vector<16xi32>
        %eq3A_417 = arith.cmpi eq, %get3A_414, %eq3A_416 : vector<16xi32>
        %bitcast3A_418 = vector.bitcast %get3A_412 : vector<16xf32> to vector<16xi32>
        %shift_right_arithmetic3A_419 = arith.constant 31 : i32
        %shift_right_arithmetic3A_420 = vector.broadcast %shift_right_arithmetic3A_419 : i32 to vector<16xi32>
        %shift_right_arithmetic3A_421 = arith.shrsi %bitcast3A_418, %shift_right_arithmetic3A_420 : vector<16xi32>
        %and3A_422 = arith.constant 2147483647 : i32
        %and3A_423 = vector.broadcast %and3A_422 : i32 to vector<16xi32>
        %and3A_424 = arith.andi %shift_right_arithmetic3A_421, %and3A_423 : vector<16xi32>
        %xor3A_425 = arith.xori %bitcast3A_418, %and3A_424 : vector<16xi32>
        %shift_right_arithmetic3A_426 = arith.constant 17 : i32
        %shift_right_arithmetic3A_427 = vector.broadcast %shift_right_arithmetic3A_426 : i32 to vector<16xi32>
        %shift_right_arithmetic3A_428 = arith.shrsi %xor3A_425, %shift_right_arithmetic3A_427 : vector<16xi32>
        %and3A_429 = arith.constant -16 : i32
        %and3A_430 = vector.broadcast %and3A_429 : i32 to vector<16xi32>
        %and3A_431 = arith.andi %shift_right_arithmetic3A_428, %and3A_430 : vector<16xi32>
        %add3A_432 = arith.addi %and3A_431, %add3A_3 : vector<16xi32>
        %shift_right_arithmetic3A_433 = arith.constant 8 : i32
        %shift_right_arithmetic3A_434 = vector.broadcast %shift_right_arithmetic3A_433 : i32 to vector<16xi32>
        %shift_right_arithmetic3A_435 = arith.shrsi %add3A_432, %shift_right_arithmetic3A_434 : vector<16xi32>
        %and3A_436 = arith.constant 255 : i32
        %and3A_437 = vector.broadcast %and3A_436 : i32 to vector<16xi32>
        %and3A_438 = arith.andi %add3A_432, %and3A_437 : vector<16xi32>
        tpu.vector_store_idx %arg10[%shift_right_arithmetic3A_435, %and3A_438], %broadcast_in_dim3A_4 masked %eq3A_417 {add = true} : memref<128x256xi32, #tpu.memory_space<vmem>>[vector<16xi32>, vector<16xi32>], vector<16xi32>, vector<16xi1>
        %mul3A_439 = arith.constant 16 : i32
        %mul3A_440 = arith.muli %scan3A_70, %mul3A_439 : i32
        %add3A_441 = arith.constant 11 : i32
        %add3A_442 = arith.addi %mul3A_440, %add3A_441 : i32
        %mul3A_443 = arith.constant 16 : i32
        %mul3A_444 = arith.muli %add3A_442, %mul3A_443 : i32
        %get3A_445 = arith.index_cast %mul3A_444 : i32 to index
        %get3A_446 = tpu.vector_load %arg6[%get3A_445] {strides = array<i32>} : memref<16384xf32, #tpu.memory_space<vmem>>, vector<16xf32>,
        %get3A_447 = arith.index_cast %mul3A_444 : i32 to index
        %get3A_448 = tpu.vector_load %arg7[%get3A_447] {strides = array<i32>} : memref<16384xi32, #tpu.memory_space<vmem>>, vector<16xi32>,
        %eq3A_449 = arith.constant 0 : i32
        %eq3A_450 = vector.broadcast %eq3A_449 : i32 to vector<16xi32>
        %eq3A_451 = arith.cmpi eq, %get3A_448, %eq3A_450 : vector<16xi32>
        %bitcast3A_452 = vector.bitcast %get3A_446 : vector<16xf32> to vector<16xi32>
        %shift_right_arithmetic3A_453 = arith.constant 31 : i32
        %shift_right_arithmetic3A_454 = vector.broadcast %shift_right_arithmetic3A_453 : i32 to vector<16xi32>
        %shift_right_arithmetic3A_455 = arith.shrsi %bitcast3A_452, %shift_right_arithmetic3A_454 : vector<16xi32>
        %and3A_456 = arith.constant 2147483647 : i32
        %and3A_457 = vector.broadcast %and3A_456 : i32 to vector<16xi32>
        %and3A_458 = arith.andi %shift_right_arithmetic3A_455, %and3A_457 : vector<16xi32>
        %xor3A_459 = arith.xori %bitcast3A_452, %and3A_458 : vector<16xi32>
        %shift_right_arithmetic3A_460 = arith.constant 17 : i32
        %shift_right_arithmetic3A_461 = vector.broadcast %shift_right_arithmetic3A_460 : i32 to vector<16xi32>
        %shift_right_arithmetic3A_462 = arith.shrsi %xor3A_459, %shift_right_arithmetic3A_461 : vector<16xi32>
        %and3A_463 = arith.constant -16 : i32
        %and3A_464 = vector.broadcast %and3A_463 : i32 to vector<16xi32>
        %and3A_465 = arith.andi %shift_right_arithmetic3A_462, %and3A_464 : vector<16xi32>
        %add3A_466 = arith.addi %and3A_465, %add3A_3 : vector<16xi32>
        %shift_right_arithmetic3A_467 = arith.constant 8 : i32
        %shift_right_arithmetic3A_468 = vector.broadcast %shift_right_arithmetic3A_467 : i32 to vector<16xi32>
        %shift_right_arithmetic3A_469 = arith.shrsi %add3A_466, %shift_right_arithmetic3A_468 : vector<16xi32>
        %and3A_470 = arith.constant 255 : i32
        %and3A_471 = vector.broadcast %and3A_470 : i32 to vector<16xi32>
        %and3A_472 = arith.andi %add3A_466, %and3A_471 : vector<16xi32>
        tpu.vector_store_idx %arg10[%shift_right_arithmetic3A_469, %and3A_472], %broadcast_in_dim3A_4 masked %eq3A_451 {add = true} : memref<128x256xi32, #tpu.memory_space<vmem>>[vector<16xi32>, vector<16xi32>], vector<16xi32>, vector<16xi1>
        %mul3A_473 = arith.constant 16 : i32
        %mul3A_474 = arith.muli %scan3A_70, %mul3A_473 : i32
        %add3A_475 = arith.constant 12 : i32
        %add3A_476 = arith.addi %mul3A_474, %add3A_475 : i32
        %mul3A_477 = arith.constant 16 : i32
        %mul3A_478 = arith.muli %add3A_476, %mul3A_477 : i32
        %get3A_479 = arith.index_cast %mul3A_478 : i32 to index
        %get3A_480 = tpu.vector_load %arg6[%get3A_479] {strides = array<i32>} : memref<16384xf32, #tpu.memory_space<vmem>>, vector<16xf32>,
        %get3A_481 = arith.index_cast %mul3A_478 : i32 to index
        %get3A_482 = tpu.vector_load %arg7[%get3A_481] {strides = array<i32>} : memref<16384xi32, #tpu.memory_space<vmem>>, vector<16xi32>,
        %eq3A_483 = arith.constant 0 : i32
        %eq3A_484 = vector.broadcast %eq3A_483 : i32 to vector<16xi32>
        %eq3A_485 = arith.cmpi eq, %get3A_482, %eq3A_484 : vector<16xi32>
        %bitcast3A_486 = vector.bitcast %get3A_480 : vector<16xf32> to vector<16xi32>
        %shift_right_arithmetic3A_487 = arith.constant 31 : i32
        %shift_right_arithmetic3A_488 = vector.broadcast %shift_right_arithmetic3A_487 : i32 to vector<16xi32>
        %shift_right_arithmetic3A_489 = arith.shrsi %bitcast3A_486, %shift_right_arithmetic3A_488 : vector<16xi32>
        %and3A_490 = arith.constant 2147483647 : i32
        %and3A_491 = vector.broadcast %and3A_490 : i32 to vector<16xi32>
        %and3A_492 = arith.andi %shift_right_arithmetic3A_489, %and3A_491 : vector<16xi32>
        %xor3A_493 = arith.xori %bitcast3A_486, %and3A_492 : vector<16xi32>
        %shift_right_arithmetic3A_494 = arith.constant 17 : i32
        %shift_right_arithmetic3A_495 = vector.broadcast %shift_right_arithmetic3A_494 : i32 to vector<16xi32>
        %shift_right_arithmetic3A_496 = arith.shrsi %xor3A_493, %shift_right_arithmetic3A_495 : vector<16xi32>
        %and3A_497 = arith.constant -16 : i32
        %and3A_498 = vector.broadcast %and3A_497 : i32 to vector<16xi32>
        %and3A_499 = arith.andi %shift_right_arithmetic3A_496, %and3A_498 : vector<16xi32>
        %add3A_500 = arith.addi %and3A_499, %add3A_3 : vector<16xi32>
        %shift_right_arithmetic3A_501 = arith.constant 8 : i32
        %shift_right_arithmetic3A_502 = vector.broadcast %shift_right_arithmetic3A_501 : i32 to vector<16xi32>
        %shift_right_arithmetic3A_503 = arith.shrsi %add3A_500, %shift_right_arithmetic3A_502 : vector<16xi32>
        %and3A_504 = arith.constant 255 : i32
        %and3A_505 = vector.broadcast %and3A_504 : i32 to vector<16xi32>
        %and3A_506 = arith.andi %add3A_500, %and3A_505 : vector<16xi32>
        tpu.vector_store_idx %arg10[%shift_right_arithmetic3A_503, %and3A_506], %broadcast_in_dim3A_4 masked %eq3A_485 {add = true} : memref<128x256xi32, #tpu.memory_space<vmem>>[vector<16xi32>, vector<16xi32>], vector<16xi32>, vector<16xi1>
        %mul3A_507 = arith.constant 16 : i32
        %mul3A_508 = arith.muli %scan3A_70, %mul3A_507 : i32
        %add3A_509 = arith.constant 13 : i32
        %add3A_510 = arith.addi %mul3A_508, %add3A_509 : i32
        %mul3A_511 = arith.constant 16 : i32
        %mul3A_512 = arith.muli %add3A_510, %mul3A_511 : i32
        %get3A_513 = arith.index_cast %mul3A_512 : i32 to index
        %get3A_514 = tpu.vector_load %arg6[%get3A_513] {strides = array<i32>} : memref<16384xf32, #tpu.memory_space<vmem>>, vector<16xf32>,
        %get3A_515 = arith.index_cast %mul3A_512 : i32 to index
        %get3A_516 = tpu.vector_load %arg7[%get3A_515] {strides = array<i32>} : memref<16384xi32, #tpu.memory_space<vmem>>, vector<16xi32>,
        %eq3A_517 = arith.constant 0 : i32
        %eq3A_518 = vector.broadcast %eq3A_517 : i32 to vector<16xi32>
        %eq3A_519 = arith.cmpi eq, %get3A_516, %eq3A_518 : vector<16xi32>
        %bitcast3A_520 = vector.bitcast %get3A_514 : vector<16xf32> to vector<16xi32>
        %shift_right_arithmetic3A_521 = arith.constant 31 : i32
        %shift_right_arithmetic3A_522 = vector.broadcast %shift_right_arithmetic3A_521 : i32 to vector<16xi32>
        %shift_right_arithmetic3A_523 = arith.shrsi %bitcast3A_520, %shift_right_arithmetic3A_522 : vector<16xi32>
        %and3A_524 = arith.constant 2147483647 : i32
        %and3A_525 = vector.broadcast %and3A_524 : i32 to vector<16xi32>
        %and3A_526 = arith.andi %shift_right_arithmetic3A_523, %and3A_525 : vector<16xi32>
        %xor3A_527 = arith.xori %bitcast3A_520, %and3A_526 : vector<16xi32>
        %shift_right_arithmetic3A_528 = arith.constant 17 : i32
        %shift_right_arithmetic3A_529 = vector.broadcast %shift_right_arithmetic3A_528 : i32 to vector<16xi32>
        %shift_right_arithmetic3A_530 = arith.shrsi %xor3A_527, %shift_right_arithmetic3A_529 : vector<16xi32>
        %and3A_531 = arith.constant -16 : i32
        %and3A_532 = vector.broadcast %and3A_531 : i32 to vector<16xi32>
        %and3A_533 = arith.andi %shift_right_arithmetic3A_530, %and3A_532 : vector<16xi32>
        %add3A_534 = arith.addi %and3A_533, %add3A_3 : vector<16xi32>
        %shift_right_arithmetic3A_535 = arith.constant 8 : i32
        %shift_right_arithmetic3A_536 = vector.broadcast %shift_right_arithmetic3A_535 : i32 to vector<16xi32>
        %shift_right_arithmetic3A_537 = arith.shrsi %add3A_534, %shift_right_arithmetic3A_536 : vector<16xi32>
        %and3A_538 = arith.constant 255 : i32
        %and3A_539 = vector.broadcast %and3A_538 : i32 to vector<16xi32>
        %and3A_540 = arith.andi %add3A_534, %and3A_539 : vector<16xi32>
        tpu.vector_store_idx %arg10[%shift_right_arithmetic3A_537, %and3A_540], %broadcast_in_dim3A_4 masked %eq3A_519 {add = true} : memref<128x256xi32, #tpu.memory_space<vmem>>[vector<16xi32>, vector<16xi32>], vector<16xi32>, vector<16xi1>
        %mul3A_541 = arith.constant 16 : i32
        %mul3A_542 = arith.muli %scan3A_70, %mul3A_541 : i32
        %add3A_543 = arith.constant 14 : i32
        %add3A_544 = arith.addi %mul3A_542, %add3A_543 : i32
        %mul3A_545 = arith.constant 16 : i32
        %mul3A_546 = arith.muli %add3A_544, %mul3A_545 : i32
        %get3A_547 = arith.index_cast %mul3A_546 : i32 to index
        %get3A_548 = tpu.vector_load %arg6[%get3A_547] {strides = array<i32>} : memref<16384xf32, #tpu.memory_space<vmem>>, vector<16xf32>,
        %get3A_549 = arith.index_cast %mul3A_546 : i32 to index
        %get3A_550 = tpu.vector_load %arg7[%get3A_549] {strides = array<i32>} : memref<16384xi32, #tpu.memory_space<vmem>>, vector<16xi32>,
        %eq3A_551 = arith.constant 0 : i32
        %eq3A_552 = vector.broadcast %eq3A_551 : i32 to vector<16xi32>
        %eq3A_553 = arith.cmpi eq, %get3A_550, %eq3A_552 : vector<16xi32>
        %bitcast3A_554 = vector.bitcast %get3A_548 : vector<16xf32> to vector<16xi32>
        %shift_right_arithmetic3A_555 = arith.constant 31 : i32
        %shift_right_arithmetic3A_556 = vector.broadcast %shift_right_arithmetic3A_555 : i32 to vector<16xi32>
        %shift_right_arithmetic3A_557 = arith.shrsi %bitcast3A_554, %shift_right_arithmetic3A_556 : vector<16xi32>
        %and3A_558 = arith.constant 2147483647 : i32
        %and3A_559 = vector.broadcast %and3A_558 : i32 to vector<16xi32>
        %and3A_560 = arith.andi %shift_right_arithmetic3A_557, %and3A_559 : vector<16xi32>
        %xor3A_561 = arith.xori %bitcast3A_554, %and3A_560 : vector<16xi32>
        %shift_right_arithmetic3A_562 = arith.constant 17 : i32
        %shift_right_arithmetic3A_563 = vector.broadcast %shift_right_arithmetic3A_562 : i32 to vector<16xi32>
        %shift_right_arithmetic3A_564 = arith.shrsi %xor3A_561, %shift_right_arithmetic3A_563 : vector<16xi32>
        %and3A_565 = arith.constant -16 : i32
        %and3A_566 = vector.broadcast %and3A_565 : i32 to vector<16xi32>
        %and3A_567 = arith.andi %shift_right_arithmetic3A_564, %and3A_566 : vector<16xi32>
        %add3A_568 = arith.addi %and3A_567, %add3A_3 : vector<16xi32>
        %shift_right_arithmetic3A_569 = arith.constant 8 : i32
        %shift_right_arithmetic3A_570 = vector.broadcast %shift_right_arithmetic3A_569 : i32 to vector<16xi32>
        %shift_right_arithmetic3A_571 = arith.shrsi %add3A_568, %shift_right_arithmetic3A_570 : vector<16xi32>
        %and3A_572 = arith.constant 255 : i32
        %and3A_573 = vector.broadcast %and3A_572 : i32 to vector<16xi32>
        %and3A_574 = arith.andi %add3A_568, %and3A_573 : vector<16xi32>
        tpu.vector_store_idx %arg10[%shift_right_arithmetic3A_571, %and3A_574], %broadcast_in_dim3A_4 masked %eq3A_553 {add = true} : memref<128x256xi32, #tpu.memory_space<vmem>>[vector<16xi32>, vector<16xi32>], vector<16xi32>, vector<16xi1>
        %mul3A_575 = arith.constant 16 : i32
        %mul3A_576 = arith.muli %scan3A_70, %mul3A_575 : i32
        %add3A_577 = arith.constant 15 : i32
        %add3A_578 = arith.addi %mul3A_576, %add3A_577 : i32
        %mul3A_579 = arith.constant 16 : i32
        %mul3A_580 = arith.muli %add3A_578, %mul3A_579 : i32
        %get3A_581 = arith.index_cast %mul3A_580 : i32 to index
        %get3A_582 = tpu.vector_load %arg6[%get3A_581] {strides = array<i32>} : memref<16384xf32, #tpu.memory_space<vmem>>, vector<16xf32>,
        %get3A_583 = arith.index_cast %mul3A_580 : i32 to index
        %get3A_584 = tpu.vector_load %arg7[%get3A_583] {strides = array<i32>} : memref<16384xi32, #tpu.memory_space<vmem>>, vector<16xi32>,
        %eq3A_585 = arith.constant 0 : i32
        %eq3A_586 = vector.broadcast %eq3A_585 : i32 to vector<16xi32>
        %eq3A_587 = arith.cmpi eq, %get3A_584, %eq3A_586 : vector<16xi32>
        %bitcast3A_588 = vector.bitcast %get3A_582 : vector<16xf32> to vector<16xi32>
        %shift_right_arithmetic3A_589 = arith.constant 31 : i32
        %shift_right_arithmetic3A_590 = vector.broadcast %shift_right_arithmetic3A_589 : i32 to vector<16xi32>
        %shift_right_arithmetic3A_591 = arith.shrsi %bitcast3A_588, %shift_right_arithmetic3A_590 : vector<16xi32>
        %and3A_592 = arith.constant 2147483647 : i32
        %and3A_593 = vector.broadcast %and3A_592 : i32 to vector<16xi32>
        %and3A_594 = arith.andi %shift_right_arithmetic3A_591, %and3A_593 : vector<16xi32>
        %xor3A_595 = arith.xori %bitcast3A_588, %and3A_594 : vector<16xi32>
        %shift_right_arithmetic3A_596 = arith.constant 17 : i32
        %shift_right_arithmetic3A_597 = vector.broadcast %shift_right_arithmetic3A_596 : i32 to vector<16xi32>
        %shift_right_arithmetic3A_598 = arith.shrsi %xor3A_595, %shift_right_arithmetic3A_597 : vector<16xi32>
        %and3A_599 = arith.constant -16 : i32
        %and3A_600 = vector.broadcast %and3A_599 : i32 to vector<16xi32>
        %and3A_601 = arith.andi %shift_right_arithmetic3A_598, %and3A_600 : vector<16xi32>
        %add3A_602 = arith.addi %and3A_601, %add3A_3 : vector<16xi32>
        %shift_right_arithmetic3A_603 = arith.constant 8 : i32
        %shift_right_arithmetic3A_604 = vector.broadcast %shift_right_arithmetic3A_603 : i32 to vector<16xi32>
        %shift_right_arithmetic3A_605 = arith.shrsi %add3A_602, %shift_right_arithmetic3A_604 : vector<16xi32>
        %and3A_606 = arith.constant 255 : i32
        %and3A_607 = vector.broadcast %and3A_606 : i32 to vector<16xi32>
        %and3A_608 = arith.andi %add3A_602, %and3A_607 : vector<16xi32>
        tpu.vector_store_idx %arg10[%shift_right_arithmetic3A_605, %and3A_608], %broadcast_in_dim3A_4 masked %eq3A_587 {add = true} : memref<128x256xi32, #tpu.memory_space<vmem>>[vector<16xi32>, vector<16xi32>], vector<16xi32>, vector<16xi1>
      }
      %scan3A_46 = arith.constant 64 : i32
      %add3A_47 = arith.constant 1 : i32
      %add3A_48 = arith.addi %scan3A_17, %add3A_47 : i32
      %lt3A = arith.constant 4 : i32
      %lt3A_49 = arith.cmpi slt, %add3A_48, %lt3A : i32
      %convert_element_type3A = arith.extui %lt3A_49 : i1 to i32
      %cond3A = arith.constant 0 : i32
      %cond3A_50 = arith.cmpi ne, %convert_element_type3A, %cond3A : i32
      scf.if %cond3A_50 {
        %mul3A_70 = arith.constant 2 : i32
        %mul3A_71 = arith.muli %mul3A_70, %scan3A_17 : i32
        %add3A_72 = arith.constant 2 : i32
        %add3A_73 = arith.addi %mul3A_71, %add3A_72 : i32
        %mul3A_74 = arith.constant 131072 : i32
        %mul3A_75 = arith.muli %add3A, %mul3A_74 : i32
        %mul3A_76 = arith.constant 16384 : i32
        %mul3A_77 = arith.muli %add3A_73, %mul3A_76 : i32
        %add3A_78 = arith.addi %mul3A_75, %mul3A_77 : i32
        %dma_start3A_79 = tpu.memref_slice %arg2[%add3A_78] : memref<4194304xf32, #tpu.memory_space<hbm>> -> memref<16384xf32, #tpu.memory_space<hbm>>
        %dma_start3A_80 = tpu.memref_slice %arg2[%add3A_78] : memref<4194304xf32, #tpu.memory_space<hbm>> -> memref<16384xf32, #tpu.memory_space<hbm>>
        tpu.enqueue_dma source(%dma_start3A_80 : memref<16384xf32, #tpu.memory_space<hbm>>) target(%arg6 : memref<16384xf32, #tpu.memory_space<vmem>>) target_semaphore(%arg11 : memref<!tpu.dma_semaphore, #tpu.memory_space<semaphore_mem>>)
        %dma_start3A_81 = tpu.memref_slice %arg3[%add3A_78] : memref<4194304xi32, #tpu.memory_space<hbm>> -> memref<16384xi32, #tpu.memory_space<hbm>>
        %dma_start3A_82 = tpu.memref_slice %arg3[%add3A_78] : memref<4194304xi32, #tpu.memory_space<hbm>> -> memref<16384xi32, #tpu.memory_space<hbm>>
        tpu.enqueue_dma source(%dma_start3A_82 : memref<16384xi32, #tpu.memory_space<hbm>>) target(%arg7 : memref<16384xi32, #tpu.memory_space<vmem>>) target_semaphore(%arg12 : memref<!tpu.dma_semaphore, #tpu.memory_space<semaphore_mem>>)
      } else {
      }
      %mul3A_51 = arith.constant 2 : i32
      %mul3A_52 = arith.muli %mul3A_51, %scan3A_17 : i32
      %add3A_53 = arith.constant 1 : i32
      %add3A_54 = arith.addi %mul3A_52, %add3A_53 : i32
      %mul3A_55 = arith.constant 131072 : i32
      %mul3A_56 = arith.muli %add3A, %mul3A_55 : i32
      %mul3A_57 = arith.constant 16384 : i32
      %mul3A_58 = arith.muli %add3A_54, %mul3A_57 : i32
      %add3A_59 = arith.addi %mul3A_56, %mul3A_58 : i32
      %dma_wait3A_60 = tpu.memref_slice %arg2[%add3A_59] : memref<4194304xf32, #tpu.memory_space<hbm>> -> memref<16384xf32, #tpu.memory_space<hbm>>
      %dma_wait3A_61 = tpu.memref_slice %arg2[%add3A_59] : memref<4194304xf32, #tpu.memory_space<hbm>> -> memref<16384xf32, #tpu.memory_space<hbm>>
      tpu.wait_dma2 semaphore(%arg13 : memref<!tpu.dma_semaphore, #tpu.memory_space<semaphore_mem>>) src(%dma_wait3A_61 : memref<16384xf32, #tpu.memory_space<hbm>>) dst(%arg8 : memref<16384xf32, #tpu.memory_space<vmem>>)
      %dma_wait3A_62 = tpu.memref_slice %arg3[%add3A_59] : memref<4194304xi32, #tpu.memory_space<hbm>> -> memref<16384xi32, #tpu.memory_space<hbm>>
      %dma_wait3A_63 = tpu.memref_slice %arg3[%add3A_59] : memref<4194304xi32, #tpu.memory_space<hbm>> -> memref<16384xi32, #tpu.memory_space<hbm>>
      tpu.wait_dma2 semaphore(%arg14 : memref<!tpu.dma_semaphore, #tpu.memory_space<semaphore_mem>>) src(%dma_wait3A_63 : memref<16384xi32, #tpu.memory_space<hbm>>) dst(%arg9 : memref<16384xi32, #tpu.memory_space<vmem>>)
      %scan3A_64 = arith.constant 0 : i32
      %scan3A_65 = arith.constant 0 : i32
      %scan3A_66 = arith.constant 64 : i32
      %scan3A_67 = arith.addi %scan3A_65, %scan3A_66 : i32
      %scan3A_68 = arith.constant 1 : i32
      scf.for %scan3A_70 = %scan3A_65 to %scan3A_67 step %scan3A_68  : i32 {
        %mul3A_71 = arith.constant 16 : i32
        %mul3A_72 = arith.muli %scan3A_70, %mul3A_71 : i32
        %add3A_73 = arith.constant 0 : i32
        %add3A_74 = arith.addi %mul3A_72, %add3A_73 : i32
        %mul3A_75 = arith.constant 16 : i32
        %mul3A_76 = arith.muli %add3A_74, %mul3A_75 : i32
        %get3A = arith.index_cast %mul3A_76 : i32 to index
        %get3A_77 = tpu.vector_load %arg8[%get3A] {strides = array<i32>} : memref<16384xf32, #tpu.memory_space<vmem>>, vector<16xf32>,
        %get3A_78 = arith.index_cast %mul3A_76 : i32 to index
        %get3A_79 = tpu.vector_load %arg9[%get3A_78] {strides = array<i32>} : memref<16384xi32, #tpu.memory_space<vmem>>, vector<16xi32>,
        %eq3A = arith.constant 0 : i32
        %eq3A_80 = vector.broadcast %eq3A : i32 to vector<16xi32>
        %eq3A_81 = arith.cmpi eq, %get3A_79, %eq3A_80 : vector<16xi32>
        %bitcast3A = vector.bitcast %get3A_77 : vector<16xf32> to vector<16xi32>
        %shift_right_arithmetic3A = arith.constant 31 : i32
        %shift_right_arithmetic3A_82 = vector.broadcast %shift_right_arithmetic3A : i32 to vector<16xi32>
        %shift_right_arithmetic3A_83 = arith.shrsi %bitcast3A, %shift_right_arithmetic3A_82 : vector<16xi32>
        %and3A = arith.constant 2147483647 : i32
        %and3A_84 = vector.broadcast %and3A : i32 to vector<16xi32>
        %and3A_85 = arith.andi %shift_right_arithmetic3A_83, %and3A_84 : vector<16xi32>
        %xor3A = arith.xori %bitcast3A, %and3A_85 : vector<16xi32>
        %shift_right_arithmetic3A_86 = arith.constant 17 : i32
        %shift_right_arithmetic3A_87 = vector.broadcast %shift_right_arithmetic3A_86 : i32 to vector<16xi32>
        %shift_right_arithmetic3A_88 = arith.shrsi %xor3A, %shift_right_arithmetic3A_87 : vector<16xi32>
        %and3A_89 = arith.constant -16 : i32
        %and3A_90 = vector.broadcast %and3A_89 : i32 to vector<16xi32>
        %and3A_91 = arith.andi %shift_right_arithmetic3A_88, %and3A_90 : vector<16xi32>
        %add3A_92 = arith.addi %and3A_91, %add3A_3 : vector<16xi32>
        %shift_right_arithmetic3A_93 = arith.constant 8 : i32
        %shift_right_arithmetic3A_94 = vector.broadcast %shift_right_arithmetic3A_93 : i32 to vector<16xi32>
        %shift_right_arithmetic3A_95 = arith.shrsi %add3A_92, %shift_right_arithmetic3A_94 : vector<16xi32>
        %and3A_96 = arith.constant 255 : i32
        %and3A_97 = vector.broadcast %and3A_96 : i32 to vector<16xi32>
        %and3A_98 = arith.andi %add3A_92, %and3A_97 : vector<16xi32>
        tpu.vector_store_idx %arg10[%shift_right_arithmetic3A_95, %and3A_98], %broadcast_in_dim3A_4 masked %eq3A_81 {add = true} : memref<128x256xi32, #tpu.memory_space<vmem>>[vector<16xi32>, vector<16xi32>], vector<16xi32>, vector<16xi1>
        %mul3A_99 = arith.constant 16 : i32
        %mul3A_100 = arith.muli %scan3A_70, %mul3A_99 : i32
        %add3A_101 = arith.constant 1 : i32
        %add3A_102 = arith.addi %mul3A_100, %add3A_101 : i32
        %mul3A_103 = arith.constant 16 : i32
        %mul3A_104 = arith.muli %add3A_102, %mul3A_103 : i32
        %get3A_105 = arith.index_cast %mul3A_104 : i32 to index
        %get3A_106 = tpu.vector_load %arg8[%get3A_105] {strides = array<i32>} : memref<16384xf32, #tpu.memory_space<vmem>>, vector<16xf32>,
        %get3A_107 = arith.index_cast %mul3A_104 : i32 to index
        %get3A_108 = tpu.vector_load %arg9[%get3A_107] {strides = array<i32>} : memref<16384xi32, #tpu.memory_space<vmem>>, vector<16xi32>,
        %eq3A_109 = arith.constant 0 : i32
        %eq3A_110 = vector.broadcast %eq3A_109 : i32 to vector<16xi32>
        %eq3A_111 = arith.cmpi eq, %get3A_108, %eq3A_110 : vector<16xi32>
        %bitcast3A_112 = vector.bitcast %get3A_106 : vector<16xf32> to vector<16xi32>
        %shift_right_arithmetic3A_113 = arith.constant 31 : i32
        %shift_right_arithmetic3A_114 = vector.broadcast %shift_right_arithmetic3A_113 : i32 to vector<16xi32>
        %shift_right_arithmetic3A_115 = arith.shrsi %bitcast3A_112, %shift_right_arithmetic3A_114 : vector<16xi32>
        %and3A_116 = arith.constant 2147483647 : i32
        %and3A_117 = vector.broadcast %and3A_116 : i32 to vector<16xi32>
        %and3A_118 = arith.andi %shift_right_arithmetic3A_115, %and3A_117 : vector<16xi32>
        %xor3A_119 = arith.xori %bitcast3A_112, %and3A_118 : vector<16xi32>
        %shift_right_arithmetic3A_120 = arith.constant 17 : i32
        %shift_right_arithmetic3A_121 = vector.broadcast %shift_right_arithmetic3A_120 : i32 to vector<16xi32>
        %shift_right_arithmetic3A_122 = arith.shrsi %xor3A_119, %shift_right_arithmetic3A_121 : vector<16xi32>
        %and3A_123 = arith.constant -16 : i32
        %and3A_124 = vector.broadcast %and3A_123 : i32 to vector<16xi32>
        %and3A_125 = arith.andi %shift_right_arithmetic3A_122, %and3A_124 : vector<16xi32>
        %add3A_126 = arith.addi %and3A_125, %add3A_3 : vector<16xi32>
        %shift_right_arithmetic3A_127 = arith.constant 8 : i32
        %shift_right_arithmetic3A_128 = vector.broadcast %shift_right_arithmetic3A_127 : i32 to vector<16xi32>
        %shift_right_arithmetic3A_129 = arith.shrsi %add3A_126, %shift_right_arithmetic3A_128 : vector<16xi32>
        %and3A_130 = arith.constant 255 : i32
        %and3A_131 = vector.broadcast %and3A_130 : i32 to vector<16xi32>
        %and3A_132 = arith.andi %add3A_126, %and3A_131 : vector<16xi32>
        tpu.vector_store_idx %arg10[%shift_right_arithmetic3A_129, %and3A_132], %broadcast_in_dim3A_4 masked %eq3A_111 {add = true} : memref<128x256xi32, #tpu.memory_space<vmem>>[vector<16xi32>, vector<16xi32>], vector<16xi32>, vector<16xi1>
        %mul3A_133 = arith.constant 16 : i32
        %mul3A_134 = arith.muli %scan3A_70, %mul3A_133 : i32
        %add3A_135 = arith.constant 2 : i32
        %add3A_136 = arith.addi %mul3A_134, %add3A_135 : i32
        %mul3A_137 = arith.constant 16 : i32
        %mul3A_138 = arith.muli %add3A_136, %mul3A_137 : i32
        %get3A_139 = arith.index_cast %mul3A_138 : i32 to index
        %get3A_140 = tpu.vector_load %arg8[%get3A_139] {strides = array<i32>} : memref<16384xf32, #tpu.memory_space<vmem>>, vector<16xf32>,
        %get3A_141 = arith.index_cast %mul3A_138 : i32 to index
        %get3A_142 = tpu.vector_load %arg9[%get3A_141] {strides = array<i32>} : memref<16384xi32, #tpu.memory_space<vmem>>, vector<16xi32>,
        %eq3A_143 = arith.constant 0 : i32
        %eq3A_144 = vector.broadcast %eq3A_143 : i32 to vector<16xi32>
        %eq3A_145 = arith.cmpi eq, %get3A_142, %eq3A_144 : vector<16xi32>
        %bitcast3A_146 = vector.bitcast %get3A_140 : vector<16xf32> to vector<16xi32>
        %shift_right_arithmetic3A_147 = arith.constant 31 : i32
        %shift_right_arithmetic3A_148 = vector.broadcast %shift_right_arithmetic3A_147 : i32 to vector<16xi32>
        %shift_right_arithmetic3A_149 = arith.shrsi %bitcast3A_146, %shift_right_arithmetic3A_148 : vector<16xi32>
        %and3A_150 = arith.constant 2147483647 : i32
        %and3A_151 = vector.broadcast %and3A_150 : i32 to vector<16xi32>
        %and3A_152 = arith.andi %shift_right_arithmetic3A_149, %and3A_151 : vector<16xi32>
        %xor3A_153 = arith.xori %bitcast3A_146, %and3A_152 : vector<16xi32>
        %shift_right_arithmetic3A_154 = arith.constant 17 : i32
        %shift_right_arithmetic3A_155 = vector.broadcast %shift_right_arithmetic3A_154 : i32 to vector<16xi32>
        %shift_right_arithmetic3A_156 = arith.shrsi %xor3A_153, %shift_right_arithmetic3A_155 : vector<16xi32>
        %and3A_157 = arith.constant -16 : i32
        %and3A_158 = vector.broadcast %and3A_157 : i32 to vector<16xi32>
        %and3A_159 = arith.andi %shift_right_arithmetic3A_156, %and3A_158 : vector<16xi32>
        %add3A_160 = arith.addi %and3A_159, %add3A_3 : vector<16xi32>
        %shift_right_arithmetic3A_161 = arith.constant 8 : i32
        %shift_right_arithmetic3A_162 = vector.broadcast %shift_right_arithmetic3A_161 : i32 to vector<16xi32>
        %shift_right_arithmetic3A_163 = arith.shrsi %add3A_160, %shift_right_arithmetic3A_162 : vector<16xi32>
        %and3A_164 = arith.constant 255 : i32
        %and3A_165 = vector.broadcast %and3A_164 : i32 to vector<16xi32>
        %and3A_166 = arith.andi %add3A_160, %and3A_165 : vector<16xi32>
        tpu.vector_store_idx %arg10[%shift_right_arithmetic3A_163, %and3A_166], %broadcast_in_dim3A_4 masked %eq3A_145 {add = true} : memref<128x256xi32, #tpu.memory_space<vmem>>[vector<16xi32>, vector<16xi32>], vector<16xi32>, vector<16xi1>
        %mul3A_167 = arith.constant 16 : i32
        %mul3A_168 = arith.muli %scan3A_70, %mul3A_167 : i32
        %add3A_169 = arith.constant 3 : i32
        %add3A_170 = arith.addi %mul3A_168, %add3A_169 : i32
        %mul3A_171 = arith.constant 16 : i32
        %mul3A_172 = arith.muli %add3A_170, %mul3A_171 : i32
        %get3A_173 = arith.index_cast %mul3A_172 : i32 to index
        %get3A_174 = tpu.vector_load %arg8[%get3A_173] {strides = array<i32>} : memref<16384xf32, #tpu.memory_space<vmem>>, vector<16xf32>,
        %get3A_175 = arith.index_cast %mul3A_172 : i32 to index
        %get3A_176 = tpu.vector_load %arg9[%get3A_175] {strides = array<i32>} : memref<16384xi32, #tpu.memory_space<vmem>>, vector<16xi32>,
        %eq3A_177 = arith.constant 0 : i32
        %eq3A_178 = vector.broadcast %eq3A_177 : i32 to vector<16xi32>
        %eq3A_179 = arith.cmpi eq, %get3A_176, %eq3A_178 : vector<16xi32>
        %bitcast3A_180 = vector.bitcast %get3A_174 : vector<16xf32> to vector<16xi32>
        %shift_right_arithmetic3A_181 = arith.constant 31 : i32
        %shift_right_arithmetic3A_182 = vector.broadcast %shift_right_arithmetic3A_181 : i32 to vector<16xi32>
        %shift_right_arithmetic3A_183 = arith.shrsi %bitcast3A_180, %shift_right_arithmetic3A_182 : vector<16xi32>
        %and3A_184 = arith.constant 2147483647 : i32
        %and3A_185 = vector.broadcast %and3A_184 : i32 to vector<16xi32>
        %and3A_186 = arith.andi %shift_right_arithmetic3A_183, %and3A_185 : vector<16xi32>
        %xor3A_187 = arith.xori %bitcast3A_180, %and3A_186 : vector<16xi32>
        %shift_right_arithmetic3A_188 = arith.constant 17 : i32
        %shift_right_arithmetic3A_189 = vector.broadcast %shift_right_arithmetic3A_188 : i32 to vector<16xi32>
        %shift_right_arithmetic3A_190 = arith.shrsi %xor3A_187, %shift_right_arithmetic3A_189 : vector<16xi32>
        %and3A_191 = arith.constant -16 : i32
        %and3A_192 = vector.broadcast %and3A_191 : i32 to vector<16xi32>
        %and3A_193 = arith.andi %shift_right_arithmetic3A_190, %and3A_192 : vector<16xi32>
        %add3A_194 = arith.addi %and3A_193, %add3A_3 : vector<16xi32>
        %shift_right_arithmetic3A_195 = arith.constant 8 : i32
        %shift_right_arithmetic3A_196 = vector.broadcast %shift_right_arithmetic3A_195 : i32 to vector<16xi32>
        %shift_right_arithmetic3A_197 = arith.shrsi %add3A_194, %shift_right_arithmetic3A_196 : vector<16xi32>
        %and3A_198 = arith.constant 255 : i32
        %and3A_199 = vector.broadcast %and3A_198 : i32 to vector<16xi32>
        %and3A_200 = arith.andi %add3A_194, %and3A_199 : vector<16xi32>
        tpu.vector_store_idx %arg10[%shift_right_arithmetic3A_197, %and3A_200], %broadcast_in_dim3A_4 masked %eq3A_179 {add = true} : memref<128x256xi32, #tpu.memory_space<vmem>>[vector<16xi32>, vector<16xi32>], vector<16xi32>, vector<16xi1>
        %mul3A_201 = arith.constant 16 : i32
        %mul3A_202 = arith.muli %scan3A_70, %mul3A_201 : i32
        %add3A_203 = arith.constant 4 : i32
        %add3A_204 = arith.addi %mul3A_202, %add3A_203 : i32
        %mul3A_205 = arith.constant 16 : i32
        %mul3A_206 = arith.muli %add3A_204, %mul3A_205 : i32
        %get3A_207 = arith.index_cast %mul3A_206 : i32 to index
        %get3A_208 = tpu.vector_load %arg8[%get3A_207] {strides = array<i32>} : memref<16384xf32, #tpu.memory_space<vmem>>, vector<16xf32>,
        %get3A_209 = arith.index_cast %mul3A_206 : i32 to index
        %get3A_210 = tpu.vector_load %arg9[%get3A_209] {strides = array<i32>} : memref<16384xi32, #tpu.memory_space<vmem>>, vector<16xi32>,
        %eq3A_211 = arith.constant 0 : i32
        %eq3A_212 = vector.broadcast %eq3A_211 : i32 to vector<16xi32>
        %eq3A_213 = arith.cmpi eq, %get3A_210, %eq3A_212 : vector<16xi32>
        %bitcast3A_214 = vector.bitcast %get3A_208 : vector<16xf32> to vector<16xi32>
        %shift_right_arithmetic3A_215 = arith.constant 31 : i32
        %shift_right_arithmetic3A_216 = vector.broadcast %shift_right_arithmetic3A_215 : i32 to vector<16xi32>
        %shift_right_arithmetic3A_217 = arith.shrsi %bitcast3A_214, %shift_right_arithmetic3A_216 : vector<16xi32>
        %and3A_218 = arith.constant 2147483647 : i32
        %and3A_219 = vector.broadcast %and3A_218 : i32 to vector<16xi32>
        %and3A_220 = arith.andi %shift_right_arithmetic3A_217, %and3A_219 : vector<16xi32>
        %xor3A_221 = arith.xori %bitcast3A_214, %and3A_220 : vector<16xi32>
        %shift_right_arithmetic3A_222 = arith.constant 17 : i32
        %shift_right_arithmetic3A_223 = vector.broadcast %shift_right_arithmetic3A_222 : i32 to vector<16xi32>
        %shift_right_arithmetic3A_224 = arith.shrsi %xor3A_221, %shift_right_arithmetic3A_223 : vector<16xi32>
        %and3A_225 = arith.constant -16 : i32
        %and3A_226 = vector.broadcast %and3A_225 : i32 to vector<16xi32>
        %and3A_227 = arith.andi %shift_right_arithmetic3A_224, %and3A_226 : vector<16xi32>
        %add3A_228 = arith.addi %and3A_227, %add3A_3 : vector<16xi32>
        %shift_right_arithmetic3A_229 = arith.constant 8 : i32
        %shift_right_arithmetic3A_230 = vector.broadcast %shift_right_arithmetic3A_229 : i32 to vector<16xi32>
        %shift_right_arithmetic3A_231 = arith.shrsi %add3A_228, %shift_right_arithmetic3A_230 : vector<16xi32>
        %and3A_232 = arith.constant 255 : i32
        %and3A_233 = vector.broadcast %and3A_232 : i32 to vector<16xi32>
        %and3A_234 = arith.andi %add3A_228, %and3A_233 : vector<16xi32>
        tpu.vector_store_idx %arg10[%shift_right_arithmetic3A_231, %and3A_234], %broadcast_in_dim3A_4 masked %eq3A_213 {add = true} : memref<128x256xi32, #tpu.memory_space<vmem>>[vector<16xi32>, vector<16xi32>], vector<16xi32>, vector<16xi1>
        %mul3A_235 = arith.constant 16 : i32
        %mul3A_236 = arith.muli %scan3A_70, %mul3A_235 : i32
        %add3A_237 = arith.constant 5 : i32
        %add3A_238 = arith.addi %mul3A_236, %add3A_237 : i32
        %mul3A_239 = arith.constant 16 : i32
        %mul3A_240 = arith.muli %add3A_238, %mul3A_239 : i32
        %get3A_241 = arith.index_cast %mul3A_240 : i32 to index
        %get3A_242 = tpu.vector_load %arg8[%get3A_241] {strides = array<i32>} : memref<16384xf32, #tpu.memory_space<vmem>>, vector<16xf32>,
        %get3A_243 = arith.index_cast %mul3A_240 : i32 to index
        %get3A_244 = tpu.vector_load %arg9[%get3A_243] {strides = array<i32>} : memref<16384xi32, #tpu.memory_space<vmem>>, vector<16xi32>,
        %eq3A_245 = arith.constant 0 : i32
        %eq3A_246 = vector.broadcast %eq3A_245 : i32 to vector<16xi32>
        %eq3A_247 = arith.cmpi eq, %get3A_244, %eq3A_246 : vector<16xi32>
        %bitcast3A_248 = vector.bitcast %get3A_242 : vector<16xf32> to vector<16xi32>
        %shift_right_arithmetic3A_249 = arith.constant 31 : i32
        %shift_right_arithmetic3A_250 = vector.broadcast %shift_right_arithmetic3A_249 : i32 to vector<16xi32>
        %shift_right_arithmetic3A_251 = arith.shrsi %bitcast3A_248, %shift_right_arithmetic3A_250 : vector<16xi32>
        %and3A_252 = arith.constant 2147483647 : i32
        %and3A_253 = vector.broadcast %and3A_252 : i32 to vector<16xi32>
        %and3A_254 = arith.andi %shift_right_arithmetic3A_251, %and3A_253 : vector<16xi32>
        %xor3A_255 = arith.xori %bitcast3A_248, %and3A_254 : vector<16xi32>
        %shift_right_arithmetic3A_256 = arith.constant 17 : i32
        %shift_right_arithmetic3A_257 = vector.broadcast %shift_right_arithmetic3A_256 : i32 to vector<16xi32>
        %shift_right_arithmetic3A_258 = arith.shrsi %xor3A_255, %shift_right_arithmetic3A_257 : vector<16xi32>
        %and3A_259 = arith.constant -16 : i32
        %and3A_260 = vector.broadcast %and3A_259 : i32 to vector<16xi32>
        %and3A_261 = arith.andi %shift_right_arithmetic3A_258, %and3A_260 : vector<16xi32>
        %add3A_262 = arith.addi %and3A_261, %add3A_3 : vector<16xi32>
        %shift_right_arithmetic3A_263 = arith.constant 8 : i32
        %shift_right_arithmetic3A_264 = vector.broadcast %shift_right_arithmetic3A_263 : i32 to vector<16xi32>
        %shift_right_arithmetic3A_265 = arith.shrsi %add3A_262, %shift_right_arithmetic3A_264 : vector<16xi32>
        %and3A_266 = arith.constant 255 : i32
        %and3A_267 = vector.broadcast %and3A_266 : i32 to vector<16xi32>
        %and3A_268 = arith.andi %add3A_262, %and3A_267 : vector<16xi32>
        tpu.vector_store_idx %arg10[%shift_right_arithmetic3A_265, %and3A_268], %broadcast_in_dim3A_4 masked %eq3A_247 {add = true} : memref<128x256xi32, #tpu.memory_space<vmem>>[vector<16xi32>, vector<16xi32>], vector<16xi32>, vector<16xi1>
        %mul3A_269 = arith.constant 16 : i32
        %mul3A_270 = arith.muli %scan3A_70, %mul3A_269 : i32
        %add3A_271 = arith.constant 6 : i32
        %add3A_272 = arith.addi %mul3A_270, %add3A_271 : i32
        %mul3A_273 = arith.constant 16 : i32
        %mul3A_274 = arith.muli %add3A_272, %mul3A_273 : i32
        %get3A_275 = arith.index_cast %mul3A_274 : i32 to index
        %get3A_276 = tpu.vector_load %arg8[%get3A_275] {strides = array<i32>} : memref<16384xf32, #tpu.memory_space<vmem>>, vector<16xf32>,
        %get3A_277 = arith.index_cast %mul3A_274 : i32 to index
        %get3A_278 = tpu.vector_load %arg9[%get3A_277] {strides = array<i32>} : memref<16384xi32, #tpu.memory_space<vmem>>, vector<16xi32>,
        %eq3A_279 = arith.constant 0 : i32
        %eq3A_280 = vector.broadcast %eq3A_279 : i32 to vector<16xi32>
        %eq3A_281 = arith.cmpi eq, %get3A_278, %eq3A_280 : vector<16xi32>
        %bitcast3A_282 = vector.bitcast %get3A_276 : vector<16xf32> to vector<16xi32>
        %shift_right_arithmetic3A_283 = arith.constant 31 : i32
        %shift_right_arithmetic3A_284 = vector.broadcast %shift_right_arithmetic3A_283 : i32 to vector<16xi32>
        %shift_right_arithmetic3A_285 = arith.shrsi %bitcast3A_282, %shift_right_arithmetic3A_284 : vector<16xi32>
        %and3A_286 = arith.constant 2147483647 : i32
        %and3A_287 = vector.broadcast %and3A_286 : i32 to vector<16xi32>
        %and3A_288 = arith.andi %shift_right_arithmetic3A_285, %and3A_287 : vector<16xi32>
        %xor3A_289 = arith.xori %bitcast3A_282, %and3A_288 : vector<16xi32>
        %shift_right_arithmetic3A_290 = arith.constant 17 : i32
        %shift_right_arithmetic3A_291 = vector.broadcast %shift_right_arithmetic3A_290 : i32 to vector<16xi32>
        %shift_right_arithmetic3A_292 = arith.shrsi %xor3A_289, %shift_right_arithmetic3A_291 : vector<16xi32>
        %and3A_293 = arith.constant -16 : i32
        %and3A_294 = vector.broadcast %and3A_293 : i32 to vector<16xi32>
        %and3A_295 = arith.andi %shift_right_arithmetic3A_292, %and3A_294 : vector<16xi32>
        %add3A_296 = arith.addi %and3A_295, %add3A_3 : vector<16xi32>
        %shift_right_arithmetic3A_297 = arith.constant 8 : i32
        %shift_right_arithmetic3A_298 = vector.broadcast %shift_right_arithmetic3A_297 : i32 to vector<16xi32>
        %shift_right_arithmetic3A_299 = arith.shrsi %add3A_296, %shift_right_arithmetic3A_298 : vector<16xi32>
        %and3A_300 = arith.constant 255 : i32
        %and3A_301 = vector.broadcast %and3A_300 : i32 to vector<16xi32>
        %and3A_302 = arith.andi %add3A_296, %and3A_301 : vector<16xi32>
        tpu.vector_store_idx %arg10[%shift_right_arithmetic3A_299, %and3A_302], %broadcast_in_dim3A_4 masked %eq3A_281 {add = true} : memref<128x256xi32, #tpu.memory_space<vmem>>[vector<16xi32>, vector<16xi32>], vector<16xi32>, vector<16xi1>
        %mul3A_303 = arith.constant 16 : i32
        %mul3A_304 = arith.muli %scan3A_70, %mul3A_303 : i32
        %add3A_305 = arith.constant 7 : i32
        %add3A_306 = arith.addi %mul3A_304, %add3A_305 : i32
        %mul3A_307 = arith.constant 16 : i32
        %mul3A_308 = arith.muli %add3A_306, %mul3A_307 : i32
        %get3A_309 = arith.index_cast %mul3A_308 : i32 to index
        %get3A_310 = tpu.vector_load %arg8[%get3A_309] {strides = array<i32>} : memref<16384xf32, #tpu.memory_space<vmem>>, vector<16xf32>,
        %get3A_311 = arith.index_cast %mul3A_308 : i32 to index
        %get3A_312 = tpu.vector_load %arg9[%get3A_311] {strides = array<i32>} : memref<16384xi32, #tpu.memory_space<vmem>>, vector<16xi32>,
        %eq3A_313 = arith.constant 0 : i32
        %eq3A_314 = vector.broadcast %eq3A_313 : i32 to vector<16xi32>
        %eq3A_315 = arith.cmpi eq, %get3A_312, %eq3A_314 : vector<16xi32>
        %bitcast3A_316 = vector.bitcast %get3A_310 : vector<16xf32> to vector<16xi32>
        %shift_right_arithmetic3A_317 = arith.constant 31 : i32
        %shift_right_arithmetic3A_318 = vector.broadcast %shift_right_arithmetic3A_317 : i32 to vector<16xi32>
        %shift_right_arithmetic3A_319 = arith.shrsi %bitcast3A_316, %shift_right_arithmetic3A_318 : vector<16xi32>
        %and3A_320 = arith.constant 2147483647 : i32
        %and3A_321 = vector.broadcast %and3A_320 : i32 to vector<16xi32>
        %and3A_322 = arith.andi %shift_right_arithmetic3A_319, %and3A_321 : vector<16xi32>
        %xor3A_323 = arith.xori %bitcast3A_316, %and3A_322 : vector<16xi32>
        %shift_right_arithmetic3A_324 = arith.constant 17 : i32
        %shift_right_arithmetic3A_325 = vector.broadcast %shift_right_arithmetic3A_324 : i32 to vector<16xi32>
        %shift_right_arithmetic3A_326 = arith.shrsi %xor3A_323, %shift_right_arithmetic3A_325 : vector<16xi32>
        %and3A_327 = arith.constant -16 : i32
        %and3A_328 = vector.broadcast %and3A_327 : i32 to vector<16xi32>
        %and3A_329 = arith.andi %shift_right_arithmetic3A_326, %and3A_328 : vector<16xi32>
        %add3A_330 = arith.addi %and3A_329, %add3A_3 : vector<16xi32>
        %shift_right_arithmetic3A_331 = arith.constant 8 : i32
        %shift_right_arithmetic3A_332 = vector.broadcast %shift_right_arithmetic3A_331 : i32 to vector<16xi32>
        %shift_right_arithmetic3A_333 = arith.shrsi %add3A_330, %shift_right_arithmetic3A_332 : vector<16xi32>
        %and3A_334 = arith.constant 255 : i32
        %and3A_335 = vector.broadcast %and3A_334 : i32 to vector<16xi32>
        %and3A_336 = arith.andi %add3A_330, %and3A_335 : vector<16xi32>
        tpu.vector_store_idx %arg10[%shift_right_arithmetic3A_333, %and3A_336], %broadcast_in_dim3A_4 masked %eq3A_315 {add = true} : memref<128x256xi32, #tpu.memory_space<vmem>>[vector<16xi32>, vector<16xi32>], vector<16xi32>, vector<16xi1>
        %mul3A_337 = arith.constant 16 : i32
        %mul3A_338 = arith.muli %scan3A_70, %mul3A_337 : i32
        %add3A_339 = arith.constant 8 : i32
        %add3A_340 = arith.addi %mul3A_338, %add3A_339 : i32
        %mul3A_341 = arith.constant 16 : i32
        %mul3A_342 = arith.muli %add3A_340, %mul3A_341 : i32
        %get3A_343 = arith.index_cast %mul3A_342 : i32 to index
        %get3A_344 = tpu.vector_load %arg8[%get3A_343] {strides = array<i32>} : memref<16384xf32, #tpu.memory_space<vmem>>, vector<16xf32>,
        %get3A_345 = arith.index_cast %mul3A_342 : i32 to index
        %get3A_346 = tpu.vector_load %arg9[%get3A_345] {strides = array<i32>} : memref<16384xi32, #tpu.memory_space<vmem>>, vector<16xi32>,
        %eq3A_347 = arith.constant 0 : i32
        %eq3A_348 = vector.broadcast %eq3A_347 : i32 to vector<16xi32>
        %eq3A_349 = arith.cmpi eq, %get3A_346, %eq3A_348 : vector<16xi32>
        %bitcast3A_350 = vector.bitcast %get3A_344 : vector<16xf32> to vector<16xi32>
        %shift_right_arithmetic3A_351 = arith.constant 31 : i32
        %shift_right_arithmetic3A_352 = vector.broadcast %shift_right_arithmetic3A_351 : i32 to vector<16xi32>
        %shift_right_arithmetic3A_353 = arith.shrsi %bitcast3A_350, %shift_right_arithmetic3A_352 : vector<16xi32>
        %and3A_354 = arith.constant 2147483647 : i32
        %and3A_355 = vector.broadcast %and3A_354 : i32 to vector<16xi32>
        %and3A_356 = arith.andi %shift_right_arithmetic3A_353, %and3A_355 : vector<16xi32>
        %xor3A_357 = arith.xori %bitcast3A_350, %and3A_356 : vector<16xi32>
        %shift_right_arithmetic3A_358 = arith.constant 17 : i32
        %shift_right_arithmetic3A_359 = vector.broadcast %shift_right_arithmetic3A_358 : i32 to vector<16xi32>
        %shift_right_arithmetic3A_360 = arith.shrsi %xor3A_357, %shift_right_arithmetic3A_359 : vector<16xi32>
        %and3A_361 = arith.constant -16 : i32
        %and3A_362 = vector.broadcast %and3A_361 : i32 to vector<16xi32>
        %and3A_363 = arith.andi %shift_right_arithmetic3A_360, %and3A_362 : vector<16xi32>
        %add3A_364 = arith.addi %and3A_363, %add3A_3 : vector<16xi32>
        %shift_right_arithmetic3A_365 = arith.constant 8 : i32
        %shift_right_arithmetic3A_366 = vector.broadcast %shift_right_arithmetic3A_365 : i32 to vector<16xi32>
        %shift_right_arithmetic3A_367 = arith.shrsi %add3A_364, %shift_right_arithmetic3A_366 : vector<16xi32>
        %and3A_368 = arith.constant 255 : i32
        %and3A_369 = vector.broadcast %and3A_368 : i32 to vector<16xi32>
        %and3A_370 = arith.andi %add3A_364, %and3A_369 : vector<16xi32>
        tpu.vector_store_idx %arg10[%shift_right_arithmetic3A_367, %and3A_370], %broadcast_in_dim3A_4 masked %eq3A_349 {add = true} : memref<128x256xi32, #tpu.memory_space<vmem>>[vector<16xi32>, vector<16xi32>], vector<16xi32>, vector<16xi1>
        %mul3A_371 = arith.constant 16 : i32
        %mul3A_372 = arith.muli %scan3A_70, %mul3A_371 : i32
        %add3A_373 = arith.constant 9 : i32
        %add3A_374 = arith.addi %mul3A_372, %add3A_373 : i32
        %mul3A_375 = arith.constant 16 : i32
        %mul3A_376 = arith.muli %add3A_374, %mul3A_375 : i32
        %get3A_377 = arith.index_cast %mul3A_376 : i32 to index
        %get3A_378 = tpu.vector_load %arg8[%get3A_377] {strides = array<i32>} : memref<16384xf32, #tpu.memory_space<vmem>>, vector<16xf32>,
        %get3A_379 = arith.index_cast %mul3A_376 : i32 to index
        %get3A_380 = tpu.vector_load %arg9[%get3A_379] {strides = array<i32>} : memref<16384xi32, #tpu.memory_space<vmem>>, vector<16xi32>,
        %eq3A_381 = arith.constant 0 : i32
        %eq3A_382 = vector.broadcast %eq3A_381 : i32 to vector<16xi32>
        %eq3A_383 = arith.cmpi eq, %get3A_380, %eq3A_382 : vector<16xi32>
        %bitcast3A_384 = vector.bitcast %get3A_378 : vector<16xf32> to vector<16xi32>
        %shift_right_arithmetic3A_385 = arith.constant 31 : i32
        %shift_right_arithmetic3A_386 = vector.broadcast %shift_right_arithmetic3A_385 : i32 to vector<16xi32>
        %shift_right_arithmetic3A_387 = arith.shrsi %bitcast3A_384, %shift_right_arithmetic3A_386 : vector<16xi32>
        %and3A_388 = arith.constant 2147483647 : i32
        %and3A_389 = vector.broadcast %and3A_388 : i32 to vector<16xi32>
        %and3A_390 = arith.andi %shift_right_arithmetic3A_387, %and3A_389 : vector<16xi32>
        %xor3A_391 = arith.xori %bitcast3A_384, %and3A_390 : vector<16xi32>
        %shift_right_arithmetic3A_392 = arith.constant 17 : i32
        %shift_right_arithmetic3A_393 = vector.broadcast %shift_right_arithmetic3A_392 : i32 to vector<16xi32>
        %shift_right_arithmetic3A_394 = arith.shrsi %xor3A_391, %shift_right_arithmetic3A_393 : vector<16xi32>
        %and3A_395 = arith.constant -16 : i32
        %and3A_396 = vector.broadcast %and3A_395 : i32 to vector<16xi32>
        %and3A_397 = arith.andi %shift_right_arithmetic3A_394, %and3A_396 : vector<16xi32>
        %add3A_398 = arith.addi %and3A_397, %add3A_3 : vector<16xi32>
        %shift_right_arithmetic3A_399 = arith.constant 8 : i32
        %shift_right_arithmetic3A_400 = vector.broadcast %shift_right_arithmetic3A_399 : i32 to vector<16xi32>
        %shift_right_arithmetic3A_401 = arith.shrsi %add3A_398, %shift_right_arithmetic3A_400 : vector<16xi32>
        %and3A_402 = arith.constant 255 : i32
        %and3A_403 = vector.broadcast %and3A_402 : i32 to vector<16xi32>
        %and3A_404 = arith.andi %add3A_398, %and3A_403 : vector<16xi32>
        tpu.vector_store_idx %arg10[%shift_right_arithmetic3A_401, %and3A_404], %broadcast_in_dim3A_4 masked %eq3A_383 {add = true} : memref<128x256xi32, #tpu.memory_space<vmem>>[vector<16xi32>, vector<16xi32>], vector<16xi32>, vector<16xi1>
        %mul3A_405 = arith.constant 16 : i32
        %mul3A_406 = arith.muli %scan3A_70, %mul3A_405 : i32
        %add3A_407 = arith.constant 10 : i32
        %add3A_408 = arith.addi %mul3A_406, %add3A_407 : i32
        %mul3A_409 = arith.constant 16 : i32
        %mul3A_410 = arith.muli %add3A_408, %mul3A_409 : i32
        %get3A_411 = arith.index_cast %mul3A_410 : i32 to index
        %get3A_412 = tpu.vector_load %arg8[%get3A_411] {strides = array<i32>} : memref<16384xf32, #tpu.memory_space<vmem>>, vector<16xf32>,
        %get3A_413 = arith.index_cast %mul3A_410 : i32 to index
        %get3A_414 = tpu.vector_load %arg9[%get3A_413] {strides = array<i32>} : memref<16384xi32, #tpu.memory_space<vmem>>, vector<16xi32>,
        %eq3A_415 = arith.constant 0 : i32
        %eq3A_416 = vector.broadcast %eq3A_415 : i32 to vector<16xi32>
        %eq3A_417 = arith.cmpi eq, %get3A_414, %eq3A_416 : vector<16xi32>
        %bitcast3A_418 = vector.bitcast %get3A_412 : vector<16xf32> to vector<16xi32>
        %shift_right_arithmetic3A_419 = arith.constant 31 : i32
        %shift_right_arithmetic3A_420 = vector.broadcast %shift_right_arithmetic3A_419 : i32 to vector<16xi32>
        %shift_right_arithmetic3A_421 = arith.shrsi %bitcast3A_418, %shift_right_arithmetic3A_420 : vector<16xi32>
        %and3A_422 = arith.constant 2147483647 : i32
        %and3A_423 = vector.broadcast %and3A_422 : i32 to vector<16xi32>
        %and3A_424 = arith.andi %shift_right_arithmetic3A_421, %and3A_423 : vector<16xi32>
        %xor3A_425 = arith.xori %bitcast3A_418, %and3A_424 : vector<16xi32>
        %shift_right_arithmetic3A_426 = arith.constant 17 : i32
        %shift_right_arithmetic3A_427 = vector.broadcast %shift_right_arithmetic3A_426 : i32 to vector<16xi32>
        %shift_right_arithmetic3A_428 = arith.shrsi %xor3A_425, %shift_right_arithmetic3A_427 : vector<16xi32>
        %and3A_429 = arith.constant -16 : i32
        %and3A_430 = vector.broadcast %and3A_429 : i32 to vector<16xi32>
        %and3A_431 = arith.andi %shift_right_arithmetic3A_428, %and3A_430 : vector<16xi32>
        %add3A_432 = arith.addi %and3A_431, %add3A_3 : vector<16xi32>
        %shift_right_arithmetic3A_433 = arith.constant 8 : i32
        %shift_right_arithmetic3A_434 = vector.broadcast %shift_right_arithmetic3A_433 : i32 to vector<16xi32>
        %shift_right_arithmetic3A_435 = arith.shrsi %add3A_432, %shift_right_arithmetic3A_434 : vector<16xi32>
        %and3A_436 = arith.constant 255 : i32
        %and3A_437 = vector.broadcast %and3A_436 : i32 to vector<16xi32>
        %and3A_438 = arith.andi %add3A_432, %and3A_437 : vector<16xi32>
        tpu.vector_store_idx %arg10[%shift_right_arithmetic3A_435, %and3A_438], %broadcast_in_dim3A_4 masked %eq3A_417 {add = true} : memref<128x256xi32, #tpu.memory_space<vmem>>[vector<16xi32>, vector<16xi32>], vector<16xi32>, vector<16xi1>
        %mul3A_439 = arith.constant 16 : i32
        %mul3A_440 = arith.muli %scan3A_70, %mul3A_439 : i32
        %add3A_441 = arith.constant 11 : i32
        %add3A_442 = arith.addi %mul3A_440, %add3A_441 : i32
        %mul3A_443 = arith.constant 16 : i32
        %mul3A_444 = arith.muli %add3A_442, %mul3A_443 : i32
        %get3A_445 = arith.index_cast %mul3A_444 : i32 to index
        %get3A_446 = tpu.vector_load %arg8[%get3A_445] {strides = array<i32>} : memref<16384xf32, #tpu.memory_space<vmem>>, vector<16xf32>,
        %get3A_447 = arith.index_cast %mul3A_444 : i32 to index
        %get3A_448 = tpu.vector_load %arg9[%get3A_447] {strides = array<i32>} : memref<16384xi32, #tpu.memory_space<vmem>>, vector<16xi32>,
        %eq3A_449 = arith.constant 0 : i32
        %eq3A_450 = vector.broadcast %eq3A_449 : i32 to vector<16xi32>
        %eq3A_451 = arith.cmpi eq, %get3A_448, %eq3A_450 : vector<16xi32>
        %bitcast3A_452 = vector.bitcast %get3A_446 : vector<16xf32> to vector<16xi32>
        %shift_right_arithmetic3A_453 = arith.constant 31 : i32
        %shift_right_arithmetic3A_454 = vector.broadcast %shift_right_arithmetic3A_453 : i32 to vector<16xi32>
        %shift_right_arithmetic3A_455 = arith.shrsi %bitcast3A_452, %shift_right_arithmetic3A_454 : vector<16xi32>
        %and3A_456 = arith.constant 2147483647 : i32
        %and3A_457 = vector.broadcast %and3A_456 : i32 to vector<16xi32>
        %and3A_458 = arith.andi %shift_right_arithmetic3A_455, %and3A_457 : vector<16xi32>
        %xor3A_459 = arith.xori %bitcast3A_452, %and3A_458 : vector<16xi32>
        %shift_right_arithmetic3A_460 = arith.constant 17 : i32
        %shift_right_arithmetic3A_461 = vector.broadcast %shift_right_arithmetic3A_460 : i32 to vector<16xi32>
        %shift_right_arithmetic3A_462 = arith.shrsi %xor3A_459, %shift_right_arithmetic3A_461 : vector<16xi32>
        %and3A_463 = arith.constant -16 : i32
        %and3A_464 = vector.broadcast %and3A_463 : i32 to vector<16xi32>
        %and3A_465 = arith.andi %shift_right_arithmetic3A_462, %and3A_464 : vector<16xi32>
        %add3A_466 = arith.addi %and3A_465, %add3A_3 : vector<16xi32>
        %shift_right_arithmetic3A_467 = arith.constant 8 : i32
        %shift_right_arithmetic3A_468 = vector.broadcast %shift_right_arithmetic3A_467 : i32 to vector<16xi32>
        %shift_right_arithmetic3A_469 = arith.shrsi %add3A_466, %shift_right_arithmetic3A_468 : vector<16xi32>
        %and3A_470 = arith.constant 255 : i32
        %and3A_471 = vector.broadcast %and3A_470 : i32 to vector<16xi32>
        %and3A_472 = arith.andi %add3A_466, %and3A_471 : vector<16xi32>
        tpu.vector_store_idx %arg10[%shift_right_arithmetic3A_469, %and3A_472], %broadcast_in_dim3A_4 masked %eq3A_451 {add = true} : memref<128x256xi32, #tpu.memory_space<vmem>>[vector<16xi32>, vector<16xi32>], vector<16xi32>, vector<16xi1>
        %mul3A_473 = arith.constant 16 : i32
        %mul3A_474 = arith.muli %scan3A_70, %mul3A_473 : i32
        %add3A_475 = arith.constant 12 : i32
        %add3A_476 = arith.addi %mul3A_474, %add3A_475 : i32
        %mul3A_477 = arith.constant 16 : i32
        %mul3A_478 = arith.muli %add3A_476, %mul3A_477 : i32
        %get3A_479 = arith.index_cast %mul3A_478 : i32 to index
        %get3A_480 = tpu.vector_load %arg8[%get3A_479] {strides = array<i32>} : memref<16384xf32, #tpu.memory_space<vmem>>, vector<16xf32>,
        %get3A_481 = arith.index_cast %mul3A_478 : i32 to index
        %get3A_482 = tpu.vector_load %arg9[%get3A_481] {strides = array<i32>} : memref<16384xi32, #tpu.memory_space<vmem>>, vector<16xi32>,
        %eq3A_483 = arith.constant 0 : i32
        %eq3A_484 = vector.broadcast %eq3A_483 : i32 to vector<16xi32>
        %eq3A_485 = arith.cmpi eq, %get3A_482, %eq3A_484 : vector<16xi32>
        %bitcast3A_486 = vector.bitcast %get3A_480 : vector<16xf32> to vector<16xi32>
        %shift_right_arithmetic3A_487 = arith.constant 31 : i32
        %shift_right_arithmetic3A_488 = vector.broadcast %shift_right_arithmetic3A_487 : i32 to vector<16xi32>
        %shift_right_arithmetic3A_489 = arith.shrsi %bitcast3A_486, %shift_right_arithmetic3A_488 : vector<16xi32>
        %and3A_490 = arith.constant 2147483647 : i32
        %and3A_491 = vector.broadcast %and3A_490 : i32 to vector<16xi32>
        %and3A_492 = arith.andi %shift_right_arithmetic3A_489, %and3A_491 : vector<16xi32>
        %xor3A_493 = arith.xori %bitcast3A_486, %and3A_492 : vector<16xi32>
        %shift_right_arithmetic3A_494 = arith.constant 17 : i32
        %shift_right_arithmetic3A_495 = vector.broadcast %shift_right_arithmetic3A_494 : i32 to vector<16xi32>
        %shift_right_arithmetic3A_496 = arith.shrsi %xor3A_493, %shift_right_arithmetic3A_495 : vector<16xi32>
        %and3A_497 = arith.constant -16 : i32
        %and3A_498 = vector.broadcast %and3A_497 : i32 to vector<16xi32>
        %and3A_499 = arith.andi %shift_right_arithmetic3A_496, %and3A_498 : vector<16xi32>
        %add3A_500 = arith.addi %and3A_499, %add3A_3 : vector<16xi32>
        %shift_right_arithmetic3A_501 = arith.constant 8 : i32
        %shift_right_arithmetic3A_502 = vector.broadcast %shift_right_arithmetic3A_501 : i32 to vector<16xi32>
        %shift_right_arithmetic3A_503 = arith.shrsi %add3A_500, %shift_right_arithmetic3A_502 : vector<16xi32>
        %and3A_504 = arith.constant 255 : i32
        %and3A_505 = vector.broadcast %and3A_504 : i32 to vector<16xi32>
        %and3A_506 = arith.andi %add3A_500, %and3A_505 : vector<16xi32>
        tpu.vector_store_idx %arg10[%shift_right_arithmetic3A_503, %and3A_506], %broadcast_in_dim3A_4 masked %eq3A_485 {add = true} : memref<128x256xi32, #tpu.memory_space<vmem>>[vector<16xi32>, vector<16xi32>], vector<16xi32>, vector<16xi1>
        %mul3A_507 = arith.constant 16 : i32
        %mul3A_508 = arith.muli %scan3A_70, %mul3A_507 : i32
        %add3A_509 = arith.constant 13 : i32
        %add3A_510 = arith.addi %mul3A_508, %add3A_509 : i32
        %mul3A_511 = arith.constant 16 : i32
        %mul3A_512 = arith.muli %add3A_510, %mul3A_511 : i32
        %get3A_513 = arith.index_cast %mul3A_512 : i32 to index
        %get3A_514 = tpu.vector_load %arg8[%get3A_513] {strides = array<i32>} : memref<16384xf32, #tpu.memory_space<vmem>>, vector<16xf32>,
        %get3A_515 = arith.index_cast %mul3A_512 : i32 to index
        %get3A_516 = tpu.vector_load %arg9[%get3A_515] {strides = array<i32>} : memref<16384xi32, #tpu.memory_space<vmem>>, vector<16xi32>,
        %eq3A_517 = arith.constant 0 : i32
        %eq3A_518 = vector.broadcast %eq3A_517 : i32 to vector<16xi32>
        %eq3A_519 = arith.cmpi eq, %get3A_516, %eq3A_518 : vector<16xi32>
        %bitcast3A_520 = vector.bitcast %get3A_514 : vector<16xf32> to vector<16xi32>
        %shift_right_arithmetic3A_521 = arith.constant 31 : i32
        %shift_right_arithmetic3A_522 = vector.broadcast %shift_right_arithmetic3A_521 : i32 to vector<16xi32>
        %shift_right_arithmetic3A_523 = arith.shrsi %bitcast3A_520, %shift_right_arithmetic3A_522 : vector<16xi32>
        %and3A_524 = arith.constant 2147483647 : i32
        %and3A_525 = vector.broadcast %and3A_524 : i32 to vector<16xi32>
        %and3A_526 = arith.andi %shift_right_arithmetic3A_523, %and3A_525 : vector<16xi32>
        %xor3A_527 = arith.xori %bitcast3A_520, %and3A_526 : vector<16xi32>
        %shift_right_arithmetic3A_528 = arith.constant 17 : i32
        %shift_right_arithmetic3A_529 = vector.broadcast %shift_right_arithmetic3A_528 : i32 to vector<16xi32>
        %shift_right_arithmetic3A_530 = arith.shrsi %xor3A_527, %shift_right_arithmetic3A_529 : vector<16xi32>
        %and3A_531 = arith.constant -16 : i32
        %and3A_532 = vector.broadcast %and3A_531 : i32 to vector<16xi32>
        %and3A_533 = arith.andi %shift_right_arithmetic3A_530, %and3A_532 : vector<16xi32>
        %add3A_534 = arith.addi %and3A_533, %add3A_3 : vector<16xi32>
        %shift_right_arithmetic3A_535 = arith.constant 8 : i32
        %shift_right_arithmetic3A_536 = vector.broadcast %shift_right_arithmetic3A_535 : i32 to vector<16xi32>
        %shift_right_arithmetic3A_537 = arith.shrsi %add3A_534, %shift_right_arithmetic3A_536 : vector<16xi32>
        %and3A_538 = arith.constant 255 : i32
        %and3A_539 = vector.broadcast %and3A_538 : i32 to vector<16xi32>
        %and3A_540 = arith.andi %add3A_534, %and3A_539 : vector<16xi32>
        tpu.vector_store_idx %arg10[%shift_right_arithmetic3A_537, %and3A_540], %broadcast_in_dim3A_4 masked %eq3A_519 {add = true} : memref<128x256xi32, #tpu.memory_space<vmem>>[vector<16xi32>, vector<16xi32>], vector<16xi32>, vector<16xi1>
        %mul3A_541 = arith.constant 16 : i32
        %mul3A_542 = arith.muli %scan3A_70, %mul3A_541 : i32
        %add3A_543 = arith.constant 14 : i32
        %add3A_544 = arith.addi %mul3A_542, %add3A_543 : i32
        %mul3A_545 = arith.constant 16 : i32
        %mul3A_546 = arith.muli %add3A_544, %mul3A_545 : i32
        %get3A_547 = arith.index_cast %mul3A_546 : i32 to index
        %get3A_548 = tpu.vector_load %arg8[%get3A_547] {strides = array<i32>} : memref<16384xf32, #tpu.memory_space<vmem>>, vector<16xf32>,
        %get3A_549 = arith.index_cast %mul3A_546 : i32 to index
        %get3A_550 = tpu.vector_load %arg9[%get3A_549] {strides = array<i32>} : memref<16384xi32, #tpu.memory_space<vmem>>, vector<16xi32>,
        %eq3A_551 = arith.constant 0 : i32
        %eq3A_552 = vector.broadcast %eq3A_551 : i32 to vector<16xi32>
        %eq3A_553 = arith.cmpi eq, %get3A_550, %eq3A_552 : vector<16xi32>
        %bitcast3A_554 = vector.bitcast %get3A_548 : vector<16xf32> to vector<16xi32>
        %shift_right_arithmetic3A_555 = arith.constant 31 : i32
        %shift_right_arithmetic3A_556 = vector.broadcast %shift_right_arithmetic3A_555 : i32 to vector<16xi32>
        %shift_right_arithmetic3A_557 = arith.shrsi %bitcast3A_554, %shift_right_arithmetic3A_556 : vector<16xi32>
        %and3A_558 = arith.constant 2147483647 : i32
        %and3A_559 = vector.broadcast %and3A_558 : i32 to vector<16xi32>
        %and3A_560 = arith.andi %shift_right_arithmetic3A_557, %and3A_559 : vector<16xi32>
        %xor3A_561 = arith.xori %bitcast3A_554, %and3A_560 : vector<16xi32>
        %shift_right_arithmetic3A_562 = arith.constant 17 : i32
        %shift_right_arithmetic3A_563 = vector.broadcast %shift_right_arithmetic3A_562 : i32 to vector<16xi32>
        %shift_right_arithmetic3A_564 = arith.shrsi %xor3A_561, %shift_right_arithmetic3A_563 : vector<16xi32>
        %and3A_565 = arith.constant -16 : i32
        %and3A_566 = vector.broadcast %and3A_565 : i32 to vector<16xi32>
        %and3A_567 = arith.andi %shift_right_arithmetic3A_564, %and3A_566 : vector<16xi32>
        %add3A_568 = arith.addi %and3A_567, %add3A_3 : vector<16xi32>
        %shift_right_arithmetic3A_569 = arith.constant 8 : i32
        %shift_right_arithmetic3A_570 = vector.broadcast %shift_right_arithmetic3A_569 : i32 to vector<16xi32>
        %shift_right_arithmetic3A_571 = arith.shrsi %add3A_568, %shift_right_arithmetic3A_570 : vector<16xi32>
        %and3A_572 = arith.constant 255 : i32
        %and3A_573 = vector.broadcast %and3A_572 : i32 to vector<16xi32>
        %and3A_574 = arith.andi %add3A_568, %and3A_573 : vector<16xi32>
        tpu.vector_store_idx %arg10[%shift_right_arithmetic3A_571, %and3A_574], %broadcast_in_dim3A_4 masked %eq3A_553 {add = true} : memref<128x256xi32, #tpu.memory_space<vmem>>[vector<16xi32>, vector<16xi32>], vector<16xi32>, vector<16xi1>
        %mul3A_575 = arith.constant 16 : i32
        %mul3A_576 = arith.muli %scan3A_70, %mul3A_575 : i32
        %add3A_577 = arith.constant 15 : i32
        %add3A_578 = arith.addi %mul3A_576, %add3A_577 : i32
        %mul3A_579 = arith.constant 16 : i32
        %mul3A_580 = arith.muli %add3A_578, %mul3A_579 : i32
        %get3A_581 = arith.index_cast %mul3A_580 : i32 to index
        %get3A_582 = tpu.vector_load %arg8[%get3A_581] {strides = array<i32>} : memref<16384xf32, #tpu.memory_space<vmem>>, vector<16xf32>,
        %get3A_583 = arith.index_cast %mul3A_580 : i32 to index
        %get3A_584 = tpu.vector_load %arg9[%get3A_583] {strides = array<i32>} : memref<16384xi32, #tpu.memory_space<vmem>>, vector<16xi32>,
        %eq3A_585 = arith.constant 0 : i32
        %eq3A_586 = vector.broadcast %eq3A_585 : i32 to vector<16xi32>
        %eq3A_587 = arith.cmpi eq, %get3A_584, %eq3A_586 : vector<16xi32>
        %bitcast3A_588 = vector.bitcast %get3A_582 : vector<16xf32> to vector<16xi32>
        %shift_right_arithmetic3A_589 = arith.constant 31 : i32
        %shift_right_arithmetic3A_590 = vector.broadcast %shift_right_arithmetic3A_589 : i32 to vector<16xi32>
        %shift_right_arithmetic3A_591 = arith.shrsi %bitcast3A_588, %shift_right_arithmetic3A_590 : vector<16xi32>
        %and3A_592 = arith.constant 2147483647 : i32
        %and3A_593 = vector.broadcast %and3A_592 : i32 to vector<16xi32>
        %and3A_594 = arith.andi %shift_right_arithmetic3A_591, %and3A_593 : vector<16xi32>
        %xor3A_595 = arith.xori %bitcast3A_588, %and3A_594 : vector<16xi32>
        %shift_right_arithmetic3A_596 = arith.constant 17 : i32
        %shift_right_arithmetic3A_597 = vector.broadcast %shift_right_arithmetic3A_596 : i32 to vector<16xi32>
        %shift_right_arithmetic3A_598 = arith.shrsi %xor3A_595, %shift_right_arithmetic3A_597 : vector<16xi32>
        %and3A_599 = arith.constant -16 : i32
        %and3A_600 = vector.broadcast %and3A_599 : i32 to vector<16xi32>
        %and3A_601 = arith.andi %shift_right_arithmetic3A_598, %and3A_600 : vector<16xi32>
        %add3A_602 = arith.addi %and3A_601, %add3A_3 : vector<16xi32>
        %shift_right_arithmetic3A_603 = arith.constant 8 : i32
        %shift_right_arithmetic3A_604 = vector.broadcast %shift_right_arithmetic3A_603 : i32 to vector<16xi32>
        %shift_right_arithmetic3A_605 = arith.shrsi %add3A_602, %shift_right_arithmetic3A_604 : vector<16xi32>
        %and3A_606 = arith.constant 255 : i32
        %and3A_607 = vector.broadcast %and3A_606 : i32 to vector<16xi32>
        %and3A_608 = arith.andi %add3A_602, %and3A_607 : vector<16xi32>
        tpu.vector_store_idx %arg10[%shift_right_arithmetic3A_605, %and3A_608], %broadcast_in_dim3A_4 masked %eq3A_587 {add = true} : memref<128x256xi32, #tpu.memory_space<vmem>>[vector<16xi32>, vector<16xi32>], vector<16xi32>, vector<16xi1>
      }
      %scan3A_69 = arith.constant 64 : i32
    }
    %scan3A_16 = arith.constant 4 : i32
    "tpu.region"() ({
      %run_scoped3A = tpu.sem_alloc : memref<!tpu.dma_semaphore, #tpu.memory_space<semaphore_mem>>
      %dma_start3A_17 = arith.constant 0 : i32
      %dma_start3A_18 = arith.constant 0 : i32
      %dma_start3A_19 = tpu.memref_slice %arg5[%add3A, %dma_start3A_17, %dma_start3A_18] : memref<32x128x256xi32, #tpu.memory_space<hbm>> -> memref<1x128x256xi32, #tpu.memory_space<hbm>>
      %dma_start3A_20 = tpu.memref_squeeze %dma_start3A_19 : memref<1x128x256xi32, #tpu.memory_space<hbm>> -> memref<128x256xi32, #tpu.memory_space<hbm>>
      %dma_start3A_21 = arith.constant 0 : i32
      %dma_start3A_22 = arith.constant 0 : i32
      %dma_start3A_23 = tpu.memref_slice %arg5[%add3A, %dma_start3A_21, %dma_start3A_22] : memref<32x128x256xi32, #tpu.memory_space<hbm>> -> memref<1x128x256xi32, #tpu.memory_space<hbm>>
      %dma_start3A_24 = tpu.memref_squeeze %dma_start3A_23 : memref<1x128x256xi32, #tpu.memory_space<hbm>> -> memref<128x256xi32, #tpu.memory_space<hbm>>
      tpu.enqueue_dma source(%arg10 : memref<128x256xi32, #tpu.memory_space<vmem>>) target(%dma_start3A_24 : memref<128x256xi32, #tpu.memory_space<hbm>>) target_semaphore(%run_scoped3A : memref<!tpu.dma_semaphore, #tpu.memory_space<semaphore_mem>>)
      %dma_wait3A = arith.constant 0 : i32
      %dma_wait3A_25 = arith.constant 0 : i32
      %dma_wait3A_26 = tpu.memref_slice %arg5[%add3A, %dma_wait3A, %dma_wait3A_25] : memref<32x128x256xi32, #tpu.memory_space<hbm>> -> memref<1x128x256xi32, #tpu.memory_space<hbm>>
      %dma_wait3A_27 = tpu.memref_squeeze %dma_wait3A_26 : memref<1x128x256xi32, #tpu.memory_space<hbm>> -> memref<128x256xi32, #tpu.memory_space<hbm>>
      %dma_wait3A_28 = arith.constant 0 : i32
      %dma_wait3A_29 = arith.constant 0 : i32
      %dma_wait3A_30 = tpu.memref_slice %arg5[%add3A, %dma_wait3A_28, %dma_wait3A_29] : memref<32x128x256xi32, #tpu.memory_space<hbm>> -> memref<1x128x256xi32, #tpu.memory_space<hbm>>
      %dma_wait3A_31 = tpu.memref_squeeze %dma_wait3A_30 : memref<1x128x256xi32, #tpu.memory_space<hbm>> -> memref<128x256xi32, #tpu.memory_space<hbm>>
      tpu.wait_dma2 semaphore(%run_scoped3A : memref<!tpu.dma_semaphore, #tpu.memory_space<semaphore_mem>>) src(%arg10 : memref<128x256xi32, #tpu.memory_space<vmem>>) dst(%dma_wait3A_31 : memref<128x256xi32, #tpu.memory_space<hbm>>)
      tpu.yield
    }) : () -> ()
    return
  }
}

module attributes {stable_mosaic.version = 14 : i64} {
  func.func @_sel1_body(%arg0: i32, %arg1: memref<32x128x256xi32, #tpu.memory_space<vmem>>, %arg2: memref<8x128xi32, #tpu.memory_space<vmem>>, %arg3: memref<8x128xf32, #tpu.memory_space<vmem>>) attributes {dimension_semantics = [#tpu.dimension_semantics<arbitrary>], iteration_bounds = array<i64: 1>, scalar_prefetch = 0 : i64, scratch_operands = 0 : i64, tpu.core_type = #tpu.core_type<tc>, window_params = [{pipeline_mode = #tpu.pipeline_mode<synchronous>, transform_indices = @transform_0, window_bounds = array<i64: 32, 128, 256>}, {pipeline_mode = #tpu.pipeline_mode<synchronous>, transform_indices = @transform_1, window_bounds = array<i64: 8, 128>}, {pipeline_mode = #tpu.pipeline_mode<synchronous>, transform_indices = @transform_2, window_bounds = array<i64: 8, 128>}]} {
    %get3A = arith.constant 0 : index
    %get3A_0 = arith.constant 0 : index
    %get3A_1 = arith.constant 0 : index
    %get3A_2 = vector.load %arg1[%get3A, %get3A_0, %get3A_1] : memref<32x128x256xi32, #tpu.memory_space<vmem>>, vector<32x128x256xi32>
    %convert_element_type3A = arith.sitofp %get3A_2 : vector<32x128x256xi32> to vector<32x128x256xf32>
    %reduce_sum3A = arith.constant dense<0.000000e+00> : vector<128x256xf32>
    %reduce_sum3A_3 = vector.multi_reduction <add>, %convert_element_type3A, %reduce_sum3A [0] : vector<32x128x256xf32> to vector<128x256xf32>
    %iota3A = tpu.iota {dimensions = array<i32: 0>} : vector<256x16xi32>
    %shift_right_arithmetic3A = arith.constant 4 : i32
    %shift_right_arithmetic3A_4 = vector.broadcast %shift_right_arithmetic3A : i32 to vector<256x16xi32>
    %shift_right_arithmetic3A_5 = arith.shrsi %iota3A, %shift_right_arithmetic3A_4 : vector<256x16xi32>
    %iota3A_6 = tpu.iota {dimensions = array<i32: 1>} : vector<256x16xi32>
    %eq3A = arith.cmpi eq, %shift_right_arithmetic3A_5, %iota3A_6 : vector<256x16xi32>
    %convert_element_type3A_7 = arith.extui %eq3A : vector<256x16xi1> to vector<256x16xi32>
    %convert_element_type3A_8 = arith.sitofp %convert_element_type3A_7 : vector<256x16xi32> to vector<256x16xf32>
    %dot_general3A = arith.constant dense<0.000000e+00> : vector<128x16xf32>
    %dot_general3A_9 = tpu.matmul %reduce_sum3A_3, %convert_element_type3A_8, %dot_general3A {dimension_numbers = #tpu.dot_dimension_numbers<[1], [0], [0], [1], [0, 0, 1, 1], [], []>, transpose_lhs_hint = false} : vector<128x256xf32>, vector<256x16xf32>, vector<128x16xf32> -> vector<128x16xf32>
    %reduce_sum3A_10 = vector.shape_cast %dot_general3A_9 : vector<128x16xf32> to vector<1x128x16xf32>
    %reduce_sum3A_11 = arith.constant dense<0.000000e+00> : vector<1xf32>
    %reduce_sum3A_12 = vector.multi_reduction <add>, %reduce_sum3A_10, %reduce_sum3A_11 [1, 2] : vector<1x128x16xf32> to vector<1xf32>
    %reduce_sum3A_13 = vector.shape_cast %reduce_sum3A_12 : vector<1xf32> to vector<1x1x1xf32>
    %reduce_sum3A_14 = vector.extract %reduce_sum3A_13[0, 0, 0] : f32 from vector<1x1x1xf32>
    %sub3A = arith.constant 0x4A800000 : f32
    %sub3A_15 = arith.subf %sub3A, %reduce_sum3A_14 : f32
    %mul3A = arith.constant 5.000000e-01 : f32
    %mul3A_16 = arith.mulf %sub3A_15, %mul3A : f32
    %floor3A = math.floor %mul3A_16 : f32
    %reduce_sum3A_17 = arith.constant dense<0.000000e+00> : vector<128xf32>
    %reduce_sum3A_18 = vector.multi_reduction <add>, %dot_general3A_9, %reduce_sum3A_17 [1] : vector<128x16xf32> to vector<128xf32>
    %broadcast_in_dim3A = vector.shape_cast %reduce_sum3A_18 : vector<128xf32> to vector<128x1xf32>
    %iota3A_19 = tpu.iota {dimensions = array<i32: 0>} : vector<128x128xi32>
    %iota3A_20 = tpu.iota {dimensions = array<i32: 1>} : vector<128x128xi32>
    %gt3A = arith.cmpi sgt, %iota3A_20, %iota3A_19 : vector<128x128xi32>
    %convert_element_type3A_21 = arith.extui %gt3A : vector<128x128xi1> to vector<128x128xi32>
    %convert_element_type3A_22 = arith.sitofp %convert_element_type3A_21 : vector<128x128xi32> to vector<128x128xf32>
    %dot_general3A_23 = arith.constant dense<0.000000e+00> : vector<128x1xf32>
    %dot_general3A_24 = tpu.matmul %convert_element_type3A_22, %broadcast_in_dim3A, %dot_general3A_23 {dimension_numbers = #tpu.dot_dimension_numbers<[1], [0], [0], [1], [0, 0, 1, 1], [], []>, transpose_lhs_hint = false} : vector<128x128xf32>, vector<128x1xf32>, vector<128x1xf32> -> vector<128x1xf32>
    %iota3A_25 = tpu.iota {dimensions = array<i32: 0>} : vector<16x16xi32>
    %iota3A_26 = tpu.iota {dimensions = array<i32: 1>} : vector<16x16xi32>
    %gt3A_27 = arith.cmpi sgt, %iota3A_25, %iota3A_26 : vector<16x16xi32>
    %convert_element_type3A_28 = arith.extui %gt3A_27 : vector<16x16xi1> to vector<16x16xi32>
    %convert_element_type3A_29 = arith.sitofp %convert_element_type3A_28 : vector<16x16xi32> to vector<16x16xf32>
    %dot_general3A_30 = arith.constant dense<0.000000e+00> : vector<128x16xf32>
    %dot_general3A_31 = tpu.matmul %dot_general3A_9, %convert_element_type3A_29, %dot_general3A_30 {dimension_numbers = #tpu.dot_dimension_numbers<[1], [0], [0], [1], [0, 0, 1, 1], [], []>, transpose_lhs_hint = false} : vector<128x16xf32>, vector<16x16xf32>, vector<128x16xf32> -> vector<128x16xf32>
    %add3A = vector.broadcast %dot_general3A_24 : vector<128x1xf32> to vector<128x16xf32>
    %add3A_32 = arith.addf %add3A, %dot_general3A_31 : vector<128x16xf32>
    %lt3A = vector.broadcast %floor3A : f32 to vector<128x16xf32>
    %lt3A_33 = arith.cmpf olt, %add3A_32, %lt3A : vector<128x16xf32>
    %add3A_34 = arith.addf %add3A_32, %dot_general3A_9 : vector<128x16xf32>
    %ge3A = vector.broadcast %floor3A : f32 to vector<128x16xf32>
    %ge3A_35 = arith.cmpf oge, %add3A_34, %ge3A : vector<128x16xf32>
    %and3A = arith.andi %lt3A_33, %ge3A_35 : vector<128x16xi1>
    %convert_element_type3A_36 = arith.extui %and3A : vector<128x16xi1> to vector<128x16xi32>
    %convert_element_type3A_37 = arith.sitofp %convert_element_type3A_36 : vector<128x16xi32> to vector<128x16xf32>
    %iota3A_38 = tpu.iota {dimensions = array<i32: 0>} : vector<128x16xi32>
    %convert_element_type3A_39 = arith.sitofp %iota3A_38 : vector<128x16xi32> to vector<128x16xf32>
    %iota3A_40 = tpu.iota {dimensions = array<i32: 1>} : vector<128x16xi32>
    %convert_element_type3A_41 = arith.sitofp %iota3A_40 : vector<128x16xi32> to vector<128x16xf32>
    %mul3A_42 = arith.constant 1.600000e+01 : f32
    %mul3A_43 = vector.broadcast %mul3A_42 : f32 to vector<128x16xf32>
    %mul3A_44 = arith.mulf %convert_element_type3A_39, %mul3A_43 : vector<128x16xf32>
    %add3A_45 = arith.addf %mul3A_44, %convert_element_type3A_41 : vector<128x16xf32>
    %mul3A_46 = arith.mulf %convert_element_type3A_37, %add3A_45 : vector<128x16xf32>
    %reduce_sum3A_47 = vector.shape_cast %mul3A_46 : vector<128x16xf32> to vector<1x128x16xf32>
    %reduce_sum3A_48 = arith.constant dense<0.000000e+00> : vector<1xf32>
    %reduce_sum3A_49 = vector.multi_reduction <add>, %reduce_sum3A_47, %reduce_sum3A_48 [1, 2] : vector<1x128x16xf32> to vector<1xf32>
    %reduce_sum3A_50 = vector.shape_cast %reduce_sum3A_49 : vector<1xf32> to vector<1x1x1xf32>
    %reduce_sum3A_51 = vector.extract %reduce_sum3A_50[0, 0, 0] : f32 from vector<1x1x1xf32>
    %mul3A_52 = arith.mulf %convert_element_type3A_37, %add3A_32 : vector<128x16xf32>
    %reduce_sum3A_53 = vector.shape_cast %mul3A_52 : vector<128x16xf32> to vector<1x128x16xf32>
    %reduce_sum3A_54 = arith.constant dense<0.000000e+00> : vector<1xf32>
    %reduce_sum3A_55 = vector.multi_reduction <add>, %reduce_sum3A_53, %reduce_sum3A_54 [1, 2] : vector<1x128x16xf32> to vector<1xf32>
    %reduce_sum3A_56 = vector.shape_cast %reduce_sum3A_55 : vector<1xf32> to vector<1x1x1xf32>
    %reduce_sum3A_57 = vector.extract %reduce_sum3A_56[0, 0, 0] : f32 from vector<1x1x1xf32>
    %reduce_sum3A_58 = vector.shape_cast %convert_element_type3A_37 : vector<128x16xf32> to vector<1x128x16xf32>
    %reduce_sum3A_59 = arith.constant dense<0.000000e+00> : vector<1xf32>
    %reduce_sum3A_60 = vector.multi_reduction <add>, %reduce_sum3A_58, %reduce_sum3A_59 [1, 2] : vector<1x128x16xf32> to vector<1xf32>
    %reduce_sum3A_61 = vector.shape_cast %reduce_sum3A_60 : vector<1xf32> to vector<1x1x1xf32>
    %reduce_sum3A_62 = vector.extract %reduce_sum3A_61[0, 0, 0] : f32 from vector<1x1x1xf32>
    %convert_element_type3A_63 = arith.fptosi %reduce_sum3A_51 : f32 to i32
    %broadcast_in_dim3A_64 = vector.broadcast %convert_element_type3A_63 : i32 to vector<8x128xi32>
    %swap3A = arith.constant 0 : index
    %swap3A_65 = arith.constant 0 : index
    %swap3A_66 = vector.load %arg2[%swap3A, %swap3A_65] : memref<8x128xi32, #tpu.memory_space<vmem>>, vector<8x128xi32>
    tpu.vector_store %arg2[%swap3A, %swap3A_65], %broadcast_in_dim3A_64 {strides = array<i32>} : memref<8x128xi32, #tpu.memory_space<vmem>>, vector<8x128xi32>,
    %iota3A_67 = tpu.iota {dimensions = array<i32: 0>} : vector<8x128xi32>
    %eq3A_68 = arith.constant 0 : i32
    %eq3A_69 = vector.broadcast %eq3A_68 : i32 to vector<8x128xi32>
    %eq3A_70 = arith.cmpi eq, %iota3A_67, %eq3A_69 : vector<8x128xi32>
    %iota3A_71 = tpu.iota {dimensions = array<i32: 1>} : vector<8x128xi32>
    %broadcast_in_dim3A_72 = arith.constant 0.000000e+00 : f32
    %broadcast_in_dim3A_73 = vector.broadcast %broadcast_in_dim3A_72 : f32 to vector<8x128xf32>
    %eq3A_74 = arith.constant 0 : i32
    %eq3A_75 = vector.broadcast %eq3A_74 : i32 to vector<8x128xi32>
    %eq3A_76 = arith.cmpi eq, %iota3A_71, %eq3A_75 : vector<8x128xi32>
    %and3A_77 = arith.andi %eq3A_70, %eq3A_76 : vector<8x128xi1>
    %broadcast_in_dim3A_78 = vector.broadcast %floor3A : f32 to vector<8x128xf32>
    %select_n3A = arith.select %and3A_77, %broadcast_in_dim3A_78, %broadcast_in_dim3A_73 : vector<8x128xi1>, vector<8x128xf32>
    %eq3A_79 = arith.constant 1 : i32
    %eq3A_80 = vector.broadcast %eq3A_79 : i32 to vector<8x128xi32>
    %eq3A_81 = arith.cmpi eq, %iota3A_71, %eq3A_80 : vector<8x128xi32>
    %and3A_82 = arith.andi %eq3A_70, %eq3A_81 : vector<8x128xi1>
    %broadcast_in_dim3A_83 = vector.broadcast %sub3A_15 : f32 to vector<8x128xf32>
    %select_n3A_84 = arith.select %and3A_82, %broadcast_in_dim3A_83, %select_n3A : vector<8x128xi1>, vector<8x128xf32>
    %eq3A_85 = arith.constant 2 : i32
    %eq3A_86 = vector.broadcast %eq3A_85 : i32 to vector<8x128xi32>
    %eq3A_87 = arith.cmpi eq, %iota3A_71, %eq3A_86 : vector<8x128xi32>
    %and3A_88 = arith.andi %eq3A_70, %eq3A_87 : vector<8x128xi1>
    %broadcast_in_dim3A_89 = vector.broadcast %reduce_sum3A_57 : f32 to vector<8x128xf32>
    %select_n3A_90 = arith.select %and3A_88, %broadcast_in_dim3A_89, %select_n3A_84 : vector<8x128xi1>, vector<8x128xf32>
    %eq3A_91 = arith.constant 3 : i32
    %eq3A_92 = vector.broadcast %eq3A_91 : i32 to vector<8x128xi32>
    %eq3A_93 = arith.cmpi eq, %iota3A_71, %eq3A_92 : vector<8x128xi32>
    %and3A_94 = arith.andi %eq3A_70, %eq3A_93 : vector<8x128xi1>
    %broadcast_in_dim3A_95 = vector.broadcast %reduce_sum3A_62 : f32 to vector<8x128xf32>
    %select_n3A_96 = arith.select %and3A_94, %broadcast_in_dim3A_95, %select_n3A_90 : vector<8x128xi1>, vector<8x128xf32>
    %eq3A_97 = arith.constant 4 : i32
    %eq3A_98 = vector.broadcast %eq3A_97 : i32 to vector<8x128xi32>
    %eq3A_99 = arith.cmpi eq, %iota3A_71, %eq3A_98 : vector<8x128xi32>
    %and3A_100 = arith.andi %eq3A_70, %eq3A_99 : vector<8x128xi1>
    %broadcast_in_dim3A_101 = vector.broadcast %reduce_sum3A_51 : f32 to vector<8x128xf32>
    %select_n3A_102 = arith.select %and3A_100, %broadcast_in_dim3A_101, %select_n3A_96 : vector<8x128xi1>, vector<8x128xf32>
    %swap3A_103 = arith.constant 0 : index
    %swap3A_104 = arith.constant 0 : index
    %swap3A_105 = vector.load %arg3[%swap3A_103, %swap3A_104] : memref<8x128xf32, #tpu.memory_space<vmem>>, vector<8x128xf32>
    tpu.vector_store %arg3[%swap3A_103, %swap3A_104], %select_n3A_102 {strides = array<i32>} : memref<8x128xf32, #tpu.memory_space<vmem>>, vector<8x128xf32>,
    return
  }
  func.func @transform_0(%arg0: i32) -> (i32, i32, i32) {
    %c0_i32 = arith.constant 0 : i32
    %c0_i32_0 = arith.constant 0 : i32
    %c0_i32_1 = arith.constant 0 : i32
    %c0_i32_2 = arith.constant 0 : i32
    return %c0_i32, %c0_i32_0, %c0_i32_1 : i32, i32, i32
  }
  func.func @transform_1(%arg0: i32) -> (i32, i32) {
    %c0_i32 = arith.constant 0 : i32
    %c0_i32_0 = arith.constant 0 : i32
    %c0_i32_1 = arith.constant 0 : i32
    return %c0_i32, %c0_i32_0 : i32, i32
  }
  func.func @transform_2(%arg0: i32) -> (i32, i32) {
    %c0_i32 = arith.constant 0 : i32
    %c0_i32_0 = arith.constant 0 : i32
    %c0_i32_1 = arith.constant 0 : i32
    return %c0_i32, %c0_i32_0 : i32, i32
  }
}

module attributes {stable_mosaic.version = 14 : i64} {
  func.func @_final_body(%arg0: i32, %arg1: memref<8x32768xf32, #tpu.memory_space<vmem>>, %arg2: memref<8x32768xi32, #tpu.memory_space<vmem>>, %arg3: memref<8x128xf32, #tpu.memory_space<vmem>>, %arg4: memref<32x128x512xi32, #tpu.memory_space<vmem>>, %arg5: memref<8x128xf32, #tpu.memory_space<vmem>>, %arg6: memref<2xf32, #tpu.memory_space<smem>>, %arg7: memref<4xf32, #tpu.memory_space<smem>>) attributes {dimension_semantics = [#tpu.dimension_semantics<arbitrary>], iteration_bounds = array<i64: 16>, scalar_prefetch = 0 : i64, scratch_operands = 2 : i64, tpu.core_type = #tpu.core_type<tc>, window_params = [{transform_indices = @transform_0, window_bounds = array<i64: 8, 32768>}, {transform_indices = @transform_1, window_bounds = array<i64: 8, 32768>}, {pipeline_mode = #tpu.pipeline_mode<synchronous>, transform_indices = @transform_2, window_bounds = array<i64: 8, 128>}, {pipeline_mode = #tpu.pipeline_mode<synchronous>, transform_indices = @transform_3, window_bounds = array<i64: 32, 128, 512>}, {pipeline_mode = #tpu.pipeline_mode<synchronous>, transform_indices = @transform_4, window_bounds = array<i64: 8, 128>}]} {
    %eq3A = arith.constant 0 : i32
    %eq3A_0 = arith.cmpi eq, %arg0, %eq3A : i32
    %convert_element_type3A = arith.extui %eq3A_0 : i1 to i32
    %cond3A = arith.constant 0 : i32
    %cond3A_1 = arith.cmpi ne, %convert_element_type3A, %cond3A : i32
    scf.if %cond3A_1 {
      %swap3A_65 = arith.constant 0.000000e+00 : f32
      %swap3A_66 = arith.constant 0 : index
      %swap3A_67 = memref.load %arg6[%swap3A_66] : memref<2xf32, #tpu.memory_space<smem>>
      memref.store %swap3A_65, %arg6[%swap3A_66] : memref<2xf32, #tpu.memory_space<smem>>
      %swap3A_68 = arith.constant 0.000000e+00 : f32
      %swap3A_69 = arith.constant 1 : index
      %swap3A_70 = memref.load %arg6[%swap3A_69] : memref<2xf32, #tpu.memory_space<smem>>
      memref.store %swap3A_68, %arg6[%swap3A_69] : memref<2xf32, #tpu.memory_space<smem>>
      %broadcast_in_dim3A_71 = arith.constant 0.000000e+00 : f32
      %broadcast_in_dim3A_72 = vector.broadcast %broadcast_in_dim3A_71 : f32 to vector<8x128xf32>
      %swap3A_73 = arith.constant 0 : index
      %swap3A_74 = arith.constant 0 : index
      %swap3A_75 = vector.load %arg5[%swap3A_73, %swap3A_74] : memref<8x128xf32, #tpu.memory_space<vmem>>, vector<8x128xf32>
      tpu.vector_store %arg5[%swap3A_73, %swap3A_74], %broadcast_in_dim3A_72 {strides = array<i32>} : memref<8x128xf32, #tpu.memory_space<vmem>>, vector<8x128xf32>,
      %get3A_76 = arith.constant 0 : index
      %get3A_77 = arith.constant 0 : index
      %get3A_78 = arith.constant 0 : index
      %get3A_79 = vector.load %arg4[%get3A_76, %get3A_77, %get3A_78] : memref<32x128x512xi32, #tpu.memory_space<vmem>>, vector<32x128x512xi32>
      %convert_element_type3A_80 = arith.sitofp %get3A_79 : vector<32x128x512xi32> to vector<32x128x512xf32>
      %reduce_sum3A_81 = arith.constant dense<0.000000e+00> : vector<128x512xf32>
      %reduce_sum3A_82 = vector.multi_reduction <add>, %convert_element_type3A_80, %reduce_sum3A_81 [0] : vector<32x128x512xf32> to vector<128x512xf32>
      %iota3A = tpu.iota {dimensions = array<i32: 0>} : vector<512x32xi32>
      %shift_right_arithmetic3A_83 = arith.constant 4 : i32
      %shift_right_arithmetic3A_84 = vector.broadcast %shift_right_arithmetic3A_83 : i32 to vector<512x32xi32>
      %shift_right_arithmetic3A_85 = arith.shrsi %iota3A, %shift_right_arithmetic3A_84 : vector<512x32xi32>
      %iota3A_86 = tpu.iota {dimensions = array<i32: 1>} : vector<512x32xi32>
      %eq3A_87 = arith.cmpi eq, %shift_right_arithmetic3A_85, %iota3A_86 : vector<512x32xi32>
      %convert_element_type3A_88 = arith.extui %eq3A_87 : vector<512x32xi1> to vector<512x32xi32>
      %convert_element_type3A_89 = arith.sitofp %convert_element_type3A_88 : vector<512x32xi32> to vector<512x32xf32>
      %dot_general3A = arith.constant dense<0.000000e+00> : vector<128x32xf32>
      %dot_general3A_90 = tpu.matmul %reduce_sum3A_82, %convert_element_type3A_89, %dot_general3A {dimension_numbers = #tpu.dot_dimension_numbers<[1], [0], [0], [1], [0, 0, 1, 1], [], []>, transpose_lhs_hint = false} : vector<128x512xf32>, vector<512x32xf32>, vector<128x32xf32> -> vector<128x32xf32>
      %get3A_91 = arith.constant 0 : index
      %get3A_92 = arith.constant 0 : index
      %get3A_93 = vector.load %arg3[%get3A_91, %get3A_92] : memref<8x128xf32, #tpu.memory_space<vmem>>, vector<8x128xf32>
      %iota3A_94 = tpu.iota {dimensions = array<i32: 0>} : vector<8x128xi32>
      %eq3A_95 = arith.constant 0 : i32
      %eq3A_96 = vector.broadcast %eq3A_95 : i32 to vector<8x128xi32>
      %eq3A_97 = arith.cmpi eq, %iota3A_94, %eq3A_96 : vector<8x128xi32>
      %iota3A_98 = tpu.iota {dimensions = array<i32: 1>} : vector<8x128xi32>
      %eq3A_99 = arith.constant 0 : i32
      %eq3A_100 = vector.broadcast %eq3A_99 : i32 to vector<8x128xi32>
      %eq3A_101 = arith.cmpi eq, %iota3A_98, %eq3A_100 : vector<8x128xi32>
      %and3A_102 = arith.andi %eq3A_97, %eq3A_101 : vector<8x128xi1>
      %jit3A_103 = arith.constant 0.000000e+00 : f32
      %broadcast_in_dim3A_104 = vector.broadcast %jit3A_103 : f32 to vector<8x128xf32>
      %select_n3A_105 = arith.select %and3A_102, %get3A_93, %broadcast_in_dim3A_104 : vector<8x128xi1>, vector<8x128xf32>
      %reduce_sum3A_106 = vector.shape_cast %select_n3A_105 : vector<8x128xf32> to vector<1x8x128xf32>
      %reduce_sum3A_107 = arith.constant dense<0.000000e+00> : vector<1xf32>
      %reduce_sum3A_108 = vector.multi_reduction <add>, %reduce_sum3A_106, %reduce_sum3A_107 [1, 2] : vector<1x8x128xf32> to vector<1xf32>
      %reduce_sum3A_109 = vector.shape_cast %reduce_sum3A_108 : vector<1xf32> to vector<1x1x1xf32>
      %reduce_sum3A_110 = vector.extract %reduce_sum3A_109[0, 0, 0] : f32 from vector<1x1x1xf32>
      %iota3A_111 = tpu.iota {dimensions = array<i32: 0>} : vector<8x128xi32>
      %eq3A_112 = arith.constant 0 : i32
      %eq3A_113 = vector.broadcast %eq3A_112 : i32 to vector<8x128xi32>
      %eq3A_114 = arith.cmpi eq, %iota3A_111, %eq3A_113 : vector<8x128xi32>
      %iota3A_115 = tpu.iota {dimensions = array<i32: 1>} : vector<8x128xi32>
      %eq3A_116 = arith.constant 1 : i32
      %eq3A_117 = vector.broadcast %eq3A_116 : i32 to vector<8x128xi32>
      %eq3A_118 = arith.cmpi eq, %iota3A_115, %eq3A_117 : vector<8x128xi32>
      %and3A_119 = arith.andi %eq3A_114, %eq3A_118 : vector<8x128xi1>
      %jit3A_120 = arith.constant 0.000000e+00 : f32
      %broadcast_in_dim3A_121 = vector.broadcast %jit3A_120 : f32 to vector<8x128xf32>
      %select_n3A_122 = arith.select %and3A_119, %get3A_93, %broadcast_in_dim3A_121 : vector<8x128xi1>, vector<8x128xf32>
      %reduce_sum3A_123 = vector.shape_cast %select_n3A_122 : vector<8x128xf32> to vector<1x8x128xf32>
      %reduce_sum3A_124 = arith.constant dense<0.000000e+00> : vector<1xf32>
      %reduce_sum3A_125 = vector.multi_reduction <add>, %reduce_sum3A_123, %reduce_sum3A_124 [1, 2] : vector<1x8x128xf32> to vector<1xf32>
      %reduce_sum3A_126 = vector.shape_cast %reduce_sum3A_125 : vector<1xf32> to vector<1x1x1xf32>
      %reduce_sum3A_127 = vector.extract %reduce_sum3A_126[0, 0, 0] : f32 from vector<1x1x1xf32>
      %iota3A_128 = tpu.iota {dimensions = array<i32: 0>} : vector<8x128xi32>
      %eq3A_129 = arith.constant 0 : i32
      %eq3A_130 = vector.broadcast %eq3A_129 : i32 to vector<8x128xi32>
      %eq3A_131 = arith.cmpi eq, %iota3A_128, %eq3A_130 : vector<8x128xi32>
      %iota3A_132 = tpu.iota {dimensions = array<i32: 1>} : vector<8x128xi32>
      %eq3A_133 = arith.constant 2 : i32
      %eq3A_134 = vector.broadcast %eq3A_133 : i32 to vector<8x128xi32>
      %eq3A_135 = arith.cmpi eq, %iota3A_132, %eq3A_134 : vector<8x128xi32>
      %and3A_136 = arith.andi %eq3A_131, %eq3A_135 : vector<8x128xi1>
      %jit3A_137 = arith.constant 0.000000e+00 : f32
      %broadcast_in_dim3A_138 = vector.broadcast %jit3A_137 : f32 to vector<8x128xf32>
      %select_n3A_139 = arith.select %and3A_136, %get3A_93, %broadcast_in_dim3A_138 : vector<8x128xi1>, vector<8x128xf32>
      %reduce_sum3A_140 = vector.shape_cast %select_n3A_139 : vector<8x128xf32> to vector<1x8x128xf32>
      %reduce_sum3A_141 = arith.constant dense<0.000000e+00> : vector<1xf32>
      %reduce_sum3A_142 = vector.multi_reduction <add>, %reduce_sum3A_140, %reduce_sum3A_141 [1, 2] : vector<1x8x128xf32> to vector<1xf32>
      %reduce_sum3A_143 = vector.shape_cast %reduce_sum3A_142 : vector<1xf32> to vector<1x1x1xf32>
      %reduce_sum3A_144 = vector.extract %reduce_sum3A_143[0, 0, 0] : f32 from vector<1x1x1xf32>
      %iota3A_145 = tpu.iota {dimensions = array<i32: 0>} : vector<8x128xi32>
      %eq3A_146 = arith.constant 0 : i32
      %eq3A_147 = vector.broadcast %eq3A_146 : i32 to vector<8x128xi32>
      %eq3A_148 = arith.cmpi eq, %iota3A_145, %eq3A_147 : vector<8x128xi32>
      %iota3A_149 = tpu.iota {dimensions = array<i32: 1>} : vector<8x128xi32>
      %eq3A_150 = arith.constant 3 : i32
      %eq3A_151 = vector.broadcast %eq3A_150 : i32 to vector<8x128xi32>
      %eq3A_152 = arith.cmpi eq, %iota3A_149, %eq3A_151 : vector<8x128xi32>
      %and3A_153 = arith.andi %eq3A_148, %eq3A_152 : vector<8x128xi1>
      %jit3A_154 = arith.constant 0.000000e+00 : f32
      %broadcast_in_dim3A_155 = vector.broadcast %jit3A_154 : f32 to vector<8x128xf32>
      %select_n3A_156 = arith.select %and3A_153, %get3A_93, %broadcast_in_dim3A_155 : vector<8x128xi1>, vector<8x128xf32>
      %reduce_sum3A_157 = vector.shape_cast %select_n3A_156 : vector<8x128xf32> to vector<1x8x128xf32>
      %reduce_sum3A_158 = arith.constant dense<0.000000e+00> : vector<1xf32>
      %reduce_sum3A_159 = vector.multi_reduction <add>, %reduce_sum3A_157, %reduce_sum3A_158 [1, 2] : vector<1x8x128xf32> to vector<1xf32>
      %reduce_sum3A_160 = vector.shape_cast %reduce_sum3A_159 : vector<1xf32> to vector<1x1x1xf32>
      %reduce_sum3A_161 = vector.extract %reduce_sum3A_160[0, 0, 0] : f32 from vector<1x1x1xf32>
      %iota3A_162 = tpu.iota {dimensions = array<i32: 0>} : vector<8x128xi32>
      %eq3A_163 = arith.constant 0 : i32
      %eq3A_164 = vector.broadcast %eq3A_163 : i32 to vector<8x128xi32>
      %eq3A_165 = arith.cmpi eq, %iota3A_162, %eq3A_164 : vector<8x128xi32>
      %iota3A_166 = tpu.iota {dimensions = array<i32: 1>} : vector<8x128xi32>
      %eq3A_167 = arith.constant 4 : i32
      %eq3A_168 = vector.broadcast %eq3A_167 : i32 to vector<8x128xi32>
      %eq3A_169 = arith.cmpi eq, %iota3A_166, %eq3A_168 : vector<8x128xi32>
      %and3A_170 = arith.andi %eq3A_165, %eq3A_169 : vector<8x128xi1>
      %jit3A_171 = arith.constant 0.000000e+00 : f32
      %broadcast_in_dim3A_172 = vector.broadcast %jit3A_171 : f32 to vector<8x128xf32>
      %select_n3A_173 = arith.select %and3A_170, %get3A_93, %broadcast_in_dim3A_172 : vector<8x128xi1>, vector<8x128xf32>
      %reduce_sum3A_174 = vector.shape_cast %select_n3A_173 : vector<8x128xf32> to vector<1x8x128xf32>
      %reduce_sum3A_175 = arith.constant dense<0.000000e+00> : vector<1xf32>
      %reduce_sum3A_176 = vector.multi_reduction <add>, %reduce_sum3A_174, %reduce_sum3A_175 [1, 2] : vector<1x8x128xf32> to vector<1xf32>
      %reduce_sum3A_177 = vector.shape_cast %reduce_sum3A_176 : vector<1xf32> to vector<1x1x1xf32>
      %reduce_sum3A_178 = vector.extract %reduce_sum3A_177[0, 0, 0] : f32 from vector<1x1x1xf32>
      %sub3A_179 = arith.subf %reduce_sum3A_110, %reduce_sum3A_144 : f32
      %reduce_sum3A_180 = arith.constant dense<0.000000e+00> : vector<128xf32>
      %reduce_sum3A_181 = vector.multi_reduction <add>, %dot_general3A_90, %reduce_sum3A_180 [1] : vector<128x32xf32> to vector<128xf32>
      %broadcast_in_dim3A_182 = vector.shape_cast %reduce_sum3A_181 : vector<128xf32> to vector<128x1xf32>
      %iota3A_183 = tpu.iota {dimensions = array<i32: 0>} : vector<128x128xi32>
      %iota3A_184 = tpu.iota {dimensions = array<i32: 1>} : vector<128x128xi32>
      %gt3A_185 = arith.cmpi sgt, %iota3A_184, %iota3A_183 : vector<128x128xi32>
      %convert_element_type3A_186 = arith.extui %gt3A_185 : vector<128x128xi1> to vector<128x128xi32>
      %convert_element_type3A_187 = arith.sitofp %convert_element_type3A_186 : vector<128x128xi32> to vector<128x128xf32>
      %dot_general3A_188 = arith.constant dense<0.000000e+00> : vector<128x1xf32>
      %dot_general3A_189 = tpu.matmul %convert_element_type3A_187, %broadcast_in_dim3A_182, %dot_general3A_188 {dimension_numbers = #tpu.dot_dimension_numbers<[1], [0], [0], [1], [0, 0, 1, 1], [], []>, transpose_lhs_hint = false} : vector<128x128xf32>, vector<128x1xf32>, vector<128x1xf32> -> vector<128x1xf32>
      %iota3A_190 = tpu.iota {dimensions = array<i32: 0>} : vector<32x32xi32>
      %iota3A_191 = tpu.iota {dimensions = array<i32: 1>} : vector<32x32xi32>
      %gt3A_192 = arith.cmpi sgt, %iota3A_190, %iota3A_191 : vector<32x32xi32>
      %convert_element_type3A_193 = arith.extui %gt3A_192 : vector<32x32xi1> to vector<32x32xi32>
      %convert_element_type3A_194 = arith.sitofp %convert_element_type3A_193 : vector<32x32xi32> to vector<32x32xf32>
      %dot_general3A_195 = arith.constant dense<0.000000e+00> : vector<128x32xf32>
      %dot_general3A_196 = tpu.matmul %dot_general3A_90, %convert_element_type3A_194, %dot_general3A_195 {dimension_numbers = #tpu.dot_dimension_numbers<[1], [0], [0], [1], [0, 0, 1, 1], [], []>, transpose_lhs_hint = false} : vector<128x32xf32>, vector<32x32xf32>, vector<128x32xf32> -> vector<128x32xf32>
      %add3A_197 = vector.broadcast %dot_general3A_189 : vector<128x1xf32> to vector<128x32xf32>
      %add3A_198 = arith.addf %add3A_197, %dot_general3A_196 : vector<128x32xf32>
      %lt3A = vector.broadcast %sub3A_179 : f32 to vector<128x32xf32>
      %lt3A_199 = arith.cmpf olt, %add3A_198, %lt3A : vector<128x32xf32>
      %add3A_200 = arith.addf %add3A_198, %dot_general3A_90 : vector<128x32xf32>
      %ge3A = vector.broadcast %sub3A_179 : f32 to vector<128x32xf32>
      %ge3A_201 = arith.cmpf oge, %add3A_200, %ge3A : vector<128x32xf32>
      %and3A_202 = arith.andi %lt3A_199, %ge3A_201 : vector<128x32xi1>
      %convert_element_type3A_203 = arith.extui %and3A_202 : vector<128x32xi1> to vector<128x32xi32>
      %convert_element_type3A_204 = arith.sitofp %convert_element_type3A_203 : vector<128x32xi32> to vector<128x32xf32>
      %iota3A_205 = tpu.iota {dimensions = array<i32: 0>} : vector<128x32xi32>
      %convert_element_type3A_206 = arith.sitofp %iota3A_205 : vector<128x32xi32> to vector<128x32xf32>
      %iota3A_207 = tpu.iota {dimensions = array<i32: 1>} : vector<128x32xi32>
      %convert_element_type3A_208 = arith.sitofp %iota3A_207 : vector<128x32xi32> to vector<128x32xf32>
      %mul3A = arith.constant 3.200000e+01 : f32
      %mul3A_209 = vector.broadcast %mul3A : f32 to vector<128x32xf32>
      %mul3A_210 = arith.mulf %convert_element_type3A_206, %mul3A_209 : vector<128x32xf32>
      %add3A_211 = arith.addf %mul3A_210, %convert_element_type3A_208 : vector<128x32xf32>
      %mul3A_212 = arith.mulf %convert_element_type3A_204, %add3A_211 : vector<128x32xf32>
      %reduce_sum3A_213 = vector.shape_cast %mul3A_212 : vector<128x32xf32> to vector<1x128x32xf32>
      %reduce_sum3A_214 = arith.constant dense<0.000000e+00> : vector<1xf32>
      %reduce_sum3A_215 = vector.multi_reduction <add>, %reduce_sum3A_213, %reduce_sum3A_214 [1, 2] : vector<1x128x32xf32> to vector<1xf32>
      %reduce_sum3A_216 = vector.shape_cast %reduce_sum3A_215 : vector<1xf32> to vector<1x1x1xf32>
      %reduce_sum3A_217 = vector.extract %reduce_sum3A_216[0, 0, 0] : f32 from vector<1x1x1xf32>
      %mul3A_218 = arith.mulf %convert_element_type3A_204, %add3A_198 : vector<128x32xf32>
      %reduce_sum3A_219 = vector.shape_cast %mul3A_218 : vector<128x32xf32> to vector<1x128x32xf32>
      %reduce_sum3A_220 = arith.constant dense<0.000000e+00> : vector<1xf32>
      %reduce_sum3A_221 = vector.multi_reduction <add>, %reduce_sum3A_219, %reduce_sum3A_220 [1, 2] : vector<1x128x32xf32> to vector<1xf32>
      %reduce_sum3A_222 = vector.shape_cast %reduce_sum3A_221 : vector<1xf32> to vector<1x1x1xf32>
      %reduce_sum3A_223 = vector.extract %reduce_sum3A_222[0, 0, 0] : f32 from vector<1x1x1xf32>
      %reduce_sum3A_224 = vector.shape_cast %convert_element_type3A_204 : vector<128x32xf32> to vector<1x128x32xf32>
      %reduce_sum3A_225 = arith.constant dense<0.000000e+00> : vector<1xf32>
      %reduce_sum3A_226 = vector.multi_reduction <add>, %reduce_sum3A_224, %reduce_sum3A_225 [1, 2] : vector<1x128x32xf32> to vector<1xf32>
      %reduce_sum3A_227 = vector.shape_cast %reduce_sum3A_226 : vector<1xf32> to vector<1x1x1xf32>
      %reduce_sum3A_228 = vector.extract %reduce_sum3A_227[0, 0, 0] : f32 from vector<1x1x1xf32>
      %gt3A_229 = arith.constant 5.000000e-01 : f32
      %gt3A_230 = arith.cmpf ogt, %reduce_sum3A_161, %gt3A_229 : f32
      %gt3A_231 = arith.constant 5.000000e-01 : f32
      %gt3A_232 = arith.cmpf ogt, %reduce_sum3A_228, %gt3A_231 : f32
      %and3A_233 = arith.andi %gt3A_230, %gt3A_232 : i1
      %sub3A_234 = arith.constant 1.024000e+03 : f32
      %sub3A_235 = arith.subf %reduce_sum3A_178, %sub3A_234 : f32
      %mul3A_236 = arith.constant 4.096000e+03 : f32
      %mul3A_237 = arith.mulf %sub3A_235, %mul3A_236 : f32
      %add3A_238 = arith.addf %mul3A_237, %reduce_sum3A_217 : f32
      %sub3A_239 = arith.subf %reduce_sum3A_110, %reduce_sum3A_144 : f32
      %sub3A_240 = arith.subf %sub3A_239, %reduce_sum3A_223 : f32
      %lt3A_241 = arith.constant 5.000000e-01 : f32
      %lt3A_242 = arith.cmpf olt, %reduce_sum3A_110, %lt3A_241 : f32
      %jit3A_243 = arith.constant 0x4A800000 : f32
      %jit3A_244 = arith.constant 0xCA800002 : f32
      %select_n3A_245 = arith.select %lt3A_242, %jit3A_243, %jit3A_244 : f32
      %select_n3A_246 = arith.select %and3A_233, %add3A_238, %select_n3A_245 : f32
      %jit3A_247 = arith.constant 0.000000e+00 : f32
      %select_n3A_248 = arith.select %and3A_233, %sub3A_240, %jit3A_247 : f32
      %swap3A_249 = arith.constant 0 : index
      %swap3A_250 = memref.load %arg7[%swap3A_249] : memref<4xf32, #tpu.memory_space<smem>>
      memref.store %select_n3A_246, %arg7[%swap3A_249] : memref<4xf32, #tpu.memory_space<smem>>
      %swap3A_251 = arith.constant 1 : index
      %swap3A_252 = memref.load %arg7[%swap3A_251] : memref<4xf32, #tpu.memory_space<smem>>
      memref.store %select_n3A_248, %arg7[%swap3A_251] : memref<4xf32, #tpu.memory_space<smem>>
      %swap3A_253 = arith.constant 2 : index
      %swap3A_254 = memref.load %arg7[%swap3A_253] : memref<4xf32, #tpu.memory_space<smem>>
      memref.store %reduce_sum3A_110, %arg7[%swap3A_253] : memref<4xf32, #tpu.memory_space<smem>>
      %swap3A_255 = arith.constant 3 : index
      %swap3A_256 = memref.load %arg7[%swap3A_255] : memref<4xf32, #tpu.memory_space<smem>>
      memref.store %reduce_sum3A_127, %arg7[%swap3A_255] : memref<4xf32, #tpu.memory_space<smem>>
    } else {
    }
    %get3A = arith.constant 0 : index
    %get3A_2 = memref.load %arg7[%get3A] : memref<4xf32, #tpu.memory_space<smem>>
    %get3A_3 = arith.constant 0 : index
    %get3A_4 = arith.constant 0 : index
    %get3A_5 = vector.load %arg1[%get3A_3, %get3A_4] : memref<8x32768xf32, #tpu.memory_space<vmem>>, vector<8x32768xf32>
    %get3A_6 = arith.constant 0 : index
    %get3A_7 = arith.constant 0 : index
    %get3A_8 = vector.load %arg2[%get3A_6, %get3A_7] : memref<8x32768xi32, #tpu.memory_space<vmem>>, vector<8x32768xi32>
    %gt3A = arith.constant 0 : i32
    %gt3A_9 = vector.broadcast %gt3A : i32 to vector<8x32768xi32>
    %gt3A_10 = arith.cmpi sgt, %get3A_8, %gt3A_9 : vector<8x32768xi32>
    %eq3A_11 = arith.constant 0 : i32
    %eq3A_12 = vector.broadcast %eq3A_11 : i32 to vector<8x32768xi32>
    %eq3A_13 = arith.cmpi eq, %get3A_8, %eq3A_12 : vector<8x32768xi32>
    %max3A = arith.constant 0.000000e+00 : f32
    %max3A_14 = vector.broadcast %max3A : f32 to vector<8x32768xf32>
    %max3A_15 = arith.maximumf %get3A_5, %max3A_14 : vector<8x32768xf32>
    %sub3A = arith.subf %max3A_15, %get3A_5 : vector<8x32768xf32>
    %abs3A = math.absf %get3A_5 : vector<8x32768xf32>
    %neg3A = arith.constant 0.000000e+00 : f32
    %neg3A_16 = vector.broadcast %neg3A : f32 to vector<8x32768xf32>
    %neg3A_17 = arith.subf %neg3A_16, %abs3A : vector<8x32768xf32>
    %exp3A = math.exp %neg3A_17 : vector<8x32768xf32>
    %log1p3A = math.log1p %exp3A : vector<8x32768xf32>
    %add3A = arith.addf %sub3A, %log1p3A : vector<8x32768xf32>
    %get3A_18 = arith.constant 0 : index
    %get3A_19 = memref.load %arg6[%get3A_18] : memref<2xf32, #tpu.memory_space<smem>>
    %jit3A = arith.constant 0.000000e+00 : f32
    %broadcast_in_dim3A = vector.broadcast %jit3A : f32 to vector<8x32768xf32>
    %select_n3A = arith.select %gt3A_10, %add3A, %broadcast_in_dim3A : vector<8x32768xi1>, vector<8x32768xf32>
    %reduce_sum3A = vector.shape_cast %select_n3A : vector<8x32768xf32> to vector<1x8x32768xf32>
    %reduce_sum3A_20 = arith.constant dense<0.000000e+00> : vector<1xf32>
    %reduce_sum3A_21 = vector.multi_reduction <add>, %reduce_sum3A, %reduce_sum3A_20 [1, 2] : vector<1x8x32768xf32> to vector<1xf32>
    %reduce_sum3A_22 = vector.shape_cast %reduce_sum3A_21 : vector<1xf32> to vector<1x1x1xf32>
    %reduce_sum3A_23 = vector.extract %reduce_sum3A_22[0, 0, 0] : f32 from vector<1x1x1xf32>
    %add3A_24 = arith.addf %get3A_19, %reduce_sum3A_23 : f32
    %swap3A = arith.constant 0 : index
    %swap3A_25 = memref.load %arg6[%swap3A] : memref<2xf32, #tpu.memory_space<smem>>
    memref.store %add3A_24, %arg6[%swap3A] : memref<2xf32, #tpu.memory_space<smem>>
    %bitcast_convert_type3A = tpu.bitcast %get3A_5 : vector<8x32768xf32> -> vector<8x32768xi32>
    %shift_right_arithmetic3A = arith.constant 31 : i32
    %shift_right_arithmetic3A_26 = vector.broadcast %shift_right_arithmetic3A : i32 to vector<8x32768xi32>
    %shift_right_arithmetic3A_27 = arith.shrsi %bitcast_convert_type3A, %shift_right_arithmetic3A_26 : vector<8x32768xi32>
    %and3A = arith.constant 2147483647 : i32
    %and3A_28 = vector.broadcast %and3A : i32 to vector<8x32768xi32>
    %and3A_29 = arith.andi %shift_right_arithmetic3A_27, %and3A_28 : vector<8x32768xi32>
    %xor3A = arith.xori %bitcast_convert_type3A, %and3A_29 : vector<8x32768xi32>
    %shift_right_arithmetic3A_30 = arith.constant 9 : i32
    %shift_right_arithmetic3A_31 = vector.broadcast %shift_right_arithmetic3A_30 : i32 to vector<8x32768xi32>
    %shift_right_arithmetic3A_32 = arith.shrsi %xor3A, %shift_right_arithmetic3A_31 : vector<8x32768xi32>
    %convert_element_type3A_33 = arith.sitofp %shift_right_arithmetic3A_32 : vector<8x32768xi32> to vector<8x32768xf32>
    %gt3A_34 = vector.broadcast %get3A_2 : f32 to vector<8x32768xf32>
    %gt3A_35 = arith.cmpf ogt, %convert_element_type3A_33, %gt3A_34 : vector<8x32768xf32>
    %and3A_36 = arith.andi %eq3A_13, %gt3A_35 : vector<8x32768xi1>
    %get3A_37 = arith.constant 1 : index
    %get3A_38 = memref.load %arg6[%get3A_37] : memref<2xf32, #tpu.memory_space<smem>>
    %max3A_39 = arith.constant 0.000000e+00 : f32
    %max3A_40 = vector.broadcast %max3A_39 : f32 to vector<8x32768xf32>
    %max3A_41 = arith.maximumf %get3A_5, %max3A_40 : vector<8x32768xf32>
    %abs3A_42 = math.absf %get3A_5 : vector<8x32768xf32>
    %neg3A_43 = arith.constant 0.000000e+00 : f32
    %neg3A_44 = vector.broadcast %neg3A_43 : f32 to vector<8x32768xf32>
    %neg3A_45 = arith.subf %neg3A_44, %abs3A_42 : vector<8x32768xf32>
    %exp3A_46 = math.exp %neg3A_45 : vector<8x32768xf32>
    %log1p3A_47 = math.log1p %exp3A_46 : vector<8x32768xf32>
    %add3A_48 = arith.addf %max3A_41, %log1p3A_47 : vector<8x32768xf32>
    %jit3A_49 = arith.constant 0.000000e+00 : f32
    %broadcast_in_dim3A_50 = vector.broadcast %jit3A_49 : f32 to vector<8x32768xf32>
    %select_n3A_51 = arith.select %and3A_36, %add3A_48, %broadcast_in_dim3A_50 : vector<8x32768xi1>, vector<8x32768xf32>
    %reduce_sum3A_52 = vector.shape_cast %select_n3A_51 : vector<8x32768xf32> to vector<1x8x32768xf32>
    %reduce_sum3A_53 = arith.constant dense<0.000000e+00> : vector<1xf32>
    %reduce_sum3A_54 = vector.multi_reduction <add>, %reduce_sum3A_52, %reduce_sum3A_53 [1, 2] : vector<1x8x32768xf32> to vector<1xf32>
    %reduce_sum3A_55 = vector.shape_cast %reduce_sum3A_54 : vector<1xf32> to vector<1x1x1xf32>
    %reduce_sum3A_56 = vector.extract %reduce_sum3A_55[0, 0, 0] : f32 from vector<1x1x1xf32>
    %add3A_57 = arith.addf %get3A_38, %reduce_sum3A_56 : f32
    %swap3A_58 = arith.constant 1 : index
    %swap3A_59 = memref.load %arg6[%swap3A_58] : memref<2xf32, #tpu.memory_space<smem>>
    memref.store %add3A_57, %arg6[%swap3A_58] : memref<2xf32, #tpu.memory_space<smem>>
    %eq3A_60 = arith.constant 15 : i32
    %eq3A_61 = arith.cmpi eq, %arg0, %eq3A_60 : i32
    %convert_element_type3A_62 = arith.extui %eq3A_61 : i1 to i32
    %cond3A_63 = arith.constant 0 : i32
    %cond3A_64 = arith.cmpi ne, %convert_element_type3A_62, %cond3A_63 : i32
    scf.if %cond3A_64 {
      %get3A_65 = arith.constant 1 : index
      %get3A_66 = memref.load %arg7[%get3A_65] : memref<4xf32, #tpu.memory_space<smem>>
      %get3A_67 = arith.constant 2 : index
      %get3A_68 = memref.load %arg7[%get3A_67] : memref<4xf32, #tpu.memory_space<smem>>
      %get3A_69 = arith.constant 3 : index
      %get3A_70 = memref.load %arg7[%get3A_69] : memref<4xf32, #tpu.memory_space<smem>>
      %broadcast_in_dim3A_71 = vector.broadcast %get3A_2 : f32 to vector<8x128xf32>
      %jit3A_72 = arith.constant 0xCA800000 : f32
      %jit3A_73 = arith.constant 0x4A7FFFFC : f32
      %max3A_74 = vector.broadcast %jit3A_72 : f32 to vector<8x128xf32>
      %max3A_75 = arith.maximumf %max3A_74, %broadcast_in_dim3A_71 : vector<8x128xf32>
      %min3A = vector.broadcast %jit3A_73 : f32 to vector<8x128xf32>
      %min3A_76 = arith.minimumf %min3A, %max3A_75 : vector<8x128xf32>
      %convert_element_type3A_77 = arith.fptosi %min3A_76 : vector<8x128xf32> to vector<8x128xi32>
      %mul3A = arith.constant 512 : i32
      %mul3A_78 = vector.broadcast %mul3A : i32 to vector<8x128xi32>
      %mul3A_79 = arith.muli %convert_element_type3A_77, %mul3A_78 : vector<8x128xi32>
      %add3A_80 = arith.constant 256 : i32
      %add3A_81 = vector.broadcast %add3A_80 : i32 to vector<8x128xi32>
      %add3A_82 = arith.addi %mul3A_79, %add3A_81 : vector<8x128xi32>
      %ge3A = arith.constant 0 : i32
      %ge3A_83 = vector.broadcast %ge3A : i32 to vector<8x128xi32>
      %ge3A_84 = arith.cmpi sge, %add3A_82, %ge3A_83 : vector<8x128xi32>
      %xor3A_85 = arith.constant 2147483647 : i32
      %xor3A_86 = vector.broadcast %xor3A_85 : i32 to vector<8x128xi32>
      %xor3A_87 = arith.xori %add3A_82, %xor3A_86 : vector<8x128xi32>
      %select_n3A_88 = arith.select %ge3A_84, %add3A_82, %xor3A_87 : vector<8x128xi1>, vector<8x128xi32>
      %bitcast_convert_type3A_89 = tpu.bitcast %select_n3A_88 : vector<8x128xi32> -> vector<8x128xf32>
      %max3A_90 = arith.constant 0.000000e+00 : f32
      %max3A_91 = vector.broadcast %max3A_90 : f32 to vector<8x128xf32>
      %max3A_92 = arith.maximumf %bitcast_convert_type3A_89, %max3A_91 : vector<8x128xf32>
      %abs3A_93 = math.absf %bitcast_convert_type3A_89 : vector<8x128xf32>
      %neg3A_94 = arith.constant 0.000000e+00 : f32
      %neg3A_95 = vector.broadcast %neg3A_94 : f32 to vector<8x128xf32>
      %neg3A_96 = arith.subf %neg3A_95, %abs3A_93 : vector<8x128xf32>
      %exp3A_97 = math.exp %neg3A_96 : vector<8x128xf32>
      %log1p3A_98 = math.log1p %exp3A_97 : vector<8x128xf32>
      %add3A_99 = arith.addf %max3A_92, %log1p3A_98 : vector<8x128xf32>
      %reduce_sum3A_100 = vector.shape_cast %add3A_99 : vector<8x128xf32> to vector<1x8x128xf32>
      %reduce_sum3A_101 = arith.constant dense<0.000000e+00> : vector<1xf32>
      %reduce_sum3A_102 = vector.multi_reduction <add>, %reduce_sum3A_100, %reduce_sum3A_101 [1, 2] : vector<1x8x128xf32> to vector<1xf32>
      %reduce_sum3A_103 = vector.shape_cast %reduce_sum3A_102 : vector<1xf32> to vector<1x1x1xf32>
      %reduce_sum3A_104 = vector.extract %reduce_sum3A_103[0, 0, 0] : f32 from vector<1x1x1xf32>
      %div3A = arith.constant 1.024000e+03 : f32
      %div3A_105 = arith.divf %reduce_sum3A_104, %div3A : f32
      %get3A_106 = arith.constant 0 : index
      %get3A_107 = memref.load %arg6[%get3A_106] : memref<2xf32, #tpu.memory_space<smem>>
      %get3A_108 = arith.constant 1 : index
      %get3A_109 = memref.load %arg6[%get3A_108] : memref<2xf32, #tpu.memory_space<smem>>
      %mul3A_110 = arith.mulf %get3A_66, %div3A_105 : f32
      %add3A_111 = arith.addf %get3A_109, %mul3A_110 : f32
      %add3A_112 = arith.addf %get3A_107, %add3A_111 : f32
      %add3A_113 = arith.addf %get3A_70, %get3A_68 : f32
      %div3A_114 = arith.divf %add3A_112, %add3A_113 : f32
      %broadcast_in_dim3A_115 = vector.broadcast %div3A_114 : f32 to vector<8x128xf32>
      %swap3A_116 = arith.constant 0 : index
      %swap3A_117 = arith.constant 0 : index
      %swap3A_118 = vector.load %arg5[%swap3A_116, %swap3A_117] : memref<8x128xf32, #tpu.memory_space<vmem>>, vector<8x128xf32>
      tpu.vector_store %arg5[%swap3A_116, %swap3A_117], %broadcast_in_dim3A_115 {strides = array<i32>} : memref<8x128xf32, #tpu.memory_space<vmem>>, vector<8x128xf32>,
    } else {
    }
    return
  }
  func.func @transform_0(%arg0: i32) -> (i32, i32) {
    %c0_i32 = arith.constant 0 : i32
    %c0_i32_0 = arith.constant 0 : i32
    return %arg0, %c0_i32 : i32, i32
  }
  func.func @transform_1(%arg0: i32) -> (i32, i32) {
    %c0_i32 = arith.constant 0 : i32
    %c0_i32_0 = arith.constant 0 : i32
    return %arg0, %c0_i32 : i32, i32
  }
  func.func @transform_2(%arg0: i32) -> (i32, i32) {
    %c0_i32 = arith.constant 0 : i32
    %c0_i32_0 = arith.constant 0 : i32
    %c0_i32_1 = arith.constant 0 : i32
    return %c0_i32, %c0_i32_0 : i32, i32
  }
  func.func @transform_3(%arg0: i32) -> (i32, i32, i32) {
    %c0_i32 = arith.constant 0 : i32
    %c0_i32_0 = arith.constant 0 : i32
    %c0_i32_1 = arith.constant 0 : i32
    %c0_i32_2 = arith.constant 0 : i32
    return %c0_i32, %c0_i32_0, %c0_i32_1 : i32, i32, i32
  }
  func.func @transform_4(%arg0: i32) -> (i32, i32) {
    %c0_i32 = arith.constant 0 : i32
    %c0_i32_0 = arith.constant 0 : i32
    %c0_i32_1 = arith.constant 0 : i32
    return %c0_i32, %c0_i32_0 : i32, i32
  }
}

</mosaic_0001>

<sc_bundles>
// kernel: kernel.6.cloned.1.call-start
scs
__scs_entry_jumppad:
0x0: {  	(pc) =	sbr.rel $0x88, $3  }
0x1: {  	(tag) =	ssettag $0x0;
	lr =	simm.s32 $0x1  }
0x2: {  	[smem:$0x3F9F] =	sst lr;
	_ =	strace $0xD0000000  }
0x3: {  	_ = 	snop  }
0x4: {  	_ = 	snop  }
0x5: {  	_ = 	snop  }
0x6: {  	_ = 	snop  }
0x7: {  	_ = 	snop  }
__scs_overlays_trampoline_lowered:
0x8: {  	[smem:$0x3FAE] =	sst s0  }
0x9: {  	[smem:$0x3FAF] =	sst s1  }
0xa: {  	[smem:$0x3FB0] =	sst s2  }
0xb: {  	[smem:$0x3FB1] =	sst s3  }
0xc: {  	[smem:$0x3FB2] =	sst s4  }
0xd: {  	[smem:$0x3FB3] =	sst s5  }
0xe: {  	[smem:$0x3FB4] =	sst s6  }
0xf: {  	[smem:$0x3FB5] =	sst s7  }
0x10: {  	[smem:$0x3FB6] =	sst s8  }
0x11: {  	[smem:$0x3FB7] =	sst s9;
	s0 =	simm.s32 @!p0 $0x0  }
0x12: {  	s1 =	sld [smem:$0x3F9D];
	s0 =	simm.s32 @p0 $0x1  }
0x13: {  	[smem:$0x3FB8] =	sst s0;
	s0 =	simm.s32 @!p1 $0x0  }
0x14: {  	s2 =	sld [smem:$0x3F9C];
	s0 =	simm.s32 @p1 $0x1  }
0x15: {  	[smem:$0x3FB9] =	sst s0;
	s0 =	simm.s32 @!p2 $0x0  }
0x16: {  	s3 =	sld [smem:$0x3FDB];
	s0 =	simm.s32 @p2 $0x1  }
0x17: {  	s4 =	simm.s32 $0x1BF5;
	[smem:$0x3FBB] =	sst s0  }
0x18: {  	s0 =	sld [smem:$0x3F9E];
	_ =	swait.ge [sflag:s4], $0x0  }
0x19: {  	s7 =	sld [smem:$0x3F9F]  }
0x1a: {  	s8 =	sadd.s32 $0xFFFFE003, lr  }
0x1b: {  	s9 =	sadd.s32 $0xFFFFFEF7, lr;
	s5 =	simm.s32 $0xFFFFFFFF;
	p2 =	slt.u32 s8, $0xFFFFF086  }
0x1c: {  	p1 =	slt.u32 s9, $0xF7A;
	s5 =	simm.s32 @!p2 $0x0  }
0x1d: {  	s5 =	simm.s32 @p1 $0x1;
	p0 =	seq.s32 s7, s2  }
0x1e: {  	s7 =	smul.u32 @!p0 $0xF7A, s2;
	p2 =	seq.s32 @!p0 s5, $0x0  }
0x1f: {  	s9 =	smul.u32 $0xF7A, s1;
	s8 =	simm.s32 @!p0 $0x1BF5;
	p2 =	por !p2, p0  }
0x20: {  	[sflag:s8] =	ssyncset.s32 @!p0 $0xFFFFF086;
	s6 =	sadd.s32 @!p0 s3, s7;
	s7 =	simm.s32 @!p0 $0x108  }
0x21: {  	s3 =	sadd.s32 s3, s9;
	s6 =	sadd.s32 @!p0 $0x88, s6;
	s7 =	simm.s32 @p2 $0x1082  }
0x22: {  	[simem:s7], [sflag:s8] =	dma.local @!p0 [hbm:s6], $0xF7A  }
0x23: {  	s9 =	sor.u32 $0xD0000000, s2;
	s6 =	simm.s32 $0x108;
	_ =	swait.ge @!p0 [sflag:s8], $0x0  }
0x24: {  	s3 =	sadd.s32 $0x88, s3;
	s6 =	simm.s32 @!p1 $0x1082;
	[sflag:s4] =	ssyncset.s32 $0xFFFFF086  }
0x25: {  	[simem:s6], [sflag:s4] =	dma.local [hbm:s3], $0xF7A  }
0x26: {  	[smem:$0x3F9F] =	sst s1;
	(tag) =	ssettag s2;
	_ =	strace s9  }
0x27: {  	s1 =	sld [smem:$0x3FAF]  }
0x28: {  	s2 =	sld [smem:$0x3FB0]  }
0x29: {  	s4 =	sld [smem:$0x3FB2]  }
0x2a: {  	p0 =	seq.s32 s5, $0x0;
	s5 =	sld [smem:$0x3FB3]  }
0x2b: {  	s6 =	sld [smem:$0x3FB4]  }
0x2c: {  	s7 =	sld [smem:$0x3FB5]  }
0x2d: {  	s3 =	simm.s32 $0x108;
	s8 =	sld [smem:$0x3FB6]  }
0x2e: {  	s3 =	simm.s32 @!p0 $0x1082;
	s9 =	sld [smem:$0x3FB7]  }
0x2f: {  	lr =	sadd.s32 s0, s3;
	s0 =	sld [smem:$0x3FAE]  }
0x30: {  	s3 =	sld [smem:$0x3FB1]  }
0x31: {  	[smem:$0x3FBA] =	sst s10  }
0x32: {  	s10 =	sld [smem:$0x3FB8];
	_ =	sdelay $0x3  }
0x33: {  	p0 =	seq.s32 s10, $0x1;
	s10 =	sld [smem:$0x3FBA];
	_ =	sdelay $0x3  }
0x34: {  	[smem:$0x3FBA] =	sst s10  }
0x35: {  	s10 =	sld [smem:$0x3FB9];
	_ =	sdelay $0x3  }
0x36: {  	p1 =	seq.s32 s10, $0x1;
	s10 =	sld [smem:$0x3FBA];
	_ =	sdelay $0x3  }
0x37: {  	[smem:$0x3FBA] =	sst s10  }
0x38: {  	s10 =	sld [smem:$0x3FBB]  }
0x39: {  	_ = 	snop;
	(pc) =	sbr.ind lr, $3  }
0x3a: {  	_ = 	snop  }
0x3b: {  	_ = 	snop  }
0x3c: {  	p2 =	seq.s32 s10, $0x1;
	s10 =	sld [smem:$0x3FBA]  }
0x3d: {  	_ =	shalt  }
0x3e: {  	_ =	shalt  }
0x3f: {  	_ =	shalt  }
0x40: {  	_ =	shalt  }
0x41: {  	_ =	shalt  }
0x42: {  	_ =	shalt  }
0x43: {  	_ =	shalt  }
0x44: {  	_ =	shalt  }
0x45: {  	_ =	shalt  }
0x46: {  	_ =	shalt  }
0x47: {  	_ =	shalt  }
0x48: {  	_ =	shalt  }
0x49: {  	_ =	shalt  }
0x4a: {  	_ =	shalt  }
0x4b: {  	_ =	shalt  }
0x4c: {  	_ =	shalt  }
0x4d: {  	_ =	shalt  }
0x4e: {  	_ =	shalt  }
0x4f: {  	_ =	shalt  }
0x50: {  	_ =	shalt  }
0x51: {  	_ =	shalt  }
0x52: {  	_ =	shalt  }
0x53: {  	_ =	shalt  }
0x54: {  	_ =	shalt  }
0x55: {  	_ =	shalt  }
0x56: {  	_ =	shalt  }
0x57: {  	_ =	shalt  }
0x58: {  	_ =	shalt  }
0x59: {  	_ =	shalt  }
0x5a: {  	_ =	shalt  }
0x5b: {  	_ =	shalt  }
0x5c: {  	_ =	shalt  }
0x5d: {  	_ =	shalt  }
0x5e: {  	_ =	shalt  }
0x5f: {  	_ =	shalt  }
0x60: {  	_ =	shalt  }
0x61: {  	_ =	shalt  }
0x62: {  	_ =	shalt  }
0x63: {  	_ =	shalt  }
0x64: {  	_ =	shalt  }
0x65: {  	_ =	shalt  }
0x66: {  	_ =	shalt  }
0x67: {  	_ =	shalt  }
0x68: {  	_ =	shalt  }
0x69: {  	_ =	shalt  }
0x6a: {  	_ =	shalt  }
0x6b: {  	_ =	shalt  }
0x6c: {  	_ =	shalt  }
0x6d: {  	_ =	shalt  }
0x6e: {  	_ =	shalt  }
0x6f: {  	_ =	shalt  }
0x70: {  	_ =	shalt  }
0x71: {  	_ =	shalt  }
0x72: {  	_ =	shalt  }
0x73: {  	_ =	shalt  }
0x74: {  	_ =	shalt  }
0x75: {  	_ =	shalt  }
0x76: {  	_ =	shalt  }
0x77: {  	_ =	shalt  }
0x78: {  	_ =	shalt  }
0x79: {  	_ =	shalt  }
0x7a: {  	_ =	shalt  }
0x7b: {  	_ =	shalt  }
0x7c: {  	_ =	shalt  }
0x7d: {  	_ =	shalt  }
0x7e: {  	_ =	shalt  }
0x7f: {  	_ =	shalt  }
0x80: {  	_ =	shalt  }
0x81: {  	_ =	shalt  }
0x82: {  	_ =	shalt  }
0x83: {  	_ =	shalt  }
0x84: {  	_ =	shalt  }
0x85: {  	_ =	shalt  }
0x86: {  	_ =	shalt  }
0x87: {  	_ =	shalt  }
.Lfunc_end0:
.L_simem_size_0:
called_computation_lowered:
.L_overlay_start_0:
0x88: {  	s2 =	sld [smem:$0x3FD9]  }
0x89: {  	s3 =	sld [smem:$0x3FFE];
	_ =	sdelay $0x1  }
0x8a: {  	s1 =	srdreg.scid  }
0x8b: {  	s0 =	sand.u32 $0x1, s1  }
0x8c: {  	s16 =	sshll.u32 s0, $0xA;
	s2 =	sadd.s32 s3, s2  }
0x8d: {  	s2 =	sadd.s32 s2, s16  }
0x8e: {  	[smem:$0x3FC6] =	sst s2  }
0x8f: {  	_ = 	snop  }
0x90: {  	(tm) =	ssettm $0x1  }
0x91: {  	s17 =	sld [smem:$0x3FFB];
	_ =	sdelay $0x3  }
0x92: {  	_ =	strace s17  }
0x93: {  	s2 =	sld [smem:$0x3FFC];
	_ =	sdelay $0x3  }
0x94: {  	_ =	strace s2  }
0x95: {  	s2 =	sld [smem:$0x3FFD];
	_ =	sdelay $0x3  }
0x96: {  	_ =	strace s2  }
0x97: {  	_ =	strace $0x8FFFFFFF  }
0x98: {  	s18 =	sld [smem:$0x3FDB];
	_ =	sdelay $0x1  }
0x99: {  	s19 =	simm.s32 $_scs_section_size  }
0x9a: {  	s4 =	simm.s32 $_size__tile_overlayer_lowered;
	s5 =	simm.s32 $_tile_overlayer_lowered  }
0x9b: {  	s22 =	simm.s32 $0x1BFF;
	s21 =	sshll.u32 s5, $0x1;
	s2 =	sadd.s32 s19, s18  }
0x9c: {  	s6 =	simm.s32 $0x0;
	s20 =	sshll.u32 s4, $0x1;
	s4 =	sadd.s32 s21, s2  }
0x9d: {  	[timem:s6], [sflag:s22] =	dma.local [hbm:s4], s20  }
0x9e: {  	_ =	swait.ge [sflag:s22], s20  }
0x9f: {  	s3 =	ssub.s32 $0x0, s20;
	[sflag:s22] =	ssyncset.done $0x0  }
0xa0: {  	[sflag:s22] =	ssyncadd.s32 s3;
	_ =	sdelay $0x1  }
0xa1: {  	s23 =	simm.s32 $0x1B8B  }
0xa2: {  	_ =	swait.ge [sflag:s23], $0x1  }
0xa3: {  	[sflag:s23] =	ssyncset.done $0x0  }
0xa4: {  	s25 =	simm.s32 $0x1B8E;
	s24 =	sld [smem:$0x3FFE];
	[sflag:s23] =	ssyncadd.s32 $0xFFFFFFFF  }
0xa5: {  	s26 =	simm.s32 $execute0_lowered;
	[smem:$0x3FD2] =	sst s25  }
0xa6: {  	s4 =	sshll.u32 s26, $0x1;
	_ =	strace $0x80000046;
	[dreg:$0x1] =	wrdreg $0xFFFFFFFF  }
0xa7: {  	s28 =	simm.s32 $_size_execute0_lowered;
	s2 =	sadd.s32 s2, s4;
	[dreg:$0x0] =	wrdreg $0x0  }
0xa8: {  	s4 =	sshll.u32 s28, $0x1;
	[dreg:$0x2] =	wrdreg s2  }
0xa9: {  	[dreg:$0x3] =	wrdreg s4  }
0xaa: {  	[dreg:$0x4] =	wrdreg $0xC0  }
0xab: {  	_ =	task [dreg:s6], $0x5FFFF  }
0xac: {  	[dreg:$0x1] =	wrdreg $0xFFFFFFFF  }
0xad: {  	[dreg:$0x0] =	wrdreg $0x60  }
0xae: {  	[dreg:$0x2] =	wrdreg s24  }
0xaf: {  	[dreg:$0x3] =	wrdreg $0x9  }
0xb0: {  	_ =	task.clear_ibuf [dreg:s6], $0x4FFFF;
	_ =	strace $0x90000046  }
0xb1: {  	s29 =	simm.s32 $0x9;
	_ =	strace $0x80000048  }
0xb2: {  	_ =	swait.ge [sflag:s29], $0x1  }
0xb3: {  	[sflag:s29] =	ssyncadd.s32 $0xFFFFFFFF  }
0xb4: {  	_ =	strace $0x90000048  }
0xb5: {  	_ =	sfence  }
0xb6: {  	s30 =	sld [smem:$0x0];
	_ =	sdelay $0x2  }
0xb7: {  	s31 =	sshll.u32 s1, $0xD;
	s1 =	sshrl.u32 s1, $0x2  }
0xb8: {  	s3 =	sand.u32 $0x4000, s31;
	s1 =	sadd.s32 s1, s30  }
0xb9: {  	s0 =	sor.u32 s3, s0;
	s1 =	sshll.u32 s1, $0x11  }
0xba: {  	s0 =	sor.u32 s1, s0  }
0xbb: {  	s0 =	sadd.s32 $0x8F2B, s0  }
0xbc: {  	[sflag:s0] =	ssyncadd.remote.s32 $0x1  }
0xbd: {  	_ =	sfence.sel $0xFFFF  }
0xbe: {  	[dreg:$0x0] =	wrdreg $0xFFFFFFFF;
	(pc) =	sbr.abs _section_cstart, $3  }
0xbf: {  	[dreg:$0x1] =	wrdreg $0xFFFFFFFF  }
0xc0: {  	_ =	task.clear_ibuf [dreg:s6], $0x2FFFF;
	_ =	strace $0x9FFFFFFF  }
0xc1: {  	(tm) =	ssettm $0x7FFFFFFF  }
tec
execute0_lowered:
.L_overlay_start_1:
0x0: {  	(tag) =	ssettag $0x1  }
0x1: {  	s6 =	rddreg [dreg:$0x0]  }
0x2: {  	s0 =	rddreg [dreg:$0x1]  }
0x3: {  	s2 =	simm.s32 $0x0;
	s3 =	srdreg.scid;
	s1 =	stileid.u32  }
0x4: {  	s12 =	simm.s32 $0x10000;
	s13 =	simm.s32 $0x5;
	s14 =	simm.s32 $0x4000  }
0x5: {  	s15 =	simm.s32 $0x8000;
	s16 =	simm.s32 $0xC000;
	s17 =	simm.s32 $0x1  }
0x6: {  	s18 =	simm.s32 $0x2;
	s19 =	simm.s32 $0x3;
	s20 =	simm.s32 $0x4  }
0x7: {  	s21 =	simm.s32 $0x0;
	[smem:$0x7FF] =	sst s2;
	s5 =	sand.u32 $0x1, s3  }
0x8: {  	s4 =	sshll.u32 s1, $0x1;
	s3 =	sadd.s32 $0x81200, s6;
	_ =	strace $0x80000047  }
0x9: {  	s7 =	sor.u32 s5, s4;
	s4 =	sadd.s32 $0x1200, s6;
	s9 =	ssub.s32 $0x2, s5  }
0xa: {  	s5 =	sadd.s32 $0x101200, s6;
	s8 =	sshll.u32 s7, $0xC;
	s30 =	sshrl.u32 s9, $0x1  }
0xb: {  	s31 =	sshll.u32 s7, $0xE;
	s10 =	sadd.s32 s8, s6;
	s11 =	ssub.s32 s9, s30  }
0xc: {  	v0 =	vlaneseq.u32;
	s6 =	sshll.u32 s7, $0x11;
	s7 =	sadd.s32 s3, s31;
	s8 =	sadd.s32 s4, s31  }
0xd: {  	v1 =	vimm.s32 $0x1;
	v0 =	vor.u32 $0x4000, v0;
	s9 =	sor.u32 $0x8000, s6;
	s10 =	sadd.s32 $0x102200, s10;
	s11 =	smax.u32 s11, $0x1  }
.LBB2_1:
0xe: {  	[tilespmem:s12], [sflag:$0x5] =	stream.linear.gather [hbm4b:s5+s2], $0x8000, $0x38;
	[tilespmem:$0x18000] =	vst v63  }
0xf: {  	_ =	swait.ge [sflag:s13], $0x8000  }
0x10: {  	[sflag:s13] =	ssyncset.done $0x0  }
0x11: {  	[sflag:s13] =	ssyncadd.s32 $0xFFFF8000  }
0x12: {  	[tilespmem:s2], [sflag:$0x1] =	stream.linear.gather [hbm4b:s7+s2], $0x4000, $0x38;
	[tilespmem:$0x18000] =	vst v63  }
0x13: {  	s22 =	simm.s32 $0x0  }
0x14: {  	[tilespmem:s14], [sflag:$0x2] =	stream.linear.gather [hbm4b:s8+s2], $0x4000, $0x38;
	[tilespmem:$0x18000] =	vst v63  }
.LBB2_3:
0x15: {  	s23 =	sshll.u32 s22, $0xF  }
0x16: {  	s24 =	sor.u32 s23, s6  }
0x17: {  	s24 =	sshrl.u32 s24, $0x3  }
0x18: {  	s25 =	sor.u32 $0x800, s24  }
0x19: {  	s24 =	simm.s32 $0x0;
	s26 =	sadd.s32 s3, s25  }
0x1a: {  	[tilespmem:s15], [sflag:$0x3] =	stream.linear.gather [hbm4b:s26+s24], $0x4000, $0x38;
	[tilespmem:$0x18000] =	vst v63  }
0x1b: {  	s25 =	sadd.s32 s4, s25  }
0x1c: {  	[tilespmem:s16], [sflag:$0x4] =	stream.linear.gather [hbm4b:s25+s24], $0x4000, $0x38;
	[tilespmem:$0x18000] =	vst v63  }
0x1d: {  	_ =	swait.ge [sflag:s17], $0x4000  }
0x1e: {  	[sflag:s17] =	ssyncset.done $0x0  }
0x1f: {  	[sflag:s17] =	ssyncadd.s32 $0xFFFFC000  }
0x20: {  	_ =	swait.ge [sflag:s18], $0x4000  }
0x21: {  	[sflag:s18] =	ssyncset.done $0x0  }
0x22: {  	[sflag:s18] =	ssyncadd.s32 $0xFFFFC000  }
.LBB2_4:
0x23: {  	s25 =	sshra.s32 s24, $0x2  }
0x24: {  	v2 =	vld [tilespmem:s25+$0x0];
	_ =	sdelay $0x4  }
0x25: {  	v3 =	vshra.s32 v2, $0x1F  }
0x26: {  	v3 =	vand.u32 $0x7FE00000, v3  }
0x27: {  	v2 =	vxor.u32 v2, v3  }
0x28: {  	v3 =	vld [tilespmem:s25+$0x4000];
	v2 =	vshra.s32 v2, $0x11  }
0x29: {  	v2 =	vand.u32 $0xFFFFFFF0, v2  }
0x2a: {  	v2 =	vadd.s32 v0, v2  }
0x2b: {  	v4 =	vshll.u32 v2, $0x3  }
0x2c: {  	v5 =	vshrl.u32 v2, $0x1;
	v2 =	vand.u32 $0xFFFFF87F, v2;
	v4 =	vand.u32 $0x400, v4  }
0x2d: {  	vm0 =	veq.s32 v3, $0x0;
	v3 =	vand.u32 $0x380, v5;
	v2 =	vor.u32 v4, v2  }
0x2e: {  	v2 =	vor.u32 v3, v2;
	_ =	sdelay $0x4  }
0x2f: {  	[tilespmem:v2+s12+$0x0] =	vst.idx.add.s32.msk vm0, v1  }
0x30: {  	v2 =	vld [tilespmem:s25+$0x10];
	_ =	sdelay $0x4  }
0x31: {  	v3 =	vshra.s32 v2, $0x1F  }
0x32: {  	v3 =	vand.u32 $0x7FE00000, v3  }
0x33: {  	v2 =	vxor.u32 v2, v3  }
0x34: {  	v3 =	vld [tilespmem:s25+$0x4010];
	v2 =	vshra.s32 v2, $0x11  }
0x35: {  	v2 =	vand.u32 $0xFFFFFFF0, v2  }
0x36: {  	v2 =	vadd.s32 v0, v2  }
0x37: {  	v34 =	vshll.u32 v2, $0x3  }
0x38: {  	v35 =	vshrl.u32 v2, $0x1;
	v2 =	vand.u32 $0xFFFFF87F, v2;
	v4 =	vand.u32 $0x400, v34  }
0x39: {  	vm13 =	veq.s32 v3, $0x0;
	v3 =	vand.u32 $0x380, v35;
	v2 =	vor.u32 v4, v2  }
0x3a: {  	v2 =	vor.u32 v3, v2;
	_ =	sdelay $0x4  }
0x3b: {  	[tilespmem:v2+s12+$0x0] =	vst.idx.add.s32.msk vm13, v1  }
0x3c: {  	v2 =	vld [tilespmem:s25+$0x20];
	_ =	sdelay $0x4  }
0x3d: {  	v3 =	vshra.s32 v2, $0x1F  }
0x3e: {  	v3 =	vand.u32 $0x7FE00000, v3  }
0x3f: {  	v2 =	vxor.u32 v2, v3  }
0x40: {  	v3 =	vld [tilespmem:s25+$0x4020];
	v2 =	vshra.s32 v2, $0x11  }
0x41: {  	v2 =	vand.u32 $0xFFFFFFF0, v2  }
0x42: {  	v2 =	vadd.s32 v0, v2  }
0x43: {  	v36 =	vshll.u32 v2, $0x3  }
0x44: {  	v37 =	vshrl.u32 v2, $0x1;
	v2 =	vand.u32 $0xFFFFF87F, v2;
	v4 =	vand.u32 $0x400, v36  }
0x45: {  	vm14 =	veq.s32 v3, $0x0;
	v3 =	vand.u32 $0x380, v37;
	v2 =	vor.u32 v4, v2  }
0x46: {  	v2 =	vor.u32 v3, v2;
	_ =	sdelay $0x4  }
0x47: {  	[tilespmem:v2+s12+$0x0] =	vst.idx.add.s32.msk vm14, v1  }
0x48: {  	v2 =	vld [tilespmem:s25+$0x30];
	_ =	sdelay $0x4  }
0x49: {  	v3 =	vshra.s32 v2, $0x1F  }
0x4a: {  	v3 =	vand.u32 $0x7FE00000, v3  }
0x4b: {  	v2 =	vxor.u32 v2, v3  }
0x4c: {  	v3 =	vld [tilespmem:s25+$0x4030];
	v2 =	vshra.s32 v2, $0x11  }
0x4d: {  	v2 =	vand.u32 $0xFFFFFFF0, v2  }
0x4e: {  	v2 =	vadd.s32 v0, v2  }
0x4f: {  	v38 =	vshll.u32 v2, $0x3  }
0x50: {  	v39 =	vshrl.u32 v2, $0x1;
	v2 =	vand.u32 $0xFFFFF87F, v2;
	v4 =	vand.u32 $0x400, v38  }
0x51: {  	vm15 =	veq.s32 v3, $0x0;
	v3 =	vand.u32 $0x380, v39;
	v2 =	vor.u32 v4, v2  }
0x52: {  	v2 =	vor.u32 v3, v2;
	_ =	sdelay $0x4  }
0x53: {  	[tilespmem:v2+s12+$0x0] =	vst.idx.add.s32.msk vm15, v1  }
0x54: {  	v2 =	vld [tilespmem:s25+$0x40];
	_ =	sdelay $0x4  }
0x55: {  	v3 =	vshra.s32 v2, $0x1F  }
0x56: {  	v3 =	vand.u32 $0x7FE00000, v3  }
0x57: {  	v2 =	vxor.u32 v2, v3  }
0x58: {  	v3 =	vld [tilespmem:s25+$0x4040];
	v2 =	vshra.s32 v2, $0x11  }
0x59: {  	v2 =	vand.u32 $0xFFFFFFF0, v2  }
0x5a: {  	v2 =	vadd.s32 v0, v2  }
0x5b: {  	v40 =	vshll.u32 v2, $0x3  }
0x5c: {  	v41 =	vshrl.u32 v2, $0x1;
	v2 =	vand.u32 $0xFFFFF87F, v2;
	v4 =	vand.u32 $0x400, v40  }
0x5d: {  	vm4 =	veq.s32 v3, $0x0;
	v3 =	vand.u32 $0x380, v41;
	v2 =	vor.u32 v4, v2  }
0x5e: {  	v2 =	vor.u32 v3, v2;
	_ =	sdelay $0x4  }
0x5f: {  	[tilespmem:v2+s12+$0x0] =	vst.idx.add.s32.msk vm4, v1  }
0x60: {  	v2 =	vld [tilespmem:s25+$0x50];
	_ =	sdelay $0x4  }
0x61: {  	v3 =	vshra.s32 v2, $0x1F  }
0x62: {  	v3 =	vand.u32 $0x7FE00000, v3  }
0x63: {  	v2 =	vxor.u32 v2, v3  }
0x64: {  	v3 =	vld [tilespmem:s25+$0x4050];
	v2 =	vshra.s32 v2, $0x11  }
0x65: {  	v2 =	vand.u32 $0xFFFFFFF0, v2  }
0x66: {  	v2 =	vadd.s32 v0, v2  }
0x67: {  	v42 =	vshll.u32 v2, $0x3  }
0x68: {  	v43 =	vshrl.u32 v2, $0x1;
	v2 =	vand.u32 $0xFFFFF87F, v2;
	v4 =	vand.u32 $0x400, v42  }
0x69: {  	vm5 =	veq.s32 v3, $0x0;
	v3 =	vand.u32 $0x380, v43;
	v2 =	vor.u32 v4, v2  }
0x6a: {  	v2 =	vor.u32 v3, v2;
	_ =	sdelay $0x4  }
0x6b: {  	[tilespmem:v2+s12+$0x0] =	vst.idx.add.s32.msk vm5, v1  }
0x6c: {  	v2 =	vld [tilespmem:s25+$0x60];
	_ =	sdelay $0x4  }
0x6d: {  	v3 =	vshra.s32 v2, $0x1F  }
0x6e: {  	v3 =	vand.u32 $0x7FE00000, v3  }
0x6f: {  	v2 =	vxor.u32 v2, v3  }
0x70: {  	v3 =	vld [tilespmem:s25+$0x4060];
	v2 =	vshra.s32 v2, $0x11  }
0x71: {  	v2 =	vand.u32 $0xFFFFFFF0, v2  }
0x72: {  	v2 =	vadd.s32 v0, v2  }
0x73: {  	v44 =	vshll.u32 v2, $0x3  }
0x74: {  	v45 =	vshrl.u32 v2, $0x1;
	v2 =	vand.u32 $0xFFFFF87F, v2;
	v4 =	vand.u32 $0x400, v44  }
0x75: {  	vm6 =	veq.s32 v3, $0x0;
	v3 =	vand.u32 $0x380, v45;
	v2 =	vor.u32 v4, v2  }
0x76: {  	v2 =	vor.u32 v3, v2;
	_ =	sdelay $0x4  }
0x77: {  	[tilespmem:v2+s12+$0x0] =	vst.idx.add.s32.msk vm6, v1  }
0x78: {  	v2 =	vld [tilespmem:s25+$0x70];
	_ =	sdelay $0x4  }
0x79: {  	v3 =	vshra.s32 v2, $0x1F  }
0x7a: {  	v3 =	vand.u32 $0x7FE00000, v3  }
0x7b: {  	v2 =	vxor.u32 v2, v3  }
0x7c: {  	v3 =	vld [tilespmem:s25+$0x4070];
	v2 =	vshra.s32 v2, $0x11  }
0x7d: {  	v2 =	vand.u32 $0xFFFFFFF0, v2  }
0x7e: {  	v2 =	vadd.s32 v0, v2  }
0x7f: {  	v46 =	vshll.u32 v2, $0x3  }
0x80: {  	v47 =	vshrl.u32 v2, $0x1;
	v2 =	vand.u32 $0xFFFFF87F, v2;
	v4 =	vand.u32 $0x400, v46  }
0x81: {  	vm7 =	veq.s32 v3, $0x0;
	v3 =	vand.u32 $0x380, v47;
	v2 =	vor.u32 v4, v2  }
0x82: {  	v2 =	vor.u32 v3, v2;
	_ =	sdelay $0x4  }
0x83: {  	[tilespmem:v2+s12+$0x0] =	vst.idx.add.s32.msk vm7, v1  }
0x84: {  	v2 =	vld [tilespmem:s25+$0x80];
	_ =	sdelay $0x4  }
0x85: {  	v3 =	vshra.s32 v2, $0x1F  }
0x86: {  	v3 =	vand.u32 $0x7FE00000, v3  }
0x87: {  	v2 =	vxor.u32 v2, v3  }
0x88: {  	v3 =	vld [tilespmem:s25+$0x4080];
	v2 =	vshra.s32 v2, $0x11  }
0x89: {  	v2 =	vand.u32 $0xFFFFFFF0, v2  }
0x8a: {  	v2 =	vadd.s32 v0, v2  }
0x8b: {  	v48 =	vshll.u32 v2, $0x3  }
0x8c: {  	v49 =	vshrl.u32 v2, $0x1;
	v2 =	vand.u32 $0xFFFFF87F, v2;
	v4 =	vand.u32 $0x400, v48  }
0x8d: {  	vm8 =	veq.s32 v3, $0x0;
	v3 =	vand.u32 $0x380, v49;
	v2 =	vor.u32 v4, v2  }
0x8e: {  	v2 =	vor.u32 v3, v2;
	_ =	sdelay $0x4  }
0x8f: {  	[tilespmem:v2+s12+$0x0] =	vst.idx.add.s32.msk vm8, v1  }
0x90: {  	v2 =	vld [tilespmem:s25+$0x90];
	_ =	sdelay $0x4  }
0x91: {  	v3 =	vshra.s32 v2, $0x1F  }
0x92: {  	v3 =	vand.u32 $0x7FE00000, v3  }
0x93: {  	v2 =	vxor.u32 v2, v3  }
0x94: {  	v3 =	vld [tilespmem:s25+$0x4090];
	v2 =	vshra.s32 v2, $0x11  }
0x95: {  	v2 =	vand.u32 $0xFFFFFFF0, v2  }
0x96: {  	v2 =	vadd.s32 v0, v2  }
0x97: {  	v50 =	vshll.u32 v2, $0x3  }
0x98: {  	v51 =	vshrl.u32 v2, $0x1;
	v2 =	vand.u32 $0xFFFFF87F, v2;
	v4 =	vand.u32 $0x400, v50  }
0x99: {  	vm9 =	veq.s32 v3, $0x0;
	v3 =	vand.u32 $0x380, v51;
	v2 =	vor.u32 v4, v2  }
0x9a: {  	v2 =	vor.u32 v3, v2;
	_ =	sdelay $0x4  }
0x9b: {  	[tilespmem:v2+s12+$0x0] =	vst.idx.add.s32.msk vm9, v1  }
0x9c: {  	v2 =	vld [tilespmem:s25+$0xA0];
	_ =	sdelay $0x4  }
0x9d: {  	v3 =	vshra.s32 v2, $0x1F  }
0x9e: {  	v3 =	vand.u32 $0x7FE00000, v3  }
0x9f: {  	v2 =	vxor.u32 v2, v3  }
0xa0: {  	v3 =	vld [tilespmem:s25+$0x40A0];
	v2 =	vshra.s32 v2, $0x11  }
0xa1: {  	v2 =	vand.u32 $0xFFFFFFF0, v2  }
0xa2: {  	v2 =	vadd.s32 v0, v2  }
0xa3: {  	v52 =	vshll.u32 v2, $0x3  }
0xa4: {  	v53 =	vshrl.u32 v2, $0x1;
	v2 =	vand.u32 $0xFFFFF87F, v2;
	v4 =	vand.u32 $0x400, v52  }
0xa5: {  	vm10 =	veq.s32 v3, $0x0;
	v3 =	vand.u32 $0x380, v53;
	v2 =	vor.u32 v4, v2  }
0xa6: {  	v2 =	vor.u32 v3, v2;
	_ =	sdelay $0x4  }
0xa7: {  	[tilespmem:v2+s12+$0x0] =	vst.idx.add.s32.msk vm10, v1  }
0xa8: {  	v2 =	vld [tilespmem:s25+$0xB0];
	_ =	sdelay $0x4  }
0xa9: {  	v3 =	vshra.s32 v2, $0x1F  }
0xaa: {  	v3 =	vand.u32 $0x7FE00000, v3  }
0xab: {  	v2 =	vxor.u32 v2, v3  }
0xac: {  	v3 =	vld [tilespmem:s25+$0x40B0];
	v2 =	vshra.s32 v2, $0x11  }
0xad: {  	v2 =	vand.u32 $0xFFFFFFF0, v2  }
0xae: {  	v2 =	vadd.s32 v0, v2  }
0xaf: {  	v54 =	vshll.u32 v2, $0x3  }
0xb0: {  	v55 =	vshrl.u32 v2, $0x1;
	v2 =	vand.u32 $0xFFFFF87F, v2;
	v4 =	vand.u32 $0x400, v54  }
0xb1: {  	vm11 =	veq.s32 v3, $0x0;
	v3 =	vand.u32 $0x380, v55;
	v2 =	vor.u32 v4, v2  }
0xb2: {  	v2 =	vor.u32 v3, v2;
	_ =	sdelay $0x4  }
0xb3: {  	[tilespmem:v2+s12+$0x0] =	vst.idx.add.s32.msk vm11, v1  }
0xb4: {  	v2 =	vld [tilespmem:s25+$0xC0];
	_ =	sdelay $0x4  }
0xb5: {  	v3 =	vshra.s32 v2, $0x1F  }
0xb6: {  	v3 =	vand.u32 $0x7FE00000, v3  }
0xb7: {  	v2 =	vxor.u32 v2, v3  }
0xb8: {  	v3 =	vld [tilespmem:s25+$0x40C0];
	v2 =	vshra.s32 v2, $0x11  }
0xb9: {  	v2 =	vand.u32 $0xFFFFFFF0, v2  }
0xba: {  	v2 =	vadd.s32 v0, v2  }
0xbb: {  	v56 =	vshll.u32 v2, $0x3  }
0xbc: {  	v57 =	vshrl.u32 v2, $0x1;
	v2 =	vand.u32 $0xFFFFF87F, v2;
	v4 =	vand.u32 $0x400, v56  }
0xbd: {  	vm12 =	veq.s32 v3, $0x0;
	v3 =	vand.u32 $0x380, v57;
	v2 =	vor.u32 v4, v2  }
0xbe: {  	v2 =	vor.u32 v3, v2;
	_ =	sdelay $0x4  }
0xbf: {  	[tilespmem:v2+s12+$0x0] =	vst.idx.add.s32.msk vm12, v1  }
0xc0: {  	v2 =	vld [tilespmem:s25+$0xD0];
	_ =	sdelay $0x4  }
0xc1: {  	v3 =	vshra.s32 v2, $0x1F  }
0xc2: {  	v3 =	vand.u32 $0x7FE00000, v3  }
0xc3: {  	v2 =	vxor.u32 v2, v3  }
0xc4: {  	v3 =	vld [tilespmem:s25+$0x40D0];
	v2 =	vshra.s32 v2, $0x11  }
0xc5: {  	v2 =	vand.u32 $0xFFFFFFF0, v2  }
0xc6: {  	v2 =	vadd.s32 v0, v2  }
0xc7: {  	v58 =	vshll.u32 v2, $0x3  }
0xc8: {  	v59 =	vshrl.u32 v2, $0x1;
	v2 =	vand.u32 $0xFFFFF87F, v2;
	v4 =	vand.u32 $0x400, v58  }
0xc9: {  	vm13 =	veq.s32 v3, $0x0;
	v3 =	vand.u32 $0x380, v59;
	v2 =	vor.u32 v4, v2  }
0xca: {  	v2 =	vor.u32 v3, v2;
	_ =	sdelay $0x4  }
0xcb: {  	[tilespmem:v2+s12+$0x0] =	vst.idx.add.s32.msk vm13, v1  }
0xcc: {  	v2 =	vld [tilespmem:s25+$0xE0];
	_ =	sdelay $0x4  }
0xcd: {  	v3 =	vshra.s32 v2, $0x1F  }
0xce: {  	v3 =	vand.u32 $0x7FE00000, v3  }
0xcf: {  	v2 =	vxor.u32 v2, v3  }
0xd0: {  	v3 =	vld [tilespmem:s25+$0x40E0];
	v2 =	vshra.s32 v2, $0x11  }
0xd1: {  	v2 =	vand.u32 $0xFFFFFFF0, v2  }
0xd2: {  	v2 =	vadd.s32 v0, v2  }
0xd3: {  	v60 =	vshll.u32 v2, $0x3  }
0xd4: {  	v61 =	vshrl.u32 v2, $0x1;
	v2 =	vand.u32 $0xFFFFF87F, v2;
	v4 =	vand.u32 $0x400, v60  }
0xd5: {  	vm14 =	veq.s32 v3, $0x0;
	v3 =	vand.u32 $0x380, v61;
	v2 =	vor.u32 v4, v2  }
0xd6: {  	v2 =	vor.u32 v3, v2;
	_ =	sdelay $0x4  }
0xd7: {  	[tilespmem:v2+s12+$0x0] =	vst.idx.add.s32.msk vm14, v1  }
0xd8: {  	v2 =	vld [tilespmem:s25+$0xF0];
	_ =	sdelay $0x4  }
0xd9: {  	v3 =	vshra.s32 v2, $0x1F  }
0xda: {  	v3 =	vand.u32 $0x7FE00000, v3  }
0xdb: {  	v2 =	vxor.u32 v2, v3  }
0xdc: {  	v3 =	vld [tilespmem:s25+$0x40F0];
	v2 =	vshra.s32 v2, $0x11  }
0xdd: {  	v2 =	vand.u32 $0xFFFFFFF0, v2  }
0xde: {  	v2 =	vadd.s32 v0, v2  }
0xdf: {  	v62 =	vshll.u32 v2, $0x3  }
0xe0: {  	v63 =	vshrl.u32 v2, $0x1;
	v2 =	vand.u32 $0xFFFFF87F, v2;
	v4 =	vand.u32 $0x400, v62  }
0xe1: {  	vm15 =	veq.s32 v3, $0x0;
	v3 =	vand.u32 $0x380, v63;
	v2 =	vor.u32 v4, v2  }
0xe2: {  	p0 =	sne.s32 s24, $0xFC00;
	v2 =	vor.u32 v3, v2  }
.Ltmp0:
0xe3: {  	_ = 	snop;
	(pc) =	sbr.rel @p0 .LBB2_4-.Ltmp0, $2  }
0xe4: {  	_ =	sdelay $0x2  }
0xe5: {  	s24 =	sadd.s32 $0x400, s24;
	[tilespmem:v2+s12+$0x0] =	vst.idx.add.s32.msk vm15, v1  }
0xe6: {  	p0 =	seq.s32 s22, $0x3  }
0xe7: {  	s23 =	sadd.s32 @!p0 s23, s9  }
0xe8: {  	s23 =	sshrl.u32 @!p0 s23, $0x3  }
0xe9: {  	s25 =	simm.s32 @!p0 $0x0;
	s24 =	sadd.s32 @!p0 s3, s23  }
0xea: {  	[tilespmem:s25], [sflag:$0x1] =	stream.linear.gather @!p0 [hbm4b:s24+s25], $0x4000, $0x38;
	[tilespmem:$0x18000] =	vst v63  }
0xeb: {  	s23 =	sadd.s32 @!p0 s4, s23;
	s24 =	simm.s32 @!p0 $0x4000  }
0xec: {  	[tilespmem:s24], [sflag:$0x2] =	stream.linear.gather @!p0 [hbm4b:s23+s25], $0x4000, $0x38;
	[tilespmem:$0x18000] =	vst v63  }
0xed: {  	_ =	swait.ge [sflag:s19], $0x4000  }
0xee: {  	[sflag:s19] =	ssyncset.done $0x0  }
0xef: {  	[sflag:s19] =	ssyncadd.s32 $0xFFFFC000  }
0xf0: {  	_ =	swait.ge [sflag:s20], $0x4000  }
0xf1: {  	[sflag:s20] =	ssyncset.done $0x0  }
0xf2: {  	s22 =	sadd.s32 $0x1, s22;
	s23 =	simm.s32 $0x0;
	[sflag:s20] =	ssyncadd.s32 $0xFFFFC000  }
.LBB2_6:
0xf3: {  	s24 =	sshra.s32 s23, $0x2  }
0xf4: {  	v2 =	vld [tilespmem:s24+$0x8000];
	_ =	sdelay $0x4  }
0xf5: {  	v3 =	vshra.s32 v2, $0x1F  }
0xf6: {  	v3 =	vand.u32 $0x7FE00000, v3  }
0xf7: {  	v2 =	vxor.u32 v2, v3  }
0xf8: {  	v3 =	vld [tilespmem:s24+$0xC000];
	v2 =	vshra.s32 v2, $0x11  }
0xf9: {  	v2 =	vand.u32 $0xFFFFFFF0, v2  }
0xfa: {  	v2 =	vadd.s32 v0, v2  }
0xfb: {  	v4 =	vshll.u32 v2, $0x3  }
0xfc: {  	v5 =	vshrl.u32 v2, $0x1;
	v2 =	vand.u32 $0xFFFFF87F, v2;
	v4 =	vand.u32 $0x400, v4  }
0xfd: {  	vm0 =	veq.s32 v3, $0x0;
	v3 =	vand.u32 $0x380, v5;
	v2 =	vor.u32 v4, v2  }
0xfe: {  	v2 =	vor.u32 v3, v2;
	_ =	sdelay $0x4  }
0xff: {  	[tilespmem:v2+s12+$0x0] =	vst.idx.add.s32.msk vm0, v1  }
0x100: {  	v2 =	vld [tilespmem:s24+$0x8010];
	_ =	sdelay $0x4  }
0x101: {  	v3 =	vshra.s32 v2, $0x1F  }
0x102: {  	v3 =	vand.u32 $0x7FE00000, v3  }
0x103: {  	v2 =	vxor.u32 v2, v3  }
0x104: {  	v3 =	vld [tilespmem:s24+$0xC010];
	v2 =	vshra.s32 v2, $0x11  }
0x105: {  	v2 =	vand.u32 $0xFFFFFFF0, v2  }
0x106: {  	v2 =	vadd.s32 v0, v2  }
0x107: {  	v34 =	vshll.u32 v2, $0x3  }
0x108: {  	v35 =	vshrl.u32 v2, $0x1;
	v2 =	vand.u32 $0xFFFFF87F, v2;
	v4 =	vand.u32 $0x400, v34  }
0x109: {  	vm13 =	veq.s32 v3, $0x0;
	v3 =	vand.u32 $0x380, v35;
	v2 =	vor.u32 v4, v2  }
0x10a: {  	v2 =	vor.u32 v3, v2;
	_ =	sdelay $0x4  }
0x10b: {  	[tilespmem:v2+s12+$0x0] =	vst.idx.add.s32.msk vm13, v1  }
0x10c: {  	v2 =	vld [tilespmem:s24+$0x8020];
	_ =	sdelay $0x4  }
0x10d: {  	v3 =	vshra.s32 v2, $0x1F  }
0x10e: {  	v3 =	vand.u32 $0x7FE00000, v3  }
0x10f: {  	v2 =	vxor.u32 v2, v3  }
0x110: {  	v3 =	vld [tilespmem:s24+$0xC020];
	v2 =	vshra.s32 v2, $0x11  }
0x111: {  	v2 =	vand.u32 $0xFFFFFFF0, v2  }
0x112: {  	v2 =	vadd.s32 v0, v2  }
0x113: {  	v36 =	vshll.u32 v2, $0x3  }
0x114: {  	v37 =	vshrl.u32 v2, $0x1;
	v2 =	vand.u32 $0xFFFFF87F, v2;
	v4 =	vand.u32 $0x400, v36  }
0x115: {  	vm14 =	veq.s32 v3, $0x0;
	v3 =	vand.u32 $0x380, v37;
	v2 =	vor.u32 v4, v2  }
0x116: {  	v2 =	vor.u32 v3, v2;
	_ =	sdelay $0x4  }
0x117: {  	[tilespmem:v2+s12+$0x0] =	vst.idx.add.s32.msk vm14, v1  }
0x118: {  	v2 =	vld [tilespmem:s24+$0x8030];
	_ =	sdelay $0x4  }
0x119: {  	v3 =	vshra.s32 v2, $0x1F  }
0x11a: {  	v3 =	vand.u32 $0x7FE00000, v3  }
0x11b: {  	v2 =	vxor.u32 v2, v3  }
0x11c: {  	v3 =	vld [tilespmem:s24+$0xC030];
	v2 =	vshra.s32 v2, $0x11  }
0x11d: {  	v2 =	vand.u32 $0xFFFFFFF0, v2  }
0x11e: {  	v2 =	vadd.s32 v0, v2  }
0x11f: {  	v38 =	vshll.u32 v2, $0x3  }
0x120: {  	v39 =	vshrl.u32 v2, $0x1;
	v2 =	vand.u32 $0xFFFFF87F, v2;
	v4 =	vand.u32 $0x400, v38  }
0x121: {  	vm15 =	veq.s32 v3, $0x0;
	v3 =	vand.u32 $0x380, v39;
	v2 =	vor.u32 v4, v2  }
0x122: {  	v2 =	vor.u32 v3, v2;
	_ =	sdelay $0x4  }
0x123: {  	[tilespmem:v2+s12+$0x0] =	vst.idx.add.s32.msk vm15, v1  }
0x124: {  	v2 =	vld [tilespmem:s24+$0x8040];
	_ =	sdelay $0x4  }
0x125: {  	v3 =	vshra.s32 v2, $0x1F  }
0x126: {  	v3 =	vand.u32 $0x7FE00000, v3  }
0x127: {  	v2 =	vxor.u32 v2, v3  }
0x128: {  	v3 =	vld [tilespmem:s24+$0xC040];
	v2 =	vshra.s32 v2, $0x11  }
0x129: {  	v2 =	vand.u32 $0xFFFFFFF0, v2  }
0x12a: {  	v2 =	vadd.s32 v0, v2  }
0x12b: {  	v40 =	vshll.u32 v2, $0x3  }
0x12c: {  	v41 =	vshrl.u32 v2, $0x1;
	v2 =	vand.u32 $0xFFFFF87F, v2;
	v4 =	vand.u32 $0x400, v40  }
0x12d: {  	vm4 =	veq.s32 v3, $0x0;
	v3 =	vand.u32 $0x380, v41;
	v2 =	vor.u32 v4, v2  }
0x12e: {  	v2 =	vor.u32 v3, v2;
	_ =	sdelay $0x4  }
0x12f: {  	[tilespmem:v2+s12+$0x0] =	vst.idx.add.s32.msk vm4, v1  }
0x130: {  	v2 =	vld [tilespmem:s24+$0x8050];
	_ =	sdelay $0x4  }
0x131: {  	v3 =	vshra.s32 v2, $0x1F  }
0x132: {  	v3 =	vand.u32 $0x7FE00000, v3  }
0x133: {  	v2 =	vxor.u32 v2, v3  }
0x134: {  	v3 =	vld [tilespmem:s24+$0xC050];
	v2 =	vshra.s32 v2, $0x11  }
0x135: {  	v2 =	vand.u32 $0xFFFFFFF0, v2  }
0x136: {  	v2 =	vadd.s32 v0, v2  }
0x137: {  	v42 =	vshll.u32 v2, $0x3  }
0x138: {  	v43 =	vshrl.u32 v2, $0x1;
	v2 =	vand.u32 $0xFFFFF87F, v2;
	v4 =	vand.u32 $0x400, v42  }
0x139: {  	vm5 =	veq.s32 v3, $0x0;
	v3 =	vand.u32 $0x380, v43;
	v2 =	vor.u32 v4, v2  }
0x13a: {  	v2 =	vor.u32 v3, v2;
	_ =	sdelay $0x4  }
0x13b: {  	[tilespmem:v2+s12+$0x0] =	vst.idx.add.s32.msk vm5, v1  }
0x13c: {  	v2 =	vld [tilespmem:s24+$0x8060];
	_ =	sdelay $0x4  }
0x13d: {  	v3 =	vshra.s32 v2, $0x1F  }
0x13e: {  	v3 =	vand.u32 $0x7FE00000, v3  }
0x13f: {  	v2 =	vxor.u32 v2, v3  }
0x140: {  	v3 =	vld [tilespmem:s24+$0xC060];
	v2 =	vshra.s32 v2, $0x11  }
0x141: {  	v2 =	vand.u32 $0xFFFFFFF0, v2  }
0x142: {  	v2 =	vadd.s32 v0, v2  }
0x143: {  	v44 =	vshll.u32 v2, $0x3  }
0x144: {  	v45 =	vshrl.u32 v2, $0x1;
	v2 =	vand.u32 $0xFFFFF87F, v2;
	v4 =	vand.u32 $0x400, v44  }
0x145: {  	vm6 =	veq.s32 v3, $0x0;
	v3 =	vand.u32 $0x380, v45;
	v2 =	vor.u32 v4, v2  }
0x146: {  	v2 =	vor.u32 v3, v2;
	_ =	sdelay $0x4  }
0x147: {  	[tilespmem:v2+s12+$0x0] =	vst.idx.add.s32.msk vm6, v1  }
0x148: {  	v2 =	vld [tilespmem:s24+$0x8070];
	_ =	sdelay $0x4  }
0x149: {  	v3 =	vshra.s32 v2, $0x1F  }
0x14a: {  	v3 =	vand.u32 $0x7FE00000, v3  }
0x14b: {  	v2 =	vxor.u32 v2, v3  }
0x14c: {  	v3 =	vld [tilespmem:s24+$0xC070];
	v2 =	vshra.s32 v2, $0x11  }
0x14d: {  	v2 =	vand.u32 $0xFFFFFFF0, v2  }
0x14e: {  	v2 =	vadd.s32 v0, v2  }
0x14f: {  	v46 =	vshll.u32 v2, $0x3  }
0x150: {  	v47 =	vshrl.u32 v2, $0x1;
	v2 =	vand.u32 $0xFFFFF87F, v2;
	v4 =	vand.u32 $0x400, v46  }
0x151: {  	vm7 =	veq.s32 v3, $0x0;
	v3 =	vand.u32 $0x380, v47;
	v2 =	vor.u32 v4, v2  }
0x152: {  	v2 =	vor.u32 v3, v2;
	_ =	sdelay $0x4  }
0x153: {  	[tilespmem:v2+s12+$0x0] =	vst.idx.add.s32.msk vm7, v1  }
0x154: {  	v2 =	vld [tilespmem:s24+$0x8080];
	_ =	sdelay $0x4  }
0x155: {  	v3 =	vshra.s32 v2, $0x1F  }
0x156: {  	v3 =	vand.u32 $0x7FE00000, v3  }
0x157: {  	v2 =	vxor.u32 v2, v3  }
0x158: {  	v3 =	vld [tilespmem:s24+$0xC080];
	v2 =	vshra.s32 v2, $0x11  }
0x159: {  	v2 =	vand.u32 $0xFFFFFFF0, v2  }
0x15a: {  	v2 =	vadd.s32 v0, v2  }
0x15b: {  	v48 =	vshll.u32 v2, $0x3  }
0x15c: {  	v49 =	vshrl.u32 v2, $0x1;
	v2 =	vand.u32 $0xFFFFF87F, v2;
	v4 =	vand.u32 $0x400, v48  }
0x15d: {  	vm8 =	veq.s32 v3, $0x0;
	v3 =	vand.u32 $0x380, v49;
	v2 =	vor.u32 v4, v2  }
0x15e: {  	v2 =	vor.u32 v3, v2;
	_ =	sdelay $0x4  }
0x15f: {  	[tilespmem:v2+s12+$0x0] =	vst.idx.add.s32.msk vm8, v1  }
0x160: {  	v2 =	vld [tilespmem:s24+$0x8090];
	_ =	sdelay $0x4  }
0x161: {  	v3 =	vshra.s32 v2, $0x1F  }
0x162: {  	v3 =	vand.u32 $0x7FE00000, v3  }
0x163: {  	v2 =	vxor.u32 v2, v3  }
0x164: {  	v3 =	vld [tilespmem:s24+$0xC090];
	v2 =	vshra.s32 v2, $0x11  }
0x165: {  	v2 =	vand.u32 $0xFFFFFFF0, v2  }
0x166: {  	v2 =	vadd.s32 v0, v2  }
0x167: {  	v50 =	vshll.u32 v2, $0x3  }
0x168: {  	v51 =	vshrl.u32 v2, $0x1;
	v2 =	vand.u32 $0xFFFFF87F, v2;
	v4 =	vand.u32 $0x400, v50  }
0x169: {  	vm9 =	veq.s32 v3, $0x0;
	v3 =	vand.u32 $0x380, v51;
	v2 =	vor.u32 v4, v2  }
0x16a: {  	v2 =	vor.u32 v3, v2;
	_ =	sdelay $0x4  }
0x16b: {  	[tilespmem:v2+s12+$0x0] =	vst.idx.add.s32.msk vm9, v1  }
0x16c: {  	v2 =	vld [tilespmem:s24+$0x80A0];
	_ =	sdelay $0x4  }
0x16d: {  	v3 =	vshra.s32 v2, $0x1F  }
0x16e: {  	v3 =	vand.u32 $0x7FE00000, v3  }
0x16f: {  	v2 =	vxor.u32 v2, v3  }
0x170: {  	v3 =	vld [tilespmem:s24+$0xC0A0];
	v2 =	vshra.s32 v2, $0x11  }
0x171: {  	v2 =	vand.u32 $0xFFFFFFF0, v2  }
0x172: {  	v2 =	vadd.s32 v0, v2  }
0x173: {  	v52 =	vshll.u32 v2, $0x3  }
0x174: {  	v53 =	vshrl.u32 v2, $0x1;
	v2 =	vand.u32 $0xFFFFF87F, v2;
	v4 =	vand.u32 $0x400, v52  }
0x175: {  	vm10 =	veq.s32 v3, $0x0;
	v3 =	vand.u32 $0x380, v53;
	v2 =	vor.u32 v4, v2  }
0x176: {  	v2 =	vor.u32 v3, v2;
	_ =	sdelay $0x4  }
0x177: {  	[tilespmem:v2+s12+$0x0] =	vst.idx.add.s32.msk vm10, v1  }
0x178: {  	v2 =	vld [tilespmem:s24+$0x80B0];
	_ =	sdelay $0x4  }
0x179: {  	v3 =	vshra.s32 v2, $0x1F  }
0x17a: {  	v3 =	vand.u32 $0x7FE00000, v3  }
0x17b: {  	v2 =	vxor.u32 v2, v3  }
0x17c: {  	v3 =	vld [tilespmem:s24+$0xC0B0];
	v2 =	vshra.s32 v2, $0x11  }
0x17d: {  	v2 =	vand.u32 $0xFFFFFFF0, v2  }
0x17e: {  	v2 =	vadd.s32 v0, v2  }
0x17f: {  	v54 =	vshll.u32 v2, $0x3  }
0x180: {  	v55 =	vshrl.u32 v2, $0x1;
	v2 =	vand.u32 $0xFFFFF87F, v2;
	v4 =	vand.u32 $0x400, v54  }
0x181: {  	vm11 =	veq.s32 v3, $0x0;
	v3 =	vand.u32 $0x380, v55;
	v2 =	vor.u32 v4, v2  }
0x182: {  	v2 =	vor.u32 v3, v2;
	_ =	sdelay $0x4  }
0x183: {  	[tilespmem:v2+s12+$0x0] =	vst.idx.add.s32.msk vm11, v1  }
0x184: {  	v2 =	vld [tilespmem:s24+$0x80C0];
	_ =	sdelay $0x4  }
0x185: {  	v3 =	vshra.s32 v2, $0x1F  }
0x186: {  	v3 =	vand.u32 $0x7FE00000, v3  }
0x187: {  	v2 =	vxor.u32 v2, v3  }
0x188: {  	v3 =	vld [tilespmem:s24+$0xC0C0];
	v2 =	vshra.s32 v2, $0x11  }
0x189: {  	v2 =	vand.u32 $0xFFFFFFF0, v2  }
0x18a: {  	v2 =	vadd.s32 v0, v2  }
0x18b: {  	v56 =	vshll.u32 v2, $0x3  }
0x18c: {  	v57 =	vshrl.u32 v2, $0x1;
	v2 =	vand.u32 $0xFFFFF87F, v2;
	v4 =	vand.u32 $0x400, v56  }
0x18d: {  	vm12 =	veq.s32 v3, $0x0;
	v3 =	vand.u32 $0x380, v57;
	v2 =	vor.u32 v4, v2  }
0x18e: {  	v2 =	vor.u32 v3, v2;
	_ =	sdelay $0x4  }
0x18f: {  	[tilespmem:v2+s12+$0x0] =	vst.idx.add.s32.msk vm12, v1  }
0x190: {  	v2 =	vld [tilespmem:s24+$0x80D0];
	_ =	sdelay $0x4  }
0x191: {  	v3 =	vshra.s32 v2, $0x1F  }
0x192: {  	v3 =	vand.u32 $0x7FE00000, v3  }
0x193: {  	v2 =	vxor.u32 v2, v3  }
0x194: {  	v3 =	vld [tilespmem:s24+$0xC0D0];
	v2 =	vshra.s32 v2, $0x11  }
0x195: {  	v2 =	vand.u32 $0xFFFFFFF0, v2  }
0x196: {  	v2 =	vadd.s32 v0, v2  }
0x197: {  	v58 =	vshll.u32 v2, $0x3  }
0x198: {  	v59 =	vshrl.u32 v2, $0x1;
	v2 =	vand.u32 $0xFFFFF87F, v2;
	v4 =	vand.u32 $0x400, v58  }
0x199: {  	vm13 =	veq.s32 v3, $0x0;
	v3 =	vand.u32 $0x380, v59;
	v2 =	vor.u32 v4, v2  }
0x19a: {  	v2 =	vor.u32 v3, v2;
	_ =	sdelay $0x4  }
0x19b: {  	[tilespmem:v2+s12+$0x0] =	vst.idx.add.s32.msk vm13, v1  }
0x19c: {  	v2 =	vld [tilespmem:s24+$0x80E0];
	_ =	sdelay $0x4  }
0x19d: {  	v3 =	vshra.s32 v2, $0x1F  }
0x19e: {  	v3 =	vand.u32 $0x7FE00000, v3  }
0x19f: {  	v2 =	vxor.u32 v2, v3  }
0x1a0: {  	v3 =	vld [tilespmem:s24+$0xC0E0];
	v2 =	vshra.s32 v2, $0x11  }
0x1a1: {  	v2 =	vand.u32 $0xFFFFFFF0, v2  }
0x1a2: {  	v2 =	vadd.s32 v0, v2  }
0x1a3: {  	v60 =	vshll.u32 v2, $0x3  }
0x1a4: {  	v61 =	vshrl.u32 v2, $0x1;
	v2 =	vand.u32 $0xFFFFF87F, v2;
	v4 =	vand.u32 $0x400, v60  }
0x1a5: {  	vm14 =	veq.s32 v3, $0x0;
	v3 =	vand.u32 $0x380, v61;
	v2 =	vor.u32 v4, v2  }
0x1a6: {  	v2 =	vor.u32 v3, v2;
	_ =	sdelay $0x4  }
0x1a7: {  	[tilespmem:v2+s12+$0x0] =	vst.idx.add.s32.msk vm14, v1  }
0x1a8: {  	v2 =	vld [tilespmem:s24+$0x80F0];
	_ =	sdelay $0x4  }
0x1a9: {  	v3 =	vshra.s32 v2, $0x1F  }
0x1aa: {  	v3 =	vand.u32 $0x7FE00000, v3  }
0x1ab: {  	v2 =	vxor.u32 v2, v3  }
0x1ac: {  	v3 =	vld [tilespmem:s24+$0xC0F0];
	v2 =	vshra.s32 v2, $0x11  }
0x1ad: {  	v2 =	vand.u32 $0xFFFFFFF0, v2  }
0x1ae: {  	v2 =	vadd.s32 v0, v2  }
0x1af: {  	v62 =	vshll.u32 v2, $0x3  }
0x1b0: {  	v63 =	vshrl.u32 v2, $0x1;
	v2 =	vand.u32 $0xFFFFF87F, v2;
	v4 =	vand.u32 $0x400, v62  }
0x1b1: {  	vm15 =	veq.s32 v3, $0x0;
	v3 =	vand.u32 $0x380, v63;
	v2 =	vor.u32 v4, v2  }
0x1b2: {  	p0 =	seq.s32 s23, $0xFC00;
	v2 =	vor.u32 v3, v2  }
.Ltmp1:
0x1b3: {  	_ = 	snop;
	(pc) =	sbr.rel @!p0 .LBB2_6-.Ltmp1, $2  }
0x1b4: {  	_ =	sdelay $0x2  }
0x1b5: {  	s23 =	sadd.s32 $0x400, s23;
	[tilespmem:v2+s12+$0x0] =	vst.idx.add.s32.msk vm15, v1  }
0x1b6: {  	p0 =	seq.s32 s22, $0x4  }
.Ltmp2:
0x1b7: {  	_ = 	snop;
	(pc) =	sbr.rel @!p0 .LBB2_3-.Ltmp2, $1  }
0x1b8: {  	_ =	sdelay $0x3  }
0x1b9: {  	s21 =	sadd.s32 $0x1, s21  }
0x1ba: {  	p0 =	sne.s32 s21, s11  }
.Ltmp3:
0x1bb: {  	_ = 	snop;
	(pc) =	sbr.rel @p0 .LBB2_1-.Ltmp3, $4  }
0x1bc: {  	[hbm4b:s10+s2] =	stream.linear.scatter [tilespmem:s12], [sflag:$0x5], $0x8000, $0x38;
	[tilespmem:$0x18000] =	vst v63  }
0x1bd: {  	_ =	swait.ge [sflag:s13], $0x8000  }
0x1be: {  	[sflag:s13] =	ssyncset.done $0x0  }
0x1bf: {  	[sflag:s13] =	ssyncadd.s32 $0xFFFF8000  }
0x1c0: {  	_ =	sfence.sel $0x180000  }
0x1c1: {  	[bflag:$0x0] =	sbarrier.arrive $0xFFFF  }
0x1c2: {  	p0 =	sne.s32 s1, $0x0;
	_ =	strace $0x90000047  }
0x1c3: {  	s0 =	sadd.s32 @!p0 $0x100000, s0;
	[bflag:$0x2] =	sbarrier.arrive $0xFFFF  }
0x1c4: {  	[sflag:s0] =	ssyncadd.tile.s32 @!p0 $0x1;
	_ =	shalt  }
.Lfunc_end2:
_tile_overlayer_lowered:
.L_overlay_start_2:
0x1c5: {  	(tag) =	ssettag $0x2  }
0x1c6: {  	s0 =	rddreg [dreg:$0x0];
	s2 =	stileid.u32  }
0x1c7: {  	s1 =	rddreg [dreg:$0x1];
	p0 =	sne.s32 s2, $0x0  }
0x1c8: {  	s3 =	rddreg [dreg:$0x2];
	[bflag:$0x3] =	sbarrier.arrive $0xFFFF;
	s2 =	simm.s32 @!p0 $0x1C05  }
0x1c9: {  	[timem:s3], [sflag:s2] =	dma.local @!p0 [hbm:s0], s1  }
0x1ca: {  	s0 =	simm.s32 @!p0 $0x5  }
0x1cb: {  	_ =	swait.ge @!p0 [sflag:s0], s1  }
0x1cc: {  	s1 =	ssub.s32 @!p0 $0x0, s1;
	[sflag:s0] =	ssyncset.done @!p0 $0x0  }
0x1cd: {  	[sflag:s0] =	ssyncadd.s32 @!p0 s1  }
0x1ce: {  	[bflag:$0x3] =	sbarrier.arrive $0xFFFF  }
0x1cf: {  	_ =	shalt  }

// kernel: kernel.9.cloned.1.call-start
scs
__scs_entry_jumppad:
0x0: {  	(pc) =	sbr.rel $0x88, $3  }
0x1: {  	(tag) =	ssettag $0x0;
	lr =	simm.s32 $0x1  }
0x2: {  	[smem:$0x3F9F] =	sst lr;
	_ =	strace $0xD0000000  }
0x3: {  	_ = 	snop  }
0x4: {  	_ = 	snop  }
0x5: {  	_ = 	snop  }
0x6: {  	_ = 	snop  }
0x7: {  	_ = 	snop  }
__scs_overlays_trampoline_lowered:
0x8: {  	[smem:$0x3FAE] =	sst s0  }
0x9: {  	[smem:$0x3FAF] =	sst s1  }
0xa: {  	[smem:$0x3FB0] =	sst s2  }
0xb: {  	[smem:$0x3FB1] =	sst s3  }
0xc: {  	[smem:$0x3FB2] =	sst s4  }
0xd: {  	[smem:$0x3FB3] =	sst s5  }
0xe: {  	[smem:$0x3FB4] =	sst s6  }
0xf: {  	[smem:$0x3FB5] =	sst s7  }
0x10: {  	[smem:$0x3FB6] =	sst s8  }
0x11: {  	[smem:$0x3FB7] =	sst s9;
	s0 =	simm.s32 @!p0 $0x0  }
0x12: {  	s1 =	sld [smem:$0x3F9D];
	s0 =	simm.s32 @p0 $0x1  }
0x13: {  	[smem:$0x3FB8] =	sst s0;
	s0 =	simm.s32 @!p1 $0x0  }
0x14: {  	s2 =	sld [smem:$0x3F9C];
	s0 =	simm.s32 @p1 $0x1  }
0x15: {  	[smem:$0x3FB9] =	sst s0;
	s0 =	simm.s32 @!p2 $0x0  }
0x16: {  	s3 =	sld [smem:$0x3FDB];
	s0 =	simm.s32 @p2 $0x1  }
0x17: {  	s4 =	simm.s32 $0x1BF5;
	[smem:$0x3FBB] =	sst s0  }
0x18: {  	s0 =	sld [smem:$0x3F9E];
	_ =	swait.ge [sflag:s4], $0x0  }
0x19: {  	s7 =	sld [smem:$0x3F9F]  }
0x1a: {  	s8 =	sadd.s32 $0xFFFFE003, lr  }
0x1b: {  	s9 =	sadd.s32 $0xFFFFFEF7, lr;
	s5 =	simm.s32 $0xFFFFFFFF;
	p2 =	slt.u32 s8, $0xFFFFF086  }
0x1c: {  	p1 =	slt.u32 s9, $0xF7A;
	s5 =	simm.s32 @!p2 $0x0  }
0x1d: {  	s5 =	simm.s32 @p1 $0x1;
	p0 =	seq.s32 s7, s2  }
0x1e: {  	s7 =	smul.u32 @!p0 $0xF7A, s2;
	p2 =	seq.s32 @!p0 s5, $0x0  }
0x1f: {  	s9 =	smul.u32 $0xF7A, s1;
	s8 =	simm.s32 @!p0 $0x1BF5;
	p2 =	por !p2, p0  }
0x20: {  	[sflag:s8] =	ssyncset.s32 @!p0 $0xFFFFF086;
	s6 =	sadd.s32 @!p0 s3, s7;
	s7 =	simm.s32 @!p0 $0x108  }
0x21: {  	s3 =	sadd.s32 s3, s9;
	s6 =	sadd.s32 @!p0 $0x88, s6;
	s7 =	simm.s32 @p2 $0x1082  }
0x22: {  	[simem:s7], [sflag:s8] =	dma.local @!p0 [hbm:s6], $0xF7A  }
0x23: {  	s9 =	sor.u32 $0xD0000000, s2;
	s6 =	simm.s32 $0x108;
	_ =	swait.ge @!p0 [sflag:s8], $0x0  }
0x24: {  	s3 =	sadd.s32 $0x88, s3;
	s6 =	simm.s32 @!p1 $0x1082;
	[sflag:s4] =	ssyncset.s32 $0xFFFFF086  }
0x25: {  	[simem:s6], [sflag:s4] =	dma.local [hbm:s3], $0xF7A  }
0x26: {  	[smem:$0x3F9F] =	sst s1;
	(tag) =	ssettag s2;
	_ =	strace s9  }
0x27: {  	s1 =	sld [smem:$0x3FAF]  }
0x28: {  	s2 =	sld [smem:$0x3FB0]  }
0x29: {  	s4 =	sld [smem:$0x3FB2]  }
0x2a: {  	p0 =	seq.s32 s5, $0x0;
	s5 =	sld [smem:$0x3FB3]  }
0x2b: {  	s6 =	sld [smem:$0x3FB4]  }
0x2c: {  	s7 =	sld [smem:$0x3FB5]  }
0x2d: {  	s3 =	simm.s32 $0x108;
	s8 =	sld [smem:$0x3FB6]  }
0x2e: {  	s3 =	simm.s32 @!p0 $0x1082;
	s9 =	sld [smem:$0x3FB7]  }
0x2f: {  	lr =	sadd.s32 s0, s3;
	s0 =	sld [smem:$0x3FAE]  }
0x30: {  	s3 =	sld [smem:$0x3FB1]  }
0x31: {  	[smem:$0x3FBA] =	sst s10  }
0x32: {  	s10 =	sld [smem:$0x3FB8];
	_ =	sdelay $0x3  }
0x33: {  	p0 =	seq.s32 s10, $0x1;
	s10 =	sld [smem:$0x3FBA];
	_ =	sdelay $0x3  }
0x34: {  	[smem:$0x3FBA] =	sst s10  }
0x35: {  	s10 =	sld [smem:$0x3FB9];
	_ =	sdelay $0x3  }
0x36: {  	p1 =	seq.s32 s10, $0x1;
	s10 =	sld [smem:$0x3FBA];
	_ =	sdelay $0x3  }
0x37: {  	[smem:$0x3FBA] =	sst s10  }
0x38: {  	s10 =	sld [smem:$0x3FBB]  }
0x39: {  	_ = 	snop;
	(pc) =	sbr.ind lr, $3  }
0x3a: {  	_ = 	snop  }
0x3b: {  	_ = 	snop  }
0x3c: {  	p2 =	seq.s32 s10, $0x1;
	s10 =	sld [smem:$0x3FBA]  }
0x3d: {  	_ =	shalt  }
0x3e: {  	_ =	shalt  }
0x3f: {  	_ =	shalt  }
0x40: {  	_ =	shalt  }
0x41: {  	_ =	shalt  }
0x42: {  	_ =	shalt  }
0x43: {  	_ =	shalt  }
0x44: {  	_ =	shalt  }
0x45: {  	_ =	shalt  }
0x46: {  	_ =	shalt  }
0x47: {  	_ =	shalt  }
0x48: {  	_ =	shalt  }
0x49: {  	_ =	shalt  }
0x4a: {  	_ =	shalt  }
0x4b: {  	_ =	shalt  }
0x4c: {  	_ =	shalt  }
0x4d: {  	_ =	shalt  }
0x4e: {  	_ =	shalt  }
0x4f: {  	_ =	shalt  }
0x50: {  	_ =	shalt  }
0x51: {  	_ =	shalt  }
0x52: {  	_ =	shalt  }
0x53: {  	_ =	shalt  }
0x54: {  	_ =	shalt  }
0x55: {  	_ =	shalt  }
0x56: {  	_ =	shalt  }
0x57: {  	_ =	shalt  }
0x58: {  	_ =	shalt  }
0x59: {  	_ =	shalt  }
0x5a: {  	_ =	shalt  }
0x5b: {  	_ =	shalt  }
0x5c: {  	_ =	shalt  }
0x5d: {  	_ =	shalt  }
0x5e: {  	_ =	shalt  }
0x5f: {  	_ =	shalt  }
0x60: {  	_ =	shalt  }
0x61: {  	_ =	shalt  }
0x62: {  	_ =	shalt  }
0x63: {  	_ =	shalt  }
0x64: {  	_ =	shalt  }
0x65: {  	_ =	shalt  }
0x66: {  	_ =	shalt  }
0x67: {  	_ =	shalt  }
0x68: {  	_ =	shalt  }
0x69: {  	_ =	shalt  }
0x6a: {  	_ =	shalt  }
0x6b: {  	_ =	shalt  }
0x6c: {  	_ =	shalt  }
0x6d: {  	_ =	shalt  }
0x6e: {  	_ =	shalt  }
0x6f: {  	_ =	shalt  }
0x70: {  	_ =	shalt  }
0x71: {  	_ =	shalt  }
0x72: {  	_ =	shalt  }
0x73: {  	_ =	shalt  }
0x74: {  	_ =	shalt  }
0x75: {  	_ =	shalt  }
0x76: {  	_ =	shalt  }
0x77: {  	_ =	shalt  }
0x78: {  	_ =	shalt  }
0x79: {  	_ =	shalt  }
0x7a: {  	_ =	shalt  }
0x7b: {  	_ =	shalt  }
0x7c: {  	_ =	shalt  }
0x7d: {  	_ =	shalt  }
0x7e: {  	_ =	shalt  }
0x7f: {  	_ =	shalt  }
0x80: {  	_ =	shalt  }
0x81: {  	_ =	shalt  }
0x82: {  	_ =	shalt  }
0x83: {  	_ =	shalt  }
0x84: {  	_ =	shalt  }
0x85: {  	_ =	shalt  }
0x86: {  	_ =	shalt  }
0x87: {  	_ =	shalt  }
.Lfunc_end0:
.L_simem_size_0:
called_computation.1_lowered:
.L_overlay_start_0:
0x88: {  	s2 =	sld [smem:$0x3FD9]  }
0x89: {  	s3 =	sld [smem:$0x3FFE];
	_ =	sdelay $0x1  }
0x8a: {  	s1 =	srdreg.scid  }
0x8b: {  	s0 =	sand.u32 $0x1, s1  }
0x8c: {  	s16 =	sshll.u32 s0, $0xA;
	s2 =	sadd.s32 s3, s2  }
0x8d: {  	s2 =	sadd.s32 s2, s16  }
0x8e: {  	[smem:$0x3FC6] =	sst s2  }
0x8f: {  	_ = 	snop  }
0x90: {  	(tm) =	ssettm $0x1  }
0x91: {  	s17 =	sld [smem:$0x3FFB];
	_ =	sdelay $0x3  }
0x92: {  	_ =	strace s17  }
0x93: {  	s2 =	sld [smem:$0x3FFC];
	_ =	sdelay $0x3  }
0x94: {  	_ =	strace s2  }
0x95: {  	s2 =	sld [smem:$0x3FFD];
	_ =	sdelay $0x3  }
0x96: {  	_ =	strace s2  }
0x97: {  	_ =	strace $0x8FFFFFFF  }
0x98: {  	s18 =	sld [smem:$0x3FDB];
	_ =	sdelay $0x1  }
0x99: {  	s19 =	simm.s32 $_scs_section_size  }
0x9a: {  	s4 =	simm.s32 $_size__tile_overlayer_lowered;
	s5 =	simm.s32 $_tile_overlayer_lowered  }
0x9b: {  	s22 =	simm.s32 $0x1BFF;
	s21 =	sshll.u32 s5, $0x1;
	s2 =	sadd.s32 s19, s18  }
0x9c: {  	s6 =	simm.s32 $0x0;
	s20 =	sshll.u32 s4, $0x1;
	s4 =	sadd.s32 s21, s2  }
0x9d: {  	[timem:s6], [sflag:s22] =	dma.local [hbm:s4], s20  }
0x9e: {  	_ =	swait.ge [sflag:s22], s20  }
0x9f: {  	s3 =	ssub.s32 $0x0, s20;
	[sflag:s22] =	ssyncset.done $0x0  }
0xa0: {  	[sflag:s22] =	ssyncadd.s32 s3;
	_ =	sdelay $0x1  }
0xa1: {  	s23 =	simm.s32 $0x1B8B  }
0xa2: {  	_ =	swait.ge [sflag:s23], $0x1  }
0xa3: {  	[sflag:s23] =	ssyncset.done $0x0  }
0xa4: {  	s25 =	simm.s32 $0x1B8E;
	s24 =	sld [smem:$0x3FFE];
	[sflag:s23] =	ssyncadd.s32 $0xFFFFFFFF  }
0xa5: {  	s26 =	simm.s32 $execute0_lowered;
	[smem:$0x3FD2] =	sst s25  }
0xa6: {  	s4 =	sshll.u32 s26, $0x1;
	_ =	strace $0x80000049;
	[dreg:$0x1] =	wrdreg $0xFFFFFFFF  }
0xa7: {  	s28 =	simm.s32 $_size_execute0_lowered;
	s2 =	sadd.s32 s2, s4;
	[dreg:$0x0] =	wrdreg $0x0  }
0xa8: {  	s4 =	sshll.u32 s28, $0x1;
	[dreg:$0x2] =	wrdreg s2  }
0xa9: {  	[dreg:$0x3] =	wrdreg s4  }
0xaa: {  	[dreg:$0x4] =	wrdreg $0xC0  }
0xab: {  	_ =	task [dreg:s6], $0x5FFFF  }
0xac: {  	[dreg:$0x1] =	wrdreg $0xFFFFFFFF  }
0xad: {  	[dreg:$0x0] =	wrdreg $0x60  }
0xae: {  	[dreg:$0x2] =	wrdreg s24  }
0xaf: {  	[dreg:$0x3] =	wrdreg $0x9  }
0xb0: {  	_ =	task.clear_ibuf [dreg:s6], $0x4FFFF;
	_ =	strace $0x90000049  }
0xb1: {  	s29 =	simm.s32 $0x9;
	_ =	strace $0x8000004B  }
0xb2: {  	_ =	swait.ge [sflag:s29], $0x1  }
0xb3: {  	[sflag:s29] =	ssyncadd.s32 $0xFFFFFFFF  }
0xb4: {  	_ =	strace $0x9000004B  }
0xb5: {  	_ =	sfence  }
0xb6: {  	s30 =	sld [smem:$0x0];
	_ =	sdelay $0x2  }
0xb7: {  	s31 =	sshll.u32 s1, $0xD;
	s1 =	sshrl.u32 s1, $0x2  }
0xb8: {  	s3 =	sand.u32 $0x4000, s31;
	s1 =	sadd.s32 s1, s30  }
0xb9: {  	s0 =	sor.u32 s3, s0;
	s1 =	sshll.u32 s1, $0x11  }
0xba: {  	s0 =	sor.u32 s1, s0  }
0xbb: {  	s0 =	sadd.s32 $0x8F2B, s0  }
0xbc: {  	[sflag:s0] =	ssyncadd.remote.s32 $0x1  }
0xbd: {  	_ =	sfence.sel $0xFFFF  }
0xbe: {  	[dreg:$0x0] =	wrdreg $0xFFFFFFFF;
	(pc) =	sbr.abs _section_cstart, $3  }
0xbf: {  	[dreg:$0x1] =	wrdreg $0xFFFFFFFF  }
0xc0: {  	_ =	task.clear_ibuf [dreg:s6], $0x2FFFF;
	_ =	strace $0x9FFFFFFF  }
0xc1: {  	(tm) =	ssettm $0x7FFFFFFF  }
tec
execute0_lowered:
.L_overlay_start_1:
0x0: {  	(tag) =	ssettag $0x1  }
0x1: {  	s7 =	rddreg [dreg:$0x0]  }
0x2: {  	s0 =	rddreg [dreg:$0x1];
	s2 =	simm.s32 $0x0;
	s4 =	srdreg.scid  }
0x3: {  	s1 =	stileid.u32;
	s13 =	simm.s32 $0x8000;
	s14 =	simm.s32 $0x5  }
0x4: {  	s15 =	simm.s32 $0x18000;
	s16 =	simm.s32 $0x2000;
	s17 =	simm.s32 $0x4000  }
0x5: {  	s18 =	simm.s32 $0x6000;
	s19 =	simm.s32 $0x1;
	s20 =	simm.s32 $0x2  }
0x6: {  	s21 =	simm.s32 $0x3;
	s22 =	simm.s32 $0x4;
	s23 =	simm.s32 $0x0  }
0x7: {  	[smem:$0x7FF] =	sst s2;
	s3 =	sadd.s32 $0x81200, s7;
	s8 =	sand.u32 $0x1, s4  }
0x8: {  	s6 =	sshll.u32 s1, $0x1;
	s4 =	sadd.s32 $0x1200, s7;
	s5 =	sadd.s32 $0x101400, s7  }
0x9: {  	_ =	strace $0x8000004A;
	s9 =	sor.u32 s8, s6;
	s8 =	ssub.s32 $0x2, s8  }
0xa: {  	s6 =	sadd.s32 $0x101200, s7;
	s10 =	sshll.u32 s9, $0xD;
	s30 =	sshrl.u32 s8, $0x1  }
0xb: {  	s31 =	sshll.u32 s9, $0xE;
	s11 =	sadd.s32 s10, s7;
	s12 =	ssub.s32 s8, s30  }
0xc: {  	s7 =	sshll.u32 s9, $0x11;
	s8 =	sadd.s32 s3, s31;
	s9 =	sadd.s32 s4, s31  }
0xd: {  	v0 =	vlaneseq.u32;
	v1 =	vimm.s32 $0x1;
	s10 =	sor.u32 $0x4000, s7;
	s11 =	sadd.s32 $0x103400, s11;
	s12 =	smax.u32 s12, $0x1  }
.LBB2_1:
0xe: {  	[tilespmem:s13], [sflag:$0x5] =	stream.linear.gather [hbm4b:s5+s2], $0x10000, $0x38;
	[tilespmem:$0x18080] =	vst v63  }
0xf: {  	_ =	swait.ge [sflag:s14], $0x10000  }
0x10: {  	[sflag:s14] =	ssyncset.done $0x0  }
0x11: {  	[sflag:s14] =	ssyncadd.s32 $0xFFFF0000  }
0x12: {  	[tilespmem:s15], [sflag:$0x5] =	stream.linear.gather [hbm4b:s6+s2], $0x80, $0x38;
	[tilespmem:$0x18080] =	vst v63  }
0x13: {  	_ =	swait.ge [sflag:s14], $0x80  }
0x14: {  	[sflag:s14] =	ssyncset.done $0x0  }
0x15: {  	[sflag:s14] =	ssyncadd.s32 $0xFFFFFF80  }
0x16: {  	v2 =	vld [tilespmem:$0x18000];
	_ =	sdelay $0x3  }
0x17: {  	[tilespmem:s2], [sflag:$0x1] =	stream.linear.gather [hbm4b:s8+s2], $0x2000, $0x38;
	[tilespmem:$0x18080] =	vst v63  }
0x18: {  	s24 =	simm.s32 $0x0;
	v2 =	vshll.u32 v2, $0x4  }
0x19: {  	[tilespmem:s16], [sflag:$0x2] =	stream.linear.gather [hbm4b:s9+s2], $0x2000, $0x38;
	v2 =	vadd.s32 $0xFFFFC000, v2;
	[tilespmem:$0x18080] =	vst v63  }
.LBB2_3:
0x1a: {  	s25 =	sshll.u32 s24, $0xE  }
0x1b: {  	s26 =	sor.u32 s25, s7  }
0x1c: {  	s26 =	sshrl.u32 s26, $0x3  }
0x1d: {  	s28 =	sor.u32 $0x400, s26  }
0x1e: {  	s26 =	simm.s32 $0x0;
	s29 =	sadd.s32 s3, s28  }
0x1f: {  	[tilespmem:s17], [sflag:$0x3] =	stream.linear.gather [hbm4b:s29+s26], $0x2000, $0x38;
	[tilespmem:$0x18080] =	vst v63  }
0x20: {  	s28 =	sadd.s32 s4, s28  }
0x21: {  	[tilespmem:s18], [sflag:$0x4] =	stream.linear.gather [hbm4b:s28+s26], $0x2000, $0x38;
	[tilespmem:$0x18080] =	vst v63  }
0x22: {  	_ =	swait.ge [sflag:s19], $0x2000  }
0x23: {  	[sflag:s19] =	ssyncset.done $0x0  }
0x24: {  	[sflag:s19] =	ssyncadd.s32 $0xFFFFE000  }
0x25: {  	_ =	swait.ge [sflag:s20], $0x2000  }
0x26: {  	[sflag:s20] =	ssyncset.done $0x0  }
0x27: {  	[sflag:s20] =	ssyncadd.s32 $0xFFFFE000  }
.LBB2_4:
0x28: {  	s28 =	sshra.s32 s26, $0x2  }
0x29: {  	v3 =	vld [tilespmem:s28+$0x0];
	_ =	sdelay $0x1  }
0x2a: {  	v4 =	vld [tilespmem:s28+$0x2000];
	_ =	sdelay $0x2  }
0x2b: {  	v5 =	vshra.s32 v3, $0x1F  }
0x2c: {  	v5 =	vand.u32 $0x7FFFFFFF, v5  }
0x2d: {  	vm0 =	veq.s32 v4, $0x0;
	v3 =	vxor.u32 v3, v5  }
0x2e: {  	v5 =	vshrl.u32 v3, $0x5;
	v6 =	vshrl.u32 v3, $0x2;
	v28 =	vshra.s32 v3, $0x11  }
0x2f: {  	v3 =	vshrl.u32 v3, $0x7;
	v7 =	vand.u32 $0x70, v5;
	v6 =	vand.u32 $0xC00, v6  }
0x30: {  	v5 =	vand.u32 $0xF000, v5;
	v27 =	vor.u32 v6, v7;
	v6 =	vand.u32 $0xFFFFFFF0, v28  }
0x31: {  	v3 =	vand.u32 $0x380, v3;
	vm1 =	veq.s32 v6, v2;
	v4 =	vor.u32 v5, v27  }
0x32: {  	vm0 =	vmand vm0, vm1;
	v3 =	vor.u32 v3, v4  }
0x33: {  	v3 =	vor.u32 v0, v3;
	_ =	sdelay $0x4  }
0x34: {  	[tilespmem:v3+s13+$0x0] =	vst.idx.add.s32.msk vm0, v1  }
0x35: {  	v3 =	vld [tilespmem:s28+$0x10];
	_ =	sdelay $0x1  }
0x36: {  	v29 =	vld [tilespmem:s28+$0x2010];
	_ =	sdelay $0x2  }
0x37: {  	v30 =	vshra.s32 v3, $0x1F  }
0x38: {  	v5 =	vand.u32 $0x7FFFFFFF, v30  }
0x39: {  	vm10 =	veq.s32 v29, $0x0;
	v3 =	vxor.u32 v3, v5  }
0x3a: {  	v5 =	vshrl.u32 v3, $0x5;
	v31 =	vshrl.u32 v3, $0x2;
	v34 =	vshra.s32 v3, $0x11  }
0x3b: {  	v3 =	vshrl.u32 v3, $0x7;
	v32 =	vand.u32 $0x70, v5;
	v6 =	vand.u32 $0xC00, v31  }
0x3c: {  	v5 =	vand.u32 $0xF000, v5;
	v33 =	vor.u32 v6, v32;
	v6 =	vand.u32 $0xFFFFFFF0, v34  }
0x3d: {  	v3 =	vand.u32 $0x380, v3;
	vm11 =	veq.s32 v6, v2;
	v4 =	vor.u32 v5, v33  }
0x3e: {  	vm0 =	vmand vm10, vm11;
	v3 =	vor.u32 v3, v4  }
0x3f: {  	v3 =	vor.u32 v0, v3;
	_ =	sdelay $0x4  }
0x40: {  	[tilespmem:v3+s13+$0x0] =	vst.idx.add.s32.msk vm0, v1  }
0x41: {  	v3 =	vld [tilespmem:s28+$0x20];
	_ =	sdelay $0x1  }
0x42: {  	v35 =	vld [tilespmem:s28+$0x2020];
	_ =	sdelay $0x2  }
0x43: {  	v36 =	vshra.s32 v3, $0x1F  }
0x44: {  	v5 =	vand.u32 $0x7FFFFFFF, v36  }
0x45: {  	vm12 =	veq.s32 v35, $0x0;
	v3 =	vxor.u32 v3, v5  }
0x46: {  	v5 =	vshrl.u32 v3, $0x5;
	v37 =	vshrl.u32 v3, $0x2;
	v40 =	vshra.s32 v3, $0x11  }
0x47: {  	v3 =	vshrl.u32 v3, $0x7;
	v38 =	vand.u32 $0x70, v5;
	v6 =	vand.u32 $0xC00, v37  }
0x48: {  	v5 =	vand.u32 $0xF000, v5;
	v39 =	vor.u32 v6, v38;
	v6 =	vand.u32 $0xFFFFFFF0, v40  }
0x49: {  	v3 =	vand.u32 $0x380, v3;
	vm13 =	veq.s32 v6, v2;
	v4 =	vor.u32 v5, v39  }
0x4a: {  	vm0 =	vmand vm12, vm13;
	v3 =	vor.u32 v3, v4  }
0x4b: {  	v3 =	vor.u32 v0, v3;
	_ =	sdelay $0x4  }
0x4c: {  	[tilespmem:v3+s13+$0x0] =	vst.idx.add.s32.msk vm0, v1  }
0x4d: {  	v3 =	vld [tilespmem:s28+$0x30];
	_ =	sdelay $0x1  }
0x4e: {  	v41 =	vld [tilespmem:s28+$0x2030];
	_ =	sdelay $0x2  }
0x4f: {  	v42 =	vshra.s32 v3, $0x1F  }
0x50: {  	v5 =	vand.u32 $0x7FFFFFFF, v42  }
0x51: {  	vm14 =	veq.s32 v41, $0x0;
	v3 =	vxor.u32 v3, v5  }
0x52: {  	v5 =	vshrl.u32 v3, $0x5;
	v43 =	vshrl.u32 v3, $0x2;
	v46 =	vshra.s32 v3, $0x11  }
0x53: {  	v3 =	vshrl.u32 v3, $0x7;
	v44 =	vand.u32 $0x70, v5;
	v6 =	vand.u32 $0xC00, v43  }
0x54: {  	v5 =	vand.u32 $0xF000, v5;
	v45 =	vor.u32 v6, v44;
	v6 =	vand.u32 $0xFFFFFFF0, v46  }
0x55: {  	v3 =	vand.u32 $0x380, v3;
	vm15 =	veq.s32 v6, v2;
	v4 =	vor.u32 v5, v45  }
0x56: {  	vm0 =	vmand vm14, vm15;
	v3 =	vor.u32 v3, v4  }
0x57: {  	v3 =	vor.u32 v0, v3;
	_ =	sdelay $0x4  }
0x58: {  	[tilespmem:v3+s13+$0x0] =	vst.idx.add.s32.msk vm0, v1  }
0x59: {  	v3 =	vld [tilespmem:s28+$0x40];
	_ =	sdelay $0x1  }
0x5a: {  	v47 =	vld [tilespmem:s28+$0x2040];
	_ =	sdelay $0x2  }
0x5b: {  	v48 =	vshra.s32 v3, $0x1F  }
0x5c: {  	v5 =	vand.u32 $0x7FFFFFFF, v48  }
0x5d: {  	vm4 =	veq.s32 v47, $0x0;
	v3 =	vxor.u32 v3, v5  }
0x5e: {  	v5 =	vshrl.u32 v3, $0x5;
	v49 =	vshrl.u32 v3, $0x2;
	v52 =	vshra.s32 v3, $0x11  }
0x5f: {  	v3 =	vshrl.u32 v3, $0x7;
	v50 =	vand.u32 $0x70, v5;
	v6 =	vand.u32 $0xC00, v49  }
0x60: {  	v5 =	vand.u32 $0xF000, v5;
	v51 =	vor.u32 v6, v50;
	v6 =	vand.u32 $0xFFFFFFF0, v52  }
0x61: {  	v3 =	vand.u32 $0x380, v3;
	vm5 =	veq.s32 v6, v2;
	v4 =	vor.u32 v5, v51  }
0x62: {  	vm0 =	vmand vm4, vm5;
	v3 =	vor.u32 v3, v4  }
0x63: {  	v3 =	vor.u32 v0, v3;
	_ =	sdelay $0x4  }
0x64: {  	[tilespmem:v3+s13+$0x0] =	vst.idx.add.s32.msk vm0, v1  }
0x65: {  	v3 =	vld [tilespmem:s28+$0x50];
	_ =	sdelay $0x1  }
0x66: {  	v53 =	vld [tilespmem:s28+$0x2050];
	_ =	sdelay $0x2  }
0x67: {  	v54 =	vshra.s32 v3, $0x1F  }
0x68: {  	v5 =	vand.u32 $0x7FFFFFFF, v54  }
0x69: {  	vm6 =	veq.s32 v53, $0x0;
	v3 =	vxor.u32 v3, v5  }
0x6a: {  	v5 =	vshrl.u32 v3, $0x5;
	v55 =	vshrl.u32 v3, $0x2;
	v58 =	vshra.s32 v3, $0x11  }
0x6b: {  	v3 =	vshrl.u32 v3, $0x7;
	v56 =	vand.u32 $0x70, v5;
	v6 =	vand.u32 $0xC00, v55  }
0x6c: {  	v5 =	vand.u32 $0xF000, v5;
	v57 =	vor.u32 v6, v56;
	v6 =	vand.u32 $0xFFFFFFF0, v58  }
0x6d: {  	v3 =	vand.u32 $0x380, v3;
	vm7 =	veq.s32 v6, v2;
	v4 =	vor.u32 v5, v57  }
0x6e: {  	vm0 =	vmand vm6, vm7;
	v3 =	vor.u32 v3, v4  }
0x6f: {  	v3 =	vor.u32 v0, v3;
	_ =	sdelay $0x4  }
0x70: {  	[tilespmem:v3+s13+$0x0] =	vst.idx.add.s32.msk vm0, v1  }
0x71: {  	v3 =	vld [tilespmem:s28+$0x60];
	_ =	sdelay $0x1  }
0x72: {  	v59 =	vld [tilespmem:s28+$0x2060];
	_ =	sdelay $0x2  }
0x73: {  	v60 =	vshra.s32 v3, $0x1F  }
0x74: {  	v5 =	vand.u32 $0x7FFFFFFF, v60  }
0x75: {  	vm8 =	veq.s32 v59, $0x0;
	v3 =	vxor.u32 v3, v5  }
0x76: {  	v5 =	vshrl.u32 v3, $0x5;
	v61 =	vshrl.u32 v3, $0x2;
	v9 =	vshra.s32 v3, $0x11  }
0x77: {  	v3 =	vshrl.u32 v3, $0x7;
	v62 =	vand.u32 $0x70, v5;
	v6 =	vand.u32 $0xC00, v61  }
0x78: {  	v5 =	vand.u32 $0xF000, v5;
	v63 =	vor.u32 v6, v62;
	v6 =	vand.u32 $0xFFFFFFF0, v9  }
0x79: {  	v3 =	vand.u32 $0x380, v3;
	vm9 =	veq.s32 v6, v2;
	v4 =	vor.u32 v5, v63  }
0x7a: {  	vm0 =	vmand vm8, vm9;
	v3 =	vor.u32 v3, v4  }
0x7b: {  	v3 =	vor.u32 v0, v3;
	_ =	sdelay $0x4  }
0x7c: {  	[tilespmem:v3+s13+$0x0] =	vst.idx.add.s32.msk vm0, v1  }
0x7d: {  	v3 =	vld [tilespmem:s28+$0x70];
	_ =	sdelay $0x1  }
0x7e: {  	v10 =	vld [tilespmem:s28+$0x2070];
	_ =	sdelay $0x2  }
0x7f: {  	v11 =	vshra.s32 v3, $0x1F  }
0x80: {  	v5 =	vand.u32 $0x7FFFFFFF, v11  }
0x81: {  	vm10 =	veq.s32 v10, $0x0;
	v3 =	vxor.u32 v3, v5  }
0x82: {  	v5 =	vshrl.u32 v3, $0x5;
	v12 =	vshrl.u32 v3, $0x2;
	v15 =	vshra.s32 v3, $0x11  }
0x83: {  	v3 =	vshrl.u32 v3, $0x7;
	v13 =	vand.u32 $0x70, v5;
	v6 =	vand.u32 $0xC00, v12  }
0x84: {  	v5 =	vand.u32 $0xF000, v5;
	v14 =	vor.u32 v6, v13;
	v6 =	vand.u32 $0xFFFFFFF0, v15  }
0x85: {  	v3 =	vand.u32 $0x380, v3;
	vm11 =	veq.s32 v6, v2;
	v4 =	vor.u32 v5, v14  }
0x86: {  	vm0 =	vmand vm10, vm11;
	v3 =	vor.u32 v3, v4  }
0x87: {  	v3 =	vor.u32 v0, v3;
	_ =	sdelay $0x4  }
0x88: {  	[tilespmem:v3+s13+$0x0] =	vst.idx.add.s32.msk vm0, v1  }
0x89: {  	v3 =	vld [tilespmem:s28+$0x80];
	_ =	sdelay $0x1  }
0x8a: {  	v16 =	vld [tilespmem:s28+$0x2080];
	_ =	sdelay $0x2  }
0x8b: {  	v17 =	vshra.s32 v3, $0x1F  }
0x8c: {  	v5 =	vand.u32 $0x7FFFFFFF, v17  }
0x8d: {  	vm12 =	veq.s32 v16, $0x0;
	v3 =	vxor.u32 v3, v5  }
0x8e: {  	v5 =	vshrl.u32 v3, $0x5;
	v18 =	vshrl.u32 v3, $0x2;
	v21 =	vshra.s32 v3, $0x11  }
0x8f: {  	v3 =	vshrl.u32 v3, $0x7;
	v19 =	vand.u32 $0x70, v5;
	v6 =	vand.u32 $0xC00, v18  }
0x90: {  	v5 =	vand.u32 $0xF000, v5;
	v20 =	vor.u32 v6, v19;
	v6 =	vand.u32 $0xFFFFFFF0, v21  }
0x91: {  	v3 =	vand.u32 $0x380, v3;
	vm13 =	veq.s32 v6, v2;
	v4 =	vor.u32 v5, v20  }
0x92: {  	vm0 =	vmand vm12, vm13;
	v3 =	vor.u32 v3, v4  }
0x93: {  	v3 =	vor.u32 v0, v3;
	_ =	sdelay $0x4  }
0x94: {  	[tilespmem:v3+s13+$0x0] =	vst.idx.add.s32.msk vm0, v1  }
0x95: {  	v3 =	vld [tilespmem:s28+$0x90];
	_ =	sdelay $0x1  }
0x96: {  	v22 =	vld [tilespmem:s28+$0x2090];
	_ =	sdelay $0x2  }
0x97: {  	v23 =	vshra.s32 v3, $0x1F  }
0x98: {  	v5 =	vand.u32 $0x7FFFFFFF, v23  }
0x99: {  	vm14 =	veq.s32 v22, $0x0;
	v3 =	vxor.u32 v3, v5  }
0x9a: {  	v5 =	vshrl.u32 v3, $0x5;
	v24 =	vshrl.u32 v3, $0x2;
	v27 =	vshra.s32 v3, $0x11  }
0x9b: {  	v3 =	vshrl.u32 v3, $0x7;
	v25 =	vand.u32 $0x70, v5;
	v6 =	vand.u32 $0xC00, v24  }
0x9c: {  	v5 =	vand.u32 $0xF000, v5;
	v26 =	vor.u32 v6, v25;
	v6 =	vand.u32 $0xFFFFFFF0, v27  }
0x9d: {  	v3 =	vand.u32 $0x380, v3;
	vm15 =	veq.s32 v6, v2;
	v4 =	vor.u32 v5, v26  }
0x9e: {  	vm0 =	vmand vm14, vm15;
	v3 =	vor.u32 v3, v4  }
0x9f: {  	v3 =	vor.u32 v0, v3;
	_ =	sdelay $0x4  }
0xa0: {  	[tilespmem:v3+s13+$0x0] =	vst.idx.add.s32.msk vm0, v1  }
0xa1: {  	v3 =	vld [tilespmem:s28+$0xA0];
	_ =	sdelay $0x1  }
0xa2: {  	v28 =	vld [tilespmem:s28+$0x20A0];
	_ =	sdelay $0x2  }
0xa3: {  	v29 =	vshra.s32 v3, $0x1F  }
0xa4: {  	v5 =	vand.u32 $0x7FFFFFFF, v29  }
0xa5: {  	vm4 =	veq.s32 v28, $0x0;
	v3 =	vxor.u32 v3, v5  }
0xa6: {  	v5 =	vshrl.u32 v3, $0x5;
	v30 =	vshrl.u32 v3, $0x2;
	v33 =	vshra.s32 v3, $0x11  }
0xa7: {  	v3 =	vshrl.u32 v3, $0x7;
	v31 =	vand.u32 $0x70, v5;
	v6 =	vand.u32 $0xC00, v30  }
0xa8: {  	v5 =	vand.u32 $0xF000, v5;
	v32 =	vor.u32 v6, v31;
	v6 =	vand.u32 $0xFFFFFFF0, v33  }
0xa9: {  	v3 =	vand.u32 $0x380, v3;
	vm5 =	veq.s32 v6, v2;
	v4 =	vor.u32 v5, v32  }
0xaa: {  	vm0 =	vmand vm4, vm5;
	v3 =	vor.u32 v3, v4  }
0xab: {  	v3 =	vor.u32 v0, v3;
	_ =	sdelay $0x4  }
0xac: {  	[tilespmem:v3+s13+$0x0] =	vst.idx.add.s32.msk vm0, v1  }
0xad: {  	v3 =	vld [tilespmem:s28+$0xB0];
	_ =	sdelay $0x1  }
0xae: {  	v34 =	vld [tilespmem:s28+$0x20B0];
	_ =	sdelay $0x2  }
0xaf: {  	v35 =	vshra.s32 v3, $0x1F  }
0xb0: {  	v5 =	vand.u32 $0x7FFFFFFF, v35  }
0xb1: {  	vm6 =	veq.s32 v34, $0x0;
	v3 =	vxor.u32 v3, v5  }
0xb2: {  	v5 =	vshrl.u32 v3, $0x5;
	v36 =	vshrl.u32 v3, $0x2;
	v39 =	vshra.s32 v3, $0x11  }
0xb3: {  	v3 =	vshrl.u32 v3, $0x7;
	v37 =	vand.u32 $0x70, v5;
	v6 =	vand.u32 $0xC00, v36  }
0xb4: {  	v5 =	vand.u32 $0xF000, v5;
	v38 =	vor.u32 v6, v37;
	v6 =	vand.u32 $0xFFFFFFF0, v39  }
0xb5: {  	v3 =	vand.u32 $0x380, v3;
	vm7 =	veq.s32 v6, v2;
	v4 =	vor.u32 v5, v38  }
0xb6: {  	vm0 =	vmand vm6, vm7;
	v3 =	vor.u32 v3, v4  }
0xb7: {  	v3 =	vor.u32 v0, v3;
	_ =	sdelay $0x4  }
0xb8: {  	[tilespmem:v3+s13+$0x0] =	vst.idx.add.s32.msk vm0, v1  }
0xb9: {  	v3 =	vld [tilespmem:s28+$0xC0];
	_ =	sdelay $0x1  }
0xba: {  	v40 =	vld [tilespmem:s28+$0x20C0];
	_ =	sdelay $0x2  }
0xbb: {  	v41 =	vshra.s32 v3, $0x1F  }
0xbc: {  	v5 =	vand.u32 $0x7FFFFFFF, v41  }
0xbd: {  	vm8 =	veq.s32 v40, $0x0;
	v3 =	vxor.u32 v3, v5  }
0xbe: {  	v5 =	vshrl.u32 v3, $0x5;
	v42 =	vshrl.u32 v3, $0x2;
	v45 =	vshra.s32 v3, $0x11  }
0xbf: {  	v3 =	vshrl.u32 v3, $0x7;
	v43 =	vand.u32 $0x70, v5;
	v6 =	vand.u32 $0xC00, v42  }
0xc0: {  	v5 =	vand.u32 $0xF000, v5;
	v44 =	vor.u32 v6, v43;
	v6 =	vand.u32 $0xFFFFFFF0, v45  }
0xc1: {  	v3 =	vand.u32 $0x380, v3;
	vm9 =	veq.s32 v6, v2;
	v4 =	vor.u32 v5, v44  }
0xc2: {  	vm0 =	vmand vm8, vm9;
	v3 =	vor.u32 v3, v4  }
0xc3: {  	v3 =	vor.u32 v0, v3;
	_ =	sdelay $0x4  }
0xc4: {  	[tilespmem:v3+s13+$0x0] =	vst.idx.add.s32.msk vm0, v1  }
0xc5: {  	v3 =	vld [tilespmem:s28+$0xD0];
	_ =	sdelay $0x1  }
0xc6: {  	v46 =	vld [tilespmem:s28+$0x20D0];
	_ =	sdelay $0x2  }
0xc7: {  	v47 =	vshra.s32 v3, $0x1F  }
0xc8: {  	v5 =	vand.u32 $0x7FFFFFFF, v47  }
0xc9: {  	vm10 =	veq.s32 v46, $0x0;
	v3 =	vxor.u32 v3, v5  }
0xca: {  	v5 =	vshrl.u32 v3, $0x5;
	v48 =	vshrl.u32 v3, $0x2;
	v51 =	vshra.s32 v3, $0x11  }
0xcb: {  	v3 =	vshrl.u32 v3, $0x7;
	v49 =	vand.u32 $0x70, v5;
	v6 =	vand.u32 $0xC00, v48  }
0xcc: {  	v5 =	vand.u32 $0xF000, v5;
	v50 =	vor.u32 v6, v49;
	v6 =	vand.u32 $0xFFFFFFF0, v51  }
0xcd: {  	v3 =	vand.u32 $0x380, v3;
	vm11 =	veq.s32 v6, v2;
	v4 =	vor.u32 v5, v50  }
0xce: {  	vm0 =	vmand vm10, vm11;
	v3 =	vor.u32 v3, v4  }
0xcf: {  	v3 =	vor.u32 v0, v3;
	_ =	sdelay $0x4  }
0xd0: {  	[tilespmem:v3+s13+$0x0] =	vst.idx.add.s32.msk vm0, v1  }
0xd1: {  	v3 =	vld [tilespmem:s28+$0xE0];
	_ =	sdelay $0x1  }
0xd2: {  	v52 =	vld [tilespmem:s28+$0x20E0];
	_ =	sdelay $0x2  }
0xd3: {  	v53 =	vshra.s32 v3, $0x1F  }
0xd4: {  	v5 =	vand.u32 $0x7FFFFFFF, v53  }
0xd5: {  	vm12 =	veq.s32 v52, $0x0;
	v3 =	vxor.u32 v3, v5  }
0xd6: {  	v5 =	vshrl.u32 v3, $0x5;
	v54 =	vshrl.u32 v3, $0x2;
	v57 =	vshra.s32 v3, $0x11  }
0xd7: {  	v3 =	vshrl.u32 v3, $0x7;
	v55 =	vand.u32 $0x70, v5;
	v6 =	vand.u32 $0xC00, v54  }
0xd8: {  	v5 =	vand.u32 $0xF000, v5;
	v56 =	vor.u32 v6, v55;
	v6 =	vand.u32 $0xFFFFFFF0, v57  }
0xd9: {  	v3 =	vand.u32 $0x380, v3;
	vm13 =	veq.s32 v6, v2;
	v4 =	vor.u32 v5, v56  }
0xda: {  	vm0 =	vmand vm12, vm13;
	v3 =	vor.u32 v3, v4  }
0xdb: {  	v3 =	vor.u32 v0, v3;
	_ =	sdelay $0x4  }
0xdc: {  	[tilespmem:v3+s13+$0x0] =	vst.idx.add.s32.msk vm0, v1  }
0xdd: {  	v3 =	vld [tilespmem:s28+$0xF0];
	_ =	sdelay $0x1  }
0xde: {  	v58 =	vld [tilespmem:s28+$0x20F0];
	_ =	sdelay $0x2  }
0xdf: {  	v59 =	vshra.s32 v3, $0x1F  }
0xe0: {  	v5 =	vand.u32 $0x7FFFFFFF, v59  }
0xe1: {  	vm14 =	veq.s32 v58, $0x0;
	v3 =	vxor.u32 v3, v5  }
0xe2: {  	v5 =	vshrl.u32 v3, $0x5;
	v60 =	vshrl.u32 v3, $0x2;
	v63 =	vshra.s32 v3, $0x11  }
0xe3: {  	v3 =	vshrl.u32 v3, $0x7;
	v61 =	vand.u32 $0x70, v5;
	v6 =	vand.u32 $0xC00, v60  }
0xe4: {  	v5 =	vand.u32 $0xF000, v5;
	v62 =	vor.u32 v6, v61;
	v6 =	vand.u32 $0xFFFFFFF0, v63  }
0xe5: {  	v3 =	vand.u32 $0x380, v3;
	vm15 =	veq.s32 v6, v2;
	v4 =	vor.u32 v5, v62  }
0xe6: {  	vm0 =	vmand vm14, vm15;
	v3 =	vor.u32 v3, v4  }
0xe7: {  	p0 =	sne.s32 s26, $0x7C00;
	v3 =	vor.u32 v0, v3  }
.Ltmp0:
0xe8: {  	_ = 	snop;
	(pc) =	sbr.rel @p0 .LBB2_4-.Ltmp0, $2  }
0xe9: {  	_ =	sdelay $0x2  }
0xea: {  	s26 =	sadd.s32 $0x400, s26;
	[tilespmem:v3+s13+$0x0] =	vst.idx.add.s32.msk vm0, v1  }
0xeb: {  	p0 =	seq.s32 s24, $0x7  }
0xec: {  	s25 =	sadd.s32 @!p0 s25, s10  }
0xed: {  	s25 =	sshrl.u32 @!p0 s25, $0x3  }
0xee: {  	s28 =	simm.s32 @!p0 $0x0;
	s26 =	sadd.s32 @!p0 s3, s25  }
0xef: {  	[tilespmem:s28], [sflag:$0x1] =	stream.linear.gather @!p0 [hbm4b:s26+s28], $0x2000, $0x38;
	[tilespmem:$0x18080] =	vst v63  }
0xf0: {  	s25 =	sadd.s32 @!p0 s4, s25;
	s26 =	simm.s32 @!p0 $0x2000  }
0xf1: {  	[tilespmem:s26], [sflag:$0x2] =	stream.linear.gather @!p0 [hbm4b:s25+s28], $0x2000, $0x38;
	[tilespmem:$0x18080] =	vst v63  }
0xf2: {  	_ =	swait.ge [sflag:s21], $0x2000  }
0xf3: {  	[sflag:s21] =	ssyncset.done $0x0  }
0xf4: {  	[sflag:s21] =	ssyncadd.s32 $0xFFFFE000  }
0xf5: {  	_ =	swait.ge [sflag:s22], $0x2000  }
0xf6: {  	[sflag:s22] =	ssyncset.done $0x0  }
0xf7: {  	s24 =	sadd.s32 $0x1, s24;
	s25 =	simm.s32 $0x0;
	[sflag:s22] =	ssyncadd.s32 $0xFFFFE000  }
.LBB2_6:
0xf8: {  	s26 =	sshra.s32 s25, $0x2  }
0xf9: {  	v3 =	vld [tilespmem:s26+$0x4000];
	_ =	sdelay $0x1  }
0xfa: {  	v4 =	vld [tilespmem:s26+$0x6000];
	_ =	sdelay $0x2  }
0xfb: {  	v5 =	vshra.s32 v3, $0x1F  }
0xfc: {  	v5 =	vand.u32 $0x7FFFFFFF, v5  }
0xfd: {  	vm0 =	veq.s32 v4, $0x0;
	v3 =	vxor.u32 v3, v5  }
0xfe: {  	v5 =	vshrl.u32 v3, $0x5;
	v6 =	vshrl.u32 v3, $0x2;
	v28 =	vshra.s32 v3, $0x11  }
0xff: {  	v3 =	vshrl.u32 v3, $0x7;
	v7 =	vand.u32 $0x70, v5;
	v6 =	vand.u32 $0xC00, v6  }
0x100: {  	v5 =	vand.u32 $0xF000, v5;
	v27 =	vor.u32 v6, v7;
	v6 =	vand.u32 $0xFFFFFFF0, v28  }
0x101: {  	v3 =	vand.u32 $0x380, v3;
	vm1 =	veq.s32 v6, v2;
	v4 =	vor.u32 v5, v27  }
0x102: {  	vm0 =	vmand vm0, vm1;
	v3 =	vor.u32 v3, v4  }
0x103: {  	v3 =	vor.u32 v0, v3;
	_ =	sdelay $0x4  }
0x104: {  	[tilespmem:v3+s13+$0x0] =	vst.idx.add.s32.msk vm0, v1  }
0x105: {  	v3 =	vld [tilespmem:s26+$0x4010];
	_ =	sdelay $0x1  }
0x106: {  	v29 =	vld [tilespmem:s26+$0x6010];
	_ =	sdelay $0x2  }
0x107: {  	v30 =	vshra.s32 v3, $0x1F  }
0x108: {  	v5 =	vand.u32 $0x7FFFFFFF, v30  }
0x109: {  	vm10 =	veq.s32 v29, $0x0;
	v3 =	vxor.u32 v3, v5  }
0x10a: {  	v5 =	vshrl.u32 v3, $0x5;
	v31 =	vshrl.u32 v3, $0x2;
	v34 =	vshra.s32 v3, $0x11  }
0x10b: {  	v3 =	vshrl.u32 v3, $0x7;
	v32 =	vand.u32 $0x70, v5;
	v6 =	vand.u32 $0xC00, v31  }
0x10c: {  	v5 =	vand.u32 $0xF000, v5;
	v33 =	vor.u32 v6, v32;
	v6 =	vand.u32 $0xFFFFFFF0, v34  }
0x10d: {  	v3 =	vand.u32 $0x380, v3;
	vm11 =	veq.s32 v6, v2;
	v4 =	vor.u32 v5, v33  }
0x10e: {  	vm0 =	vmand vm10, vm11;
	v3 =	vor.u32 v3, v4  }
0x10f: {  	v3 =	vor.u32 v0, v3;
	_ =	sdelay $0x4  }
0x110: {  	[tilespmem:v3+s13+$0x0] =	vst.idx.add.s32.msk vm0, v1  }
0x111: {  	v3 =	vld [tilespmem:s26+$0x4020];
	_ =	sdelay $0x1  }
0x112: {  	v35 =	vld [tilespmem:s26+$0x6020];
	_ =	sdelay $0x2  }
0x113: {  	v36 =	vshra.s32 v3, $0x1F  }
0x114: {  	v5 =	vand.u32 $0x7FFFFFFF, v36  }
0x115: {  	vm12 =	veq.s32 v35, $0x0;
	v3 =	vxor.u32 v3, v5  }
0x116: {  	v5 =	vshrl.u32 v3, $0x5;
	v37 =	vshrl.u32 v3, $0x2;
	v40 =	vshra.s32 v3, $0x11  }
0x117: {  	v3 =	vshrl.u32 v3, $0x7;
	v38 =	vand.u32 $0x70, v5;
	v6 =	vand.u32 $0xC00, v37  }
0x118: {  	v5 =	vand.u32 $0xF000, v5;
	v39 =	vor.u32 v6, v38;
	v6 =	vand.u32 $0xFFFFFFF0, v40  }
0x119: {  	v3 =	vand.u32 $0x380, v3;
	vm13 =	veq.s32 v6, v2;
	v4 =	vor.u32 v5, v39  }
0x11a: {  	vm0 =	vmand vm12, vm13;
	v3 =	vor.u32 v3, v4  }
0x11b: {  	v3 =	vor.u32 v0, v3;
	_ =	sdelay $0x4  }
0x11c: {  	[tilespmem:v3+s13+$0x0] =	vst.idx.add.s32.msk vm0, v1  }
0x11d: {  	v3 =	vld [tilespmem:s26+$0x4030];
	_ =	sdelay $0x1  }
0x11e: {  	v41 =	vld [tilespmem:s26+$0x6030];
	_ =	sdelay $0x2  }
0x11f: {  	v42 =	vshra.s32 v3, $0x1F  }
0x120: {  	v5 =	vand.u32 $0x7FFFFFFF, v42  }
0x121: {  	vm14 =	veq.s32 v41, $0x0;
	v3 =	vxor.u32 v3, v5  }
0x122: {  	v5 =	vshrl.u32 v3, $0x5;
	v43 =	vshrl.u32 v3, $0x2;
	v46 =	vshra.s32 v3, $0x11  }
0x123: {  	v3 =	vshrl.u32 v3, $0x7;
	v44 =	vand.u32 $0x70, v5;
	v6 =	vand.u32 $0xC00, v43  }
0x124: {  	v5 =	vand.u32 $0xF000, v5;
	v45 =	vor.u32 v6, v44;
	v6 =	vand.u32 $0xFFFFFFF0, v46  }
0x125: {  	v3 =	vand.u32 $0x380, v3;
	vm15 =	veq.s32 v6, v2;
	v4 =	vor.u32 v5, v45  }
0x126: {  	vm0 =	vmand vm14, vm15;
	v3 =	vor.u32 v3, v4  }
0x127: {  	v3 =	vor.u32 v0, v3;
	_ =	sdelay $0x4  }
0x128: {  	[tilespmem:v3+s13+$0x0] =	vst.idx.add.s32.msk vm0, v1  }
0x129: {  	v3 =	vld [tilespmem:s26+$0x4040];
	_ =	sdelay $0x1  }
0x12a: {  	v47 =	vld [tilespmem:s26+$0x6040];
	_ =	sdelay $0x2  }
0x12b: {  	v48 =	vshra.s32 v3, $0x1F  }
0x12c: {  	v5 =	vand.u32 $0x7FFFFFFF, v48  }
0x12d: {  	vm4 =	veq.s32 v47, $0x0;
	v3 =	vxor.u32 v3, v5  }
0x12e: {  	v5 =	vshrl.u32 v3, $0x5;
	v49 =	vshrl.u32 v3, $0x2;
	v52 =	vshra.s32 v3, $0x11  }
0x12f: {  	v3 =	vshrl.u32 v3, $0x7;
	v50 =	vand.u32 $0x70, v5;
	v6 =	vand.u32 $0xC00, v49  }
0x130: {  	v5 =	vand.u32 $0xF000, v5;
	v51 =	vor.u32 v6, v50;
	v6 =	vand.u32 $0xFFFFFFF0, v52  }
0x131: {  	v3 =	vand.u32 $0x380, v3;
	vm5 =	veq.s32 v6, v2;
	v4 =	vor.u32 v5, v51  }
0x132: {  	vm0 =	vmand vm4, vm5;
	v3 =	vor.u32 v3, v4  }
0x133: {  	v3 =	vor.u32 v0, v3;
	_ =	sdelay $0x4  }
0x134: {  	[tilespmem:v3+s13+$0x0] =	vst.idx.add.s32.msk vm0, v1  }
0x135: {  	v3 =	vld [tilespmem:s26+$0x4050];
	_ =	sdelay $0x1  }
0x136: {  	v53 =	vld [tilespmem:s26+$0x6050];
	_ =	sdelay $0x2  }
0x137: {  	v54 =	vshra.s32 v3, $0x1F  }
0x138: {  	v5 =	vand.u32 $0x7FFFFFFF, v54  }
0x139: {  	vm6 =	veq.s32 v53, $0x0;
	v3 =	vxor.u32 v3, v5  }
0x13a: {  	v5 =	vshrl.u32 v3, $0x5;
	v55 =	vshrl.u32 v3, $0x2;
	v58 =	vshra.s32 v3, $0x11  }
0x13b: {  	v3 =	vshrl.u32 v3, $0x7;
	v56 =	vand.u32 $0x70, v5;
	v6 =	vand.u32 $0xC00, v55  }
0x13c: {  	v5 =	vand.u32 $0xF000, v5;
	v57 =	vor.u32 v6, v56;
	v6 =	vand.u32 $0xFFFFFFF0, v58  }
0x13d: {  	v3 =	vand.u32 $0x380, v3;
	vm7 =	veq.s32 v6, v2;
	v4 =	vor.u32 v5, v57  }
0x13e: {  	vm0 =	vmand vm6, vm7;
	v3 =	vor.u32 v3, v4  }
0x13f: {  	v3 =	vor.u32 v0, v3;
	_ =	sdelay $0x4  }
0x140: {  	[tilespmem:v3+s13+$0x0] =	vst.idx.add.s32.msk vm0, v1  }
0x141: {  	v3 =	vld [tilespmem:s26+$0x4060];
	_ =	sdelay $0x1  }
0x142: {  	v59 =	vld [tilespmem:s26+$0x6060];
	_ =	sdelay $0x2  }
0x143: {  	v60 =	vshra.s32 v3, $0x1F  }
0x144: {  	v5 =	vand.u32 $0x7FFFFFFF, v60  }
0x145: {  	vm8 =	veq.s32 v59, $0x0;
	v3 =	vxor.u32 v3, v5  }
0x146: {  	v5 =	vshrl.u32 v3, $0x5;
	v61 =	vshrl.u32 v3, $0x2;
	v9 =	vshra.s32 v3, $0x11  }
0x147: {  	v3 =	vshrl.u32 v3, $0x7;
	v62 =	vand.u32 $0x70, v5;
	v6 =	vand.u32 $0xC00, v61  }
0x148: {  	v5 =	vand.u32 $0xF000, v5;
	v63 =	vor.u32 v6, v62;
	v6 =	vand.u32 $0xFFFFFFF0, v9  }
0x149: {  	v3 =	vand.u32 $0x380, v3;
	vm9 =	veq.s32 v6, v2;
	v4 =	vor.u32 v5, v63  }
0x14a: {  	vm0 =	vmand vm8, vm9;
	v3 =	vor.u32 v3, v4  }
0x14b: {  	v3 =	vor.u32 v0, v3;
	_ =	sdelay $0x4  }
0x14c: {  	[tilespmem:v3+s13+$0x0] =	vst.idx.add.s32.msk vm0, v1  }
0x14d: {  	v3 =	vld [tilespmem:s26+$0x4070];
	_ =	sdelay $0x1  }
0x14e: {  	v10 =	vld [tilespmem:s26+$0x6070];
	_ =	sdelay $0x2  }
0x14f: {  	v11 =	vshra.s32 v3, $0x1F  }
0x150: {  	v5 =	vand.u32 $0x7FFFFFFF, v11  }
0x151: {  	vm10 =	veq.s32 v10, $0x0;
	v3 =	vxor.u32 v3, v5  }
0x152: {  	v5 =	vshrl.u32 v3, $0x5;
	v12 =	vshrl.u32 v3, $0x2;
	v15 =	vshra.s32 v3, $0x11  }
0x153: {  	v3 =	vshrl.u32 v3, $0x7;
	v13 =	vand.u32 $0x70, v5;
	v6 =	vand.u32 $0xC00, v12  }
0x154: {  	v5 =	vand.u32 $0xF000, v5;
	v14 =	vor.u32 v6, v13;
	v6 =	vand.u32 $0xFFFFFFF0, v15  }
0x155: {  	v3 =	vand.u32 $0x380, v3;
	vm11 =	veq.s32 v6, v2;
	v4 =	vor.u32 v5, v14  }
0x156: {  	vm0 =	vmand vm10, vm11;
	v3 =	vor.u32 v3, v4  }
0x157: {  	v3 =	vor.u32 v0, v3;
	_ =	sdelay $0x4  }
0x158: {  	[tilespmem:v3+s13+$0x0] =	vst.idx.add.s32.msk vm0, v1  }
0x159: {  	v3 =	vld [tilespmem:s26+$0x4080];
	_ =	sdelay $0x1  }
0x15a: {  	v16 =	vld [tilespmem:s26+$0x6080];
	_ =	sdelay $0x2  }
0x15b: {  	v17 =	vshra.s32 v3, $0x1F  }
0x15c: {  	v5 =	vand.u32 $0x7FFFFFFF, v17  }
0x15d: {  	vm12 =	veq.s32 v16, $0x0;
	v3 =	vxor.u32 v3, v5  }
0x15e: {  	v5 =	vshrl.u32 v3, $0x5;
	v18 =	vshrl.u32 v3, $0x2;
	v21 =	vshra.s32 v3, $0x11  }
0x15f: {  	v3 =	vshrl.u32 v3, $0x7;
	v19 =	vand.u32 $0x70, v5;
	v6 =	vand.u32 $0xC00, v18  }
0x160: {  	v5 =	vand.u32 $0xF000, v5;
	v20 =	vor.u32 v6, v19;
	v6 =	vand.u32 $0xFFFFFFF0, v21  }
0x161: {  	v3 =	vand.u32 $0x380, v3;
	vm13 =	veq.s32 v6, v2;
	v4 =	vor.u32 v5, v20  }
0x162: {  	vm0 =	vmand vm12, vm13;
	v3 =	vor.u32 v3, v4  }
0x163: {  	v3 =	vor.u32 v0, v3;
	_ =	sdelay $0x4  }
0x164: {  	[tilespmem:v3+s13+$0x0] =	vst.idx.add.s32.msk vm0, v1  }
0x165: {  	v3 =	vld [tilespmem:s26+$0x4090];
	_ =	sdelay $0x1  }
0x166: {  	v22 =	vld [tilespmem:s26+$0x6090];
	_ =	sdelay $0x2  }
0x167: {  	v23 =	vshra.s32 v3, $0x1F  }
0x168: {  	v5 =	vand.u32 $0x7FFFFFFF, v23  }
0x169: {  	vm14 =	veq.s32 v22, $0x0;
	v3 =	vxor.u32 v3, v5  }
0x16a: {  	v5 =	vshrl.u32 v3, $0x5;
	v24 =	vshrl.u32 v3, $0x2;
	v27 =	vshra.s32 v3, $0x11  }
0x16b: {  	v3 =	vshrl.u32 v3, $0x7;
	v25 =	vand.u32 $0x70, v5;
	v6 =	vand.u32 $0xC00, v24  }
0x16c: {  	v5 =	vand.u32 $0xF000, v5;
	v26 =	vor.u32 v6, v25;
	v6 =	vand.u32 $0xFFFFFFF0, v27  }
0x16d: {  	v3 =	vand.u32 $0x380, v3;
	vm15 =	veq.s32 v6, v2;
	v4 =	vor.u32 v5, v26  }
0x16e: {  	vm0 =	vmand vm14, vm15;
	v3 =	vor.u32 v3, v4  }
0x16f: {  	v3 =	vor.u32 v0, v3;
	_ =	sdelay $0x4  }
0x170: {  	[tilespmem:v3+s13+$0x0] =	vst.idx.add.s32.msk vm0, v1  }
0x171: {  	v3 =	vld [tilespmem:s26+$0x40A0];
	_ =	sdelay $0x1  }
0x172: {  	v28 =	vld [tilespmem:s26+$0x60A0];
	_ =	sdelay $0x2  }
0x173: {  	v29 =	vshra.s32 v3, $0x1F  }
0x174: {  	v5 =	vand.u32 $0x7FFFFFFF, v29  }
0x175: {  	vm4 =	veq.s32 v28, $0x0;
	v3 =	vxor.u32 v3, v5  }
0x176: {  	v5 =	vshrl.u32 v3, $0x5;
	v30 =	vshrl.u32 v3, $0x2;
	v33 =	vshra.s32 v3, $0x11  }
0x177: {  	v3 =	vshrl.u32 v3, $0x7;
	v31 =	vand.u32 $0x70, v5;
	v6 =	vand.u32 $0xC00, v30  }
0x178: {  	v5 =	vand.u32 $0xF000, v5;
	v32 =	vor.u32 v6, v31;
	v6 =	vand.u32 $0xFFFFFFF0, v33  }
0x179: {  	v3 =	vand.u32 $0x380, v3;
	vm5 =	veq.s32 v6, v2;
	v4 =	vor.u32 v5, v32  }
0x17a: {  	vm0 =	vmand vm4, vm5;
	v3 =	vor.u32 v3, v4  }
0x17b: {  	v3 =	vor.u32 v0, v3;
	_ =	sdelay $0x4  }
0x17c: {  	[tilespmem:v3+s13+$0x0] =	vst.idx.add.s32.msk vm0, v1  }
0x17d: {  	v3 =	vld [tilespmem:s26+$0x40B0];
	_ =	sdelay $0x1  }
0x17e: {  	v34 =	vld [tilespmem:s26+$0x60B0];
	_ =	sdelay $0x2  }
0x17f: {  	v35 =	vshra.s32 v3, $0x1F  }
0x180: {  	v5 =	vand.u32 $0x7FFFFFFF, v35  }
0x181: {  	vm6 =	veq.s32 v34, $0x0;
	v3 =	vxor.u32 v3, v5  }
0x182: {  	v5 =	vshrl.u32 v3, $0x5;
	v36 =	vshrl.u32 v3, $0x2;
	v39 =	vshra.s32 v3, $0x11  }
0x183: {  	v3 =	vshrl.u32 v3, $0x7;
	v37 =	vand.u32 $0x70, v5;
	v6 =	vand.u32 $0xC00, v36  }
0x184: {  	v5 =	vand.u32 $0xF000, v5;
	v38 =	vor.u32 v6, v37;
	v6 =	vand.u32 $0xFFFFFFF0, v39  }
0x185: {  	v3 =	vand.u32 $0x380, v3;
	vm7 =	veq.s32 v6, v2;
	v4 =	vor.u32 v5, v38  }
0x186: {  	vm0 =	vmand vm6, vm7;
	v3 =	vor.u32 v3, v4  }
0x187: {  	v3 =	vor.u32 v0, v3;
	_ =	sdelay $0x4  }
0x188: {  	[tilespmem:v3+s13+$0x0] =	vst.idx.add.s32.msk vm0, v1  }
0x189: {  	v3 =	vld [tilespmem:s26+$0x40C0];
	_ =	sdelay $0x1  }
0x18a: {  	v40 =	vld [tilespmem:s26+$0x60C0];
	_ =	sdelay $0x2  }
0x18b: {  	v41 =	vshra.s32 v3, $0x1F  }
0x18c: {  	v5 =	vand.u32 $0x7FFFFFFF, v41  }
0x18d: {  	vm8 =	veq.s32 v40, $0x0;
	v3 =	vxor.u32 v3, v5  }
0x18e: {  	v5 =	vshrl.u32 v3, $0x5;
	v42 =	vshrl.u32 v3, $0x2;
	v45 =	vshra.s32 v3, $0x11  }
0x18f: {  	v3 =	vshrl.u32 v3, $0x7;
	v43 =	vand.u32 $0x70, v5;
	v6 =	vand.u32 $0xC00, v42  }
0x190: {  	v5 =	vand.u32 $0xF000, v5;
	v44 =	vor.u32 v6, v43;
	v6 =	vand.u32 $0xFFFFFFF0, v45  }
0x191: {  	v3 =	vand.u32 $0x380, v3;
	vm9 =	veq.s32 v6, v2;
	v4 =	vor.u32 v5, v44  }
0x192: {  	vm0 =	vmand vm8, vm9;
	v3 =	vor.u32 v3, v4  }
0x193: {  	v3 =	vor.u32 v0, v3;
	_ =	sdelay $0x4  }
0x194: {  	[tilespmem:v3+s13+$0x0] =	vst.idx.add.s32.msk vm0, v1  }
0x195: {  	v3 =	vld [tilespmem:s26+$0x40D0];
	_ =	sdelay $0x1  }
0x196: {  	v46 =	vld [tilespmem:s26+$0x60D0];
	_ =	sdelay $0x2  }
0x197: {  	v47 =	vshra.s32 v3, $0x1F  }
0x198: {  	v5 =	vand.u32 $0x7FFFFFFF, v47  }
0x199: {  	vm10 =	veq.s32 v46, $0x0;
	v3 =	vxor.u32 v3, v5  }
0x19a: {  	v5 =	vshrl.u32 v3, $0x5;
	v48 =	vshrl.u32 v3, $0x2;
	v51 =	vshra.s32 v3, $0x11  }
0x19b: {  	v3 =	vshrl.u32 v3, $0x7;
	v49 =	vand.u32 $0x70, v5;
	v6 =	vand.u32 $0xC00, v48  }
0x19c: {  	v5 =	vand.u32 $0xF000, v5;
	v50 =	vor.u32 v6, v49;
	v6 =	vand.u32 $0xFFFFFFF0, v51  }
0x19d: {  	v3 =	vand.u32 $0x380, v3;
	vm11 =	veq.s32 v6, v2;
	v4 =	vor.u32 v5, v50  }
0x19e: {  	vm0 =	vmand vm10, vm11;
	v3 =	vor.u32 v3, v4  }
0x19f: {  	v3 =	vor.u32 v0, v3;
	_ =	sdelay $0x4  }
0x1a0: {  	[tilespmem:v3+s13+$0x0] =	vst.idx.add.s32.msk vm0, v1  }
0x1a1: {  	v3 =	vld [tilespmem:s26+$0x40E0];
	_ =	sdelay $0x1  }
0x1a2: {  	v52 =	vld [tilespmem:s26+$0x60E0];
	_ =	sdelay $0x2  }
0x1a3: {  	v53 =	vshra.s32 v3, $0x1F  }
0x1a4: {  	v5 =	vand.u32 $0x7FFFFFFF, v53  }
0x1a5: {  	vm12 =	veq.s32 v52, $0x0;
	v3 =	vxor.u32 v3, v5  }
0x1a6: {  	v5 =	vshrl.u32 v3, $0x5;
	v54 =	vshrl.u32 v3, $0x2;
	v57 =	vshra.s32 v3, $0x11  }
0x1a7: {  	v3 =	vshrl.u32 v3, $0x7;
	v55 =	vand.u32 $0x70, v5;
	v6 =	vand.u32 $0xC00, v54  }
0x1a8: {  	v5 =	vand.u32 $0xF000, v5;
	v56 =	vor.u32 v6, v55;
	v6 =	vand.u32 $0xFFFFFFF0, v57  }
0x1a9: {  	v3 =	vand.u32 $0x380, v3;
	vm13 =	veq.s32 v6, v2;
	v4 =	vor.u32 v5, v56  }
0x1aa: {  	vm0 =	vmand vm12, vm13;
	v3 =	vor.u32 v3, v4  }
0x1ab: {  	v3 =	vor.u32 v0, v3;
	_ =	sdelay $0x4  }
0x1ac: {  	[tilespmem:v3+s13+$0x0] =	vst.idx.add.s32.msk vm0, v1  }
0x1ad: {  	v3 =	vld [tilespmem:s26+$0x40F0];
	_ =	sdelay $0x1  }
0x1ae: {  	v58 =	vld [tilespmem:s26+$0x60F0];
	_ =	sdelay $0x2  }
0x1af: {  	v59 =	vshra.s32 v3, $0x1F  }
0x1b0: {  	v5 =	vand.u32 $0x7FFFFFFF, v59  }
0x1b1: {  	vm14 =	veq.s32 v58, $0x0;
	v3 =	vxor.u32 v3, v5  }
0x1b2: {  	v5 =	vshrl.u32 v3, $0x5;
	v60 =	vshrl.u32 v3, $0x2;
	v63 =	vshra.s32 v3, $0x11  }
0x1b3: {  	v3 =	vshrl.u32 v3, $0x7;
	v61 =	vand.u32 $0x70, v5;
	v6 =	vand.u32 $0xC00, v60  }
0x1b4: {  	v5 =	vand.u32 $0xF000, v5;
	v62 =	vor.u32 v6, v61;
	v6 =	vand.u32 $0xFFFFFFF0, v63  }
0x1b5: {  	v3 =	vand.u32 $0x380, v3;
	vm15 =	veq.s32 v6, v2;
	v4 =	vor.u32 v5, v62  }
0x1b6: {  	vm0 =	vmand vm14, vm15;
	v3 =	vor.u32 v3, v4  }
0x1b7: {  	p0 =	seq.s32 s25, $0x7C00;
	v3 =	vor.u32 v0, v3  }
.Ltmp1:
0x1b8: {  	_ = 	snop;
	(pc) =	sbr.rel @!p0 .LBB2_6-.Ltmp1, $2  }
0x1b9: {  	_ =	sdelay $0x2  }
0x1ba: {  	s25 =	sadd.s32 $0x400, s25;
	[tilespmem:v3+s13+$0x0] =	vst.idx.add.s32.msk vm0, v1  }
0x1bb: {  	p0 =	seq.s32 s24, $0x8  }
.Ltmp2:
0x1bc: {  	_ = 	snop;
	(pc) =	sbr.rel @!p0 .LBB2_3-.Ltmp2, $1  }
0x1bd: {  	_ =	sdelay $0x3  }
0x1be: {  	s23 =	sadd.s32 $0x1, s23  }
0x1bf: {  	p0 =	sne.s32 s23, s12  }
.Ltmp3:
0x1c0: {  	_ = 	snop;
	(pc) =	sbr.rel @p0 .LBB2_1-.Ltmp3, $4  }
0x1c1: {  	[hbm4b:s11+s2] =	stream.linear.scatter [tilespmem:s13], [sflag:$0x5], $0x10000, $0x38;
	[tilespmem:$0x18080] =	vst v63  }
0x1c2: {  	_ =	swait.ge [sflag:s14], $0x10000  }
0x1c3: {  	[sflag:s14] =	ssyncset.done $0x0  }
0x1c4: {  	[sflag:s14] =	ssyncadd.s32 $0xFFFF0000  }
0x1c5: {  	_ =	sfence.sel $0x180000  }
0x1c6: {  	[bflag:$0x0] =	sbarrier.arrive $0xFFFF  }
0x1c7: {  	p0 =	sne.s32 s1, $0x0;
	_ =	strace $0x9000004A  }
0x1c8: {  	s0 =	sadd.s32 @!p0 $0x100000, s0;
	[bflag:$0x2] =	sbarrier.arrive $0xFFFF  }
0x1c9: {  	[sflag:s0] =	ssyncadd.tile.s32 @!p0 $0x1;
	_ =	shalt  }
.Lfunc_end2:
_tile_overlayer_lowered:
.L_overlay_start_2:
0x1ca: {  	(tag) =	ssettag $0x2  }
0x1cb: {  	s0 =	rddreg [dreg:$0x0];
	s2 =	stileid.u32  }
0x1cc: {  	s1 =	rddreg [dreg:$0x1];
	p0 =	sne.s32 s2, $0x0  }
0x1cd: {  	s3 =	rddreg [dreg:$0x2];
	[bflag:$0x3] =	sbarrier.arrive $0xFFFF;
	s2 =	simm.s32 @!p0 $0x1C05  }
0x1ce: {  	[timem:s3], [sflag:s2] =	dma.local @!p0 [hbm:s0], s1  }
0x1cf: {  	s0 =	simm.s32 @!p0 $0x5  }
0x1d0: {  	_ =	swait.ge @!p0 [sflag:s0], s1  }
0x1d1: {  	s1 =	ssub.s32 @!p0 $0x0, s1;
	[sflag:s0] =	ssyncset.done @!p0 $0x0  }
0x1d2: {  	[sflag:s0] =	ssyncadd.s32 @!p0 s1  }
0x1d3: {  	[bflag:$0x3] =	sbarrier.arrive $0xFFFF  }
0x1d4: {  	_ =	shalt  }

</sc_bundles>
